<compile_context>
chip_gen: v7x
topology: tpu7x:2x2x1
jax: 0.10.2.dev20260603
libtpu: 0.0.44.dev20260713+nightly
codegen_flags: <defaults>
</compile_context>

<pallas_src>
import functools

import jax
import jax.numpy as jnp
from jax import lax
from jax.experimental import pallas as pl
from jax.experimental.pallas import tpu as pltpu
from jax.experimental.pallas import tpu_sc as plsc

N_ENV = 2
N = 10000
E2 = 160000
EPH = 163840
F = 64
NTILES = 16
K = 128
CPT = EPH // (NTILES * K)
MPT = 160
NPT = 624
BN = 1000
BE = 512

_f32 = jnp.float32
_INTERPRET = False



_sc_mesh = plsc.VectorSubcoreMesh(core_axis_name="c", subcore_axis_name="s",
                                  num_cores=2, num_subcores=NTILES)


@functools.partial(
    pl.kernel,
    out_type=jax.ShapeDtypeStruct((N_ENV * 2 * EPH, 2 * F), _f32),
    mesh=_sc_mesh,
    interpret=_INTERPRET,
    scratch_types=[
        pltpu.VMEM((CPT, K), jnp.int32),
        pltpu.VMEM((CPT, K), jnp.int32),
        pltpu.VMEM((K, 2 * F), _f32),
        pltpu.VMEM((K, 2 * F), _f32),
        pltpu.VMEM((K, 2 * F), _f32),
        pltpu.VMEM((K, 2 * F), _f32),
        pltpu.VMEM((K, 2 * F), _f32),
        pltpu.VMEM((K, 2 * F), _f32),
        pltpu.SemaphoreType.DMA,
        pltpu.SemaphoreType.DMA,
        pltpu.SemaphoreType.DMA,
    ],
)
def _sc_gather(t_hbm, eab_hbm, g_hbm,
               idxa_v, idxb_v, ra0, rb0, ra1, rb1, ra2, rb2,
               semA, semB, semC):
    c = lax.axis_index("c")
    s = lax.axis_index("s")
    row0 = pl.multiple_of(s * CPT, 8)
    pltpu.sync_copy(eab_hbm.at[0, c, pl.ds(row0, CPT)], idxa_v)
    pltpu.sync_copy(eab_hbm.at[1, c, pl.ds(row0, CPT)], idxb_v)

    def issue(j, ra, rb, sem):
        pltpu.async_copy(t_hbm.at[idxa_v.at[j]], ra, sem)
        pltpu.async_copy(t_hbm.at[idxb_v.at[j]], rb, sem)

    def drain(j, ra, rb, sem):
        pltpu.make_async_copy(t_hbm.at[idxa_v.at[j]], ra, sem).wait()
        pltpu.make_async_copy(t_hbm.at[idxb_v.at[j]], rb, sem).wait()

    def store(j, ra, rb):
        out_row = pl.multiple_of(c * 2 * EPH + (row0 + j) * K, 8)
        pltpu.sync_copy(ra, g_hbm.at[pl.ds(out_row, K)])
        pltpu.sync_copy(rb, g_hbm.at[pl.ds(EPH + out_row, K)])

    bufs = ((ra0, rb0, semA), (ra1, rb1, semB), (ra2, rb2, semC))
    issue(0, *bufs[0])
    issue(1, *bufs[1])

    def step(j, ph):
        ra, rb, sem = bufs[ph]
        rn, rbn, semn = bufs[(ph + 2) % 3]

        @pl.when(j < CPT)
        def _():
            drain(j, ra, rb, sem)

            @pl.when(j + 2 < CPT)
            def _():
                issue(j + 2, rn, rbn, semn)

            store(j, ra, rb)

    def body(u, carry):
        j0 = 3 * u
        step(j0, 0)
        step(j0 + 1, 1)
        step(j0 + 2, 2)
        return carry

    lax.fori_loop(0, (CPT + 2) // 3, body, 0)


@functools.partial(
    pl.kernel,
    out_type=jax.ShapeDtypeStruct((N_ENV, N, F), _f32),
    mesh=_sc_mesh,
    interpret=_INTERPRET,
    compiler_params=pltpu.CompilerParams(use_tc_tiling_on_sc=False),
    scratch_types=[
        pltpu.VMEM_SHARED((N + 16, F), _f32),
        pltpu.VMEM((CPT, K), jnp.int32),
        pltpu.VMEM((CPT, K), jnp.int32),
        pltpu.VMEM((K, F), _f32),
        pltpu.VMEM((K, F), _f32),
        pltpu.SemaphoreType.DMA,
        pltpu.SemaphoreType.DMA,
    ],
)
def _sc_scatter(m_hbm, ef_hbm, eb_hbm, zeros_hbm, out_hbm, acc_sh, idxf_v,
                idxb_v, m0_v, m1_v, semA, semB):
    c = lax.axis_index("c")
    s = lax.axis_index("s")
    nrow0 = pl.multiple_of(s * NPT, 8)
    pltpu.sync_copy(zeros_hbm.at[pl.ds(nrow0, NPT)],
                    acc_sh.at[pl.ds(nrow0, NPT)])

    @pl.when(s == NTILES - 1)
    def _():
        tail = pl.multiple_of(NTILES * NPT, 8)
        pltpu.sync_copy(zeros_hbm.at[pl.ds(tail, N - NTILES * NPT)],
                        acc_sh.at[pl.ds(tail, N - NTILES * NPT)])

    row0 = pl.multiple_of(s * CPT, 8)
    pltpu.sync_copy(ef_hbm.at[pl.ds(row0, CPT)], idxf_v)
    pltpu.sync_copy(eb_hbm.at[pl.ds(row0, CPT)], idxb_v)
    plsc.subcore_barrier()

    def run_half(d, idx_v):
        def load(j, mv, sem):
            in_row = pl.multiple_of((row0 + j) * K, 8)
            pltpu.async_copy(m_hbm.at[c, d, pl.ds(in_row, K)], mv, sem)

        def drain(j, mv, sem):
            in_row = pl.multiple_of((row0 + j) * K, 8)
            pltpu.make_async_copy(m_hbm.at[c, d, pl.ds(in_row, K)],
                                  mv, sem).wait()

        load(0, m0_v, semA)

        def body(u, carry):
            j0 = 2 * u
            j1 = j0 + 1
            load(j1, m1_v, semB)
            drain(j0, m0_v, semA)
            pltpu.sync_copy(m0_v, acc_sh.at[idx_v.at[j0]], add=True)

            @pl.when(j1 + 1 < CPT)
            def _():
                load(j1 + 1, m0_v, semA)

            drain(j1, m1_v, semB)
            pltpu.sync_copy(m1_v, acc_sh.at[idx_v.at[j1]], add=True)
            return carry

        lax.fori_loop(0, CPT // 2, body, 0)

    run_half(0, idxf_v)
    run_half(1, idxb_v)
    plsc.subcore_barrier()
    pltpu.sync_copy(acc_sh.at[pl.ds(nrow0, NPT)],
                    out_hbm.at[c, pl.ds(nrow0, NPT)])

    @pl.when(s == NTILES - 1)
    def _():
        tail = pl.multiple_of(NTILES * NPT, 8)
        pltpu.sync_copy(acc_sh.at[pl.ds(tail, N - NTILES * NPT)],
                        out_hbm.at[c, pl.ds(tail, N - NTILES * NPT)])



def _pq_body(nf_ref, w1s_ref, w1d_ref, t_ref):
    x = nf_ref[0]
    p = jnp.dot(x, w1s_ref[...], preferred_element_type=_f32)
    q = jnp.dot(x, w1d_ref[...], preferred_element_type=_f32)
    t_ref[0] = jnp.concatenate([p, q], axis=1)


def _tc_pq(nf, w1s, w1d):
    blk = lambda c, i: (c, i, 0)
    wspec = pl.BlockSpec((F, F), lambda c, i: (0, 0))
    return pl.pallas_call(
        _pq_body,
        grid=(N_ENV, N // BN),
        in_specs=[pl.BlockSpec((1, BN, F), blk), wspec, wspec],
        out_specs=pl.BlockSpec((1, BN, 2 * F), blk),
        out_shape=jax.ShapeDtypeStruct((N_ENV, N, 2 * F), _f32),
        interpret=_INTERPRET,
    )(nf, w1s, w1d)


def _mlp_body(gat_ref, gbt_ref, gab_ref, gbb_ref, b1_ref, w2_ref, b2_ref,
              w3_ref, b3_ref, m_ref):
    gat = gat_ref[0, 0]
    gbt = gbt_ref[0, 0]
    gab = gab_ref[0, 0]
    gbb = gbb_ref[0, 0]
    b1 = b1_ref[...]
    h_ft = jnp.tanh(gat[:, :F] + gbt[:, F:] + b1)
    h_fb = jnp.tanh(gab[:, :F] + gbb[:, F:] + b1)
    h_bt = jnp.tanh(gbt[:, :F] + gat[:, F:] + b1)
    h_bb = jnp.tanh(gbb[:, :F] + gab[:, F:] + b1)
    x = jnp.concatenate([h_ft, h_fb, h_bt, h_bb], axis=0)
    x = jnp.tanh(jnp.dot(x, w2_ref[...], preferred_element_type=_f32)
                 + b2_ref[...])
    m = jnp.dot(x, w3_ref[...], preferred_element_type=_f32) + b3_ref[...]
    m_ref[0, 0] = jnp.concatenate([m[:BE], m[BE:2 * BE]], axis=1)
    m_ref[0, 1] = jnp.concatenate([m[2 * BE:3 * BE], m[3 * BE:]], axis=1)


def _tc_mlp(g4, b1, w2, b2, w3, b3):
    wspec = pl.BlockSpec((F, F), lambda c, i: (0, 0))
    bspec = pl.BlockSpec((1, F), lambda c, i: (0, 0))
    hb = EPH // (2 * BE)
    espec = lambda d, off: pl.BlockSpec((1, 1, BE, 2 * F),
                                        lambda c, i: (c, d, i + off, 0))
    return pl.pallas_call(
        _mlp_body,
        grid=(N_ENV, EPH // (2 * BE)),
        in_specs=[espec(0, 0), espec(1, 0), espec(0, hb), espec(1, hb),
                  bspec, wspec, bspec, wspec, bspec],
        out_specs=pl.BlockSpec((1, 2, BE, 2 * F), lambda c, i: (c, 0, i, 0)),
        out_shape=jax.ShapeDtypeStruct((N_ENV, 2, EPH // 2, 2 * F), _f32),
        interpret=_INTERPRET,
    )(g4, g4, g4, g4, b1, w2, b2, w3, b3)


def _gru_body(s_ref, nf_ref, wir_ref, wiz_ref, win_ref, whr_ref, whz_ref,
              whn_ref, bi_ref, bh_ref, w1s_ref, w1d_ref,
              nfo_ref, t_ref):
    x = s_ref[0]
    h = nf_ref[0]
    dot = lambda a, w: jnp.dot(a, w[...], preferred_element_type=_f32)
    r = jax.nn.sigmoid(dot(x, wir_ref) + bi_ref[0, 0] + dot(h, whr_ref)
                       + bh_ref[0, 0])
    z = jax.nn.sigmoid(dot(x, wiz_ref) + bi_ref[0, 1] + dot(h, whz_ref)
                       + bh_ref[0, 1])
    n = jnp.tanh(dot(x, win_ref) + bi_ref[0, 2]
                 + r * (dot(h, whn_ref) + bh_ref[0, 2]))
    nf2 = (1.0 - z) * n + z * h
    nfo_ref[0] = nf2
    p = jnp.dot(nf2, w1s_ref[...], preferred_element_type=_f32)
    q = jnp.dot(nf2, w1d_ref[...], preferred_element_type=_f32)
    t_ref[0] = jnp.concatenate([p, q], axis=1)


def _tc_gru(store, nf, wih3, whh3, bih3, bhh3, w1s, w1d):
    blk = lambda c, i: (c, i, 0)
    wspec = pl.BlockSpec((F, F), lambda c, i: (0, 0))
    bspec = pl.BlockSpec((1, 3, F), lambda c, i: (0, 0, 0))
    return pl.pallas_call(
        _gru_body,
        grid=(N_ENV, N // BN),
        in_specs=[pl.BlockSpec((1, BN, F), blk), pl.BlockSpec((1, BN, F), blk),
                  wspec, wspec, wspec, wspec, wspec, wspec,
                  bspec, bspec, wspec, wspec],
        out_specs=(pl.BlockSpec((1, BN, F), blk),
                   pl.BlockSpec((1, BN, 2 * F), blk)),
        out_shape=(jax.ShapeDtypeStruct((N_ENV, N, F), _f32),
                   jax.ShapeDtypeStruct((N_ENV, N, 2 * F), _f32)),
        interpret=_INTERPRET,
    )(store, nf, *wih3, *whh3, bih3, bhh3, w1s, w1d)



def kernel(node_features, edges, W1, b1, W2, b2, W3, b3, W_ih, b_ih, W_hh,
           b_hh, device=0):
    e0 = edges[0].astype(jnp.int32)
    e1 = edges[1].astype(jnp.int32)
    padw = ((0, EPH - E2),)
    e0g = jnp.pad(e0, padw)
    e1g = jnp.pad(e1, padw)
    env_bias = (jnp.arange(N_ENV, dtype=jnp.int32) * N)[None, :, None, None]
    eab = jnp.stack([e0g.reshape(EPH // K, K),
                     e1g.reshape(EPH // K, K)])[:, None] + env_bias
    def mk_dest(ei):
        p = jnp.pad(ei, padw, constant_values=N)
        return jnp.stack([p[:EPH // 2], p[EPH // 2:]],
                         axis=1).reshape(EPH // K, K)

    ef = mk_dest(e0)
    ebk = mk_dest(e1)

    w1s = W1[:, :F].T
    w1d = W1[:, F:].T
    w2t = W2.T
    w3t = W3.T
    wih3 = tuple(W_ih[i * F:(i + 1) * F].T for i in range(3))
    whh3 = tuple(W_hh[i * F:(i + 1) * F].T for i in range(3))
    bih3 = b_ih.reshape(1, 3, F)
    bhh3 = b_hh.reshape(1, 3, F)
    b1r = b1.reshape(1, F)
    b2r = b2.reshape(1, F)
    b3r = b3.reshape(1, F)
    zeros_n = jnp.zeros((N, F), _f32)

    nf = node_features
    t = _tc_pq(nf, w1s, w1d)
    for _ in range(3):
        g = _sc_gather(t.reshape(N_ENV * N, 2 * F), eab)
        g4 = g.reshape(N_ENV, 2, EPH, 2 * F)
        m = _tc_mlp(g4, b1r, w2t, b2r, w3t, b3r)
        store = _sc_scatter(m.reshape(N_ENV, 2, EPH, F), ef, ebk, zeros_n)
        nf, t = _tc_gru(store, nf, wih3, whh3, bih3, bhh3, w1s, w1d)
    return nf

# --- scband reference (transcript-rebuilt; emitter-appended) ---
"""Pipeline reference for scband-gnn-env-43800076485423 (READ-ONLY COPY).

The authoritative reference and input builder live on the scoring server;
editing this copy changes nothing except your own understanding.
"""

import jax, jax.numpy as jnp
import numpy as np

N_ENV = 2
N_NODES = 10000
N_EDGES = 160000
NF = 64   # n_node_features
NE = 64   # n_edge_features
HID = 64  # hidden_size
ITERS = 3


def setup_inputs(seed: int = 0) -> dict:
    key = jax.random.key(seed)
    ks = jax.random.split(key, 16)
    def lin(k, fan_out, fan_in):
        s = 1.0 / np.sqrt(fan_in)
        return jax.random.uniform(k, (fan_out, fan_in), jnp.float32, -s, s)
    def bias(k, fan_out, fan_in):
        s = 1.0 / np.sqrt(fan_in)
        return jax.random.uniform(k, (fan_out,), jnp.float32, -s, s)
    inp = {
        "node_features": jax.random.normal(ks[0], (N_ENV, N_NODES, NF), jnp.float32),
        "edges": jax.random.randint(ks[1], (2, N_EDGES), 0, N_NODES, dtype=jnp.int32),
        "W1": lin(ks[2], HID, 2 * NF), "b1": bias(ks[3], HID, 2 * NF),
        "W2": lin(ks[4], HID, HID),   "b2": bias(ks[5], HID, HID),
        "W3": lin(ks[6], NE, HID),    "b3": bias(ks[7], NE, HID),
        "W_ih": lin(ks[8], 3 * NF, NE), "b_ih": bias(ks[9], 3 * NF, NE),
        "W_hh": lin(ks[10], 3 * NF, NF), "b_hh": bias(ks[11], 3 * NF, NF),
        "device": 0,
    }
    return inp


def _gru_cell(x, h, W_ih, b_ih, W_hh, b_hh):
    # Single-step PyTorch GRU (r, z, n gate ordering)
    gi = x @ W_ih.T + b_ih
    gh = h @ W_hh.T + b_hh
    i_r, i_z, i_n = jnp.split(gi, 3, axis=-1)
    h_r, h_z, h_n = jnp.split(gh, 3, axis=-1)
    r = jax.nn.sigmoid(i_r + h_r)
    z = jax.nn.sigmoid(i_z + h_z)
    n = jnp.tanh(i_n + r * h_n)
    return (1.0 - z) * n + z * h


def reference(node_features, edges, W1, b1, W2, b2, W3, b3, W_ih, b_ih, W_hh, b_hh, device=0):
    # edges = cat([edges, edges[[1,0]]], dim=1)  (symmetrize)
    e = jnp.concatenate([edges, edges[jnp.array([1, 0])]], axis=1)
    nf = node_features
    for _ in range(ITERS):
        src = jnp.take(nf, e[0], axis=1)
        dst = jnp.take(nf, e[1], axis=1)
        inputs = jnp.concatenate([src, dst], axis=2)
        h = jnp.tanh(inputs @ W1.T + b1)
        h = jnp.tanh(h @ W2.T + b2)
        msgs = h @ W3.T + b3
        store = jnp.zeros((nf.shape[0], nf.shape[1], NE), nf.dtype).at[:, e[0], :].add(msgs)
        nf = _gru_cell(store, nf, W_ih, b_ih, W_hh, b_hh)
    return nf

if __name__ == "__main__":
    import jax
    _d = setup_inputs()
    print(jax.jit(kernel)(*tuple(_d.values())))

</pallas_src>

<mosaic_0001>
#map = affine_map<(d0, d1) -> (0, 0, 0, 0)>
#map1 = affine_map<(d0, d1) -> (0, 0)>
#map2 = affine_map<(d0, d1) -> (0, 0, 0)>
module attributes {stable_mosaic.version = 14 : i64} {
  func.func @_sc_scatter(%arg0: i32, %arg1: i32, %arg2: memref<2x2x163840x64xf32, #tpu.memory_space<hbm>>, %arg3: memref<1280x128xi32, #tpu.memory_space<hbm>>, %arg4: memref<1280x128xi32, #tpu.memory_space<hbm>>, %arg5: memref<10000x64xf32, #tpu.memory_space<hbm>>, %arg6: memref<2x10000x64xf32, #tpu.memory_space<hbm>>, %arg7: memref<10016x64xf32, #tpu.memory_space<vmem_shared>>, %arg8: memref<80x128xi32, #tpu.memory_space<vmem>>, %arg9: memref<80x128xi32, #tpu.memory_space<vmem>>, %arg10: memref<128x64xf32, #tpu.memory_space<vmem>>, %arg11: memref<128x64xf32, #tpu.memory_space<vmem>>, %arg12: memref<!tpu.dma_semaphore, #tpu.memory_space<semaphore_mem>>, %arg13: memref<!tpu.dma_semaphore, #tpu.memory_space<semaphore_mem>>) attributes {dimension_semantics = [#tpu.dimension_semantics<core_parallel>, #tpu.dimension_semantics<subcore_parallel>], iteration_bounds = array<i64: 2, 16>, scalar_prefetch = 0 : i64, scratch_operands = 7 : i64, tpu.core_type = #tpu.core_type<sc_vector_subcore>, window_params = [{transform_indices = #map}, {transform_indices = #map1}, {transform_indices = #map1}, {transform_indices = #map1}, {transform_indices = #map2}]} {
    %mul3A = arith.constant 624 : i32
    %mul3A_0 = arith.muli %arg1, %mul3A : i32
    %multiple_of3A = tpu.assume_multiple %mul3A_0, 8 : i32
    "tpu.region"() ({
      %run_scoped3A = tpu.sem_alloc : memref<!tpu.dma_semaphore, #tpu.memory_space<semaphore_mem>>
      %dma_start3A_45 = arith.constant 0 : i32
      %dma_start3A_46 = tpu.memref_slice %arg7[%multiple_of3A, %dma_start3A_45] : memref<10016x64xf32, #tpu.memory_space<vmem_shared>> -> memref<624x64xf32, #tpu.memory_space<vmem_shared>>
      %dma_start3A_47 = arith.constant 0 : i32
      %dma_start3A_48 = tpu.memref_slice %arg5[%multiple_of3A, %dma_start3A_47] : memref<10000x64xf32, #tpu.memory_space<hbm>> -> memref<624x64xf32, #tpu.memory_space<hbm>>
      tpu.enqueue_dma source(%dma_start3A_48 : memref<624x64xf32, #tpu.memory_space<hbm>>) target(%dma_start3A_46 : memref<624x64xf32, #tpu.memory_space<vmem_shared>>) target_semaphore(%run_scoped3A : memref<!tpu.dma_semaphore, #tpu.memory_space<semaphore_mem>>)
      %dma_wait3A = arith.constant 0 : i32
      %dma_wait3A_49 = tpu.memref_slice %arg7[%multiple_of3A, %dma_wait3A] : memref<10016x64xf32, #tpu.memory_space<vmem_shared>> -> memref<624x64xf32, #tpu.memory_space<vmem_shared>>
      %dma_wait3A_50 = arith.constant 0 : i32
      %dma_wait3A_51 = tpu.memref_slice %arg5[%multiple_of3A, %dma_wait3A_50] : memref<10000x64xf32, #tpu.memory_space<hbm>> -> memref<624x64xf32, #tpu.memory_space<hbm>>
      tpu.wait_dma2 semaphore(%run_scoped3A : memref<!tpu.dma_semaphore, #tpu.memory_space<semaphore_mem>>) src(%dma_wait3A_51 : memref<624x64xf32, #tpu.memory_space<hbm>>) dst(%dma_wait3A_49 : memref<624x64xf32, #tpu.memory_space<vmem_shared>>)
      tpu.yield
    }) : () -> ()
    %eq3A = arith.constant 15 : i32
    %eq3A_1 = arith.cmpi eq, %arg1, %eq3A : i32
    %convert_element_type3A = arith.extui %eq3A_1 : i1 to i32
    %cond3A = arith.constant 0 : i32
    %cond3A_2 = arith.cmpi ne, %convert_element_type3A, %cond3A : i32
    scf.if %cond3A_2 {
      %multiple_of3A_45 = arith.constant 9984 : i32
      %multiple_of3A_46 = tpu.assume_multiple %multiple_of3A_45, 8 : i32
      "tpu.region"() ({
        %run_scoped3A = tpu.sem_alloc : memref<!tpu.dma_semaphore, #tpu.memory_space<semaphore_mem>>
        %dma_start3A_47 = arith.constant 0 : i32
        %dma_start3A_48 = tpu.memref_slice %arg7[%multiple_of3A_46, %dma_start3A_47] : memref<10016x64xf32, #tpu.memory_space<vmem_shared>> -> memref<16x64xf32, #tpu.memory_space<vmem_shared>>
        %dma_start3A_49 = arith.constant 0 : i32
        %dma_start3A_50 = tpu.memref_slice %arg5[%multiple_of3A_46, %dma_start3A_49] : memref<10000x64xf32, #tpu.memory_space<hbm>> -> memref<16x64xf32, #tpu.memory_space<hbm>>
        tpu.enqueue_dma source(%dma_start3A_50 : memref<16x64xf32, #tpu.memory_space<hbm>>) target(%dma_start3A_48 : memref<16x64xf32, #tpu.memory_space<vmem_shared>>) target_semaphore(%run_scoped3A : memref<!tpu.dma_semaphore, #tpu.memory_space<semaphore_mem>>)
        %dma_wait3A = arith.constant 0 : i32
        %dma_wait3A_51 = tpu.memref_slice %arg7[%multiple_of3A_46, %dma_wait3A] : memref<10016x64xf32, #tpu.memory_space<vmem_shared>> -> memref<16x64xf32, #tpu.memory_space<vmem_shared>>
        %dma_wait3A_52 = arith.constant 0 : i32
        %dma_wait3A_53 = tpu.memref_slice %arg5[%multiple_of3A_46, %dma_wait3A_52] : memref<10000x64xf32, #tpu.memory_space<hbm>> -> memref<16x64xf32, #tpu.memory_space<hbm>>
        tpu.wait_dma2 semaphore(%run_scoped3A : memref<!tpu.dma_semaphore, #tpu.memory_space<semaphore_mem>>) src(%dma_wait3A_53 : memref<16x64xf32, #tpu.memory_space<hbm>>) dst(%dma_wait3A_51 : memref<16x64xf32, #tpu.memory_space<vmem_shared>>)
        tpu.yield
      }) : () -> ()
    } else {
    }
    %mul3A_3 = arith.constant 80 : i32
    %mul3A_4 = arith.muli %arg1, %mul3A_3 : i32
    %multiple_of3A_5 = tpu.assume_multiple %mul3A_4, 8 : i32
    "tpu.region"() ({
      %run_scoped3A = tpu.sem_alloc : memref<!tpu.dma_semaphore, #tpu.memory_space<semaphore_mem>>
      %dma_start3A_45 = arith.constant 0 : i32
      %dma_start3A_46 = tpu.memref_slice %arg3[%multiple_of3A_5, %dma_start3A_45] : memref<1280x128xi32, #tpu.memory_space<hbm>> -> memref<80x128xi32, #tpu.memory_space<hbm>>
      %dma_start3A_47 = arith.constant 0 : i32
      %dma_start3A_48 = tpu.memref_slice %arg3[%multiple_of3A_5, %dma_start3A_47] : memref<1280x128xi32, #tpu.memory_space<hbm>> -> memref<80x128xi32, #tpu.memory_space<hbm>>
      tpu.enqueue_dma source(%dma_start3A_48 : memref<80x128xi32, #tpu.memory_space<hbm>>) target(%arg8 : memref<80x128xi32, #tpu.memory_space<vmem>>) target_semaphore(%run_scoped3A : memref<!tpu.dma_semaphore, #tpu.memory_space<semaphore_mem>>)
      %dma_wait3A = arith.constant 0 : i32
      %dma_wait3A_49 = tpu.memref_slice %arg3[%multiple_of3A_5, %dma_wait3A] : memref<1280x128xi32, #tpu.memory_space<hbm>> -> memref<80x128xi32, #tpu.memory_space<hbm>>
      %dma_wait3A_50 = arith.constant 0 : i32
      %dma_wait3A_51 = tpu.memref_slice %arg3[%multiple_of3A_5, %dma_wait3A_50] : memref<1280x128xi32, #tpu.memory_space<hbm>> -> memref<80x128xi32, #tpu.memory_space<hbm>>
      tpu.wait_dma2 semaphore(%run_scoped3A : memref<!tpu.dma_semaphore, #tpu.memory_space<semaphore_mem>>) src(%dma_wait3A_51 : memref<80x128xi32, #tpu.memory_space<hbm>>) dst(%arg8 : memref<80x128xi32, #tpu.memory_space<vmem>>)
      tpu.yield
    }) : () -> ()
    "tpu.region"() ({
      %run_scoped3A = tpu.sem_alloc : memref<!tpu.dma_semaphore, #tpu.memory_space<semaphore_mem>>
      %dma_start3A_45 = arith.constant 0 : i32
      %dma_start3A_46 = tpu.memref_slice %arg4[%multiple_of3A_5, %dma_start3A_45] : memref<1280x128xi32, #tpu.memory_space<hbm>> -> memref<80x128xi32, #tpu.memory_space<hbm>>
      %dma_start3A_47 = arith.constant 0 : i32
      %dma_start3A_48 = tpu.memref_slice %arg4[%multiple_of3A_5, %dma_start3A_47] : memref<1280x128xi32, #tpu.memory_space<hbm>> -> memref<80x128xi32, #tpu.memory_space<hbm>>
      tpu.enqueue_dma source(%dma_start3A_48 : memref<80x128xi32, #tpu.memory_space<hbm>>) target(%arg9 : memref<80x128xi32, #tpu.memory_space<vmem>>) target_semaphore(%run_scoped3A : memref<!tpu.dma_semaphore, #tpu.memory_space<semaphore_mem>>)
      %dma_wait3A = arith.constant 0 : i32
      %dma_wait3A_49 = tpu.memref_slice %arg4[%multiple_of3A_5, %dma_wait3A] : memref<1280x128xi32, #tpu.memory_space<hbm>> -> memref<80x128xi32, #tpu.memory_space<hbm>>
      %dma_wait3A_50 = arith.constant 0 : i32
      %dma_wait3A_51 = tpu.memref_slice %arg4[%multiple_of3A_5, %dma_wait3A_50] : memref<1280x128xi32, #tpu.memory_space<hbm>> -> memref<80x128xi32, #tpu.memory_space<hbm>>
      tpu.wait_dma2 semaphore(%run_scoped3A : memref<!tpu.dma_semaphore, #tpu.memory_space<semaphore_mem>>) src(%dma_wait3A_51 : memref<80x128xi32, #tpu.memory_space<hbm>>) dst(%arg9 : memref<80x128xi32, #tpu.memory_space<vmem>>)
      tpu.yield
    }) : () -> ()
    %barrier3A = arith.constant 0 : index
    tpu.barrier barrier_id(%barrier3A)
    %add3A = arith.constant 0 : i32
    %add3A_6 = arith.addi %multiple_of3A_5, %add3A : i32
    %mul3A_7 = arith.constant 128 : i32
    %mul3A_8 = arith.muli %add3A_6, %mul3A_7 : i32
    %multiple_of3A_9 = tpu.assume_multiple %mul3A_8, 8 : i32
    %dma_start3A = arith.constant 0 : i32
    %dma_start3A_10 = arith.constant 0 : i32
    %dma_start3A_11 = tpu.memref_slice %arg2[%arg0, %dma_start3A, %multiple_of3A_9, %dma_start3A_10] : memref<2x2x163840x64xf32, #tpu.memory_space<hbm>> -> memref<1x1x128x64xf32, #tpu.memory_space<hbm>>
    %dma_start3A_12 = tpu.memref_squeeze %dma_start3A_11 : memref<1x1x128x64xf32, #tpu.memory_space<hbm>> -> memref<128x64xf32, #tpu.memory_space<hbm>>
    %dma_start3A_13 = arith.constant 0 : i32
    %dma_start3A_14 = tpu.memref_slice %arg2[%arg0, %dma_start3A, %multiple_of3A_9, %dma_start3A_13] : memref<2x2x163840x64xf32, #tpu.memory_space<hbm>> -> memref<1x1x128x64xf32, #tpu.memory_space<hbm>>
    %dma_start3A_15 = tpu.memref_squeeze %dma_start3A_14 : memref<1x1x128x64xf32, #tpu.memory_space<hbm>> -> memref<128x64xf32, #tpu.memory_space<hbm>>
    tpu.enqueue_dma source(%dma_start3A_15 : memref<128x64xf32, #tpu.memory_space<hbm>>) target(%arg10 : memref<128x64xf32, #tpu.memory_space<vmem>>) target_semaphore(%arg12 : memref<!tpu.dma_semaphore, #tpu.memory_space<semaphore_mem>>)
    %scan3A = arith.constant 0 : i32
    %scan3A_16 = arith.constant 0 : i32
    %scan3A_17 = arith.constant 40 : i32
    %scan3A_18 = arith.addi %scan3A_16, %scan3A_17 : i32
    %scan3A_19 = arith.constant 1 : i32
    scf.for %scan3A_45 = %scan3A_16 to %scan3A_18 step %scan3A_19  : i32 {
      %mul3A_46 = arith.constant 2 : i32
      %mul3A_47 = arith.muli %mul3A_46, %scan3A_45 : i32
      %add3A_48 = arith.constant 1 : i32
      %add3A_49 = arith.addi %mul3A_47, %add3A_48 : i32
      %add3A_50 = arith.addi %multiple_of3A_5, %add3A_49 : i32
      %mul3A_51 = arith.constant 128 : i32
      %mul3A_52 = arith.muli %add3A_50, %mul3A_51 : i32
      %multiple_of3A_53 = tpu.assume_multiple %mul3A_52, 8 : i32
      %dma_start3A_54 = arith.constant 0 : i32
      %dma_start3A_55 = arith.constant 0 : i32
      %dma_start3A_56 = tpu.memref_slice %arg2[%arg0, %dma_start3A_54, %multiple_of3A_53, %dma_start3A_55] : memref<2x2x163840x64xf32, #tpu.memory_space<hbm>> -> memref<1x1x128x64xf32, #tpu.memory_space<hbm>>
      %dma_start3A_57 = tpu.memref_squeeze %dma_start3A_56 : memref<1x1x128x64xf32, #tpu.memory_space<hbm>> -> memref<128x64xf32, #tpu.memory_space<hbm>>
      %dma_start3A_58 = arith.constant 0 : i32
      %dma_start3A_59 = tpu.memref_slice %arg2[%arg0, %dma_start3A_54, %multiple_of3A_53, %dma_start3A_58] : memref<2x2x163840x64xf32, #tpu.memory_space<hbm>> -> memref<1x1x128x64xf32, #tpu.memory_space<hbm>>
      %dma_start3A_60 = tpu.memref_squeeze %dma_start3A_59 : memref<1x1x128x64xf32, #tpu.memory_space<hbm>> -> memref<128x64xf32, #tpu.memory_space<hbm>>
      tpu.enqueue_dma source(%dma_start3A_60 : memref<128x64xf32, #tpu.memory_space<hbm>>) target(%arg11 : memref<128x64xf32, #tpu.memory_space<vmem>>) target_semaphore(%arg13 : memref<!tpu.dma_semaphore, #tpu.memory_space<semaphore_mem>>)
      %add3A_61 = arith.addi %multiple_of3A_5, %mul3A_47 : i32
      %mul3A_62 = arith.constant 128 : i32
      %mul3A_63 = arith.muli %add3A_61, %mul3A_62 : i32
      %multiple_of3A_64 = tpu.assume_multiple %mul3A_63, 8 : i32
      %dma_wait3A = arith.constant 0 : i32
      %dma_wait3A_65 = arith.constant 0 : i32
      %dma_wait3A_66 = tpu.memref_slice %arg2[%arg0, %dma_wait3A, %multiple_of3A_64, %dma_wait3A_65] : memref<2x2x163840x64xf32, #tpu.memory_space<hbm>> -> memref<1x1x128x64xf32, #tpu.memory_space<hbm>>
      %dma_wait3A_67 = tpu.memref_squeeze %dma_wait3A_66 : memref<1x1x128x64xf32, #tpu.memory_space<hbm>> -> memref<128x64xf32, #tpu.memory_space<hbm>>
      %dma_wait3A_68 = arith.constant 0 : i32
      %dma_wait3A_69 = tpu.memref_slice %arg2[%arg0, %dma_wait3A, %multiple_of3A_64, %dma_wait3A_68] : memref<2x2x163840x64xf32, #tpu.memory_space<hbm>> -> memref<1x1x128x64xf32, #tpu.memory_space<hbm>>
      %dma_wait3A_70 = tpu.memref_squeeze %dma_wait3A_69 : memref<1x1x128x64xf32, #tpu.memory_space<hbm>> -> memref<128x64xf32, #tpu.memory_space<hbm>>
      tpu.wait_dma2 semaphore(%arg12 : memref<!tpu.dma_semaphore, #tpu.memory_space<semaphore_mem>>) src(%dma_wait3A_70 : memref<128x64xf32, #tpu.memory_space<hbm>>) dst(%arg10 : memref<128x64xf32, #tpu.memory_space<vmem>>)
      "tpu.region"() ({
        %run_scoped3A = tpu.sem_alloc : memref<!tpu.dma_semaphore, #tpu.memory_space<semaphore_mem>>
        %dma_start3A_88 = arith.constant 0 : i32
        %dma_start3A_89 = tpu.memref_slice %arg8[%mul3A_47, %dma_start3A_88] : memref<80x128xi32, #tpu.memory_space<vmem>> -> memref<1x128xi32, #tpu.memory_space<vmem>>
        %dma_start3A_90 = tpu.memref_squeeze %dma_start3A_89 : memref<1x128xi32, #tpu.memory_space<vmem>> -> memref<128xi32, #tpu.memory_space<vmem>>
        %dma_start3A_91 = arith.constant 0 : i32
        %dma_start3A_92 = arith.constant 0 : i32
        %dma_start3A_93 = tpu.memref_slice %arg7[%dma_start3A_91, %dma_start3A_92] : memref<10016x64xf32, #tpu.memory_space<vmem_shared>> -> memref<10016x64xf32, #tpu.memory_space<vmem_shared>>
        tpu.enqueue_indirect_dma source(%arg10 : memref<128x64xf32, #tpu.memory_space<vmem>>) target(%dma_start3A_93 : memref<10016x64xf32, #tpu.memory_space<vmem_shared>>) offsets(%dma_start3A_90 : memref<128xi32, #tpu.memory_space<vmem>>) semaphore(%run_scoped3A : memref<!tpu.dma_semaphore, #tpu.memory_space<semaphore_mem>>) {add = true}
        %dma_wait3A_94 = arith.constant 0 : i32
        %dma_wait3A_95 = tpu.memref_slice %arg8[%mul3A_47, %dma_wait3A_94] : memref<80x128xi32, #tpu.memory_space<vmem>> -> memref<1x128xi32, #tpu.memory_space<vmem>>
        %dma_wait3A_96 = tpu.memref_squeeze %dma_wait3A_95 : memref<1x128xi32, #tpu.memory_space<vmem>> -> memref<128xi32, #tpu.memory_space<vmem>>
        %dma_wait3A_97 = arith.constant 0 : i32
        %dma_wait3A_98 = arith.constant 0 : i32
        %dma_wait3A_99 = tpu.memref_slice %arg7[%dma_wait3A_97, %dma_wait3A_98] : memref<10016x64xf32, #tpu.memory_space<vmem_shared>> -> memref<10016x64xf32, #tpu.memory_space<vmem_shared>>
        tpu.wait_indirect_dma semaphore(%run_scoped3A : memref<!tpu.dma_semaphore, #tpu.memory_space<semaphore_mem>>) src(%arg10 : memref<128x64xf32, #tpu.memory_space<vmem>>) dst(%dma_wait3A_99 : memref<10016x64xf32, #tpu.memory_space<vmem_shared>>)
        tpu.yield
      }) : () -> ()
      %add3A_71 = arith.constant 1 : i32
      %add3A_72 = arith.addi %add3A_49, %add3A_71 : i32
      %lt3A = arith.constant 80 : i32
      %lt3A_73 = arith.cmpi slt, %add3A_72, %lt3A : i32
      %convert_element_type3A_74 = arith.extui %lt3A_73 : i1 to i32
      %cond3A_75 = arith.constant 0 : i32
      %cond3A_76 = arith.cmpi ne, %convert_element_type3A_74, %cond3A_75 : i32
      scf.if %cond3A_76 {
        %add3A_88 = arith.constant 1 : i32
        %add3A_89 = arith.addi %add3A_49, %add3A_88 : i32
        %add3A_90 = arith.addi %multiple_of3A_5, %add3A_89 : i32
        %mul3A_91 = arith.constant 128 : i32
        %mul3A_92 = arith.muli %add3A_90, %mul3A_91 : i32
        %multiple_of3A_93 = tpu.assume_multiple %mul3A_92, 8 : i32
        %dma_start3A_94 = arith.constant 0 : i32
        %dma_start3A_95 = arith.constant 0 : i32
        %dma_start3A_96 = tpu.memref_slice %arg2[%arg0, %dma_start3A_94, %multiple_of3A_93, %dma_start3A_95] : memref<2x2x163840x64xf32, #tpu.memory_space<hbm>> -> memref<1x1x128x64xf32, #tpu.memory_space<hbm>>
        %dma_start3A_97 = tpu.memref_squeeze %dma_start3A_96 : memref<1x1x128x64xf32, #tpu.memory_space<hbm>> -> memref<128x64xf32, #tpu.memory_space<hbm>>
        %dma_start3A_98 = arith.constant 0 : i32
        %dma_start3A_99 = tpu.memref_slice %arg2[%arg0, %dma_start3A_94, %multiple_of3A_93, %dma_start3A_98] : memref<2x2x163840x64xf32, #tpu.memory_space<hbm>> -> memref<1x1x128x64xf32, #tpu.memory_space<hbm>>
        %dma_start3A_100 = tpu.memref_squeeze %dma_start3A_99 : memref<1x1x128x64xf32, #tpu.memory_space<hbm>> -> memref<128x64xf32, #tpu.memory_space<hbm>>
        tpu.enqueue_dma source(%dma_start3A_100 : memref<128x64xf32, #tpu.memory_space<hbm>>) target(%arg10 : memref<128x64xf32, #tpu.memory_space<vmem>>) target_semaphore(%arg12 : memref<!tpu.dma_semaphore, #tpu.memory_space<semaphore_mem>>)
      } else {
      }
      %add3A_77 = arith.addi %multiple_of3A_5, %add3A_49 : i32
      %mul3A_78 = arith.constant 128 : i32
      %mul3A_79 = arith.muli %add3A_77, %mul3A_78 : i32
      %multiple_of3A_80 = tpu.assume_multiple %mul3A_79, 8 : i32
      %dma_wait3A_81 = arith.constant 0 : i32
      %dma_wait3A_82 = arith.constant 0 : i32
      %dma_wait3A_83 = tpu.memref_slice %arg2[%arg0, %dma_wait3A_81, %multiple_of3A_80, %dma_wait3A_82] : memref<2x2x163840x64xf32, #tpu.memory_space<hbm>> -> memref<1x1x128x64xf32, #tpu.memory_space<hbm>>
      %dma_wait3A_84 = tpu.memref_squeeze %dma_wait3A_83 : memref<1x1x128x64xf32, #tpu.memory_space<hbm>> -> memref<128x64xf32, #tpu.memory_space<hbm>>
      %dma_wait3A_85 = arith.constant 0 : i32
      %dma_wait3A_86 = tpu.memref_slice %arg2[%arg0, %dma_wait3A_81, %multiple_of3A_80, %dma_wait3A_85] : memref<2x2x163840x64xf32, #tpu.memory_space<hbm>> -> memref<1x1x128x64xf32, #tpu.memory_space<hbm>>
      %dma_wait3A_87 = tpu.memref_squeeze %dma_wait3A_86 : memref<1x1x128x64xf32, #tpu.memory_space<hbm>> -> memref<128x64xf32, #tpu.memory_space<hbm>>
      tpu.wait_dma2 semaphore(%arg13 : memref<!tpu.dma_semaphore, #tpu.memory_space<semaphore_mem>>) src(%dma_wait3A_87 : memref<128x64xf32, #tpu.memory_space<hbm>>) dst(%arg11 : memref<128x64xf32, #tpu.memory_space<vmem>>)
      "tpu.region"() ({
        %run_scoped3A = tpu.sem_alloc : memref<!tpu.dma_semaphore, #tpu.memory_space<semaphore_mem>>
        %dma_start3A_88 = arith.constant 0 : i32
        %dma_start3A_89 = tpu.memref_slice %arg8[%add3A_49, %dma_start3A_88] : memref<80x128xi32, #tpu.memory_space<vmem>> -> memref<1x128xi32, #tpu.memory_space<vmem>>
        %dma_start3A_90 = tpu.memref_squeeze %dma_start3A_89 : memref<1x128xi32, #tpu.memory_space<vmem>> -> memref<128xi32, #tpu.memory_space<vmem>>
        %dma_start3A_91 = arith.constant 0 : i32
        %dma_start3A_92 = arith.constant 0 : i32
        %dma_start3A_93 = tpu.memref_slice %arg7[%dma_start3A_91, %dma_start3A_92] : memref<10016x64xf32, #tpu.memory_space<vmem_shared>> -> memref<10016x64xf32, #tpu.memory_space<vmem_shared>>
        tpu.enqueue_indirect_dma source(%arg11 : memref<128x64xf32, #tpu.memory_space<vmem>>) target(%dma_start3A_93 : memref<10016x64xf32, #tpu.memory_space<vmem_shared>>) offsets(%dma_start3A_90 : memref<128xi32, #tpu.memory_space<vmem>>) semaphore(%run_scoped3A : memref<!tpu.dma_semaphore, #tpu.memory_space<semaphore_mem>>) {add = true}
        %dma_wait3A_94 = arith.constant 0 : i32
        %dma_wait3A_95 = tpu.memref_slice %arg8[%add3A_49, %dma_wait3A_94] : memref<80x128xi32, #tpu.memory_space<vmem>> -> memref<1x128xi32, #tpu.memory_space<vmem>>
        %dma_wait3A_96 = tpu.memref_squeeze %dma_wait3A_95 : memref<1x128xi32, #tpu.memory_space<vmem>> -> memref<128xi32, #tpu.memory_space<vmem>>
        %dma_wait3A_97 = arith.constant 0 : i32
        %dma_wait3A_98 = arith.constant 0 : i32
        %dma_wait3A_99 = tpu.memref_slice %arg7[%dma_wait3A_97, %dma_wait3A_98] : memref<10016x64xf32, #tpu.memory_space<vmem_shared>> -> memref<10016x64xf32, #tpu.memory_space<vmem_shared>>
        tpu.wait_indirect_dma semaphore(%run_scoped3A : memref<!tpu.dma_semaphore, #tpu.memory_space<semaphore_mem>>) src(%arg11 : memref<128x64xf32, #tpu.memory_space<vmem>>) dst(%dma_wait3A_99 : memref<10016x64xf32, #tpu.memory_space<vmem_shared>>)
        tpu.yield
      }) : () -> ()
    }
    %scan3A_20 = arith.constant 40 : i32
    %add3A_21 = arith.constant 0 : i32
    %add3A_22 = arith.addi %multiple_of3A_5, %add3A_21 : i32
    %mul3A_23 = arith.constant 128 : i32
    %mul3A_24 = arith.muli %add3A_22, %mul3A_23 : i32
    %multiple_of3A_25 = tpu.assume_multiple %mul3A_24, 8 : i32
    %dma_start3A_26 = arith.constant 1 : i32
    %dma_start3A_27 = arith.constant 0 : i32
    %dma_start3A_28 = tpu.memref_slice %arg2[%arg0, %dma_start3A_26, %multiple_of3A_25, %dma_start3A_27] : memref<2x2x163840x64xf32, #tpu.memory_space<hbm>> -> memref<1x1x128x64xf32, #tpu.memory_space<hbm>>
    %dma_start3A_29 = tpu.memref_squeeze %dma_start3A_28 : memref<1x1x128x64xf32, #tpu.memory_space<hbm>> -> memref<128x64xf32, #tpu.memory_space<hbm>>
    %dma_start3A_30 = arith.constant 0 : i32
    %dma_start3A_31 = tpu.memref_slice %arg2[%arg0, %dma_start3A_26, %multiple_of3A_25, %dma_start3A_30] : memref<2x2x163840x64xf32, #tpu.memory_space<hbm>> -> memref<1x1x128x64xf32, #tpu.memory_space<hbm>>
    %dma_start3A_32 = tpu.memref_squeeze %dma_start3A_31 : memref<1x1x128x64xf32, #tpu.memory_space<hbm>> -> memref<128x64xf32, #tpu.memory_space<hbm>>
    tpu.enqueue_dma source(%dma_start3A_32 : memref<128x64xf32, #tpu.memory_space<hbm>>) target(%arg10 : memref<128x64xf32, #tpu.memory_space<vmem>>) target_semaphore(%arg12 : memref<!tpu.dma_semaphore, #tpu.memory_space<semaphore_mem>>)
    %scan3A_33 = arith.constant 0 : i32
    %scan3A_34 = arith.constant 0 : i32
    %scan3A_35 = arith.constant 40 : i32
    %scan3A_36 = arith.addi %scan3A_34, %scan3A_35 : i32
    %scan3A_37 = arith.constant 1 : i32
    scf.for %scan3A_45 = %scan3A_34 to %scan3A_36 step %scan3A_37  : i32 {
      %mul3A_46 = arith.constant 2 : i32
      %mul3A_47 = arith.muli %mul3A_46, %scan3A_45 : i32
      %add3A_48 = arith.constant 1 : i32
      %add3A_49 = arith.addi %mul3A_47, %add3A_48 : i32
      %add3A_50 = arith.addi %multiple_of3A_5, %add3A_49 : i32
      %mul3A_51 = arith.constant 128 : i32
      %mul3A_52 = arith.muli %add3A_50, %mul3A_51 : i32
      %multiple_of3A_53 = tpu.assume_multiple %mul3A_52, 8 : i32
      %dma_start3A_54 = arith.constant 1 : i32
      %dma_start3A_55 = arith.constant 0 : i32
      %dma_start3A_56 = tpu.memref_slice %arg2[%arg0, %dma_start3A_54, %multiple_of3A_53, %dma_start3A_55] : memref<2x2x163840x64xf32, #tpu.memory_space<hbm>> -> memref<1x1x128x64xf32, #tpu.memory_space<hbm>>
      %dma_start3A_57 = tpu.memref_squeeze %dma_start3A_56 : memref<1x1x128x64xf32, #tpu.memory_space<hbm>> -> memref<128x64xf32, #tpu.memory_space<hbm>>
      %dma_start3A_58 = arith.constant 0 : i32
      %dma_start3A_59 = tpu.memref_slice %arg2[%arg0, %dma_start3A_54, %multiple_of3A_53, %dma_start3A_58] : memref<2x2x163840x64xf32, #tpu.memory_space<hbm>> -> memref<1x1x128x64xf32, #tpu.memory_space<hbm>>
      %dma_start3A_60 = tpu.memref_squeeze %dma_start3A_59 : memref<1x1x128x64xf32, #tpu.memory_space<hbm>> -> memref<128x64xf32, #tpu.memory_space<hbm>>
      tpu.enqueue_dma source(%dma_start3A_60 : memref<128x64xf32, #tpu.memory_space<hbm>>) target(%arg11 : memref<128x64xf32, #tpu.memory_space<vmem>>) target_semaphore(%arg13 : memref<!tpu.dma_semaphore, #tpu.memory_space<semaphore_mem>>)
      %add3A_61 = arith.addi %multiple_of3A_5, %mul3A_47 : i32
      %mul3A_62 = arith.constant 128 : i32
      %mul3A_63 = arith.muli %add3A_61, %mul3A_62 : i32
      %multiple_of3A_64 = tpu.assume_multiple %mul3A_63, 8 : i32
      %dma_wait3A = arith.constant 1 : i32
      %dma_wait3A_65 = arith.constant 0 : i32
      %dma_wait3A_66 = tpu.memref_slice %arg2[%arg0, %dma_wait3A, %multiple_of3A_64, %dma_wait3A_65] : memref<2x2x163840x64xf32, #tpu.memory_space<hbm>> -> memref<1x1x128x64xf32, #tpu.memory_space<hbm>>
      %dma_wait3A_67 = tpu.memref_squeeze %dma_wait3A_66 : memref<1x1x128x64xf32, #tpu.memory_space<hbm>> -> memref<128x64xf32, #tpu.memory_space<hbm>>
      %dma_wait3A_68 = arith.constant 0 : i32
      %dma_wait3A_69 = tpu.memref_slice %arg2[%arg0, %dma_wait3A, %multiple_of3A_64, %dma_wait3A_68] : memref<2x2x163840x64xf32, #tpu.memory_space<hbm>> -> memref<1x1x128x64xf32, #tpu.memory_space<hbm>>
      %dma_wait3A_70 = tpu.memref_squeeze %dma_wait3A_69 : memref<1x1x128x64xf32, #tpu.memory_space<hbm>> -> memref<128x64xf32, #tpu.memory_space<hbm>>
      tpu.wait_dma2 semaphore(%arg12 : memref<!tpu.dma_semaphore, #tpu.memory_space<semaphore_mem>>) src(%dma_wait3A_70 : memref<128x64xf32, #tpu.memory_space<hbm>>) dst(%arg10 : memref<128x64xf32, #tpu.memory_space<vmem>>)
      "tpu.region"() ({
        %run_scoped3A = tpu.sem_alloc : memref<!tpu.dma_semaphore, #tpu.memory_space<semaphore_mem>>
        %dma_start3A_88 = arith.constant 0 : i32
        %dma_start3A_89 = tpu.memref_slice %arg9[%mul3A_47, %dma_start3A_88] : memref<80x128xi32, #tpu.memory_space<vmem>> -> memref<1x128xi32, #tpu.memory_space<vmem>>
        %dma_start3A_90 = tpu.memref_squeeze %dma_start3A_89 : memref<1x128xi32, #tpu.memory_space<vmem>> -> memref<128xi32, #tpu.memory_space<vmem>>
        %dma_start3A_91 = arith.constant 0 : i32
        %dma_start3A_92 = arith.constant 0 : i32
        %dma_start3A_93 = tpu.memref_slice %arg7[%dma_start3A_91, %dma_start3A_92] : memref<10016x64xf32, #tpu.memory_space<vmem_shared>> -> memref<10016x64xf32, #tpu.memory_space<vmem_shared>>
        tpu.enqueue_indirect_dma source(%arg10 : memref<128x64xf32, #tpu.memory_space<vmem>>) target(%dma_start3A_93 : memref<10016x64xf32, #tpu.memory_space<vmem_shared>>) offsets(%dma_start3A_90 : memref<128xi32, #tpu.memory_space<vmem>>) semaphore(%run_scoped3A : memref<!tpu.dma_semaphore, #tpu.memory_space<semaphore_mem>>) {add = true}
        %dma_wait3A_94 = arith.constant 0 : i32
        %dma_wait3A_95 = tpu.memref_slice %arg9[%mul3A_47, %dma_wait3A_94] : memref<80x128xi32, #tpu.memory_space<vmem>> -> memref<1x128xi32, #tpu.memory_space<vmem>>
        %dma_wait3A_96 = tpu.memref_squeeze %dma_wait3A_95 : memref<1x128xi32, #tpu.memory_space<vmem>> -> memref<128xi32, #tpu.memory_space<vmem>>
        %dma_wait3A_97 = arith.constant 0 : i32
        %dma_wait3A_98 = arith.constant 0 : i32
        %dma_wait3A_99 = tpu.memref_slice %arg7[%dma_wait3A_97, %dma_wait3A_98] : memref<10016x64xf32, #tpu.memory_space<vmem_shared>> -> memref<10016x64xf32, #tpu.memory_space<vmem_shared>>
        tpu.wait_indirect_dma semaphore(%run_scoped3A : memref<!tpu.dma_semaphore, #tpu.memory_space<semaphore_mem>>) src(%arg10 : memref<128x64xf32, #tpu.memory_space<vmem>>) dst(%dma_wait3A_99 : memref<10016x64xf32, #tpu.memory_space<vmem_shared>>)
        tpu.yield
      }) : () -> ()
      %add3A_71 = arith.constant 1 : i32
      %add3A_72 = arith.addi %add3A_49, %add3A_71 : i32
      %lt3A = arith.constant 80 : i32
      %lt3A_73 = arith.cmpi slt, %add3A_72, %lt3A : i32
      %convert_element_type3A_74 = arith.extui %lt3A_73 : i1 to i32
      %cond3A_75 = arith.constant 0 : i32
      %cond3A_76 = arith.cmpi ne, %convert_element_type3A_74, %cond3A_75 : i32
      scf.if %cond3A_76 {
        %add3A_88 = arith.constant 1 : i32
        %add3A_89 = arith.addi %add3A_49, %add3A_88 : i32
        %add3A_90 = arith.addi %multiple_of3A_5, %add3A_89 : i32
        %mul3A_91 = arith.constant 128 : i32
        %mul3A_92 = arith.muli %add3A_90, %mul3A_91 : i32
        %multiple_of3A_93 = tpu.assume_multiple %mul3A_92, 8 : i32
        %dma_start3A_94 = arith.constant 1 : i32
        %dma_start3A_95 = arith.constant 0 : i32
        %dma_start3A_96 = tpu.memref_slice %arg2[%arg0, %dma_start3A_94, %multiple_of3A_93, %dma_start3A_95] : memref<2x2x163840x64xf32, #tpu.memory_space<hbm>> -> memref<1x1x128x64xf32, #tpu.memory_space<hbm>>
        %dma_start3A_97 = tpu.memref_squeeze %dma_start3A_96 : memref<1x1x128x64xf32, #tpu.memory_space<hbm>> -> memref<128x64xf32, #tpu.memory_space<hbm>>
        %dma_start3A_98 = arith.constant 0 : i32
        %dma_start3A_99 = tpu.memref_slice %arg2[%arg0, %dma_start3A_94, %multiple_of3A_93, %dma_start3A_98] : memref<2x2x163840x64xf32, #tpu.memory_space<hbm>> -> memref<1x1x128x64xf32, #tpu.memory_space<hbm>>
        %dma_start3A_100 = tpu.memref_squeeze %dma_start3A_99 : memref<1x1x128x64xf32, #tpu.memory_space<hbm>> -> memref<128x64xf32, #tpu.memory_space<hbm>>
        tpu.enqueue_dma source(%dma_start3A_100 : memref<128x64xf32, #tpu.memory_space<hbm>>) target(%arg10 : memref<128x64xf32, #tpu.memory_space<vmem>>) target_semaphore(%arg12 : memref<!tpu.dma_semaphore, #tpu.memory_space<semaphore_mem>>)
      } else {
      }
      %add3A_77 = arith.addi %multiple_of3A_5, %add3A_49 : i32
      %mul3A_78 = arith.constant 128 : i32
      %mul3A_79 = arith.muli %add3A_77, %mul3A_78 : i32
      %multiple_of3A_80 = tpu.assume_multiple %mul3A_79, 8 : i32
      %dma_wait3A_81 = arith.constant 1 : i32
      %dma_wait3A_82 = arith.constant 0 : i32
      %dma_wait3A_83 = tpu.memref_slice %arg2[%arg0, %dma_wait3A_81, %multiple_of3A_80, %dma_wait3A_82] : memref<2x2x163840x64xf32, #tpu.memory_space<hbm>> -> memref<1x1x128x64xf32, #tpu.memory_space<hbm>>
      %dma_wait3A_84 = tpu.memref_squeeze %dma_wait3A_83 : memref<1x1x128x64xf32, #tpu.memory_space<hbm>> -> memref<128x64xf32, #tpu.memory_space<hbm>>
      %dma_wait3A_85 = arith.constant 0 : i32
      %dma_wait3A_86 = tpu.memref_slice %arg2[%arg0, %dma_wait3A_81, %multiple_of3A_80, %dma_wait3A_85] : memref<2x2x163840x64xf32, #tpu.memory_space<hbm>> -> memref<1x1x128x64xf32, #tpu.memory_space<hbm>>
      %dma_wait3A_87 = tpu.memref_squeeze %dma_wait3A_86 : memref<1x1x128x64xf32, #tpu.memory_space<hbm>> -> memref<128x64xf32, #tpu.memory_space<hbm>>
      tpu.wait_dma2 semaphore(%arg13 : memref<!tpu.dma_semaphore, #tpu.memory_space<semaphore_mem>>) src(%dma_wait3A_87 : memref<128x64xf32, #tpu.memory_space<hbm>>) dst(%arg11 : memref<128x64xf32, #tpu.memory_space<vmem>>)
      "tpu.region"() ({
        %run_scoped3A = tpu.sem_alloc : memref<!tpu.dma_semaphore, #tpu.memory_space<semaphore_mem>>
        %dma_start3A_88 = arith.constant 0 : i32
        %dma_start3A_89 = tpu.memref_slice %arg9[%add3A_49, %dma_start3A_88] : memref<80x128xi32, #tpu.memory_space<vmem>> -> memref<1x128xi32, #tpu.memory_space<vmem>>
        %dma_start3A_90 = tpu.memref_squeeze %dma_start3A_89 : memref<1x128xi32, #tpu.memory_space<vmem>> -> memref<128xi32, #tpu.memory_space<vmem>>
        %dma_start3A_91 = arith.constant 0 : i32
        %dma_start3A_92 = arith.constant 0 : i32
        %dma_start3A_93 = tpu.memref_slice %arg7[%dma_start3A_91, %dma_start3A_92] : memref<10016x64xf32, #tpu.memory_space<vmem_shared>> -> memref<10016x64xf32, #tpu.memory_space<vmem_shared>>
        tpu.enqueue_indirect_dma source(%arg11 : memref<128x64xf32, #tpu.memory_space<vmem>>) target(%dma_start3A_93 : memref<10016x64xf32, #tpu.memory_space<vmem_shared>>) offsets(%dma_start3A_90 : memref<128xi32, #tpu.memory_space<vmem>>) semaphore(%run_scoped3A : memref<!tpu.dma_semaphore, #tpu.memory_space<semaphore_mem>>) {add = true}
        %dma_wait3A_94 = arith.constant 0 : i32
        %dma_wait3A_95 = tpu.memref_slice %arg9[%add3A_49, %dma_wait3A_94] : memref<80x128xi32, #tpu.memory_space<vmem>> -> memref<1x128xi32, #tpu.memory_space<vmem>>
        %dma_wait3A_96 = tpu.memref_squeeze %dma_wait3A_95 : memref<1x128xi32, #tpu.memory_space<vmem>> -> memref<128xi32, #tpu.memory_space<vmem>>
        %dma_wait3A_97 = arith.constant 0 : i32
        %dma_wait3A_98 = arith.constant 0 : i32
        %dma_wait3A_99 = tpu.memref_slice %arg7[%dma_wait3A_97, %dma_wait3A_98] : memref<10016x64xf32, #tpu.memory_space<vmem_shared>> -> memref<10016x64xf32, #tpu.memory_space<vmem_shared>>
        tpu.wait_indirect_dma semaphore(%run_scoped3A : memref<!tpu.dma_semaphore, #tpu.memory_space<semaphore_mem>>) src(%arg11 : memref<128x64xf32, #tpu.memory_space<vmem>>) dst(%dma_wait3A_99 : memref<10016x64xf32, #tpu.memory_space<vmem_shared>>)
        tpu.yield
      }) : () -> ()
    }
    %scan3A_38 = arith.constant 40 : i32
    %barrier3A_39 = arith.constant 0 : index
    tpu.barrier barrier_id(%barrier3A_39)
    "tpu.region"() ({
      %run_scoped3A = tpu.sem_alloc : memref<!tpu.dma_semaphore, #tpu.memory_space<semaphore_mem>>
      %dma_start3A_45 = arith.constant 0 : i32
      %dma_start3A_46 = tpu.memref_slice %arg6[%arg0, %multiple_of3A, %dma_start3A_45] : memref<2x10000x64xf32, #tpu.memory_space<hbm>> -> memref<1x624x64xf32, #tpu.memory_space<hbm>>
      %dma_start3A_47 = tpu.memref_squeeze %dma_start3A_46 : memref<1x624x64xf32, #tpu.memory_space<hbm>> -> memref<624x64xf32, #tpu.memory_space<hbm>>
      %dma_start3A_48 = arith.constant 0 : i32
      %dma_start3A_49 = tpu.memref_slice %arg7[%multiple_of3A, %dma_start3A_48] : memref<10016x64xf32, #tpu.memory_space<vmem_shared>> -> memref<624x64xf32, #tpu.memory_space<vmem_shared>>
      tpu.enqueue_dma source(%dma_start3A_49 : memref<624x64xf32, #tpu.memory_space<vmem_shared>>) target(%dma_start3A_47 : memref<624x64xf32, #tpu.memory_space<hbm>>) target_semaphore(%run_scoped3A : memref<!tpu.dma_semaphore, #tpu.memory_space<semaphore_mem>>)
      %dma_wait3A = arith.constant 0 : i32
      %dma_wait3A_50 = tpu.memref_slice %arg6[%arg0, %multiple_of3A, %dma_wait3A] : memref<2x10000x64xf32, #tpu.memory_space<hbm>> -> memref<1x624x64xf32, #tpu.memory_space<hbm>>
      %dma_wait3A_51 = tpu.memref_squeeze %dma_wait3A_50 : memref<1x624x64xf32, #tpu.memory_space<hbm>> -> memref<624x64xf32, #tpu.memory_space<hbm>>
      %dma_wait3A_52 = arith.constant 0 : i32
      %dma_wait3A_53 = tpu.memref_slice %arg7[%multiple_of3A, %dma_wait3A_52] : memref<10016x64xf32, #tpu.memory_space<vmem_shared>> -> memref<624x64xf32, #tpu.memory_space<vmem_shared>>
      tpu.wait_dma2 semaphore(%run_scoped3A : memref<!tpu.dma_semaphore, #tpu.memory_space<semaphore_mem>>) src(%dma_wait3A_53 : memref<624x64xf32, #tpu.memory_space<vmem_shared>>) dst(%dma_wait3A_51 : memref<624x64xf32, #tpu.memory_space<hbm>>)
      tpu.yield
    }) : () -> ()
    %eq3A_40 = arith.constant 15 : i32
    %eq3A_41 = arith.cmpi eq, %arg1, %eq3A_40 : i32
    %convert_element_type3A_42 = arith.extui %eq3A_41 : i1 to i32
    %cond3A_43 = arith.constant 0 : i32
    %cond3A_44 = arith.cmpi ne, %convert_element_type3A_42, %cond3A_43 : i32
    scf.if %cond3A_44 {
      %multiple_of3A_45 = arith.constant 9984 : i32
      %multiple_of3A_46 = tpu.assume_multiple %multiple_of3A_45, 8 : i32
      "tpu.region"() ({
        %run_scoped3A = tpu.sem_alloc : memref<!tpu.dma_semaphore, #tpu.memory_space<semaphore_mem>>
        %dma_start3A_47 = arith.constant 0 : i32
        %dma_start3A_48 = tpu.memref_slice %arg6[%arg0, %multiple_of3A_46, %dma_start3A_47] : memref<2x10000x64xf32, #tpu.memory_space<hbm>> -> memref<1x16x64xf32, #tpu.memory_space<hbm>>
        %dma_start3A_49 = tpu.memref_squeeze %dma_start3A_48 : memref<1x16x64xf32, #tpu.memory_space<hbm>> -> memref<16x64xf32, #tpu.memory_space<hbm>>
        %dma_start3A_50 = arith.constant 0 : i32
        %dma_start3A_51 = tpu.memref_slice %arg7[%multiple_of3A_46, %dma_start3A_50] : memref<10016x64xf32, #tpu.memory_space<vmem_shared>> -> memref<16x64xf32, #tpu.memory_space<vmem_shared>>
        tpu.enqueue_dma source(%dma_start3A_51 : memref<16x64xf32, #tpu.memory_space<vmem_shared>>) target(%dma_start3A_49 : memref<16x64xf32, #tpu.memory_space<hbm>>) target_semaphore(%run_scoped3A : memref<!tpu.dma_semaphore, #tpu.memory_space<semaphore_mem>>)
        %dma_wait3A = arith.constant 0 : i32
        %dma_wait3A_52 = tpu.memref_slice %arg6[%arg0, %multiple_of3A_46, %dma_wait3A] : memref<2x10000x64xf32, #tpu.memory_space<hbm>> -> memref<1x16x64xf32, #tpu.memory_space<hbm>>
        %dma_wait3A_53 = tpu.memref_squeeze %dma_wait3A_52 : memref<1x16x64xf32, #tpu.memory_space<hbm>> -> memref<16x64xf32, #tpu.memory_space<hbm>>
        %dma_wait3A_54 = arith.constant 0 : i32
        %dma_wait3A_55 = tpu.memref_slice %arg7[%multiple_of3A_46, %dma_wait3A_54] : memref<10016x64xf32, #tpu.memory_space<vmem_shared>> -> memref<16x64xf32, #tpu.memory_space<vmem_shared>>
        tpu.wait_dma2 semaphore(%run_scoped3A : memref<!tpu.dma_semaphore, #tpu.memory_space<semaphore_mem>>) src(%dma_wait3A_55 : memref<16x64xf32, #tpu.memory_space<vmem_shared>>) dst(%dma_wait3A_53 : memref<16x64xf32, #tpu.memory_space<hbm>>)
        tpu.yield
      }) : () -> ()
    } else {
    }
    return
  }
}

#map = affine_map<(d0, d1) -> (0, 0)>
#map1 = affine_map<(d0, d1) -> (0, 0, 0, 0)>
module attributes {stable_mosaic.version = 14 : i64} {
  func.func @_sc_gather(%arg0: i32, %arg1: i32, %arg2: memref<20000x128xf32, #tpu.memory_space<hbm>>, %arg3: memref<2x2x1280x128xi32, #tpu.memory_space<hbm>>, %arg4: memref<655360x128xf32, #tpu.memory_space<hbm>>, %arg5: memref<80x128xi32, #tpu.memory_space<vmem>>, %arg6: memref<80x128xi32, #tpu.memory_space<vmem>>, %arg7: memref<128x128xf32, #tpu.memory_space<vmem>>, %arg8: memref<128x128xf32, #tpu.memory_space<vmem>>, %arg9: memref<128x128xf32, #tpu.memory_space<vmem>>, %arg10: memref<128x128xf32, #tpu.memory_space<vmem>>, %arg11: memref<128x128xf32, #tpu.memory_space<vmem>>, %arg12: memref<128x128xf32, #tpu.memory_space<vmem>>, %arg13: memref<!tpu.dma_semaphore, #tpu.memory_space<semaphore_mem>>, %arg14: memref<!tpu.dma_semaphore, #tpu.memory_space<semaphore_mem>>, %arg15: memref<!tpu.dma_semaphore, #tpu.memory_space<semaphore_mem>>) attributes {dimension_semantics = [#tpu.dimension_semantics<core_parallel>, #tpu.dimension_semantics<subcore_parallel>], iteration_bounds = array<i64: 2, 16>, scalar_prefetch = 0 : i64, scratch_operands = 11 : i64, tpu.core_type = #tpu.core_type<sc_vector_subcore>, window_params = [{transform_indices = #map}, {transform_indices = #map1}, {transform_indices = #map}]} {
    %mul3A = arith.constant 80 : i32
    %mul3A_0 = arith.muli %arg1, %mul3A : i32
    %multiple_of3A = tpu.assume_multiple %mul3A_0, 8 : i32
    %run_scoped3A = arith.constant 0 : i32
    "tpu.region"() ({
      %run_scoped3A_34 = tpu.sem_alloc : memref<!tpu.dma_semaphore, #tpu.memory_space<semaphore_mem>>
      %dma_start3A_35 = arith.constant 0 : i32
      %dma_start3A_36 = tpu.memref_slice %arg3[%run_scoped3A, %arg0, %multiple_of3A, %dma_start3A_35] : memref<2x2x1280x128xi32, #tpu.memory_space<hbm>> -> memref<1x1x80x128xi32, #tpu.memory_space<hbm>>
      %dma_start3A_37 = tpu.memref_squeeze %dma_start3A_36 : memref<1x1x80x128xi32, #tpu.memory_space<hbm>> -> memref<80x128xi32, #tpu.memory_space<hbm>>
      %dma_start3A_38 = arith.constant 0 : i32
      %dma_start3A_39 = tpu.memref_slice %arg3[%run_scoped3A, %arg0, %multiple_of3A, %dma_start3A_38] : memref<2x2x1280x128xi32, #tpu.memory_space<hbm>> -> memref<1x1x80x128xi32, #tpu.memory_space<hbm>>
      %dma_start3A_40 = tpu.memref_squeeze %dma_start3A_39 : memref<1x1x80x128xi32, #tpu.memory_space<hbm>> -> memref<80x128xi32, #tpu.memory_space<hbm>>
      tpu.enqueue_dma source(%dma_start3A_40 : memref<80x128xi32, #tpu.memory_space<hbm>>) target(%arg5 : memref<80x128xi32, #tpu.memory_space<vmem>>) target_semaphore(%run_scoped3A_34 : memref<!tpu.dma_semaphore, #tpu.memory_space<semaphore_mem>>)
      %dma_wait3A = arith.constant 0 : i32
      %dma_wait3A_41 = tpu.memref_slice %arg3[%run_scoped3A, %arg0, %multiple_of3A, %dma_wait3A] : memref<2x2x1280x128xi32, #tpu.memory_space<hbm>> -> memref<1x1x80x128xi32, #tpu.memory_space<hbm>>
      %dma_wait3A_42 = tpu.memref_squeeze %dma_wait3A_41 : memref<1x1x80x128xi32, #tpu.memory_space<hbm>> -> memref<80x128xi32, #tpu.memory_space<hbm>>
      %dma_wait3A_43 = arith.constant 0 : i32
      %dma_wait3A_44 = tpu.memref_slice %arg3[%run_scoped3A, %arg0, %multiple_of3A, %dma_wait3A_43] : memref<2x2x1280x128xi32, #tpu.memory_space<hbm>> -> memref<1x1x80x128xi32, #tpu.memory_space<hbm>>
      %dma_wait3A_45 = tpu.memref_squeeze %dma_wait3A_44 : memref<1x1x80x128xi32, #tpu.memory_space<hbm>> -> memref<80x128xi32, #tpu.memory_space<hbm>>
      tpu.wait_dma2 semaphore(%run_scoped3A_34 : memref<!tpu.dma_semaphore, #tpu.memory_space<semaphore_mem>>) src(%dma_wait3A_45 : memref<80x128xi32, #tpu.memory_space<hbm>>) dst(%arg5 : memref<80x128xi32, #tpu.memory_space<vmem>>)
      tpu.yield
    }) : () -> ()
    %run_scoped3A_1 = arith.constant 1 : i32
    "tpu.region"() ({
      %run_scoped3A_34 = tpu.sem_alloc : memref<!tpu.dma_semaphore, #tpu.memory_space<semaphore_mem>>
      %dma_start3A_35 = arith.constant 0 : i32
      %dma_start3A_36 = tpu.memref_slice %arg3[%run_scoped3A_1, %arg0, %multiple_of3A, %dma_start3A_35] : memref<2x2x1280x128xi32, #tpu.memory_space<hbm>> -> memref<1x1x80x128xi32, #tpu.memory_space<hbm>>
      %dma_start3A_37 = tpu.memref_squeeze %dma_start3A_36 : memref<1x1x80x128xi32, #tpu.memory_space<hbm>> -> memref<80x128xi32, #tpu.memory_space<hbm>>
      %dma_start3A_38 = arith.constant 0 : i32
      %dma_start3A_39 = tpu.memref_slice %arg3[%run_scoped3A_1, %arg0, %multiple_of3A, %dma_start3A_38] : memref<2x2x1280x128xi32, #tpu.memory_space<hbm>> -> memref<1x1x80x128xi32, #tpu.memory_space<hbm>>
      %dma_start3A_40 = tpu.memref_squeeze %dma_start3A_39 : memref<1x1x80x128xi32, #tpu.memory_space<hbm>> -> memref<80x128xi32, #tpu.memory_space<hbm>>
      tpu.enqueue_dma source(%dma_start3A_40 : memref<80x128xi32, #tpu.memory_space<hbm>>) target(%arg6 : memref<80x128xi32, #tpu.memory_space<vmem>>) target_semaphore(%run_scoped3A_34 : memref<!tpu.dma_semaphore, #tpu.memory_space<semaphore_mem>>)
      %dma_wait3A = arith.constant 0 : i32
      %dma_wait3A_41 = tpu.memref_slice %arg3[%run_scoped3A_1, %arg0, %multiple_of3A, %dma_wait3A] : memref<2x2x1280x128xi32, #tpu.memory_space<hbm>> -> memref<1x1x80x128xi32, #tpu.memory_space<hbm>>
      %dma_wait3A_42 = tpu.memref_squeeze %dma_wait3A_41 : memref<1x1x80x128xi32, #tpu.memory_space<hbm>> -> memref<80x128xi32, #tpu.memory_space<hbm>>
      %dma_wait3A_43 = arith.constant 0 : i32
      %dma_wait3A_44 = tpu.memref_slice %arg3[%run_scoped3A_1, %arg0, %multiple_of3A, %dma_wait3A_43] : memref<2x2x1280x128xi32, #tpu.memory_space<hbm>> -> memref<1x1x80x128xi32, #tpu.memory_space<hbm>>
      %dma_wait3A_45 = tpu.memref_squeeze %dma_wait3A_44 : memref<1x1x80x128xi32, #tpu.memory_space<hbm>> -> memref<80x128xi32, #tpu.memory_space<hbm>>
      tpu.wait_dma2 semaphore(%run_scoped3A_34 : memref<!tpu.dma_semaphore, #tpu.memory_space<semaphore_mem>>) src(%dma_wait3A_45 : memref<80x128xi32, #tpu.memory_space<hbm>>) dst(%arg6 : memref<80x128xi32, #tpu.memory_space<vmem>>)
      tpu.yield
    }) : () -> ()
    %dma_start3A = arith.constant 0 : i32
    %dma_start3A_2 = arith.constant 0 : i32
    %dma_start3A_3 = tpu.memref_slice %arg5[%dma_start3A, %dma_start3A_2] : memref<80x128xi32, #tpu.memory_space<vmem>> -> memref<1x128xi32, #tpu.memory_space<vmem>>
    %dma_start3A_4 = tpu.memref_squeeze %dma_start3A_3 : memref<1x128xi32, #tpu.memory_space<vmem>> -> memref<128xi32, #tpu.memory_space<vmem>>
    %dma_start3A_5 = arith.constant 0 : i32
    %dma_start3A_6 = arith.constant 0 : i32
    %dma_start3A_7 = tpu.memref_slice %arg2[%dma_start3A_5, %dma_start3A_6] : memref<20000x128xf32, #tpu.memory_space<hbm>> -> memref<20000x128xf32, #tpu.memory_space<hbm>>
    tpu.enqueue_indirect_dma source(%dma_start3A_7 : memref<20000x128xf32, #tpu.memory_space<hbm>>) target(%arg7 : memref<128x128xf32, #tpu.memory_space<vmem>>) offsets(%dma_start3A_4 : memref<128xi32, #tpu.memory_space<vmem>>) semaphore(%arg13 : memref<!tpu.dma_semaphore, #tpu.memory_space<semaphore_mem>>)
    %dma_start3A_8 = arith.constant 0 : i32
    %dma_start3A_9 = arith.constant 0 : i32
    %dma_start3A_10 = tpu.memref_slice %arg6[%dma_start3A_8, %dma_start3A_9] : memref<80x128xi32, #tpu.memory_space<vmem>> -> memref<1x128xi32, #tpu.memory_space<vmem>>
    %dma_start3A_11 = tpu.memref_squeeze %dma_start3A_10 : memref<1x128xi32, #tpu.memory_space<vmem>> -> memref<128xi32, #tpu.memory_space<vmem>>
    %dma_start3A_12 = arith.constant 0 : i32
    %dma_start3A_13 = arith.constant 0 : i32
    %dma_start3A_14 = tpu.memref_slice %arg2[%dma_start3A_12, %dma_start3A_13] : memref<20000x128xf32, #tpu.memory_space<hbm>> -> memref<20000x128xf32, #tpu.memory_space<hbm>>
    tpu.enqueue_indirect_dma source(%dma_start3A_14 : memref<20000x128xf32, #tpu.memory_space<hbm>>) target(%arg8 : memref<128x128xf32, #tpu.memory_space<vmem>>) offsets(%dma_start3A_11 : memref<128xi32, #tpu.memory_space<vmem>>) semaphore(%arg13 : memref<!tpu.dma_semaphore, #tpu.memory_space<semaphore_mem>>)
    %dma_start3A_15 = arith.constant 1 : i32
    %dma_start3A_16 = arith.constant 0 : i32
    %dma_start3A_17 = tpu.memref_slice %arg5[%dma_start3A_15, %dma_start3A_16] : memref<80x128xi32, #tpu.memory_space<vmem>> -> memref<1x128xi32, #tpu.memory_space<vmem>>
    %dma_start3A_18 = tpu.memref_squeeze %dma_start3A_17 : memref<1x128xi32, #tpu.memory_space<vmem>> -> memref<128xi32, #tpu.memory_space<vmem>>
    %dma_start3A_19 = arith.constant 0 : i32
    %dma_start3A_20 = arith.constant 0 : i32
    %dma_start3A_21 = tpu.memref_slice %arg2[%dma_start3A_19, %dma_start3A_20] : memref<20000x128xf32, #tpu.memory_space<hbm>> -> memref<20000x128xf32, #tpu.memory_space<hbm>>
    tpu.enqueue_indirect_dma source(%dma_start3A_21 : memref<20000x128xf32, #tpu.memory_space<hbm>>) target(%arg9 : memref<128x128xf32, #tpu.memory_space<vmem>>) offsets(%dma_start3A_18 : memref<128xi32, #tpu.memory_space<vmem>>) semaphore(%arg14 : memref<!tpu.dma_semaphore, #tpu.memory_space<semaphore_mem>>)
    %dma_start3A_22 = arith.constant 1 : i32
    %dma_start3A_23 = arith.constant 0 : i32
    %dma_start3A_24 = tpu.memref_slice %arg6[%dma_start3A_22, %dma_start3A_23] : memref<80x128xi32, #tpu.memory_space<vmem>> -> memref<1x128xi32, #tpu.memory_space<vmem>>
    %dma_start3A_25 = tpu.memref_squeeze %dma_start3A_24 : memref<1x128xi32, #tpu.memory_space<vmem>> -> memref<128xi32, #tpu.memory_space<vmem>>
    %dma_start3A_26 = arith.constant 0 : i32
    %dma_start3A_27 = arith.constant 0 : i32
    %dma_start3A_28 = tpu.memref_slice %arg2[%dma_start3A_26, %dma_start3A_27] : memref<20000x128xf32, #tpu.memory_space<hbm>> -> memref<20000x128xf32, #tpu.memory_space<hbm>>
    tpu.enqueue_indirect_dma source(%dma_start3A_28 : memref<20000x128xf32, #tpu.memory_space<hbm>>) target(%arg10 : memref<128x128xf32, #tpu.memory_space<vmem>>) offsets(%dma_start3A_25 : memref<128xi32, #tpu.memory_space<vmem>>) semaphore(%arg14 : memref<!tpu.dma_semaphore, #tpu.memory_space<semaphore_mem>>)
    %scan3A = arith.constant 0 : i32
    %scan3A_29 = arith.constant 0 : i32
    %scan3A_30 = arith.constant 27 : i32
    %scan3A_31 = arith.addi %scan3A_29, %scan3A_30 : i32
    %scan3A_32 = arith.constant 1 : i32
    scf.for %scan3A_34 = %scan3A_29 to %scan3A_31 step %scan3A_32  : i32 {
      %mul3A_35 = arith.constant 3 : i32
      %mul3A_36 = arith.muli %mul3A_35, %scan3A_34 : i32
      %lt3A = arith.constant 80 : i32
      %lt3A_37 = arith.cmpi slt, %mul3A_36, %lt3A : i32
      %convert_element_type3A = arith.extui %lt3A_37 : i1 to i32
      %cond3A = arith.constant 0 : i32
      %cond3A_38 = arith.cmpi ne, %convert_element_type3A, %cond3A : i32
      scf.if %cond3A_38 {
        %dma_wait3A = arith.constant 0 : i32
        %dma_wait3A_52 = tpu.memref_slice %arg5[%mul3A_36, %dma_wait3A] : memref<80x128xi32, #tpu.memory_space<vmem>> -> memref<1x128xi32, #tpu.memory_space<vmem>>
        %dma_wait3A_53 = tpu.memref_squeeze %dma_wait3A_52 : memref<1x128xi32, #tpu.memory_space<vmem>> -> memref<128xi32, #tpu.memory_space<vmem>>
        %dma_wait3A_54 = arith.constant 0 : i32
        %dma_wait3A_55 = arith.constant 0 : i32
        %dma_wait3A_56 = tpu.memref_slice %arg2[%dma_wait3A_54, %dma_wait3A_55] : memref<20000x128xf32, #tpu.memory_space<hbm>> -> memref<20000x128xf32, #tpu.memory_space<hbm>>
        tpu.wait_indirect_dma semaphore(%arg13 : memref<!tpu.dma_semaphore, #tpu.memory_space<semaphore_mem>>) src(%dma_wait3A_56 : memref<20000x128xf32, #tpu.memory_space<hbm>>) dst(%arg7 : memref<128x128xf32, #tpu.memory_space<vmem>>)
        %dma_wait3A_57 = arith.constant 0 : i32
        %dma_wait3A_58 = tpu.memref_slice %arg6[%mul3A_36, %dma_wait3A_57] : memref<80x128xi32, #tpu.memory_space<vmem>> -> memref<1x128xi32, #tpu.memory_space<vmem>>
        %dma_wait3A_59 = tpu.memref_squeeze %dma_wait3A_58 : memref<1x128xi32, #tpu.memory_space<vmem>> -> memref<128xi32, #tpu.memory_space<vmem>>
        %dma_wait3A_60 = arith.constant 0 : i32
        %dma_wait3A_61 = arith.constant 0 : i32
        %dma_wait3A_62 = tpu.memref_slice %arg2[%dma_wait3A_60, %dma_wait3A_61] : memref<20000x128xf32, #tpu.memory_space<hbm>> -> memref<20000x128xf32, #tpu.memory_space<hbm>>
        tpu.wait_indirect_dma semaphore(%arg13 : memref<!tpu.dma_semaphore, #tpu.memory_space<semaphore_mem>>) src(%dma_wait3A_62 : memref<20000x128xf32, #tpu.memory_space<hbm>>) dst(%arg8 : memref<128x128xf32, #tpu.memory_space<vmem>>)
        %add3A_63 = arith.constant 2 : i32
        %add3A_64 = arith.addi %mul3A_36, %add3A_63 : i32
        %lt3A_65 = arith.constant 80 : i32
        %lt3A_66 = arith.cmpi slt, %add3A_64, %lt3A_65 : i32
        %convert_element_type3A_67 = arith.extui %lt3A_66 : i1 to i32
        %cond3A_68 = arith.constant 0 : i32
        %cond3A_69 = arith.cmpi ne, %convert_element_type3A_67, %cond3A_68 : i32
        scf.if %cond3A_69 {
          %add3A_81 = arith.constant 2 : i32
          %add3A_82 = arith.addi %mul3A_36, %add3A_81 : i32
          %dma_start3A_83 = arith.constant 0 : i32
          %dma_start3A_84 = tpu.memref_slice %arg5[%add3A_82, %dma_start3A_83] : memref<80x128xi32, #tpu.memory_space<vmem>> -> memref<1x128xi32, #tpu.memory_space<vmem>>
          %dma_start3A_85 = tpu.memref_squeeze %dma_start3A_84 : memref<1x128xi32, #tpu.memory_space<vmem>> -> memref<128xi32, #tpu.memory_space<vmem>>
          %dma_start3A_86 = arith.constant 0 : i32
          %dma_start3A_87 = arith.constant 0 : i32
          %dma_start3A_88 = tpu.memref_slice %arg2[%dma_start3A_86, %dma_start3A_87] : memref<20000x128xf32, #tpu.memory_space<hbm>> -> memref<20000x128xf32, #tpu.memory_space<hbm>>
          tpu.enqueue_indirect_dma source(%dma_start3A_88 : memref<20000x128xf32, #tpu.memory_space<hbm>>) target(%arg11 : memref<128x128xf32, #tpu.memory_space<vmem>>) offsets(%dma_start3A_85 : memref<128xi32, #tpu.memory_space<vmem>>) semaphore(%arg15 : memref<!tpu.dma_semaphore, #tpu.memory_space<semaphore_mem>>)
          %dma_start3A_89 = arith.constant 0 : i32
          %dma_start3A_90 = tpu.memref_slice %arg6[%add3A_82, %dma_start3A_89] : memref<80x128xi32, #tpu.memory_space<vmem>> -> memref<1x128xi32, #tpu.memory_space<vmem>>
          %dma_start3A_91 = tpu.memref_squeeze %dma_start3A_90 : memref<1x128xi32, #tpu.memory_space<vmem>> -> memref<128xi32, #tpu.memory_space<vmem>>
          %dma_start3A_92 = arith.constant 0 : i32
          %dma_start3A_93 = arith.constant 0 : i32
          %dma_start3A_94 = tpu.memref_slice %arg2[%dma_start3A_92, %dma_start3A_93] : memref<20000x128xf32, #tpu.memory_space<hbm>> -> memref<20000x128xf32, #tpu.memory_space<hbm>>
          tpu.enqueue_indirect_dma source(%dma_start3A_94 : memref<20000x128xf32, #tpu.memory_space<hbm>>) target(%arg12 : memref<128x128xf32, #tpu.memory_space<vmem>>) offsets(%dma_start3A_91 : memref<128xi32, #tpu.memory_space<vmem>>) semaphore(%arg15 : memref<!tpu.dma_semaphore, #tpu.memory_space<semaphore_mem>>)
        } else {
        }
        %mul3A_70 = arith.constant 2 : i32
        %mul3A_71 = arith.muli %arg0, %mul3A_70 : i32
        %mul3A_72 = arith.constant 163840 : i32
        %mul3A_73 = arith.muli %mul3A_71, %mul3A_72 : i32
        %add3A_74 = arith.addi %multiple_of3A, %mul3A_36 : i32
        %mul3A_75 = arith.constant 128 : i32
        %mul3A_76 = arith.muli %add3A_74, %mul3A_75 : i32
        %add3A_77 = arith.addi %mul3A_73, %mul3A_76 : i32
        %multiple_of3A_78 = tpu.assume_multiple %add3A_77, 8 : i32
        "tpu.region"() ({
          %run_scoped3A_81 = tpu.sem_alloc : memref<!tpu.dma_semaphore, #tpu.memory_space<semaphore_mem>>
          %dma_start3A_82 = arith.constant 0 : i32
          %dma_start3A_83 = tpu.memref_slice %arg4[%multiple_of3A_78, %dma_start3A_82] : memref<655360x128xf32, #tpu.memory_space<hbm>> -> memref<128x128xf32, #tpu.memory_space<hbm>>
          %dma_start3A_84 = arith.constant 0 : i32
          %dma_start3A_85 = tpu.memref_slice %arg4[%multiple_of3A_78, %dma_start3A_84] : memref<655360x128xf32, #tpu.memory_space<hbm>> -> memref<128x128xf32, #tpu.memory_space<hbm>>
          tpu.enqueue_dma source(%arg7 : memref<128x128xf32, #tpu.memory_space<vmem>>) target(%dma_start3A_85 : memref<128x128xf32, #tpu.memory_space<hbm>>) target_semaphore(%run_scoped3A_81 : memref<!tpu.dma_semaphore, #tpu.memory_space<semaphore_mem>>)
          %dma_wait3A_86 = arith.constant 0 : i32
          %dma_wait3A_87 = tpu.memref_slice %arg4[%multiple_of3A_78, %dma_wait3A_86] : memref<655360x128xf32, #tpu.memory_space<hbm>> -> memref<128x128xf32, #tpu.memory_space<hbm>>
          %dma_wait3A_88 = arith.constant 0 : i32
          %dma_wait3A_89 = tpu.memref_slice %arg4[%multiple_of3A_78, %dma_wait3A_88] : memref<655360x128xf32, #tpu.memory_space<hbm>> -> memref<128x128xf32, #tpu.memory_space<hbm>>
          tpu.wait_dma2 semaphore(%run_scoped3A_81 : memref<!tpu.dma_semaphore, #tpu.memory_space<semaphore_mem>>) src(%arg7 : memref<128x128xf32, #tpu.memory_space<vmem>>) dst(%dma_wait3A_89 : memref<128x128xf32, #tpu.memory_space<hbm>>)
          tpu.yield
        }) : () -> ()
        %add3A_79 = arith.constant 163840 : i32
        %add3A_80 = arith.addi %add3A_79, %multiple_of3A_78 : i32
        "tpu.region"() ({
          %run_scoped3A_81 = tpu.sem_alloc : memref<!tpu.dma_semaphore, #tpu.memory_space<semaphore_mem>>
          %dma_start3A_82 = arith.constant 0 : i32
          %dma_start3A_83 = tpu.memref_slice %arg4[%add3A_80, %dma_start3A_82] : memref<655360x128xf32, #tpu.memory_space<hbm>> -> memref<128x128xf32, #tpu.memory_space<hbm>>
          %dma_start3A_84 = arith.constant 0 : i32
          %dma_start3A_85 = tpu.memref_slice %arg4[%add3A_80, %dma_start3A_84] : memref<655360x128xf32, #tpu.memory_space<hbm>> -> memref<128x128xf32, #tpu.memory_space<hbm>>
          tpu.enqueue_dma source(%arg8 : memref<128x128xf32, #tpu.memory_space<vmem>>) target(%dma_start3A_85 : memref<128x128xf32, #tpu.memory_space<hbm>>) target_semaphore(%run_scoped3A_81 : memref<!tpu.dma_semaphore, #tpu.memory_space<semaphore_mem>>)
          %dma_wait3A_86 = arith.constant 0 : i32
          %dma_wait3A_87 = tpu.memref_slice %arg4[%add3A_80, %dma_wait3A_86] : memref<655360x128xf32, #tpu.memory_space<hbm>> -> memref<128x128xf32, #tpu.memory_space<hbm>>
          %dma_wait3A_88 = arith.constant 0 : i32
          %dma_wait3A_89 = tpu.memref_slice %arg4[%add3A_80, %dma_wait3A_88] : memref<655360x128xf32, #tpu.memory_space<hbm>> -> memref<128x128xf32, #tpu.memory_space<hbm>>
          tpu.wait_dma2 semaphore(%run_scoped3A_81 : memref<!tpu.dma_semaphore, #tpu.memory_space<semaphore_mem>>) src(%arg8 : memref<128x128xf32, #tpu.memory_space<vmem>>) dst(%dma_wait3A_89 : memref<128x128xf32, #tpu.memory_space<hbm>>)
          tpu.yield
        }) : () -> ()
      } else {
      }
      %add3A = arith.constant 1 : i32
      %add3A_39 = arith.addi %mul3A_36, %add3A : i32
      %lt3A_40 = arith.constant 80 : i32
      %lt3A_41 = arith.cmpi slt, %add3A_39, %lt3A_40 : i32
      %convert_element_type3A_42 = arith.extui %lt3A_41 : i1 to i32
      %cond3A_43 = arith.constant 0 : i32
      %cond3A_44 = arith.cmpi ne, %convert_element_type3A_42, %cond3A_43 : i32
      scf.if %cond3A_44 {
        %dma_wait3A = arith.constant 0 : i32
        %dma_wait3A_52 = tpu.memref_slice %arg5[%add3A_39, %dma_wait3A] : memref<80x128xi32, #tpu.memory_space<vmem>> -> memref<1x128xi32, #tpu.memory_space<vmem>>
        %dma_wait3A_53 = tpu.memref_squeeze %dma_wait3A_52 : memref<1x128xi32, #tpu.memory_space<vmem>> -> memref<128xi32, #tpu.memory_space<vmem>>
        %dma_wait3A_54 = arith.constant 0 : i32
        %dma_wait3A_55 = arith.constant 0 : i32
        %dma_wait3A_56 = tpu.memref_slice %arg2[%dma_wait3A_54, %dma_wait3A_55] : memref<20000x128xf32, #tpu.memory_space<hbm>> -> memref<20000x128xf32, #tpu.memory_space<hbm>>
        tpu.wait_indirect_dma semaphore(%arg14 : memref<!tpu.dma_semaphore, #tpu.memory_space<semaphore_mem>>) src(%dma_wait3A_56 : memref<20000x128xf32, #tpu.memory_space<hbm>>) dst(%arg9 : memref<128x128xf32, #tpu.memory_space<vmem>>)
        %dma_wait3A_57 = arith.constant 0 : i32
        %dma_wait3A_58 = tpu.memref_slice %arg6[%add3A_39, %dma_wait3A_57] : memref<80x128xi32, #tpu.memory_space<vmem>> -> memref<1x128xi32, #tpu.memory_space<vmem>>
        %dma_wait3A_59 = tpu.memref_squeeze %dma_wait3A_58 : memref<1x128xi32, #tpu.memory_space<vmem>> -> memref<128xi32, #tpu.memory_space<vmem>>
        %dma_wait3A_60 = arith.constant 0 : i32
        %dma_wait3A_61 = arith.constant 0 : i32
        %dma_wait3A_62 = tpu.memref_slice %arg2[%dma_wait3A_60, %dma_wait3A_61] : memref<20000x128xf32, #tpu.memory_space<hbm>> -> memref<20000x128xf32, #tpu.memory_space<hbm>>
        tpu.wait_indirect_dma semaphore(%arg14 : memref<!tpu.dma_semaphore, #tpu.memory_space<semaphore_mem>>) src(%dma_wait3A_62 : memref<20000x128xf32, #tpu.memory_space<hbm>>) dst(%arg10 : memref<128x128xf32, #tpu.memory_space<vmem>>)
        %add3A_63 = arith.constant 2 : i32
        %add3A_64 = arith.addi %add3A_39, %add3A_63 : i32
        %lt3A_65 = arith.constant 80 : i32
        %lt3A_66 = arith.cmpi slt, %add3A_64, %lt3A_65 : i32
        %convert_element_type3A_67 = arith.extui %lt3A_66 : i1 to i32
        %cond3A_68 = arith.constant 0 : i32
        %cond3A_69 = arith.cmpi ne, %convert_element_type3A_67, %cond3A_68 : i32
        scf.if %cond3A_69 {
          %add3A_81 = arith.constant 2 : i32
          %add3A_82 = arith.addi %add3A_39, %add3A_81 : i32
          %dma_start3A_83 = arith.constant 0 : i32
          %dma_start3A_84 = tpu.memref_slice %arg5[%add3A_82, %dma_start3A_83] : memref<80x128xi32, #tpu.memory_space<vmem>> -> memref<1x128xi32, #tpu.memory_space<vmem>>
          %dma_start3A_85 = tpu.memref_squeeze %dma_start3A_84 : memref<1x128xi32, #tpu.memory_space<vmem>> -> memref<128xi32, #tpu.memory_space<vmem>>
          %dma_start3A_86 = arith.constant 0 : i32
          %dma_start3A_87 = arith.constant 0 : i32
          %dma_start3A_88 = tpu.memref_slice %arg2[%dma_start3A_86, %dma_start3A_87] : memref<20000x128xf32, #tpu.memory_space<hbm>> -> memref<20000x128xf32, #tpu.memory_space<hbm>>
          tpu.enqueue_indirect_dma source(%dma_start3A_88 : memref<20000x128xf32, #tpu.memory_space<hbm>>) target(%arg7 : memref<128x128xf32, #tpu.memory_space<vmem>>) offsets(%dma_start3A_85 : memref<128xi32, #tpu.memory_space<vmem>>) semaphore(%arg13 : memref<!tpu.dma_semaphore, #tpu.memory_space<semaphore_mem>>)
          %dma_start3A_89 = arith.constant 0 : i32
          %dma_start3A_90 = tpu.memref_slice %arg6[%add3A_82, %dma_start3A_89] : memref<80x128xi32, #tpu.memory_space<vmem>> -> memref<1x128xi32, #tpu.memory_space<vmem>>
          %dma_start3A_91 = tpu.memref_squeeze %dma_start3A_90 : memref<1x128xi32, #tpu.memory_space<vmem>> -> memref<128xi32, #tpu.memory_space<vmem>>
          %dma_start3A_92 = arith.constant 0 : i32
          %dma_start3A_93 = arith.constant 0 : i32
          %dma_start3A_94 = tpu.memref_slice %arg2[%dma_start3A_92, %dma_start3A_93] : memref<20000x128xf32, #tpu.memory_space<hbm>> -> memref<20000x128xf32, #tpu.memory_space<hbm>>
          tpu.enqueue_indirect_dma source(%dma_start3A_94 : memref<20000x128xf32, #tpu.memory_space<hbm>>) target(%arg8 : memref<128x128xf32, #tpu.memory_space<vmem>>) offsets(%dma_start3A_91 : memref<128xi32, #tpu.memory_space<vmem>>) semaphore(%arg13 : memref<!tpu.dma_semaphore, #tpu.memory_space<semaphore_mem>>)
        } else {
        }
        %mul3A_70 = arith.constant 2 : i32
        %mul3A_71 = arith.muli %arg0, %mul3A_70 : i32
        %mul3A_72 = arith.constant 163840 : i32
        %mul3A_73 = arith.muli %mul3A_71, %mul3A_72 : i32
        %add3A_74 = arith.addi %multiple_of3A, %add3A_39 : i32
        %mul3A_75 = arith.constant 128 : i32
        %mul3A_76 = arith.muli %add3A_74, %mul3A_75 : i32
        %add3A_77 = arith.addi %mul3A_73, %mul3A_76 : i32
        %multiple_of3A_78 = tpu.assume_multiple %add3A_77, 8 : i32
        "tpu.region"() ({
          %run_scoped3A_81 = tpu.sem_alloc : memref<!tpu.dma_semaphore, #tpu.memory_space<semaphore_mem>>
          %dma_start3A_82 = arith.constant 0 : i32
          %dma_start3A_83 = tpu.memref_slice %arg4[%multiple_of3A_78, %dma_start3A_82] : memref<655360x128xf32, #tpu.memory_space<hbm>> -> memref<128x128xf32, #tpu.memory_space<hbm>>
          %dma_start3A_84 = arith.constant 0 : i32
          %dma_start3A_85 = tpu.memref_slice %arg4[%multiple_of3A_78, %dma_start3A_84] : memref<655360x128xf32, #tpu.memory_space<hbm>> -> memref<128x128xf32, #tpu.memory_space<hbm>>
          tpu.enqueue_dma source(%arg9 : memref<128x128xf32, #tpu.memory_space<vmem>>) target(%dma_start3A_85 : memref<128x128xf32, #tpu.memory_space<hbm>>) target_semaphore(%run_scoped3A_81 : memref<!tpu.dma_semaphore, #tpu.memory_space<semaphore_mem>>)
          %dma_wait3A_86 = arith.constant 0 : i32
          %dma_wait3A_87 = tpu.memref_slice %arg4[%multiple_of3A_78, %dma_wait3A_86] : memref<655360x128xf32, #tpu.memory_space<hbm>> -> memref<128x128xf32, #tpu.memory_space<hbm>>
          %dma_wait3A_88 = arith.constant 0 : i32
          %dma_wait3A_89 = tpu.memref_slice %arg4[%multiple_of3A_78, %dma_wait3A_88] : memref<655360x128xf32, #tpu.memory_space<hbm>> -> memref<128x128xf32, #tpu.memory_space<hbm>>
          tpu.wait_dma2 semaphore(%run_scoped3A_81 : memref<!tpu.dma_semaphore, #tpu.memory_space<semaphore_mem>>) src(%arg9 : memref<128x128xf32, #tpu.memory_space<vmem>>) dst(%dma_wait3A_89 : memref<128x128xf32, #tpu.memory_space<hbm>>)
          tpu.yield
        }) : () -> ()
        %add3A_79 = arith.constant 163840 : i32
        %add3A_80 = arith.addi %add3A_79, %multiple_of3A_78 : i32
        "tpu.region"() ({
          %run_scoped3A_81 = tpu.sem_alloc : memref<!tpu.dma_semaphore, #tpu.memory_space<semaphore_mem>>
          %dma_start3A_82 = arith.constant 0 : i32
          %dma_start3A_83 = tpu.memref_slice %arg4[%add3A_80, %dma_start3A_82] : memref<655360x128xf32, #tpu.memory_space<hbm>> -> memref<128x128xf32, #tpu.memory_space<hbm>>
          %dma_start3A_84 = arith.constant 0 : i32
          %dma_start3A_85 = tpu.memref_slice %arg4[%add3A_80, %dma_start3A_84] : memref<655360x128xf32, #tpu.memory_space<hbm>> -> memref<128x128xf32, #tpu.memory_space<hbm>>
          tpu.enqueue_dma source(%arg10 : memref<128x128xf32, #tpu.memory_space<vmem>>) target(%dma_start3A_85 : memref<128x128xf32, #tpu.memory_space<hbm>>) target_semaphore(%run_scoped3A_81 : memref<!tpu.dma_semaphore, #tpu.memory_space<semaphore_mem>>)
          %dma_wait3A_86 = arith.constant 0 : i32
          %dma_wait3A_87 = tpu.memref_slice %arg4[%add3A_80, %dma_wait3A_86] : memref<655360x128xf32, #tpu.memory_space<hbm>> -> memref<128x128xf32, #tpu.memory_space<hbm>>
          %dma_wait3A_88 = arith.constant 0 : i32
          %dma_wait3A_89 = tpu.memref_slice %arg4[%add3A_80, %dma_wait3A_88] : memref<655360x128xf32, #tpu.memory_space<hbm>> -> memref<128x128xf32, #tpu.memory_space<hbm>>
          tpu.wait_dma2 semaphore(%run_scoped3A_81 : memref<!tpu.dma_semaphore, #tpu.memory_space<semaphore_mem>>) src(%arg10 : memref<128x128xf32, #tpu.memory_space<vmem>>) dst(%dma_wait3A_89 : memref<128x128xf32, #tpu.memory_space<hbm>>)
          tpu.yield
        }) : () -> ()
      } else {
      }
      %add3A_45 = arith.constant 2 : i32
      %add3A_46 = arith.addi %mul3A_36, %add3A_45 : i32
      %lt3A_47 = arith.constant 80 : i32
      %lt3A_48 = arith.cmpi slt, %add3A_46, %lt3A_47 : i32
      %convert_element_type3A_49 = arith.extui %lt3A_48 : i1 to i32
      %cond3A_50 = arith.constant 0 : i32
      %cond3A_51 = arith.cmpi ne, %convert_element_type3A_49, %cond3A_50 : i32
      scf.if %cond3A_51 {
        %dma_wait3A = arith.constant 0 : i32
        %dma_wait3A_52 = tpu.memref_slice %arg5[%add3A_46, %dma_wait3A] : memref<80x128xi32, #tpu.memory_space<vmem>> -> memref<1x128xi32, #tpu.memory_space<vmem>>
        %dma_wait3A_53 = tpu.memref_squeeze %dma_wait3A_52 : memref<1x128xi32, #tpu.memory_space<vmem>> -> memref<128xi32, #tpu.memory_space<vmem>>
        %dma_wait3A_54 = arith.constant 0 : i32
        %dma_wait3A_55 = arith.constant 0 : i32
        %dma_wait3A_56 = tpu.memref_slice %arg2[%dma_wait3A_54, %dma_wait3A_55] : memref<20000x128xf32, #tpu.memory_space<hbm>> -> memref<20000x128xf32, #tpu.memory_space<hbm>>
        tpu.wait_indirect_dma semaphore(%arg15 : memref<!tpu.dma_semaphore, #tpu.memory_space<semaphore_mem>>) src(%dma_wait3A_56 : memref<20000x128xf32, #tpu.memory_space<hbm>>) dst(%arg11 : memref<128x128xf32, #tpu.memory_space<vmem>>)
        %dma_wait3A_57 = arith.constant 0 : i32
        %dma_wait3A_58 = tpu.memref_slice %arg6[%add3A_46, %dma_wait3A_57] : memref<80x128xi32, #tpu.memory_space<vmem>> -> memref<1x128xi32, #tpu.memory_space<vmem>>
        %dma_wait3A_59 = tpu.memref_squeeze %dma_wait3A_58 : memref<1x128xi32, #tpu.memory_space<vmem>> -> memref<128xi32, #tpu.memory_space<vmem>>
        %dma_wait3A_60 = arith.constant 0 : i32
        %dma_wait3A_61 = arith.constant 0 : i32
        %dma_wait3A_62 = tpu.memref_slice %arg2[%dma_wait3A_60, %dma_wait3A_61] : memref<20000x128xf32, #tpu.memory_space<hbm>> -> memref<20000x128xf32, #tpu.memory_space<hbm>>
        tpu.wait_indirect_dma semaphore(%arg15 : memref<!tpu.dma_semaphore, #tpu.memory_space<semaphore_mem>>) src(%dma_wait3A_62 : memref<20000x128xf32, #tpu.memory_space<hbm>>) dst(%arg12 : memref<128x128xf32, #tpu.memory_space<vmem>>)
        %add3A_63 = arith.constant 2 : i32
        %add3A_64 = arith.addi %add3A_46, %add3A_63 : i32
        %lt3A_65 = arith.constant 80 : i32
        %lt3A_66 = arith.cmpi slt, %add3A_64, %lt3A_65 : i32
        %convert_element_type3A_67 = arith.extui %lt3A_66 : i1 to i32
        %cond3A_68 = arith.constant 0 : i32
        %cond3A_69 = arith.cmpi ne, %convert_element_type3A_67, %cond3A_68 : i32
        scf.if %cond3A_69 {
          %add3A_81 = arith.constant 2 : i32
          %add3A_82 = arith.addi %add3A_46, %add3A_81 : i32
          %dma_start3A_83 = arith.constant 0 : i32
          %dma_start3A_84 = tpu.memref_slice %arg5[%add3A_82, %dma_start3A_83] : memref<80x128xi32, #tpu.memory_space<vmem>> -> memref<1x128xi32, #tpu.memory_space<vmem>>
          %dma_start3A_85 = tpu.memref_squeeze %dma_start3A_84 : memref<1x128xi32, #tpu.memory_space<vmem>> -> memref<128xi32, #tpu.memory_space<vmem>>
          %dma_start3A_86 = arith.constant 0 : i32
          %dma_start3A_87 = arith.constant 0 : i32
          %dma_start3A_88 = tpu.memref_slice %arg2[%dma_start3A_86, %dma_start3A_87] : memref<20000x128xf32, #tpu.memory_space<hbm>> -> memref<20000x128xf32, #tpu.memory_space<hbm>>
          tpu.enqueue_indirect_dma source(%dma_start3A_88 : memref<20000x128xf32, #tpu.memory_space<hbm>>) target(%arg9 : memref<128x128xf32, #tpu.memory_space<vmem>>) offsets(%dma_start3A_85 : memref<128xi32, #tpu.memory_space<vmem>>) semaphore(%arg14 : memref<!tpu.dma_semaphore, #tpu.memory_space<semaphore_mem>>)
          %dma_start3A_89 = arith.constant 0 : i32
          %dma_start3A_90 = tpu.memref_slice %arg6[%add3A_82, %dma_start3A_89] : memref<80x128xi32, #tpu.memory_space<vmem>> -> memref<1x128xi32, #tpu.memory_space<vmem>>
          %dma_start3A_91 = tpu.memref_squeeze %dma_start3A_90 : memref<1x128xi32, #tpu.memory_space<vmem>> -> memref<128xi32, #tpu.memory_space<vmem>>
          %dma_start3A_92 = arith.constant 0 : i32
          %dma_start3A_93 = arith.constant 0 : i32
          %dma_start3A_94 = tpu.memref_slice %arg2[%dma_start3A_92, %dma_start3A_93] : memref<20000x128xf32, #tpu.memory_space<hbm>> -> memref<20000x128xf32, #tpu.memory_space<hbm>>
          tpu.enqueue_indirect_dma source(%dma_start3A_94 : memref<20000x128xf32, #tpu.memory_space<hbm>>) target(%arg10 : memref<128x128xf32, #tpu.memory_space<vmem>>) offsets(%dma_start3A_91 : memref<128xi32, #tpu.memory_space<vmem>>) semaphore(%arg14 : memref<!tpu.dma_semaphore, #tpu.memory_space<semaphore_mem>>)
        } else {
        }
        %mul3A_70 = arith.constant 2 : i32
        %mul3A_71 = arith.muli %arg0, %mul3A_70 : i32
        %mul3A_72 = arith.constant 163840 : i32
        %mul3A_73 = arith.muli %mul3A_71, %mul3A_72 : i32
        %add3A_74 = arith.addi %multiple_of3A, %add3A_46 : i32
        %mul3A_75 = arith.constant 128 : i32
        %mul3A_76 = arith.muli %add3A_74, %mul3A_75 : i32
        %add3A_77 = arith.addi %mul3A_73, %mul3A_76 : i32
        %multiple_of3A_78 = tpu.assume_multiple %add3A_77, 8 : i32
        "tpu.region"() ({
          %run_scoped3A_81 = tpu.sem_alloc : memref<!tpu.dma_semaphore, #tpu.memory_space<semaphore_mem>>
          %dma_start3A_82 = arith.constant 0 : i32
          %dma_start3A_83 = tpu.memref_slice %arg4[%multiple_of3A_78, %dma_start3A_82] : memref<655360x128xf32, #tpu.memory_space<hbm>> -> memref<128x128xf32, #tpu.memory_space<hbm>>
          %dma_start3A_84 = arith.constant 0 : i32
          %dma_start3A_85 = tpu.memref_slice %arg4[%multiple_of3A_78, %dma_start3A_84] : memref<655360x128xf32, #tpu.memory_space<hbm>> -> memref<128x128xf32, #tpu.memory_space<hbm>>
          tpu.enqueue_dma source(%arg11 : memref<128x128xf32, #tpu.memory_space<vmem>>) target(%dma_start3A_85 : memref<128x128xf32, #tpu.memory_space<hbm>>) target_semaphore(%run_scoped3A_81 : memref<!tpu.dma_semaphore, #tpu.memory_space<semaphore_mem>>)
          %dma_wait3A_86 = arith.constant 0 : i32
          %dma_wait3A_87 = tpu.memref_slice %arg4[%multiple_of3A_78, %dma_wait3A_86] : memref<655360x128xf32, #tpu.memory_space<hbm>> -> memref<128x128xf32, #tpu.memory_space<hbm>>
          %dma_wait3A_88 = arith.constant 0 : i32
          %dma_wait3A_89 = tpu.memref_slice %arg4[%multiple_of3A_78, %dma_wait3A_88] : memref<655360x128xf32, #tpu.memory_space<hbm>> -> memref<128x128xf32, #tpu.memory_space<hbm>>
          tpu.wait_dma2 semaphore(%run_scoped3A_81 : memref<!tpu.dma_semaphore, #tpu.memory_space<semaphore_mem>>) src(%arg11 : memref<128x128xf32, #tpu.memory_space<vmem>>) dst(%dma_wait3A_89 : memref<128x128xf32, #tpu.memory_space<hbm>>)
          tpu.yield
        }) : () -> ()
        %add3A_79 = arith.constant 163840 : i32
        %add3A_80 = arith.addi %add3A_79, %multiple_of3A_78 : i32
        "tpu.region"() ({
          %run_scoped3A_81 = tpu.sem_alloc : memref<!tpu.dma_semaphore, #tpu.memory_space<semaphore_mem>>
          %dma_start3A_82 = arith.constant 0 : i32
          %dma_start3A_83 = tpu.memref_slice %arg4[%add3A_80, %dma_start3A_82] : memref<655360x128xf32, #tpu.memory_space<hbm>> -> memref<128x128xf32, #tpu.memory_space<hbm>>
          %dma_start3A_84 = arith.constant 0 : i32
          %dma_start3A_85 = tpu.memref_slice %arg4[%add3A_80, %dma_start3A_84] : memref<655360x128xf32, #tpu.memory_space<hbm>> -> memref<128x128xf32, #tpu.memory_space<hbm>>
          tpu.enqueue_dma source(%arg12 : memref<128x128xf32, #tpu.memory_space<vmem>>) target(%dma_start3A_85 : memref<128x128xf32, #tpu.memory_space<hbm>>) target_semaphore(%run_scoped3A_81 : memref<!tpu.dma_semaphore, #tpu.memory_space<semaphore_mem>>)
          %dma_wait3A_86 = arith.constant 0 : i32
          %dma_wait3A_87 = tpu.memref_slice %arg4[%add3A_80, %dma_wait3A_86] : memref<655360x128xf32, #tpu.memory_space<hbm>> -> memref<128x128xf32, #tpu.memory_space<hbm>>
          %dma_wait3A_88 = arith.constant 0 : i32
          %dma_wait3A_89 = tpu.memref_slice %arg4[%add3A_80, %dma_wait3A_88] : memref<655360x128xf32, #tpu.memory_space<hbm>> -> memref<128x128xf32, #tpu.memory_space<hbm>>
          tpu.wait_dma2 semaphore(%run_scoped3A_81 : memref<!tpu.dma_semaphore, #tpu.memory_space<semaphore_mem>>) src(%arg12 : memref<128x128xf32, #tpu.memory_space<vmem>>) dst(%dma_wait3A_89 : memref<128x128xf32, #tpu.memory_space<hbm>>)
          tpu.yield
        }) : () -> ()
      } else {
      }
    }
    %scan3A_33 = arith.constant 27 : i32
    return
  }
}

#map = affine_map<(d0, d1) -> (0, 0, 0, 0)>
#map1 = affine_map<(d0, d1) -> (0, 0)>
#map2 = affine_map<(d0, d1) -> (0, 0, 0)>
module attributes {stable_mosaic.version = 14 : i64} {
  func.func @_sc_scatter(%arg0: i32, %arg1: i32, %arg2: memref<2x2x163840x64xf32, #tpu.memory_space<hbm>>, %arg3: memref<1280x128xi32, #tpu.memory_space<hbm>>, %arg4: memref<1280x128xi32, #tpu.memory_space<hbm>>, %arg5: memref<10000x64xf32, #tpu.memory_space<hbm>>, %arg6: memref<2x10000x64xf32, #tpu.memory_space<hbm>>, %arg7: memref<10016x64xf32, #tpu.memory_space<vmem_shared>>, %arg8: memref<80x128xi32, #tpu.memory_space<vmem>>, %arg9: memref<80x128xi32, #tpu.memory_space<vmem>>, %arg10: memref<128x64xf32, #tpu.memory_space<vmem>>, %arg11: memref<128x64xf32, #tpu.memory_space<vmem>>, %arg12: memref<!tpu.dma_semaphore, #tpu.memory_space<semaphore_mem>>, %arg13: memref<!tpu.dma_semaphore, #tpu.memory_space<semaphore_mem>>) attributes {dimension_semantics = [#tpu.dimension_semantics<core_parallel>, #tpu.dimension_semantics<subcore_parallel>], iteration_bounds = array<i64: 2, 16>, scalar_prefetch = 0 : i64, scratch_operands = 7 : i64, tpu.core_type = #tpu.core_type<sc_vector_subcore>, window_params = [{transform_indices = #map}, {transform_indices = #map1}, {transform_indices = #map1}, {transform_indices = #map1}, {transform_indices = #map2}]} {
    %mul3A = arith.constant 624 : i32
    %mul3A_0 = arith.muli %arg1, %mul3A : i32
    %multiple_of3A = tpu.assume_multiple %mul3A_0, 8 : i32
    "tpu.region"() ({
      %run_scoped3A = tpu.sem_alloc : memref<!tpu.dma_semaphore, #tpu.memory_space<semaphore_mem>>
      %dma_start3A_45 = arith.constant 0 : i32
      %dma_start3A_46 = tpu.memref_slice %arg7[%multiple_of3A, %dma_start3A_45] : memref<10016x64xf32, #tpu.memory_space<vmem_shared>> -> memref<624x64xf32, #tpu.memory_space<vmem_shared>>
      %dma_start3A_47 = arith.constant 0 : i32
      %dma_start3A_48 = tpu.memref_slice %arg5[%multiple_of3A, %dma_start3A_47] : memref<10000x64xf32, #tpu.memory_space<hbm>> -> memref<624x64xf32, #tpu.memory_space<hbm>>
      tpu.enqueue_dma source(%dma_start3A_48 : memref<624x64xf32, #tpu.memory_space<hbm>>) target(%dma_start3A_46 : memref<624x64xf32, #tpu.memory_space<vmem_shared>>) target_semaphore(%run_scoped3A : memref<!tpu.dma_semaphore, #tpu.memory_space<semaphore_mem>>)
      %dma_wait3A = arith.constant 0 : i32
      %dma_wait3A_49 = tpu.memref_slice %arg7[%multiple_of3A, %dma_wait3A] : memref<10016x64xf32, #tpu.memory_space<vmem_shared>> -> memref<624x64xf32, #tpu.memory_space<vmem_shared>>
      %dma_wait3A_50 = arith.constant 0 : i32
      %dma_wait3A_51 = tpu.memref_slice %arg5[%multiple_of3A, %dma_wait3A_50] : memref<10000x64xf32, #tpu.memory_space<hbm>> -> memref<624x64xf32, #tpu.memory_space<hbm>>
      tpu.wait_dma2 semaphore(%run_scoped3A : memref<!tpu.dma_semaphore, #tpu.memory_space<semaphore_mem>>) src(%dma_wait3A_51 : memref<624x64xf32, #tpu.memory_space<hbm>>) dst(%dma_wait3A_49 : memref<624x64xf32, #tpu.memory_space<vmem_shared>>)
      tpu.yield
    }) : () -> ()
    %eq3A = arith.constant 15 : i32
    %eq3A_1 = arith.cmpi eq, %arg1, %eq3A : i32
    %convert_element_type3A = arith.extui %eq3A_1 : i1 to i32
    %cond3A = arith.constant 0 : i32
    %cond3A_2 = arith.cmpi ne, %convert_element_type3A, %cond3A : i32
    scf.if %cond3A_2 {
      %multiple_of3A_45 = arith.constant 9984 : i32
      %multiple_of3A_46 = tpu.assume_multiple %multiple_of3A_45, 8 : i32
      "tpu.region"() ({
        %run_scoped3A = tpu.sem_alloc : memref<!tpu.dma_semaphore, #tpu.memory_space<semaphore_mem>>
        %dma_start3A_47 = arith.constant 0 : i32
        %dma_start3A_48 = tpu.memref_slice %arg7[%multiple_of3A_46, %dma_start3A_47] : memref<10016x64xf32, #tpu.memory_space<vmem_shared>> -> memref<16x64xf32, #tpu.memory_space<vmem_shared>>
        %dma_start3A_49 = arith.constant 0 : i32
        %dma_start3A_50 = tpu.memref_slice %arg5[%multiple_of3A_46, %dma_start3A_49] : memref<10000x64xf32, #tpu.memory_space<hbm>> -> memref<16x64xf32, #tpu.memory_space<hbm>>
        tpu.enqueue_dma source(%dma_start3A_50 : memref<16x64xf32, #tpu.memory_space<hbm>>) target(%dma_start3A_48 : memref<16x64xf32, #tpu.memory_space<vmem_shared>>) target_semaphore(%run_scoped3A : memref<!tpu.dma_semaphore, #tpu.memory_space<semaphore_mem>>)
        %dma_wait3A = arith.constant 0 : i32
        %dma_wait3A_51 = tpu.memref_slice %arg7[%multiple_of3A_46, %dma_wait3A] : memref<10016x64xf32, #tpu.memory_space<vmem_shared>> -> memref<16x64xf32, #tpu.memory_space<vmem_shared>>
        %dma_wait3A_52 = arith.constant 0 : i32
        %dma_wait3A_53 = tpu.memref_slice %arg5[%multiple_of3A_46, %dma_wait3A_52] : memref<10000x64xf32, #tpu.memory_space<hbm>> -> memref<16x64xf32, #tpu.memory_space<hbm>>
        tpu.wait_dma2 semaphore(%run_scoped3A : memref<!tpu.dma_semaphore, #tpu.memory_space<semaphore_mem>>) src(%dma_wait3A_53 : memref<16x64xf32, #tpu.memory_space<hbm>>) dst(%dma_wait3A_51 : memref<16x64xf32, #tpu.memory_space<vmem_shared>>)
        tpu.yield
      }) : () -> ()
    } else {
    }
    %mul3A_3 = arith.constant 80 : i32
    %mul3A_4 = arith.muli %arg1, %mul3A_3 : i32
    %multiple_of3A_5 = tpu.assume_multiple %mul3A_4, 8 : i32
    "tpu.region"() ({
      %run_scoped3A = tpu.sem_alloc : memref<!tpu.dma_semaphore, #tpu.memory_space<semaphore_mem>>
      %dma_start3A_45 = arith.constant 0 : i32
      %dma_start3A_46 = tpu.memref_slice %arg3[%multiple_of3A_5, %dma_start3A_45] : memref<1280x128xi32, #tpu.memory_space<hbm>> -> memref<80x128xi32, #tpu.memory_space<hbm>>
      %dma_start3A_47 = arith.constant 0 : i32
      %dma_start3A_48 = tpu.memref_slice %arg3[%multiple_of3A_5, %dma_start3A_47] : memref<1280x128xi32, #tpu.memory_space<hbm>> -> memref<80x128xi32, #tpu.memory_space<hbm>>
      tpu.enqueue_dma source(%dma_start3A_48 : memref<80x128xi32, #tpu.memory_space<hbm>>) target(%arg8 : memref<80x128xi32, #tpu.memory_space<vmem>>) target_semaphore(%run_scoped3A : memref<!tpu.dma_semaphore, #tpu.memory_space<semaphore_mem>>)
      %dma_wait3A = arith.constant 0 : i32
      %dma_wait3A_49 = tpu.memref_slice %arg3[%multiple_of3A_5, %dma_wait3A] : memref<1280x128xi32, #tpu.memory_space<hbm>> -> memref<80x128xi32, #tpu.memory_space<hbm>>
      %dma_wait3A_50 = arith.constant 0 : i32
      %dma_wait3A_51 = tpu.memref_slice %arg3[%multiple_of3A_5, %dma_wait3A_50] : memref<1280x128xi32, #tpu.memory_space<hbm>> -> memref<80x128xi32, #tpu.memory_space<hbm>>
      tpu.wait_dma2 semaphore(%run_scoped3A : memref<!tpu.dma_semaphore, #tpu.memory_space<semaphore_mem>>) src(%dma_wait3A_51 : memref<80x128xi32, #tpu.memory_space<hbm>>) dst(%arg8 : memref<80x128xi32, #tpu.memory_space<vmem>>)
      tpu.yield
    }) : () -> ()
    "tpu.region"() ({
      %run_scoped3A = tpu.sem_alloc : memref<!tpu.dma_semaphore, #tpu.memory_space<semaphore_mem>>
      %dma_start3A_45 = arith.constant 0 : i32
      %dma_start3A_46 = tpu.memref_slice %arg4[%multiple_of3A_5, %dma_start3A_45] : memref<1280x128xi32, #tpu.memory_space<hbm>> -> memref<80x128xi32, #tpu.memory_space<hbm>>
      %dma_start3A_47 = arith.constant 0 : i32
      %dma_start3A_48 = tpu.memref_slice %arg4[%multiple_of3A_5, %dma_start3A_47] : memref<1280x128xi32, #tpu.memory_space<hbm>> -> memref<80x128xi32, #tpu.memory_space<hbm>>
      tpu.enqueue_dma source(%dma_start3A_48 : memref<80x128xi32, #tpu.memory_space<hbm>>) target(%arg9 : memref<80x128xi32, #tpu.memory_space<vmem>>) target_semaphore(%run_scoped3A : memref<!tpu.dma_semaphore, #tpu.memory_space<semaphore_mem>>)
      %dma_wait3A = arith.constant 0 : i32
      %dma_wait3A_49 = tpu.memref_slice %arg4[%multiple_of3A_5, %dma_wait3A] : memref<1280x128xi32, #tpu.memory_space<hbm>> -> memref<80x128xi32, #tpu.memory_space<hbm>>
      %dma_wait3A_50 = arith.constant 0 : i32
      %dma_wait3A_51 = tpu.memref_slice %arg4[%multiple_of3A_5, %dma_wait3A_50] : memref<1280x128xi32, #tpu.memory_space<hbm>> -> memref<80x128xi32, #tpu.memory_space<hbm>>
      tpu.wait_dma2 semaphore(%run_scoped3A : memref<!tpu.dma_semaphore, #tpu.memory_space<semaphore_mem>>) src(%dma_wait3A_51 : memref<80x128xi32, #tpu.memory_space<hbm>>) dst(%arg9 : memref<80x128xi32, #tpu.memory_space<vmem>>)
      tpu.yield
    }) : () -> ()
    %barrier3A = arith.constant 0 : index
    tpu.barrier barrier_id(%barrier3A)
    %add3A = arith.constant 0 : i32
    %add3A_6 = arith.addi %multiple_of3A_5, %add3A : i32
    %mul3A_7 = arith.constant 128 : i32
    %mul3A_8 = arith.muli %add3A_6, %mul3A_7 : i32
    %multiple_of3A_9 = tpu.assume_multiple %mul3A_8, 8 : i32
    %dma_start3A = arith.constant 0 : i32
    %dma_start3A_10 = arith.constant 0 : i32
    %dma_start3A_11 = tpu.memref_slice %arg2[%arg0, %dma_start3A, %multiple_of3A_9, %dma_start3A_10] : memref<2x2x163840x64xf32, #tpu.memory_space<hbm>> -> memref<1x1x128x64xf32, #tpu.memory_space<hbm>>
    %dma_start3A_12 = tpu.memref_squeeze %dma_start3A_11 : memref<1x1x128x64xf32, #tpu.memory_space<hbm>> -> memref<128x64xf32, #tpu.memory_space<hbm>>
    %dma_start3A_13 = arith.constant 0 : i32
    %dma_start3A_14 = tpu.memref_slice %arg2[%arg0, %dma_start3A, %multiple_of3A_9, %dma_start3A_13] : memref<2x2x163840x64xf32, #tpu.memory_space<hbm>> -> memref<1x1x128x64xf32, #tpu.memory_space<hbm>>
    %dma_start3A_15 = tpu.memref_squeeze %dma_start3A_14 : memref<1x1x128x64xf32, #tpu.memory_space<hbm>> -> memref<128x64xf32, #tpu.memory_space<hbm>>
    tpu.enqueue_dma source(%dma_start3A_15 : memref<128x64xf32, #tpu.memory_space<hbm>>) target(%arg10 : memref<128x64xf32, #tpu.memory_space<vmem>>) target_semaphore(%arg12 : memref<!tpu.dma_semaphore, #tpu.memory_space<semaphore_mem>>)
    %scan3A = arith.constant 0 : i32
    %scan3A_16 = arith.constant 0 : i32
    %scan3A_17 = arith.constant 40 : i32
    %scan3A_18 = arith.addi %scan3A_16, %scan3A_17 : i32
    %scan3A_19 = arith.constant 1 : i32
    scf.for %scan3A_45 = %scan3A_16 to %scan3A_18 step %scan3A_19  : i32 {
      %mul3A_46 = arith.constant 2 : i32
      %mul3A_47 = arith.muli %mul3A_46, %scan3A_45 : i32
      %add3A_48 = arith.constant 1 : i32
      %add3A_49 = arith.addi %mul3A_47, %add3A_48 : i32
      %add3A_50 = arith.addi %multiple_of3A_5, %add3A_49 : i32
      %mul3A_51 = arith.constant 128 : i32
      %mul3A_52 = arith.muli %add3A_50, %mul3A_51 : i32
      %multiple_of3A_53 = tpu.assume_multiple %mul3A_52, 8 : i32
      %dma_start3A_54 = arith.constant 0 : i32
      %dma_start3A_55 = arith.constant 0 : i32
      %dma_start3A_56 = tpu.memref_slice %arg2[%arg0, %dma_start3A_54, %multiple_of3A_53, %dma_start3A_55] : memref<2x2x163840x64xf32, #tpu.memory_space<hbm>> -> memref<1x1x128x64xf32, #tpu.memory_space<hbm>>
      %dma_start3A_57 = tpu.memref_squeeze %dma_start3A_56 : memref<1x1x128x64xf32, #tpu.memory_space<hbm>> -> memref<128x64xf32, #tpu.memory_space<hbm>>
      %dma_start3A_58 = arith.constant 0 : i32
      %dma_start3A_59 = tpu.memref_slice %arg2[%arg0, %dma_start3A_54, %multiple_of3A_53, %dma_start3A_58] : memref<2x2x163840x64xf32, #tpu.memory_space<hbm>> -> memref<1x1x128x64xf32, #tpu.memory_space<hbm>>
      %dma_start3A_60 = tpu.memref_squeeze %dma_start3A_59 : memref<1x1x128x64xf32, #tpu.memory_space<hbm>> -> memref<128x64xf32, #tpu.memory_space<hbm>>
      tpu.enqueue_dma source(%dma_start3A_60 : memref<128x64xf32, #tpu.memory_space<hbm>>) target(%arg11 : memref<128x64xf32, #tpu.memory_space<vmem>>) target_semaphore(%arg13 : memref<!tpu.dma_semaphore, #tpu.memory_space<semaphore_mem>>)
      %add3A_61 = arith.addi %multiple_of3A_5, %mul3A_47 : i32
      %mul3A_62 = arith.constant 128 : i32
      %mul3A_63 = arith.muli %add3A_61, %mul3A_62 : i32
      %multiple_of3A_64 = tpu.assume_multiple %mul3A_63, 8 : i32
      %dma_wait3A = arith.constant 0 : i32
      %dma_wait3A_65 = arith.constant 0 : i32
      %dma_wait3A_66 = tpu.memref_slice %arg2[%arg0, %dma_wait3A, %multiple_of3A_64, %dma_wait3A_65] : memref<2x2x163840x64xf32, #tpu.memory_space<hbm>> -> memref<1x1x128x64xf32, #tpu.memory_space<hbm>>
      %dma_wait3A_67 = tpu.memref_squeeze %dma_wait3A_66 : memref<1x1x128x64xf32, #tpu.memory_space<hbm>> -> memref<128x64xf32, #tpu.memory_space<hbm>>
      %dma_wait3A_68 = arith.constant 0 : i32
      %dma_wait3A_69 = tpu.memref_slice %arg2[%arg0, %dma_wait3A, %multiple_of3A_64, %dma_wait3A_68] : memref<2x2x163840x64xf32, #tpu.memory_space<hbm>> -> memref<1x1x128x64xf32, #tpu.memory_space<hbm>>
      %dma_wait3A_70 = tpu.memref_squeeze %dma_wait3A_69 : memref<1x1x128x64xf32, #tpu.memory_space<hbm>> -> memref<128x64xf32, #tpu.memory_space<hbm>>
      tpu.wait_dma2 semaphore(%arg12 : memref<!tpu.dma_semaphore, #tpu.memory_space<semaphore_mem>>) src(%dma_wait3A_70 : memref<128x64xf32, #tpu.memory_space<hbm>>) dst(%arg10 : memref<128x64xf32, #tpu.memory_space<vmem>>)
      "tpu.region"() ({
        %run_scoped3A = tpu.sem_alloc : memref<!tpu.dma_semaphore, #tpu.memory_space<semaphore_mem>>
        %dma_start3A_88 = arith.constant 0 : i32
        %dma_start3A_89 = tpu.memref_slice %arg8[%mul3A_47, %dma_start3A_88] : memref<80x128xi32, #tpu.memory_space<vmem>> -> memref<1x128xi32, #tpu.memory_space<vmem>>
        %dma_start3A_90 = tpu.memref_squeeze %dma_start3A_89 : memref<1x128xi32, #tpu.memory_space<vmem>> -> memref<128xi32, #tpu.memory_space<vmem>>
        %dma_start3A_91 = arith.constant 0 : i32
        %dma_start3A_92 = arith.constant 0 : i32
        %dma_start3A_93 = tpu.memref_slice %arg7[%dma_start3A_91, %dma_start3A_92] : memref<10016x64xf32, #tpu.memory_space<vmem_shared>> -> memref<10016x64xf32, #tpu.memory_space<vmem_shared>>
        tpu.enqueue_indirect_dma source(%arg10 : memref<128x64xf32, #tpu.memory_space<vmem>>) target(%dma_start3A_93 : memref<10016x64xf32, #tpu.memory_space<vmem_shared>>) offsets(%dma_start3A_90 : memref<128xi32, #tpu.memory_space<vmem>>) semaphore(%run_scoped3A : memref<!tpu.dma_semaphore, #tpu.memory_space<semaphore_mem>>) {add = true}
        %dma_wait3A_94 = arith.constant 0 : i32
        %dma_wait3A_95 = tpu.memref_slice %arg8[%mul3A_47, %dma_wait3A_94] : memref<80x128xi32, #tpu.memory_space<vmem>> -> memref<1x128xi32, #tpu.memory_space<vmem>>
        %dma_wait3A_96 = tpu.memref_squeeze %dma_wait3A_95 : memref<1x128xi32, #tpu.memory_space<vmem>> -> memref<128xi32, #tpu.memory_space<vmem>>
        %dma_wait3A_97 = arith.constant 0 : i32
        %dma_wait3A_98 = arith.constant 0 : i32
        %dma_wait3A_99 = tpu.memref_slice %arg7[%dma_wait3A_97, %dma_wait3A_98] : memref<10016x64xf32, #tpu.memory_space<vmem_shared>> -> memref<10016x64xf32, #tpu.memory_space<vmem_shared>>
        tpu.wait_indirect_dma semaphore(%run_scoped3A : memref<!tpu.dma_semaphore, #tpu.memory_space<semaphore_mem>>) src(%arg10 : memref<128x64xf32, #tpu.memory_space<vmem>>) dst(%dma_wait3A_99 : memref<10016x64xf32, #tpu.memory_space<vmem_shared>>)
        tpu.yield
      }) : () -> ()
      %add3A_71 = arith.constant 1 : i32
      %add3A_72 = arith.addi %add3A_49, %add3A_71 : i32
      %lt3A = arith.constant 80 : i32
      %lt3A_73 = arith.cmpi slt, %add3A_72, %lt3A : i32
      %convert_element_type3A_74 = arith.extui %lt3A_73 : i1 to i32
      %cond3A_75 = arith.constant 0 : i32
      %cond3A_76 = arith.cmpi ne, %convert_element_type3A_74, %cond3A_75 : i32
      scf.if %cond3A_76 {
        %add3A_88 = arith.constant 1 : i32
        %add3A_89 = arith.addi %add3A_49, %add3A_88 : i32
        %add3A_90 = arith.addi %multiple_of3A_5, %add3A_89 : i32
        %mul3A_91 = arith.constant 128 : i32
        %mul3A_92 = arith.muli %add3A_90, %mul3A_91 : i32
        %multiple_of3A_93 = tpu.assume_multiple %mul3A_92, 8 : i32
        %dma_start3A_94 = arith.constant 0 : i32
        %dma_start3A_95 = arith.constant 0 : i32
        %dma_start3A_96 = tpu.memref_slice %arg2[%arg0, %dma_start3A_94, %multiple_of3A_93, %dma_start3A_95] : memref<2x2x163840x64xf32, #tpu.memory_space<hbm>> -> memref<1x1x128x64xf32, #tpu.memory_space<hbm>>
        %dma_start3A_97 = tpu.memref_squeeze %dma_start3A_96 : memref<1x1x128x64xf32, #tpu.memory_space<hbm>> -> memref<128x64xf32, #tpu.memory_space<hbm>>
        %dma_start3A_98 = arith.constant 0 : i32
        %dma_start3A_99 = tpu.memref_slice %arg2[%arg0, %dma_start3A_94, %multiple_of3A_93, %dma_start3A_98] : memref<2x2x163840x64xf32, #tpu.memory_space<hbm>> -> memref<1x1x128x64xf32, #tpu.memory_space<hbm>>
        %dma_start3A_100 = tpu.memref_squeeze %dma_start3A_99 : memref<1x1x128x64xf32, #tpu.memory_space<hbm>> -> memref<128x64xf32, #tpu.memory_space<hbm>>
        tpu.enqueue_dma source(%dma_start3A_100 : memref<128x64xf32, #tpu.memory_space<hbm>>) target(%arg10 : memref<128x64xf32, #tpu.memory_space<vmem>>) target_semaphore(%arg12 : memref<!tpu.dma_semaphore, #tpu.memory_space<semaphore_mem>>)
      } else {
      }
      %add3A_77 = arith.addi %multiple_of3A_5, %add3A_49 : i32
      %mul3A_78 = arith.constant 128 : i32
      %mul3A_79 = arith.muli %add3A_77, %mul3A_78 : i32
      %multiple_of3A_80 = tpu.assume_multiple %mul3A_79, 8 : i32
      %dma_wait3A_81 = arith.constant 0 : i32
      %dma_wait3A_82 = arith.constant 0 : i32
      %dma_wait3A_83 = tpu.memref_slice %arg2[%arg0, %dma_wait3A_81, %multiple_of3A_80, %dma_wait3A_82] : memref<2x2x163840x64xf32, #tpu.memory_space<hbm>> -> memref<1x1x128x64xf32, #tpu.memory_space<hbm>>
      %dma_wait3A_84 = tpu.memref_squeeze %dma_wait3A_83 : memref<1x1x128x64xf32, #tpu.memory_space<hbm>> -> memref<128x64xf32, #tpu.memory_space<hbm>>
      %dma_wait3A_85 = arith.constant 0 : i32
      %dma_wait3A_86 = tpu.memref_slice %arg2[%arg0, %dma_wait3A_81, %multiple_of3A_80, %dma_wait3A_85] : memref<2x2x163840x64xf32, #tpu.memory_space<hbm>> -> memref<1x1x128x64xf32, #tpu.memory_space<hbm>>
      %dma_wait3A_87 = tpu.memref_squeeze %dma_wait3A_86 : memref<1x1x128x64xf32, #tpu.memory_space<hbm>> -> memref<128x64xf32, #tpu.memory_space<hbm>>
      tpu.wait_dma2 semaphore(%arg13 : memref<!tpu.dma_semaphore, #tpu.memory_space<semaphore_mem>>) src(%dma_wait3A_87 : memref<128x64xf32, #tpu.memory_space<hbm>>) dst(%arg11 : memref<128x64xf32, #tpu.memory_space<vmem>>)
      "tpu.region"() ({
        %run_scoped3A = tpu.sem_alloc : memref<!tpu.dma_semaphore, #tpu.memory_space<semaphore_mem>>
        %dma_start3A_88 = arith.constant 0 : i32
        %dma_start3A_89 = tpu.memref_slice %arg8[%add3A_49, %dma_start3A_88] : memref<80x128xi32, #tpu.memory_space<vmem>> -> memref<1x128xi32, #tpu.memory_space<vmem>>
        %dma_start3A_90 = tpu.memref_squeeze %dma_start3A_89 : memref<1x128xi32, #tpu.memory_space<vmem>> -> memref<128xi32, #tpu.memory_space<vmem>>
        %dma_start3A_91 = arith.constant 0 : i32
        %dma_start3A_92 = arith.constant 0 : i32
        %dma_start3A_93 = tpu.memref_slice %arg7[%dma_start3A_91, %dma_start3A_92] : memref<10016x64xf32, #tpu.memory_space<vmem_shared>> -> memref<10016x64xf32, #tpu.memory_space<vmem_shared>>
        tpu.enqueue_indirect_dma source(%arg11 : memref<128x64xf32, #tpu.memory_space<vmem>>) target(%dma_start3A_93 : memref<10016x64xf32, #tpu.memory_space<vmem_shared>>) offsets(%dma_start3A_90 : memref<128xi32, #tpu.memory_space<vmem>>) semaphore(%run_scoped3A : memref<!tpu.dma_semaphore, #tpu.memory_space<semaphore_mem>>) {add = true}
        %dma_wait3A_94 = arith.constant 0 : i32
        %dma_wait3A_95 = tpu.memref_slice %arg8[%add3A_49, %dma_wait3A_94] : memref<80x128xi32, #tpu.memory_space<vmem>> -> memref<1x128xi32, #tpu.memory_space<vmem>>
        %dma_wait3A_96 = tpu.memref_squeeze %dma_wait3A_95 : memref<1x128xi32, #tpu.memory_space<vmem>> -> memref<128xi32, #tpu.memory_space<vmem>>
        %dma_wait3A_97 = arith.constant 0 : i32
        %dma_wait3A_98 = arith.constant 0 : i32
        %dma_wait3A_99 = tpu.memref_slice %arg7[%dma_wait3A_97, %dma_wait3A_98] : memref<10016x64xf32, #tpu.memory_space<vmem_shared>> -> memref<10016x64xf32, #tpu.memory_space<vmem_shared>>
        tpu.wait_indirect_dma semaphore(%run_scoped3A : memref<!tpu.dma_semaphore, #tpu.memory_space<semaphore_mem>>) src(%arg11 : memref<128x64xf32, #tpu.memory_space<vmem>>) dst(%dma_wait3A_99 : memref<10016x64xf32, #tpu.memory_space<vmem_shared>>)
        tpu.yield
      }) : () -> ()
    }
    %scan3A_20 = arith.constant 40 : i32
    %add3A_21 = arith.constant 0 : i32
    %add3A_22 = arith.addi %multiple_of3A_5, %add3A_21 : i32
    %mul3A_23 = arith.constant 128 : i32
    %mul3A_24 = arith.muli %add3A_22, %mul3A_23 : i32
    %multiple_of3A_25 = tpu.assume_multiple %mul3A_24, 8 : i32
    %dma_start3A_26 = arith.constant 1 : i32
    %dma_start3A_27 = arith.constant 0 : i32
    %dma_start3A_28 = tpu.memref_slice %arg2[%arg0, %dma_start3A_26, %multiple_of3A_25, %dma_start3A_27] : memref<2x2x163840x64xf32, #tpu.memory_space<hbm>> -> memref<1x1x128x64xf32, #tpu.memory_space<hbm>>
    %dma_start3A_29 = tpu.memref_squeeze %dma_start3A_28 : memref<1x1x128x64xf32, #tpu.memory_space<hbm>> -> memref<128x64xf32, #tpu.memory_space<hbm>>
    %dma_start3A_30 = arith.constant 0 : i32
    %dma_start3A_31 = tpu.memref_slice %arg2[%arg0, %dma_start3A_26, %multiple_of3A_25, %dma_start3A_30] : memref<2x2x163840x64xf32, #tpu.memory_space<hbm>> -> memref<1x1x128x64xf32, #tpu.memory_space<hbm>>
    %dma_start3A_32 = tpu.memref_squeeze %dma_start3A_31 : memref<1x1x128x64xf32, #tpu.memory_space<hbm>> -> memref<128x64xf32, #tpu.memory_space<hbm>>
    tpu.enqueue_dma source(%dma_start3A_32 : memref<128x64xf32, #tpu.memory_space<hbm>>) target(%arg10 : memref<128x64xf32, #tpu.memory_space<vmem>>) target_semaphore(%arg12 : memref<!tpu.dma_semaphore, #tpu.memory_space<semaphore_mem>>)
    %scan3A_33 = arith.constant 0 : i32
    %scan3A_34 = arith.constant 0 : i32
    %scan3A_35 = arith.constant 40 : i32
    %scan3A_36 = arith.addi %scan3A_34, %scan3A_35 : i32
    %scan3A_37 = arith.constant 1 : i32
    scf.for %scan3A_45 = %scan3A_34 to %scan3A_36 step %scan3A_37  : i32 {
      %mul3A_46 = arith.constant 2 : i32
      %mul3A_47 = arith.muli %mul3A_46, %scan3A_45 : i32
      %add3A_48 = arith.constant 1 : i32
      %add3A_49 = arith.addi %mul3A_47, %add3A_48 : i32
      %add3A_50 = arith.addi %multiple_of3A_5, %add3A_49 : i32
      %mul3A_51 = arith.constant 128 : i32
      %mul3A_52 = arith.muli %add3A_50, %mul3A_51 : i32
      %multiple_of3A_53 = tpu.assume_multiple %mul3A_52, 8 : i32
      %dma_start3A_54 = arith.constant 1 : i32
      %dma_start3A_55 = arith.constant 0 : i32
      %dma_start3A_56 = tpu.memref_slice %arg2[%arg0, %dma_start3A_54, %multiple_of3A_53, %dma_start3A_55] : memref<2x2x163840x64xf32, #tpu.memory_space<hbm>> -> memref<1x1x128x64xf32, #tpu.memory_space<hbm>>
      %dma_start3A_57 = tpu.memref_squeeze %dma_start3A_56 : memref<1x1x128x64xf32, #tpu.memory_space<hbm>> -> memref<128x64xf32, #tpu.memory_space<hbm>>
      %dma_start3A_58 = arith.constant 0 : i32
      %dma_start3A_59 = tpu.memref_slice %arg2[%arg0, %dma_start3A_54, %multiple_of3A_53, %dma_start3A_58] : memref<2x2x163840x64xf32, #tpu.memory_space<hbm>> -> memref<1x1x128x64xf32, #tpu.memory_space<hbm>>
      %dma_start3A_60 = tpu.memref_squeeze %dma_start3A_59 : memref<1x1x128x64xf32, #tpu.memory_space<hbm>> -> memref<128x64xf32, #tpu.memory_space<hbm>>
      tpu.enqueue_dma source(%dma_start3A_60 : memref<128x64xf32, #tpu.memory_space<hbm>>) target(%arg11 : memref<128x64xf32, #tpu.memory_space<vmem>>) target_semaphore(%arg13 : memref<!tpu.dma_semaphore, #tpu.memory_space<semaphore_mem>>)
      %add3A_61 = arith.addi %multiple_of3A_5, %mul3A_47 : i32
      %mul3A_62 = arith.constant 128 : i32
      %mul3A_63 = arith.muli %add3A_61, %mul3A_62 : i32
      %multiple_of3A_64 = tpu.assume_multiple %mul3A_63, 8 : i32
      %dma_wait3A = arith.constant 1 : i32
      %dma_wait3A_65 = arith.constant 0 : i32
      %dma_wait3A_66 = tpu.memref_slice %arg2[%arg0, %dma_wait3A, %multiple_of3A_64, %dma_wait3A_65] : memref<2x2x163840x64xf32, #tpu.memory_space<hbm>> -> memref<1x1x128x64xf32, #tpu.memory_space<hbm>>
      %dma_wait3A_67 = tpu.memref_squeeze %dma_wait3A_66 : memref<1x1x128x64xf32, #tpu.memory_space<hbm>> -> memref<128x64xf32, #tpu.memory_space<hbm>>
      %dma_wait3A_68 = arith.constant 0 : i32
      %dma_wait3A_69 = tpu.memref_slice %arg2[%arg0, %dma_wait3A, %multiple_of3A_64, %dma_wait3A_68] : memref<2x2x163840x64xf32, #tpu.memory_space<hbm>> -> memref<1x1x128x64xf32, #tpu.memory_space<hbm>>
      %dma_wait3A_70 = tpu.memref_squeeze %dma_wait3A_69 : memref<1x1x128x64xf32, #tpu.memory_space<hbm>> -> memref<128x64xf32, #tpu.memory_space<hbm>>
      tpu.wait_dma2 semaphore(%arg12 : memref<!tpu.dma_semaphore, #tpu.memory_space<semaphore_mem>>) src(%dma_wait3A_70 : memref<128x64xf32, #tpu.memory_space<hbm>>) dst(%arg10 : memref<128x64xf32, #tpu.memory_space<vmem>>)
      "tpu.region"() ({
        %run_scoped3A = tpu.sem_alloc : memref<!tpu.dma_semaphore, #tpu.memory_space<semaphore_mem>>
        %dma_start3A_88 = arith.constant 0 : i32
        %dma_start3A_89 = tpu.memref_slice %arg9[%mul3A_47, %dma_start3A_88] : memref<80x128xi32, #tpu.memory_space<vmem>> -> memref<1x128xi32, #tpu.memory_space<vmem>>
        %dma_start3A_90 = tpu.memref_squeeze %dma_start3A_89 : memref<1x128xi32, #tpu.memory_space<vmem>> -> memref<128xi32, #tpu.memory_space<vmem>>
        %dma_start3A_91 = arith.constant 0 : i32
        %dma_start3A_92 = arith.constant 0 : i32
        %dma_start3A_93 = tpu.memref_slice %arg7[%dma_start3A_91, %dma_start3A_92] : memref<10016x64xf32, #tpu.memory_space<vmem_shared>> -> memref<10016x64xf32, #tpu.memory_space<vmem_shared>>
        tpu.enqueue_indirect_dma source(%arg10 : memref<128x64xf32, #tpu.memory_space<vmem>>) target(%dma_start3A_93 : memref<10016x64xf32, #tpu.memory_space<vmem_shared>>) offsets(%dma_start3A_90 : memref<128xi32, #tpu.memory_space<vmem>>) semaphore(%run_scoped3A : memref<!tpu.dma_semaphore, #tpu.memory_space<semaphore_mem>>) {add = true}
        %dma_wait3A_94 = arith.constant 0 : i32
        %dma_wait3A_95 = tpu.memref_slice %arg9[%mul3A_47, %dma_wait3A_94] : memref<80x128xi32, #tpu.memory_space<vmem>> -> memref<1x128xi32, #tpu.memory_space<vmem>>
        %dma_wait3A_96 = tpu.memref_squeeze %dma_wait3A_95 : memref<1x128xi32, #tpu.memory_space<vmem>> -> memref<128xi32, #tpu.memory_space<vmem>>
        %dma_wait3A_97 = arith.constant 0 : i32
        %dma_wait3A_98 = arith.constant 0 : i32
        %dma_wait3A_99 = tpu.memref_slice %arg7[%dma_wait3A_97, %dma_wait3A_98] : memref<10016x64xf32, #tpu.memory_space<vmem_shared>> -> memref<10016x64xf32, #tpu.memory_space<vmem_shared>>
        tpu.wait_indirect_dma semaphore(%run_scoped3A : memref<!tpu.dma_semaphore, #tpu.memory_space<semaphore_mem>>) src(%arg10 : memref<128x64xf32, #tpu.memory_space<vmem>>) dst(%dma_wait3A_99 : memref<10016x64xf32, #tpu.memory_space<vmem_shared>>)
        tpu.yield
      }) : () -> ()
      %add3A_71 = arith.constant 1 : i32
      %add3A_72 = arith.addi %add3A_49, %add3A_71 : i32
      %lt3A = arith.constant 80 : i32
      %lt3A_73 = arith.cmpi slt, %add3A_72, %lt3A : i32
      %convert_element_type3A_74 = arith.extui %lt3A_73 : i1 to i32
      %cond3A_75 = arith.constant 0 : i32
      %cond3A_76 = arith.cmpi ne, %convert_element_type3A_74, %cond3A_75 : i32
      scf.if %cond3A_76 {
        %add3A_88 = arith.constant 1 : i32
        %add3A_89 = arith.addi %add3A_49, %add3A_88 : i32
        %add3A_90 = arith.addi %multiple_of3A_5, %add3A_89 : i32
        %mul3A_91 = arith.constant 128 : i32
        %mul3A_92 = arith.muli %add3A_90, %mul3A_91 : i32
        %multiple_of3A_93 = tpu.assume_multiple %mul3A_92, 8 : i32
        %dma_start3A_94 = arith.constant 1 : i32
        %dma_start3A_95 = arith.constant 0 : i32
        %dma_start3A_96 = tpu.memref_slice %arg2[%arg0, %dma_start3A_94, %multiple_of3A_93, %dma_start3A_95] : memref<2x2x163840x64xf32, #tpu.memory_space<hbm>> -> memref<1x1x128x64xf32, #tpu.memory_space<hbm>>
        %dma_start3A_97 = tpu.memref_squeeze %dma_start3A_96 : memref<1x1x128x64xf32, #tpu.memory_space<hbm>> -> memref<128x64xf32, #tpu.memory_space<hbm>>
        %dma_start3A_98 = arith.constant 0 : i32
        %dma_start3A_99 = tpu.memref_slice %arg2[%arg0, %dma_start3A_94, %multiple_of3A_93, %dma_start3A_98] : memref<2x2x163840x64xf32, #tpu.memory_space<hbm>> -> memref<1x1x128x64xf32, #tpu.memory_space<hbm>>
        %dma_start3A_100 = tpu.memref_squeeze %dma_start3A_99 : memref<1x1x128x64xf32, #tpu.memory_space<hbm>> -> memref<128x64xf32, #tpu.memory_space<hbm>>
        tpu.enqueue_dma source(%dma_start3A_100 : memref<128x64xf32, #tpu.memory_space<hbm>>) target(%arg10 : memref<128x64xf32, #tpu.memory_space<vmem>>) target_semaphore(%arg12 : memref<!tpu.dma_semaphore, #tpu.memory_space<semaphore_mem>>)
      } else {
      }
      %add3A_77 = arith.addi %multiple_of3A_5, %add3A_49 : i32
      %mul3A_78 = arith.constant 128 : i32
      %mul3A_79 = arith.muli %add3A_77, %mul3A_78 : i32
      %multiple_of3A_80 = tpu.assume_multiple %mul3A_79, 8 : i32
      %dma_wait3A_81 = arith.constant 1 : i32
      %dma_wait3A_82 = arith.constant 0 : i32
      %dma_wait3A_83 = tpu.memref_slice %arg2[%arg0, %dma_wait3A_81, %multiple_of3A_80, %dma_wait3A_82] : memref<2x2x163840x64xf32, #tpu.memory_space<hbm>> -> memref<1x1x128x64xf32, #tpu.memory_space<hbm>>
      %dma_wait3A_84 = tpu.memref_squeeze %dma_wait3A_83 : memref<1x1x128x64xf32, #tpu.memory_space<hbm>> -> memref<128x64xf32, #tpu.memory_space<hbm>>
      %dma_wait3A_85 = arith.constant 0 : i32
      %dma_wait3A_86 = tpu.memref_slice %arg2[%arg0, %dma_wait3A_81, %multiple_of3A_80, %dma_wait3A_85] : memref<2x2x163840x64xf32, #tpu.memory_space<hbm>> -> memref<1x1x128x64xf32, #tpu.memory_space<hbm>>
      %dma_wait3A_87 = tpu.memref_squeeze %dma_wait3A_86 : memref<1x1x128x64xf32, #tpu.memory_space<hbm>> -> memref<128x64xf32, #tpu.memory_space<hbm>>
      tpu.wait_dma2 semaphore(%arg13 : memref<!tpu.dma_semaphore, #tpu.memory_space<semaphore_mem>>) src(%dma_wait3A_87 : memref<128x64xf32, #tpu.memory_space<hbm>>) dst(%arg11 : memref<128x64xf32, #tpu.memory_space<vmem>>)
      "tpu.region"() ({
        %run_scoped3A = tpu.sem_alloc : memref<!tpu.dma_semaphore, #tpu.memory_space<semaphore_mem>>
        %dma_start3A_88 = arith.constant 0 : i32
        %dma_start3A_89 = tpu.memref_slice %arg9[%add3A_49, %dma_start3A_88] : memref<80x128xi32, #tpu.memory_space<vmem>> -> memref<1x128xi32, #tpu.memory_space<vmem>>
        %dma_start3A_90 = tpu.memref_squeeze %dma_start3A_89 : memref<1x128xi32, #tpu.memory_space<vmem>> -> memref<128xi32, #tpu.memory_space<vmem>>
        %dma_start3A_91 = arith.constant 0 : i32
        %dma_start3A_92 = arith.constant 0 : i32
        %dma_start3A_93 = tpu.memref_slice %arg7[%dma_start3A_91, %dma_start3A_92] : memref<10016x64xf32, #tpu.memory_space<vmem_shared>> -> memref<10016x64xf32, #tpu.memory_space<vmem_shared>>
        tpu.enqueue_indirect_dma source(%arg11 : memref<128x64xf32, #tpu.memory_space<vmem>>) target(%dma_start3A_93 : memref<10016x64xf32, #tpu.memory_space<vmem_shared>>) offsets(%dma_start3A_90 : memref<128xi32, #tpu.memory_space<vmem>>) semaphore(%run_scoped3A : memref<!tpu.dma_semaphore, #tpu.memory_space<semaphore_mem>>) {add = true}
        %dma_wait3A_94 = arith.constant 0 : i32
        %dma_wait3A_95 = tpu.memref_slice %arg9[%add3A_49, %dma_wait3A_94] : memref<80x128xi32, #tpu.memory_space<vmem>> -> memref<1x128xi32, #tpu.memory_space<vmem>>
        %dma_wait3A_96 = tpu.memref_squeeze %dma_wait3A_95 : memref<1x128xi32, #tpu.memory_space<vmem>> -> memref<128xi32, #tpu.memory_space<vmem>>
        %dma_wait3A_97 = arith.constant 0 : i32
        %dma_wait3A_98 = arith.constant 0 : i32
        %dma_wait3A_99 = tpu.memref_slice %arg7[%dma_wait3A_97, %dma_wait3A_98] : memref<10016x64xf32, #tpu.memory_space<vmem_shared>> -> memref<10016x64xf32, #tpu.memory_space<vmem_shared>>
        tpu.wait_indirect_dma semaphore(%run_scoped3A : memref<!tpu.dma_semaphore, #tpu.memory_space<semaphore_mem>>) src(%arg11 : memref<128x64xf32, #tpu.memory_space<vmem>>) dst(%dma_wait3A_99 : memref<10016x64xf32, #tpu.memory_space<vmem_shared>>)
        tpu.yield
      }) : () -> ()
    }
    %scan3A_38 = arith.constant 40 : i32
    %barrier3A_39 = arith.constant 0 : index
    tpu.barrier barrier_id(%barrier3A_39)
    "tpu.region"() ({
      %run_scoped3A = tpu.sem_alloc : memref<!tpu.dma_semaphore, #tpu.memory_space<semaphore_mem>>
      %dma_start3A_45 = arith.constant 0 : i32
      %dma_start3A_46 = tpu.memref_slice %arg6[%arg0, %multiple_of3A, %dma_start3A_45] : memref<2x10000x64xf32, #tpu.memory_space<hbm>> -> memref<1x624x64xf32, #tpu.memory_space<hbm>>
      %dma_start3A_47 = tpu.memref_squeeze %dma_start3A_46 : memref<1x624x64xf32, #tpu.memory_space<hbm>> -> memref<624x64xf32, #tpu.memory_space<hbm>>
      %dma_start3A_48 = arith.constant 0 : i32
      %dma_start3A_49 = tpu.memref_slice %arg7[%multiple_of3A, %dma_start3A_48] : memref<10016x64xf32, #tpu.memory_space<vmem_shared>> -> memref<624x64xf32, #tpu.memory_space<vmem_shared>>
      tpu.enqueue_dma source(%dma_start3A_49 : memref<624x64xf32, #tpu.memory_space<vmem_shared>>) target(%dma_start3A_47 : memref<624x64xf32, #tpu.memory_space<hbm>>) target_semaphore(%run_scoped3A : memref<!tpu.dma_semaphore, #tpu.memory_space<semaphore_mem>>)
      %dma_wait3A = arith.constant 0 : i32
      %dma_wait3A_50 = tpu.memref_slice %arg6[%arg0, %multiple_of3A, %dma_wait3A] : memref<2x10000x64xf32, #tpu.memory_space<hbm>> -> memref<1x624x64xf32, #tpu.memory_space<hbm>>
      %dma_wait3A_51 = tpu.memref_squeeze %dma_wait3A_50 : memref<1x624x64xf32, #tpu.memory_space<hbm>> -> memref<624x64xf32, #tpu.memory_space<hbm>>
      %dma_wait3A_52 = arith.constant 0 : i32
      %dma_wait3A_53 = tpu.memref_slice %arg7[%multiple_of3A, %dma_wait3A_52] : memref<10016x64xf32, #tpu.memory_space<vmem_shared>> -> memref<624x64xf32, #tpu.memory_space<vmem_shared>>
      tpu.wait_dma2 semaphore(%run_scoped3A : memref<!tpu.dma_semaphore, #tpu.memory_space<semaphore_mem>>) src(%dma_wait3A_53 : memref<624x64xf32, #tpu.memory_space<vmem_shared>>) dst(%dma_wait3A_51 : memref<624x64xf32, #tpu.memory_space<hbm>>)
      tpu.yield
    }) : () -> ()
    %eq3A_40 = arith.constant 15 : i32
    %eq3A_41 = arith.cmpi eq, %arg1, %eq3A_40 : i32
    %convert_element_type3A_42 = arith.extui %eq3A_41 : i1 to i32
    %cond3A_43 = arith.constant 0 : i32
    %cond3A_44 = arith.cmpi ne, %convert_element_type3A_42, %cond3A_43 : i32
    scf.if %cond3A_44 {
      %multiple_of3A_45 = arith.constant 9984 : i32
      %multiple_of3A_46 = tpu.assume_multiple %multiple_of3A_45, 8 : i32
      "tpu.region"() ({
        %run_scoped3A = tpu.sem_alloc : memref<!tpu.dma_semaphore, #tpu.memory_space<semaphore_mem>>
        %dma_start3A_47 = arith.constant 0 : i32
        %dma_start3A_48 = tpu.memref_slice %arg6[%arg0, %multiple_of3A_46, %dma_start3A_47] : memref<2x10000x64xf32, #tpu.memory_space<hbm>> -> memref<1x16x64xf32, #tpu.memory_space<hbm>>
        %dma_start3A_49 = tpu.memref_squeeze %dma_start3A_48 : memref<1x16x64xf32, #tpu.memory_space<hbm>> -> memref<16x64xf32, #tpu.memory_space<hbm>>
        %dma_start3A_50 = arith.constant 0 : i32
        %dma_start3A_51 = tpu.memref_slice %arg7[%multiple_of3A_46, %dma_start3A_50] : memref<10016x64xf32, #tpu.memory_space<vmem_shared>> -> memref<16x64xf32, #tpu.memory_space<vmem_shared>>
        tpu.enqueue_dma source(%dma_start3A_51 : memref<16x64xf32, #tpu.memory_space<vmem_shared>>) target(%dma_start3A_49 : memref<16x64xf32, #tpu.memory_space<hbm>>) target_semaphore(%run_scoped3A : memref<!tpu.dma_semaphore, #tpu.memory_space<semaphore_mem>>)
        %dma_wait3A = arith.constant 0 : i32
        %dma_wait3A_52 = tpu.memref_slice %arg6[%arg0, %multiple_of3A_46, %dma_wait3A] : memref<2x10000x64xf32, #tpu.memory_space<hbm>> -> memref<1x16x64xf32, #tpu.memory_space<hbm>>
        %dma_wait3A_53 = tpu.memref_squeeze %dma_wait3A_52 : memref<1x16x64xf32, #tpu.memory_space<hbm>> -> memref<16x64xf32, #tpu.memory_space<hbm>>
        %dma_wait3A_54 = arith.constant 0 : i32
        %dma_wait3A_55 = tpu.memref_slice %arg7[%multiple_of3A_46, %dma_wait3A_54] : memref<10016x64xf32, #tpu.memory_space<vmem_shared>> -> memref<16x64xf32, #tpu.memory_space<vmem_shared>>
        tpu.wait_dma2 semaphore(%run_scoped3A : memref<!tpu.dma_semaphore, #tpu.memory_space<semaphore_mem>>) src(%dma_wait3A_55 : memref<16x64xf32, #tpu.memory_space<vmem_shared>>) dst(%dma_wait3A_53 : memref<16x64xf32, #tpu.memory_space<hbm>>)
        tpu.yield
      }) : () -> ()
    } else {
    }
    return
  }
}

#map = affine_map<(d0, d1) -> (0, 0)>
#map1 = affine_map<(d0, d1) -> (0, 0, 0, 0)>
module attributes {stable_mosaic.version = 14 : i64} {
  func.func @_sc_gather(%arg0: i32, %arg1: i32, %arg2: memref<20000x128xf32, #tpu.memory_space<hbm>>, %arg3: memref<2x2x1280x128xi32, #tpu.memory_space<hbm>>, %arg4: memref<655360x128xf32, #tpu.memory_space<hbm>>, %arg5: memref<80x128xi32, #tpu.memory_space<vmem>>, %arg6: memref<80x128xi32, #tpu.memory_space<vmem>>, %arg7: memref<128x128xf32, #tpu.memory_space<vmem>>, %arg8: memref<128x128xf32, #tpu.memory_space<vmem>>, %arg9: memref<128x128xf32, #tpu.memory_space<vmem>>, %arg10: memref<128x128xf32, #tpu.memory_space<vmem>>, %arg11: memref<128x128xf32, #tpu.memory_space<vmem>>, %arg12: memref<128x128xf32, #tpu.memory_space<vmem>>, %arg13: memref<!tpu.dma_semaphore, #tpu.memory_space<semaphore_mem>>, %arg14: memref<!tpu.dma_semaphore, #tpu.memory_space<semaphore_mem>>, %arg15: memref<!tpu.dma_semaphore, #tpu.memory_space<semaphore_mem>>) attributes {dimension_semantics = [#tpu.dimension_semantics<core_parallel>, #tpu.dimension_semantics<subcore_parallel>], iteration_bounds = array<i64: 2, 16>, scalar_prefetch = 0 : i64, scratch_operands = 11 : i64, tpu.core_type = #tpu.core_type<sc_vector_subcore>, window_params = [{transform_indices = #map}, {transform_indices = #map1}, {transform_indices = #map}]} {
    %mul3A = arith.constant 80 : i32
    %mul3A_0 = arith.muli %arg1, %mul3A : i32
    %multiple_of3A = tpu.assume_multiple %mul3A_0, 8 : i32
    %run_scoped3A = arith.constant 0 : i32
    "tpu.region"() ({
      %run_scoped3A_34 = tpu.sem_alloc : memref<!tpu.dma_semaphore, #tpu.memory_space<semaphore_mem>>
      %dma_start3A_35 = arith.constant 0 : i32
      %dma_start3A_36 = tpu.memref_slice %arg3[%run_scoped3A, %arg0, %multiple_of3A, %dma_start3A_35] : memref<2x2x1280x128xi32, #tpu.memory_space<hbm>> -> memref<1x1x80x128xi32, #tpu.memory_space<hbm>>
      %dma_start3A_37 = tpu.memref_squeeze %dma_start3A_36 : memref<1x1x80x128xi32, #tpu.memory_space<hbm>> -> memref<80x128xi32, #tpu.memory_space<hbm>>
      %dma_start3A_38 = arith.constant 0 : i32
      %dma_start3A_39 = tpu.memref_slice %arg3[%run_scoped3A, %arg0, %multiple_of3A, %dma_start3A_38] : memref<2x2x1280x128xi32, #tpu.memory_space<hbm>> -> memref<1x1x80x128xi32, #tpu.memory_space<hbm>>
      %dma_start3A_40 = tpu.memref_squeeze %dma_start3A_39 : memref<1x1x80x128xi32, #tpu.memory_space<hbm>> -> memref<80x128xi32, #tpu.memory_space<hbm>>
      tpu.enqueue_dma source(%dma_start3A_40 : memref<80x128xi32, #tpu.memory_space<hbm>>) target(%arg5 : memref<80x128xi32, #tpu.memory_space<vmem>>) target_semaphore(%run_scoped3A_34 : memref<!tpu.dma_semaphore, #tpu.memory_space<semaphore_mem>>)
      %dma_wait3A = arith.constant 0 : i32
      %dma_wait3A_41 = tpu.memref_slice %arg3[%run_scoped3A, %arg0, %multiple_of3A, %dma_wait3A] : memref<2x2x1280x128xi32, #tpu.memory_space<hbm>> -> memref<1x1x80x128xi32, #tpu.memory_space<hbm>>
      %dma_wait3A_42 = tpu.memref_squeeze %dma_wait3A_41 : memref<1x1x80x128xi32, #tpu.memory_space<hbm>> -> memref<80x128xi32, #tpu.memory_space<hbm>>
      %dma_wait3A_43 = arith.constant 0 : i32
      %dma_wait3A_44 = tpu.memref_slice %arg3[%run_scoped3A, %arg0, %multiple_of3A, %dma_wait3A_43] : memref<2x2x1280x128xi32, #tpu.memory_space<hbm>> -> memref<1x1x80x128xi32, #tpu.memory_space<hbm>>
      %dma_wait3A_45 = tpu.memref_squeeze %dma_wait3A_44 : memref<1x1x80x128xi32, #tpu.memory_space<hbm>> -> memref<80x128xi32, #tpu.memory_space<hbm>>
      tpu.wait_dma2 semaphore(%run_scoped3A_34 : memref<!tpu.dma_semaphore, #tpu.memory_space<semaphore_mem>>) src(%dma_wait3A_45 : memref<80x128xi32, #tpu.memory_space<hbm>>) dst(%arg5 : memref<80x128xi32, #tpu.memory_space<vmem>>)
      tpu.yield
    }) : () -> ()
    %run_scoped3A_1 = arith.constant 1 : i32
    "tpu.region"() ({
      %run_scoped3A_34 = tpu.sem_alloc : memref<!tpu.dma_semaphore, #tpu.memory_space<semaphore_mem>>
      %dma_start3A_35 = arith.constant 0 : i32
      %dma_start3A_36 = tpu.memref_slice %arg3[%run_scoped3A_1, %arg0, %multiple_of3A, %dma_start3A_35] : memref<2x2x1280x128xi32, #tpu.memory_space<hbm>> -> memref<1x1x80x128xi32, #tpu.memory_space<hbm>>
      %dma_start3A_37 = tpu.memref_squeeze %dma_start3A_36 : memref<1x1x80x128xi32, #tpu.memory_space<hbm>> -> memref<80x128xi32, #tpu.memory_space<hbm>>
      %dma_start3A_38 = arith.constant 0 : i32
      %dma_start3A_39 = tpu.memref_slice %arg3[%run_scoped3A_1, %arg0, %multiple_of3A, %dma_start3A_38] : memref<2x2x1280x128xi32, #tpu.memory_space<hbm>> -> memref<1x1x80x128xi32, #tpu.memory_space<hbm>>
      %dma_start3A_40 = tpu.memref_squeeze %dma_start3A_39 : memref<1x1x80x128xi32, #tpu.memory_space<hbm>> -> memref<80x128xi32, #tpu.memory_space<hbm>>
      tpu.enqueue_dma source(%dma_start3A_40 : memref<80x128xi32, #tpu.memory_space<hbm>>) target(%arg6 : memref<80x128xi32, #tpu.memory_space<vmem>>) target_semaphore(%run_scoped3A_34 : memref<!tpu.dma_semaphore, #tpu.memory_space<semaphore_mem>>)
      %dma_wait3A = arith.constant 0 : i32
      %dma_wait3A_41 = tpu.memref_slice %arg3[%run_scoped3A_1, %arg0, %multiple_of3A, %dma_wait3A] : memref<2x2x1280x128xi32, #tpu.memory_space<hbm>> -> memref<1x1x80x128xi32, #tpu.memory_space<hbm>>
      %dma_wait3A_42 = tpu.memref_squeeze %dma_wait3A_41 : memref<1x1x80x128xi32, #tpu.memory_space<hbm>> -> memref<80x128xi32, #tpu.memory_space<hbm>>
      %dma_wait3A_43 = arith.constant 0 : i32
      %dma_wait3A_44 = tpu.memref_slice %arg3[%run_scoped3A_1, %arg0, %multiple_of3A, %dma_wait3A_43] : memref<2x2x1280x128xi32, #tpu.memory_space<hbm>> -> memref<1x1x80x128xi32, #tpu.memory_space<hbm>>
      %dma_wait3A_45 = tpu.memref_squeeze %dma_wait3A_44 : memref<1x1x80x128xi32, #tpu.memory_space<hbm>> -> memref<80x128xi32, #tpu.memory_space<hbm>>
      tpu.wait_dma2 semaphore(%run_scoped3A_34 : memref<!tpu.dma_semaphore, #tpu.memory_space<semaphore_mem>>) src(%dma_wait3A_45 : memref<80x128xi32, #tpu.memory_space<hbm>>) dst(%arg6 : memref<80x128xi32, #tpu.memory_space<vmem>>)
      tpu.yield
    }) : () -> ()
    %dma_start3A = arith.constant 0 : i32
    %dma_start3A_2 = arith.constant 0 : i32
    %dma_start3A_3 = tpu.memref_slice %arg5[%dma_start3A, %dma_start3A_2] : memref<80x128xi32, #tpu.memory_space<vmem>> -> memref<1x128xi32, #tpu.memory_space<vmem>>
    %dma_start3A_4 = tpu.memref_squeeze %dma_start3A_3 : memref<1x128xi32, #tpu.memory_space<vmem>> -> memref<128xi32, #tpu.memory_space<vmem>>
    %dma_start3A_5 = arith.constant 0 : i32
    %dma_start3A_6 = arith.constant 0 : i32
    %dma_start3A_7 = tpu.memref_slice %arg2[%dma_start3A_5, %dma_start3A_6] : memref<20000x128xf32, #tpu.memory_space<hbm>> -> memref<20000x128xf32, #tpu.memory_space<hbm>>
    tpu.enqueue_indirect_dma source(%dma_start3A_7 : memref<20000x128xf32, #tpu.memory_space<hbm>>) target(%arg7 : memref<128x128xf32, #tpu.memory_space<vmem>>) offsets(%dma_start3A_4 : memref<128xi32, #tpu.memory_space<vmem>>) semaphore(%arg13 : memref<!tpu.dma_semaphore, #tpu.memory_space<semaphore_mem>>)
    %dma_start3A_8 = arith.constant 0 : i32
    %dma_start3A_9 = arith.constant 0 : i32
    %dma_start3A_10 = tpu.memref_slice %arg6[%dma_start3A_8, %dma_start3A_9] : memref<80x128xi32, #tpu.memory_space<vmem>> -> memref<1x128xi32, #tpu.memory_space<vmem>>
    %dma_start3A_11 = tpu.memref_squeeze %dma_start3A_10 : memref<1x128xi32, #tpu.memory_space<vmem>> -> memref<128xi32, #tpu.memory_space<vmem>>
    %dma_start3A_12 = arith.constant 0 : i32
    %dma_start3A_13 = arith.constant 0 : i32
    %dma_start3A_14 = tpu.memref_slice %arg2[%dma_start3A_12, %dma_start3A_13] : memref<20000x128xf32, #tpu.memory_space<hbm>> -> memref<20000x128xf32, #tpu.memory_space<hbm>>
    tpu.enqueue_indirect_dma source(%dma_start3A_14 : memref<20000x128xf32, #tpu.memory_space<hbm>>) target(%arg8 : memref<128x128xf32, #tpu.memory_space<vmem>>) offsets(%dma_start3A_11 : memref<128xi32, #tpu.memory_space<vmem>>) semaphore(%arg13 : memref<!tpu.dma_semaphore, #tpu.memory_space<semaphore_mem>>)
    %dma_start3A_15 = arith.constant 1 : i32
    %dma_start3A_16 = arith.constant 0 : i32
    %dma_start3A_17 = tpu.memref_slice %arg5[%dma_start3A_15, %dma_start3A_16] : memref<80x128xi32, #tpu.memory_space<vmem>> -> memref<1x128xi32, #tpu.memory_space<vmem>>
    %dma_start3A_18 = tpu.memref_squeeze %dma_start3A_17 : memref<1x128xi32, #tpu.memory_space<vmem>> -> memref<128xi32, #tpu.memory_space<vmem>>
    %dma_start3A_19 = arith.constant 0 : i32
    %dma_start3A_20 = arith.constant 0 : i32
    %dma_start3A_21 = tpu.memref_slice %arg2[%dma_start3A_19, %dma_start3A_20] : memref<20000x128xf32, #tpu.memory_space<hbm>> -> memref<20000x128xf32, #tpu.memory_space<hbm>>
    tpu.enqueue_indirect_dma source(%dma_start3A_21 : memref<20000x128xf32, #tpu.memory_space<hbm>>) target(%arg9 : memref<128x128xf32, #tpu.memory_space<vmem>>) offsets(%dma_start3A_18 : memref<128xi32, #tpu.memory_space<vmem>>) semaphore(%arg14 : memref<!tpu.dma_semaphore, #tpu.memory_space<semaphore_mem>>)
    %dma_start3A_22 = arith.constant 1 : i32
    %dma_start3A_23 = arith.constant 0 : i32
    %dma_start3A_24 = tpu.memref_slice %arg6[%dma_start3A_22, %dma_start3A_23] : memref<80x128xi32, #tpu.memory_space<vmem>> -> memref<1x128xi32, #tpu.memory_space<vmem>>
    %dma_start3A_25 = tpu.memref_squeeze %dma_start3A_24 : memref<1x128xi32, #tpu.memory_space<vmem>> -> memref<128xi32, #tpu.memory_space<vmem>>
    %dma_start3A_26 = arith.constant 0 : i32
    %dma_start3A_27 = arith.constant 0 : i32
    %dma_start3A_28 = tpu.memref_slice %arg2[%dma_start3A_26, %dma_start3A_27] : memref<20000x128xf32, #tpu.memory_space<hbm>> -> memref<20000x128xf32, #tpu.memory_space<hbm>>
    tpu.enqueue_indirect_dma source(%dma_start3A_28 : memref<20000x128xf32, #tpu.memory_space<hbm>>) target(%arg10 : memref<128x128xf32, #tpu.memory_space<vmem>>) offsets(%dma_start3A_25 : memref<128xi32, #tpu.memory_space<vmem>>) semaphore(%arg14 : memref<!tpu.dma_semaphore, #tpu.memory_space<semaphore_mem>>)
    %scan3A = arith.constant 0 : i32
    %scan3A_29 = arith.constant 0 : i32
    %scan3A_30 = arith.constant 27 : i32
    %scan3A_31 = arith.addi %scan3A_29, %scan3A_30 : i32
    %scan3A_32 = arith.constant 1 : i32
    scf.for %scan3A_34 = %scan3A_29 to %scan3A_31 step %scan3A_32  : i32 {
      %mul3A_35 = arith.constant 3 : i32
      %mul3A_36 = arith.muli %mul3A_35, %scan3A_34 : i32
      %lt3A = arith.constant 80 : i32
      %lt3A_37 = arith.cmpi slt, %mul3A_36, %lt3A : i32
      %convert_element_type3A = arith.extui %lt3A_37 : i1 to i32
      %cond3A = arith.constant 0 : i32
      %cond3A_38 = arith.cmpi ne, %convert_element_type3A, %cond3A : i32
      scf.if %cond3A_38 {
        %dma_wait3A = arith.constant 0 : i32
        %dma_wait3A_52 = tpu.memref_slice %arg5[%mul3A_36, %dma_wait3A] : memref<80x128xi32, #tpu.memory_space<vmem>> -> memref<1x128xi32, #tpu.memory_space<vmem>>
        %dma_wait3A_53 = tpu.memref_squeeze %dma_wait3A_52 : memref<1x128xi32, #tpu.memory_space<vmem>> -> memref<128xi32, #tpu.memory_space<vmem>>
        %dma_wait3A_54 = arith.constant 0 : i32
        %dma_wait3A_55 = arith.constant 0 : i32
        %dma_wait3A_56 = tpu.memref_slice %arg2[%dma_wait3A_54, %dma_wait3A_55] : memref<20000x128xf32, #tpu.memory_space<hbm>> -> memref<20000x128xf32, #tpu.memory_space<hbm>>
        tpu.wait_indirect_dma semaphore(%arg13 : memref<!tpu.dma_semaphore, #tpu.memory_space<semaphore_mem>>) src(%dma_wait3A_56 : memref<20000x128xf32, #tpu.memory_space<hbm>>) dst(%arg7 : memref<128x128xf32, #tpu.memory_space<vmem>>)
        %dma_wait3A_57 = arith.constant 0 : i32
        %dma_wait3A_58 = tpu.memref_slice %arg6[%mul3A_36, %dma_wait3A_57] : memref<80x128xi32, #tpu.memory_space<vmem>> -> memref<1x128xi32, #tpu.memory_space<vmem>>
        %dma_wait3A_59 = tpu.memref_squeeze %dma_wait3A_58 : memref<1x128xi32, #tpu.memory_space<vmem>> -> memref<128xi32, #tpu.memory_space<vmem>>
        %dma_wait3A_60 = arith.constant 0 : i32
        %dma_wait3A_61 = arith.constant 0 : i32
        %dma_wait3A_62 = tpu.memref_slice %arg2[%dma_wait3A_60, %dma_wait3A_61] : memref<20000x128xf32, #tpu.memory_space<hbm>> -> memref<20000x128xf32, #tpu.memory_space<hbm>>
        tpu.wait_indirect_dma semaphore(%arg13 : memref<!tpu.dma_semaphore, #tpu.memory_space<semaphore_mem>>) src(%dma_wait3A_62 : memref<20000x128xf32, #tpu.memory_space<hbm>>) dst(%arg8 : memref<128x128xf32, #tpu.memory_space<vmem>>)
        %add3A_63 = arith.constant 2 : i32
        %add3A_64 = arith.addi %mul3A_36, %add3A_63 : i32
        %lt3A_65 = arith.constant 80 : i32
        %lt3A_66 = arith.cmpi slt, %add3A_64, %lt3A_65 : i32
        %convert_element_type3A_67 = arith.extui %lt3A_66 : i1 to i32
        %cond3A_68 = arith.constant 0 : i32
        %cond3A_69 = arith.cmpi ne, %convert_element_type3A_67, %cond3A_68 : i32
        scf.if %cond3A_69 {
          %add3A_81 = arith.constant 2 : i32
          %add3A_82 = arith.addi %mul3A_36, %add3A_81 : i32
          %dma_start3A_83 = arith.constant 0 : i32
          %dma_start3A_84 = tpu.memref_slice %arg5[%add3A_82, %dma_start3A_83] : memref<80x128xi32, #tpu.memory_space<vmem>> -> memref<1x128xi32, #tpu.memory_space<vmem>>
          %dma_start3A_85 = tpu.memref_squeeze %dma_start3A_84 : memref<1x128xi32, #tpu.memory_space<vmem>> -> memref<128xi32, #tpu.memory_space<vmem>>
          %dma_start3A_86 = arith.constant 0 : i32
          %dma_start3A_87 = arith.constant 0 : i32
          %dma_start3A_88 = tpu.memref_slice %arg2[%dma_start3A_86, %dma_start3A_87] : memref<20000x128xf32, #tpu.memory_space<hbm>> -> memref<20000x128xf32, #tpu.memory_space<hbm>>
          tpu.enqueue_indirect_dma source(%dma_start3A_88 : memref<20000x128xf32, #tpu.memory_space<hbm>>) target(%arg11 : memref<128x128xf32, #tpu.memory_space<vmem>>) offsets(%dma_start3A_85 : memref<128xi32, #tpu.memory_space<vmem>>) semaphore(%arg15 : memref<!tpu.dma_semaphore, #tpu.memory_space<semaphore_mem>>)
          %dma_start3A_89 = arith.constant 0 : i32
          %dma_start3A_90 = tpu.memref_slice %arg6[%add3A_82, %dma_start3A_89] : memref<80x128xi32, #tpu.memory_space<vmem>> -> memref<1x128xi32, #tpu.memory_space<vmem>>
          %dma_start3A_91 = tpu.memref_squeeze %dma_start3A_90 : memref<1x128xi32, #tpu.memory_space<vmem>> -> memref<128xi32, #tpu.memory_space<vmem>>
          %dma_start3A_92 = arith.constant 0 : i32
          %dma_start3A_93 = arith.constant 0 : i32
          %dma_start3A_94 = tpu.memref_slice %arg2[%dma_start3A_92, %dma_start3A_93] : memref<20000x128xf32, #tpu.memory_space<hbm>> -> memref<20000x128xf32, #tpu.memory_space<hbm>>
          tpu.enqueue_indirect_dma source(%dma_start3A_94 : memref<20000x128xf32, #tpu.memory_space<hbm>>) target(%arg12 : memref<128x128xf32, #tpu.memory_space<vmem>>) offsets(%dma_start3A_91 : memref<128xi32, #tpu.memory_space<vmem>>) semaphore(%arg15 : memref<!tpu.dma_semaphore, #tpu.memory_space<semaphore_mem>>)
        } else {
        }
        %mul3A_70 = arith.constant 2 : i32
        %mul3A_71 = arith.muli %arg0, %mul3A_70 : i32
        %mul3A_72 = arith.constant 163840 : i32
        %mul3A_73 = arith.muli %mul3A_71, %mul3A_72 : i32
        %add3A_74 = arith.addi %multiple_of3A, %mul3A_36 : i32
        %mul3A_75 = arith.constant 128 : i32
        %mul3A_76 = arith.muli %add3A_74, %mul3A_75 : i32
        %add3A_77 = arith.addi %mul3A_73, %mul3A_76 : i32
        %multiple_of3A_78 = tpu.assume_multiple %add3A_77, 8 : i32
        "tpu.region"() ({
          %run_scoped3A_81 = tpu.sem_alloc : memref<!tpu.dma_semaphore, #tpu.memory_space<semaphore_mem>>
          %dma_start3A_82 = arith.constant 0 : i32
          %dma_start3A_83 = tpu.memref_slice %arg4[%multiple_of3A_78, %dma_start3A_82] : memref<655360x128xf32, #tpu.memory_space<hbm>> -> memref<128x128xf32, #tpu.memory_space<hbm>>
          %dma_start3A_84 = arith.constant 0 : i32
          %dma_start3A_85 = tpu.memref_slice %arg4[%multiple_of3A_78, %dma_start3A_84] : memref<655360x128xf32, #tpu.memory_space<hbm>> -> memref<128x128xf32, #tpu.memory_space<hbm>>
          tpu.enqueue_dma source(%arg7 : memref<128x128xf32, #tpu.memory_space<vmem>>) target(%dma_start3A_85 : memref<128x128xf32, #tpu.memory_space<hbm>>) target_semaphore(%run_scoped3A_81 : memref<!tpu.dma_semaphore, #tpu.memory_space<semaphore_mem>>)
          %dma_wait3A_86 = arith.constant 0 : i32
          %dma_wait3A_87 = tpu.memref_slice %arg4[%multiple_of3A_78, %dma_wait3A_86] : memref<655360x128xf32, #tpu.memory_space<hbm>> -> memref<128x128xf32, #tpu.memory_space<hbm>>
          %dma_wait3A_88 = arith.constant 0 : i32
          %dma_wait3A_89 = tpu.memref_slice %arg4[%multiple_of3A_78, %dma_wait3A_88] : memref<655360x128xf32, #tpu.memory_space<hbm>> -> memref<128x128xf32, #tpu.memory_space<hbm>>
          tpu.wait_dma2 semaphore(%run_scoped3A_81 : memref<!tpu.dma_semaphore, #tpu.memory_space<semaphore_mem>>) src(%arg7 : memref<128x128xf32, #tpu.memory_space<vmem>>) dst(%dma_wait3A_89 : memref<128x128xf32, #tpu.memory_space<hbm>>)
          tpu.yield
        }) : () -> ()
        %add3A_79 = arith.constant 163840 : i32
        %add3A_80 = arith.addi %add3A_79, %multiple_of3A_78 : i32
        "tpu.region"() ({
          %run_scoped3A_81 = tpu.sem_alloc : memref<!tpu.dma_semaphore, #tpu.memory_space<semaphore_mem>>
          %dma_start3A_82 = arith.constant 0 : i32
          %dma_start3A_83 = tpu.memref_slice %arg4[%add3A_80, %dma_start3A_82] : memref<655360x128xf32, #tpu.memory_space<hbm>> -> memref<128x128xf32, #tpu.memory_space<hbm>>
          %dma_start3A_84 = arith.constant 0 : i32
          %dma_start3A_85 = tpu.memref_slice %arg4[%add3A_80, %dma_start3A_84] : memref<655360x128xf32, #tpu.memory_space<hbm>> -> memref<128x128xf32, #tpu.memory_space<hbm>>
          tpu.enqueue_dma source(%arg8 : memref<128x128xf32, #tpu.memory_space<vmem>>) target(%dma_start3A_85 : memref<128x128xf32, #tpu.memory_space<hbm>>) target_semaphore(%run_scoped3A_81 : memref<!tpu.dma_semaphore, #tpu.memory_space<semaphore_mem>>)
          %dma_wait3A_86 = arith.constant 0 : i32
          %dma_wait3A_87 = tpu.memref_slice %arg4[%add3A_80, %dma_wait3A_86] : memref<655360x128xf32, #tpu.memory_space<hbm>> -> memref<128x128xf32, #tpu.memory_space<hbm>>
          %dma_wait3A_88 = arith.constant 0 : i32
          %dma_wait3A_89 = tpu.memref_slice %arg4[%add3A_80, %dma_wait3A_88] : memref<655360x128xf32, #tpu.memory_space<hbm>> -> memref<128x128xf32, #tpu.memory_space<hbm>>
          tpu.wait_dma2 semaphore(%run_scoped3A_81 : memref<!tpu.dma_semaphore, #tpu.memory_space<semaphore_mem>>) src(%arg8 : memref<128x128xf32, #tpu.memory_space<vmem>>) dst(%dma_wait3A_89 : memref<128x128xf32, #tpu.memory_space<hbm>>)
          tpu.yield
        }) : () -> ()
      } else {
      }
      %add3A = arith.constant 1 : i32
      %add3A_39 = arith.addi %mul3A_36, %add3A : i32
      %lt3A_40 = arith.constant 80 : i32
      %lt3A_41 = arith.cmpi slt, %add3A_39, %lt3A_40 : i32
      %convert_element_type3A_42 = arith.extui %lt3A_41 : i1 to i32
      %cond3A_43 = arith.constant 0 : i32
      %cond3A_44 = arith.cmpi ne, %convert_element_type3A_42, %cond3A_43 : i32
      scf.if %cond3A_44 {
        %dma_wait3A = arith.constant 0 : i32
        %dma_wait3A_52 = tpu.memref_slice %arg5[%add3A_39, %dma_wait3A] : memref<80x128xi32, #tpu.memory_space<vmem>> -> memref<1x128xi32, #tpu.memory_space<vmem>>
        %dma_wait3A_53 = tpu.memref_squeeze %dma_wait3A_52 : memref<1x128xi32, #tpu.memory_space<vmem>> -> memref<128xi32, #tpu.memory_space<vmem>>
        %dma_wait3A_54 = arith.constant 0 : i32
        %dma_wait3A_55 = arith.constant 0 : i32
        %dma_wait3A_56 = tpu.memref_slice %arg2[%dma_wait3A_54, %dma_wait3A_55] : memref<20000x128xf32, #tpu.memory_space<hbm>> -> memref<20000x128xf32, #tpu.memory_space<hbm>>
        tpu.wait_indirect_dma semaphore(%arg14 : memref<!tpu.dma_semaphore, #tpu.memory_space<semaphore_mem>>) src(%dma_wait3A_56 : memref<20000x128xf32, #tpu.memory_space<hbm>>) dst(%arg9 : memref<128x128xf32, #tpu.memory_space<vmem>>)
        %dma_wait3A_57 = arith.constant 0 : i32
        %dma_wait3A_58 = tpu.memref_slice %arg6[%add3A_39, %dma_wait3A_57] : memref<80x128xi32, #tpu.memory_space<vmem>> -> memref<1x128xi32, #tpu.memory_space<vmem>>
        %dma_wait3A_59 = tpu.memref_squeeze %dma_wait3A_58 : memref<1x128xi32, #tpu.memory_space<vmem>> -> memref<128xi32, #tpu.memory_space<vmem>>
        %dma_wait3A_60 = arith.constant 0 : i32
        %dma_wait3A_61 = arith.constant 0 : i32
        %dma_wait3A_62 = tpu.memref_slice %arg2[%dma_wait3A_60, %dma_wait3A_61] : memref<20000x128xf32, #tpu.memory_space<hbm>> -> memref<20000x128xf32, #tpu.memory_space<hbm>>
        tpu.wait_indirect_dma semaphore(%arg14 : memref<!tpu.dma_semaphore, #tpu.memory_space<semaphore_mem>>) src(%dma_wait3A_62 : memref<20000x128xf32, #tpu.memory_space<hbm>>) dst(%arg10 : memref<128x128xf32, #tpu.memory_space<vmem>>)
        %add3A_63 = arith.constant 2 : i32
        %add3A_64 = arith.addi %add3A_39, %add3A_63 : i32
        %lt3A_65 = arith.constant 80 : i32
        %lt3A_66 = arith.cmpi slt, %add3A_64, %lt3A_65 : i32
        %convert_element_type3A_67 = arith.extui %lt3A_66 : i1 to i32
        %cond3A_68 = arith.constant 0 : i32
        %cond3A_69 = arith.cmpi ne, %convert_element_type3A_67, %cond3A_68 : i32
        scf.if %cond3A_69 {
          %add3A_81 = arith.constant 2 : i32
          %add3A_82 = arith.addi %add3A_39, %add3A_81 : i32
          %dma_start3A_83 = arith.constant 0 : i32
          %dma_start3A_84 = tpu.memref_slice %arg5[%add3A_82, %dma_start3A_83] : memref<80x128xi32, #tpu.memory_space<vmem>> -> memref<1x128xi32, #tpu.memory_space<vmem>>
          %dma_start3A_85 = tpu.memref_squeeze %dma_start3A_84 : memref<1x128xi32, #tpu.memory_space<vmem>> -> memref<128xi32, #tpu.memory_space<vmem>>
          %dma_start3A_86 = arith.constant 0 : i32
          %dma_start3A_87 = arith.constant 0 : i32
          %dma_start3A_88 = tpu.memref_slice %arg2[%dma_start3A_86, %dma_start3A_87] : memref<20000x128xf32, #tpu.memory_space<hbm>> -> memref<20000x128xf32, #tpu.memory_space<hbm>>
          tpu.enqueue_indirect_dma source(%dma_start3A_88 : memref<20000x128xf32, #tpu.memory_space<hbm>>) target(%arg7 : memref<128x128xf32, #tpu.memory_space<vmem>>) offsets(%dma_start3A_85 : memref<128xi32, #tpu.memory_space<vmem>>) semaphore(%arg13 : memref<!tpu.dma_semaphore, #tpu.memory_space<semaphore_mem>>)
          %dma_start3A_89 = arith.constant 0 : i32
          %dma_start3A_90 = tpu.memref_slice %arg6[%add3A_82, %dma_start3A_89] : memref<80x128xi32, #tpu.memory_space<vmem>> -> memref<1x128xi32, #tpu.memory_space<vmem>>
          %dma_start3A_91 = tpu.memref_squeeze %dma_start3A_90 : memref<1x128xi32, #tpu.memory_space<vmem>> -> memref<128xi32, #tpu.memory_space<vmem>>
          %dma_start3A_92 = arith.constant 0 : i32
          %dma_start3A_93 = arith.constant 0 : i32
          %dma_start3A_94 = tpu.memref_slice %arg2[%dma_start3A_92, %dma_start3A_93] : memref<20000x128xf32, #tpu.memory_space<hbm>> -> memref<20000x128xf32, #tpu.memory_space<hbm>>
          tpu.enqueue_indirect_dma source(%dma_start3A_94 : memref<20000x128xf32, #tpu.memory_space<hbm>>) target(%arg8 : memref<128x128xf32, #tpu.memory_space<vmem>>) offsets(%dma_start3A_91 : memref<128xi32, #tpu.memory_space<vmem>>) semaphore(%arg13 : memref<!tpu.dma_semaphore, #tpu.memory_space<semaphore_mem>>)
        } else {
        }
        %mul3A_70 = arith.constant 2 : i32
        %mul3A_71 = arith.muli %arg0, %mul3A_70 : i32
        %mul3A_72 = arith.constant 163840 : i32
        %mul3A_73 = arith.muli %mul3A_71, %mul3A_72 : i32
        %add3A_74 = arith.addi %multiple_of3A, %add3A_39 : i32
        %mul3A_75 = arith.constant 128 : i32
        %mul3A_76 = arith.muli %add3A_74, %mul3A_75 : i32
        %add3A_77 = arith.addi %mul3A_73, %mul3A_76 : i32
        %multiple_of3A_78 = tpu.assume_multiple %add3A_77, 8 : i32
        "tpu.region"() ({
          %run_scoped3A_81 = tpu.sem_alloc : memref<!tpu.dma_semaphore, #tpu.memory_space<semaphore_mem>>
          %dma_start3A_82 = arith.constant 0 : i32
          %dma_start3A_83 = tpu.memref_slice %arg4[%multiple_of3A_78, %dma_start3A_82] : memref<655360x128xf32, #tpu.memory_space<hbm>> -> memref<128x128xf32, #tpu.memory_space<hbm>>
          %dma_start3A_84 = arith.constant 0 : i32
          %dma_start3A_85 = tpu.memref_slice %arg4[%multiple_of3A_78, %dma_start3A_84] : memref<655360x128xf32, #tpu.memory_space<hbm>> -> memref<128x128xf32, #tpu.memory_space<hbm>>
          tpu.enqueue_dma source(%arg9 : memref<128x128xf32, #tpu.memory_space<vmem>>) target(%dma_start3A_85 : memref<128x128xf32, #tpu.memory_space<hbm>>) target_semaphore(%run_scoped3A_81 : memref<!tpu.dma_semaphore, #tpu.memory_space<semaphore_mem>>)
          %dma_wait3A_86 = arith.constant 0 : i32
          %dma_wait3A_87 = tpu.memref_slice %arg4[%multiple_of3A_78, %dma_wait3A_86] : memref<655360x128xf32, #tpu.memory_space<hbm>> -> memref<128x128xf32, #tpu.memory_space<hbm>>
          %dma_wait3A_88 = arith.constant 0 : i32
          %dma_wait3A_89 = tpu.memref_slice %arg4[%multiple_of3A_78, %dma_wait3A_88] : memref<655360x128xf32, #tpu.memory_space<hbm>> -> memref<128x128xf32, #tpu.memory_space<hbm>>
          tpu.wait_dma2 semaphore(%run_scoped3A_81 : memref<!tpu.dma_semaphore, #tpu.memory_space<semaphore_mem>>) src(%arg9 : memref<128x128xf32, #tpu.memory_space<vmem>>) dst(%dma_wait3A_89 : memref<128x128xf32, #tpu.memory_space<hbm>>)
          tpu.yield
        }) : () -> ()
        %add3A_79 = arith.constant 163840 : i32
        %add3A_80 = arith.addi %add3A_79, %multiple_of3A_78 : i32
        "tpu.region"() ({
          %run_scoped3A_81 = tpu.sem_alloc : memref<!tpu.dma_semaphore, #tpu.memory_space<semaphore_mem>>
          %dma_start3A_82 = arith.constant 0 : i32
          %dma_start3A_83 = tpu.memref_slice %arg4[%add3A_80, %dma_start3A_82] : memref<655360x128xf32, #tpu.memory_space<hbm>> -> memref<128x128xf32, #tpu.memory_space<hbm>>
          %dma_start3A_84 = arith.constant 0 : i32
          %dma_start3A_85 = tpu.memref_slice %arg4[%add3A_80, %dma_start3A_84] : memref<655360x128xf32, #tpu.memory_space<hbm>> -> memref<128x128xf32, #tpu.memory_space<hbm>>
          tpu.enqueue_dma source(%arg10 : memref<128x128xf32, #tpu.memory_space<vmem>>) target(%dma_start3A_85 : memref<128x128xf32, #tpu.memory_space<hbm>>) target_semaphore(%run_scoped3A_81 : memref<!tpu.dma_semaphore, #tpu.memory_space<semaphore_mem>>)
          %dma_wait3A_86 = arith.constant 0 : i32
          %dma_wait3A_87 = tpu.memref_slice %arg4[%add3A_80, %dma_wait3A_86] : memref<655360x128xf32, #tpu.memory_space<hbm>> -> memref<128x128xf32, #tpu.memory_space<hbm>>
          %dma_wait3A_88 = arith.constant 0 : i32
          %dma_wait3A_89 = tpu.memref_slice %arg4[%add3A_80, %dma_wait3A_88] : memref<655360x128xf32, #tpu.memory_space<hbm>> -> memref<128x128xf32, #tpu.memory_space<hbm>>
          tpu.wait_dma2 semaphore(%run_scoped3A_81 : memref<!tpu.dma_semaphore, #tpu.memory_space<semaphore_mem>>) src(%arg10 : memref<128x128xf32, #tpu.memory_space<vmem>>) dst(%dma_wait3A_89 : memref<128x128xf32, #tpu.memory_space<hbm>>)
          tpu.yield
        }) : () -> ()
      } else {
      }
      %add3A_45 = arith.constant 2 : i32
      %add3A_46 = arith.addi %mul3A_36, %add3A_45 : i32
      %lt3A_47 = arith.constant 80 : i32
      %lt3A_48 = arith.cmpi slt, %add3A_46, %lt3A_47 : i32
      %convert_element_type3A_49 = arith.extui %lt3A_48 : i1 to i32
      %cond3A_50 = arith.constant 0 : i32
      %cond3A_51 = arith.cmpi ne, %convert_element_type3A_49, %cond3A_50 : i32
      scf.if %cond3A_51 {
        %dma_wait3A = arith.constant 0 : i32
        %dma_wait3A_52 = tpu.memref_slice %arg5[%add3A_46, %dma_wait3A] : memref<80x128xi32, #tpu.memory_space<vmem>> -> memref<1x128xi32, #tpu.memory_space<vmem>>
        %dma_wait3A_53 = tpu.memref_squeeze %dma_wait3A_52 : memref<1x128xi32, #tpu.memory_space<vmem>> -> memref<128xi32, #tpu.memory_space<vmem>>
        %dma_wait3A_54 = arith.constant 0 : i32
        %dma_wait3A_55 = arith.constant 0 : i32
        %dma_wait3A_56 = tpu.memref_slice %arg2[%dma_wait3A_54, %dma_wait3A_55] : memref<20000x128xf32, #tpu.memory_space<hbm>> -> memref<20000x128xf32, #tpu.memory_space<hbm>>
        tpu.wait_indirect_dma semaphore(%arg15 : memref<!tpu.dma_semaphore, #tpu.memory_space<semaphore_mem>>) src(%dma_wait3A_56 : memref<20000x128xf32, #tpu.memory_space<hbm>>) dst(%arg11 : memref<128x128xf32, #tpu.memory_space<vmem>>)
        %dma_wait3A_57 = arith.constant 0 : i32
        %dma_wait3A_58 = tpu.memref_slice %arg6[%add3A_46, %dma_wait3A_57] : memref<80x128xi32, #tpu.memory_space<vmem>> -> memref<1x128xi32, #tpu.memory_space<vmem>>
        %dma_wait3A_59 = tpu.memref_squeeze %dma_wait3A_58 : memref<1x128xi32, #tpu.memory_space<vmem>> -> memref<128xi32, #tpu.memory_space<vmem>>
        %dma_wait3A_60 = arith.constant 0 : i32
        %dma_wait3A_61 = arith.constant 0 : i32
        %dma_wait3A_62 = tpu.memref_slice %arg2[%dma_wait3A_60, %dma_wait3A_61] : memref<20000x128xf32, #tpu.memory_space<hbm>> -> memref<20000x128xf32, #tpu.memory_space<hbm>>
        tpu.wait_indirect_dma semaphore(%arg15 : memref<!tpu.dma_semaphore, #tpu.memory_space<semaphore_mem>>) src(%dma_wait3A_62 : memref<20000x128xf32, #tpu.memory_space<hbm>>) dst(%arg12 : memref<128x128xf32, #tpu.memory_space<vmem>>)
        %add3A_63 = arith.constant 2 : i32
        %add3A_64 = arith.addi %add3A_46, %add3A_63 : i32
        %lt3A_65 = arith.constant 80 : i32
        %lt3A_66 = arith.cmpi slt, %add3A_64, %lt3A_65 : i32
        %convert_element_type3A_67 = arith.extui %lt3A_66 : i1 to i32
        %cond3A_68 = arith.constant 0 : i32
        %cond3A_69 = arith.cmpi ne, %convert_element_type3A_67, %cond3A_68 : i32
        scf.if %cond3A_69 {
          %add3A_81 = arith.constant 2 : i32
          %add3A_82 = arith.addi %add3A_46, %add3A_81 : i32
          %dma_start3A_83 = arith.constant 0 : i32
          %dma_start3A_84 = tpu.memref_slice %arg5[%add3A_82, %dma_start3A_83] : memref<80x128xi32, #tpu.memory_space<vmem>> -> memref<1x128xi32, #tpu.memory_space<vmem>>
          %dma_start3A_85 = tpu.memref_squeeze %dma_start3A_84 : memref<1x128xi32, #tpu.memory_space<vmem>> -> memref<128xi32, #tpu.memory_space<vmem>>
          %dma_start3A_86 = arith.constant 0 : i32
          %dma_start3A_87 = arith.constant 0 : i32
          %dma_start3A_88 = tpu.memref_slice %arg2[%dma_start3A_86, %dma_start3A_87] : memref<20000x128xf32, #tpu.memory_space<hbm>> -> memref<20000x128xf32, #tpu.memory_space<hbm>>
          tpu.enqueue_indirect_dma source(%dma_start3A_88 : memref<20000x128xf32, #tpu.memory_space<hbm>>) target(%arg9 : memref<128x128xf32, #tpu.memory_space<vmem>>) offsets(%dma_start3A_85 : memref<128xi32, #tpu.memory_space<vmem>>) semaphore(%arg14 : memref<!tpu.dma_semaphore, #tpu.memory_space<semaphore_mem>>)
          %dma_start3A_89 = arith.constant 0 : i32
          %dma_start3A_90 = tpu.memref_slice %arg6[%add3A_82, %dma_start3A_89] : memref<80x128xi32, #tpu.memory_space<vmem>> -> memref<1x128xi32, #tpu.memory_space<vmem>>
          %dma_start3A_91 = tpu.memref_squeeze %dma_start3A_90 : memref<1x128xi32, #tpu.memory_space<vmem>> -> memref<128xi32, #tpu.memory_space<vmem>>
          %dma_start3A_92 = arith.constant 0 : i32
          %dma_start3A_93 = arith.constant 0 : i32
          %dma_start3A_94 = tpu.memref_slice %arg2[%dma_start3A_92, %dma_start3A_93] : memref<20000x128xf32, #tpu.memory_space<hbm>> -> memref<20000x128xf32, #tpu.memory_space<hbm>>
          tpu.enqueue_indirect_dma source(%dma_start3A_94 : memref<20000x128xf32, #tpu.memory_space<hbm>>) target(%arg10 : memref<128x128xf32, #tpu.memory_space<vmem>>) offsets(%dma_start3A_91 : memref<128xi32, #tpu.memory_space<vmem>>) semaphore(%arg14 : memref<!tpu.dma_semaphore, #tpu.memory_space<semaphore_mem>>)
        } else {
        }
        %mul3A_70 = arith.constant 2 : i32
        %mul3A_71 = arith.muli %arg0, %mul3A_70 : i32
        %mul3A_72 = arith.constant 163840 : i32
        %mul3A_73 = arith.muli %mul3A_71, %mul3A_72 : i32
        %add3A_74 = arith.addi %multiple_of3A, %add3A_46 : i32
        %mul3A_75 = arith.constant 128 : i32
        %mul3A_76 = arith.muli %add3A_74, %mul3A_75 : i32
        %add3A_77 = arith.addi %mul3A_73, %mul3A_76 : i32
        %multiple_of3A_78 = tpu.assume_multiple %add3A_77, 8 : i32
        "tpu.region"() ({
          %run_scoped3A_81 = tpu.sem_alloc : memref<!tpu.dma_semaphore, #tpu.memory_space<semaphore_mem>>
          %dma_start3A_82 = arith.constant 0 : i32
          %dma_start3A_83 = tpu.memref_slice %arg4[%multiple_of3A_78, %dma_start3A_82] : memref<655360x128xf32, #tpu.memory_space<hbm>> -> memref<128x128xf32, #tpu.memory_space<hbm>>
          %dma_start3A_84 = arith.constant 0 : i32
          %dma_start3A_85 = tpu.memref_slice %arg4[%multiple_of3A_78, %dma_start3A_84] : memref<655360x128xf32, #tpu.memory_space<hbm>> -> memref<128x128xf32, #tpu.memory_space<hbm>>
          tpu.enqueue_dma source(%arg11 : memref<128x128xf32, #tpu.memory_space<vmem>>) target(%dma_start3A_85 : memref<128x128xf32, #tpu.memory_space<hbm>>) target_semaphore(%run_scoped3A_81 : memref<!tpu.dma_semaphore, #tpu.memory_space<semaphore_mem>>)
          %dma_wait3A_86 = arith.constant 0 : i32
          %dma_wait3A_87 = tpu.memref_slice %arg4[%multiple_of3A_78, %dma_wait3A_86] : memref<655360x128xf32, #tpu.memory_space<hbm>> -> memref<128x128xf32, #tpu.memory_space<hbm>>
          %dma_wait3A_88 = arith.constant 0 : i32
          %dma_wait3A_89 = tpu.memref_slice %arg4[%multiple_of3A_78, %dma_wait3A_88] : memref<655360x128xf32, #tpu.memory_space<hbm>> -> memref<128x128xf32, #tpu.memory_space<hbm>>
          tpu.wait_dma2 semaphore(%run_scoped3A_81 : memref<!tpu.dma_semaphore, #tpu.memory_space<semaphore_mem>>) src(%arg11 : memref<128x128xf32, #tpu.memory_space<vmem>>) dst(%dma_wait3A_89 : memref<128x128xf32, #tpu.memory_space<hbm>>)
          tpu.yield
        }) : () -> ()
        %add3A_79 = arith.constant 163840 : i32
        %add3A_80 = arith.addi %add3A_79, %multiple_of3A_78 : i32
        "tpu.region"() ({
          %run_scoped3A_81 = tpu.sem_alloc : memref<!tpu.dma_semaphore, #tpu.memory_space<semaphore_mem>>
          %dma_start3A_82 = arith.constant 0 : i32
          %dma_start3A_83 = tpu.memref_slice %arg4[%add3A_80, %dma_start3A_82] : memref<655360x128xf32, #tpu.memory_space<hbm>> -> memref<128x128xf32, #tpu.memory_space<hbm>>
          %dma_start3A_84 = arith.constant 0 : i32
          %dma_start3A_85 = tpu.memref_slice %arg4[%add3A_80, %dma_start3A_84] : memref<655360x128xf32, #tpu.memory_space<hbm>> -> memref<128x128xf32, #tpu.memory_space<hbm>>
          tpu.enqueue_dma source(%arg12 : memref<128x128xf32, #tpu.memory_space<vmem>>) target(%dma_start3A_85 : memref<128x128xf32, #tpu.memory_space<hbm>>) target_semaphore(%run_scoped3A_81 : memref<!tpu.dma_semaphore, #tpu.memory_space<semaphore_mem>>)
          %dma_wait3A_86 = arith.constant 0 : i32
          %dma_wait3A_87 = tpu.memref_slice %arg4[%add3A_80, %dma_wait3A_86] : memref<655360x128xf32, #tpu.memory_space<hbm>> -> memref<128x128xf32, #tpu.memory_space<hbm>>
          %dma_wait3A_88 = arith.constant 0 : i32
          %dma_wait3A_89 = tpu.memref_slice %arg4[%add3A_80, %dma_wait3A_88] : memref<655360x128xf32, #tpu.memory_space<hbm>> -> memref<128x128xf32, #tpu.memory_space<hbm>>
          tpu.wait_dma2 semaphore(%run_scoped3A_81 : memref<!tpu.dma_semaphore, #tpu.memory_space<semaphore_mem>>) src(%arg12 : memref<128x128xf32, #tpu.memory_space<vmem>>) dst(%dma_wait3A_89 : memref<128x128xf32, #tpu.memory_space<hbm>>)
          tpu.yield
        }) : () -> ()
      } else {
      }
    }
    %scan3A_33 = arith.constant 27 : i32
    return
  }
}

#map = affine_map<(d0, d1) -> (0, 0)>
#map1 = affine_map<(d0, d1) -> (0, 0, 0, 0)>
module attributes {stable_mosaic.version = 14 : i64} {
  func.func @_sc_gather(%arg0: i32, %arg1: i32, %arg2: memref<20000x128xf32, #tpu.memory_space<hbm>>, %arg3: memref<2x2x1280x128xi32, #tpu.memory_space<hbm>>, %arg4: memref<655360x128xf32, #tpu.memory_space<hbm>>, %arg5: memref<80x128xi32, #tpu.memory_space<vmem>>, %arg6: memref<80x128xi32, #tpu.memory_space<vmem>>, %arg7: memref<128x128xf32, #tpu.memory_space<vmem>>, %arg8: memref<128x128xf32, #tpu.memory_space<vmem>>, %arg9: memref<128x128xf32, #tpu.memory_space<vmem>>, %arg10: memref<128x128xf32, #tpu.memory_space<vmem>>, %arg11: memref<128x128xf32, #tpu.memory_space<vmem>>, %arg12: memref<128x128xf32, #tpu.memory_space<vmem>>, %arg13: memref<!tpu.dma_semaphore, #tpu.memory_space<semaphore_mem>>, %arg14: memref<!tpu.dma_semaphore, #tpu.memory_space<semaphore_mem>>, %arg15: memref<!tpu.dma_semaphore, #tpu.memory_space<semaphore_mem>>) attributes {dimension_semantics = [#tpu.dimension_semantics<core_parallel>, #tpu.dimension_semantics<subcore_parallel>], iteration_bounds = array<i64: 2, 16>, scalar_prefetch = 0 : i64, scratch_operands = 11 : i64, tpu.core_type = #tpu.core_type<sc_vector_subcore>, window_params = [{transform_indices = #map}, {transform_indices = #map1}, {transform_indices = #map}]} {
    %mul3A = arith.constant 80 : i32
    %mul3A_0 = arith.muli %arg1, %mul3A : i32
    %multiple_of3A = tpu.assume_multiple %mul3A_0, 8 : i32
    %run_scoped3A = arith.constant 0 : i32
    "tpu.region"() ({
      %run_scoped3A_34 = tpu.sem_alloc : memref<!tpu.dma_semaphore, #tpu.memory_space<semaphore_mem>>
      %dma_start3A_35 = arith.constant 0 : i32
      %dma_start3A_36 = tpu.memref_slice %arg3[%run_scoped3A, %arg0, %multiple_of3A, %dma_start3A_35] : memref<2x2x1280x128xi32, #tpu.memory_space<hbm>> -> memref<1x1x80x128xi32, #tpu.memory_space<hbm>>
      %dma_start3A_37 = tpu.memref_squeeze %dma_start3A_36 : memref<1x1x80x128xi32, #tpu.memory_space<hbm>> -> memref<80x128xi32, #tpu.memory_space<hbm>>
      %dma_start3A_38 = arith.constant 0 : i32
      %dma_start3A_39 = tpu.memref_slice %arg3[%run_scoped3A, %arg0, %multiple_of3A, %dma_start3A_38] : memref<2x2x1280x128xi32, #tpu.memory_space<hbm>> -> memref<1x1x80x128xi32, #tpu.memory_space<hbm>>
      %dma_start3A_40 = tpu.memref_squeeze %dma_start3A_39 : memref<1x1x80x128xi32, #tpu.memory_space<hbm>> -> memref<80x128xi32, #tpu.memory_space<hbm>>
      tpu.enqueue_dma source(%dma_start3A_40 : memref<80x128xi32, #tpu.memory_space<hbm>>) target(%arg5 : memref<80x128xi32, #tpu.memory_space<vmem>>) target_semaphore(%run_scoped3A_34 : memref<!tpu.dma_semaphore, #tpu.memory_space<semaphore_mem>>)
      %dma_wait3A = arith.constant 0 : i32
      %dma_wait3A_41 = tpu.memref_slice %arg3[%run_scoped3A, %arg0, %multiple_of3A, %dma_wait3A] : memref<2x2x1280x128xi32, #tpu.memory_space<hbm>> -> memref<1x1x80x128xi32, #tpu.memory_space<hbm>>
      %dma_wait3A_42 = tpu.memref_squeeze %dma_wait3A_41 : memref<1x1x80x128xi32, #tpu.memory_space<hbm>> -> memref<80x128xi32, #tpu.memory_space<hbm>>
      %dma_wait3A_43 = arith.constant 0 : i32
      %dma_wait3A_44 = tpu.memref_slice %arg3[%run_scoped3A, %arg0, %multiple_of3A, %dma_wait3A_43] : memref<2x2x1280x128xi32, #tpu.memory_space<hbm>> -> memref<1x1x80x128xi32, #tpu.memory_space<hbm>>
      %dma_wait3A_45 = tpu.memref_squeeze %dma_wait3A_44 : memref<1x1x80x128xi32, #tpu.memory_space<hbm>> -> memref<80x128xi32, #tpu.memory_space<hbm>>
      tpu.wait_dma2 semaphore(%run_scoped3A_34 : memref<!tpu.dma_semaphore, #tpu.memory_space<semaphore_mem>>) src(%dma_wait3A_45 : memref<80x128xi32, #tpu.memory_space<hbm>>) dst(%arg5 : memref<80x128xi32, #tpu.memory_space<vmem>>)
      tpu.yield
    }) : () -> ()
    %run_scoped3A_1 = arith.constant 1 : i32
    "tpu.region"() ({
      %run_scoped3A_34 = tpu.sem_alloc : memref<!tpu.dma_semaphore, #tpu.memory_space<semaphore_mem>>
      %dma_start3A_35 = arith.constant 0 : i32
      %dma_start3A_36 = tpu.memref_slice %arg3[%run_scoped3A_1, %arg0, %multiple_of3A, %dma_start3A_35] : memref<2x2x1280x128xi32, #tpu.memory_space<hbm>> -> memref<1x1x80x128xi32, #tpu.memory_space<hbm>>
      %dma_start3A_37 = tpu.memref_squeeze %dma_start3A_36 : memref<1x1x80x128xi32, #tpu.memory_space<hbm>> -> memref<80x128xi32, #tpu.memory_space<hbm>>
      %dma_start3A_38 = arith.constant 0 : i32
      %dma_start3A_39 = tpu.memref_slice %arg3[%run_scoped3A_1, %arg0, %multiple_of3A, %dma_start3A_38] : memref<2x2x1280x128xi32, #tpu.memory_space<hbm>> -> memref<1x1x80x128xi32, #tpu.memory_space<hbm>>
      %dma_start3A_40 = tpu.memref_squeeze %dma_start3A_39 : memref<1x1x80x128xi32, #tpu.memory_space<hbm>> -> memref<80x128xi32, #tpu.memory_space<hbm>>
      tpu.enqueue_dma source(%dma_start3A_40 : memref<80x128xi32, #tpu.memory_space<hbm>>) target(%arg6 : memref<80x128xi32, #tpu.memory_space<vmem>>) target_semaphore(%run_scoped3A_34 : memref<!tpu.dma_semaphore, #tpu.memory_space<semaphore_mem>>)
      %dma_wait3A = arith.constant 0 : i32
      %dma_wait3A_41 = tpu.memref_slice %arg3[%run_scoped3A_1, %arg0, %multiple_of3A, %dma_wait3A] : memref<2x2x1280x128xi32, #tpu.memory_space<hbm>> -> memref<1x1x80x128xi32, #tpu.memory_space<hbm>>
      %dma_wait3A_42 = tpu.memref_squeeze %dma_wait3A_41 : memref<1x1x80x128xi32, #tpu.memory_space<hbm>> -> memref<80x128xi32, #tpu.memory_space<hbm>>
      %dma_wait3A_43 = arith.constant 0 : i32
      %dma_wait3A_44 = tpu.memref_slice %arg3[%run_scoped3A_1, %arg0, %multiple_of3A, %dma_wait3A_43] : memref<2x2x1280x128xi32, #tpu.memory_space<hbm>> -> memref<1x1x80x128xi32, #tpu.memory_space<hbm>>
      %dma_wait3A_45 = tpu.memref_squeeze %dma_wait3A_44 : memref<1x1x80x128xi32, #tpu.memory_space<hbm>> -> memref<80x128xi32, #tpu.memory_space<hbm>>
      tpu.wait_dma2 semaphore(%run_scoped3A_34 : memref<!tpu.dma_semaphore, #tpu.memory_space<semaphore_mem>>) src(%dma_wait3A_45 : memref<80x128xi32, #tpu.memory_space<hbm>>) dst(%arg6 : memref<80x128xi32, #tpu.memory_space<vmem>>)
      tpu.yield
    }) : () -> ()
    %dma_start3A = arith.constant 0 : i32
    %dma_start3A_2 = arith.constant 0 : i32
    %dma_start3A_3 = tpu.memref_slice %arg5[%dma_start3A, %dma_start3A_2] : memref<80x128xi32, #tpu.memory_space<vmem>> -> memref<1x128xi32, #tpu.memory_space<vmem>>
    %dma_start3A_4 = tpu.memref_squeeze %dma_start3A_3 : memref<1x128xi32, #tpu.memory_space<vmem>> -> memref<128xi32, #tpu.memory_space<vmem>>
    %dma_start3A_5 = arith.constant 0 : i32
    %dma_start3A_6 = arith.constant 0 : i32
    %dma_start3A_7 = tpu.memref_slice %arg2[%dma_start3A_5, %dma_start3A_6] : memref<20000x128xf32, #tpu.memory_space<hbm>> -> memref<20000x128xf32, #tpu.memory_space<hbm>>
    tpu.enqueue_indirect_dma source(%dma_start3A_7 : memref<20000x128xf32, #tpu.memory_space<hbm>>) target(%arg7 : memref<128x128xf32, #tpu.memory_space<vmem>>) offsets(%dma_start3A_4 : memref<128xi32, #tpu.memory_space<vmem>>) semaphore(%arg13 : memref<!tpu.dma_semaphore, #tpu.memory_space<semaphore_mem>>)
    %dma_start3A_8 = arith.constant 0 : i32
    %dma_start3A_9 = arith.constant 0 : i32
    %dma_start3A_10 = tpu.memref_slice %arg6[%dma_start3A_8, %dma_start3A_9] : memref<80x128xi32, #tpu.memory_space<vmem>> -> memref<1x128xi32, #tpu.memory_space<vmem>>
    %dma_start3A_11 = tpu.memref_squeeze %dma_start3A_10 : memref<1x128xi32, #tpu.memory_space<vmem>> -> memref<128xi32, #tpu.memory_space<vmem>>
    %dma_start3A_12 = arith.constant 0 : i32
    %dma_start3A_13 = arith.constant 0 : i32
    %dma_start3A_14 = tpu.memref_slice %arg2[%dma_start3A_12, %dma_start3A_13] : memref<20000x128xf32, #tpu.memory_space<hbm>> -> memref<20000x128xf32, #tpu.memory_space<hbm>>
    tpu.enqueue_indirect_dma source(%dma_start3A_14 : memref<20000x128xf32, #tpu.memory_space<hbm>>) target(%arg8 : memref<128x128xf32, #tpu.memory_space<vmem>>) offsets(%dma_start3A_11 : memref<128xi32, #tpu.memory_space<vmem>>) semaphore(%arg13 : memref<!tpu.dma_semaphore, #tpu.memory_space<semaphore_mem>>)
    %dma_start3A_15 = arith.constant 1 : i32
    %dma_start3A_16 = arith.constant 0 : i32
    %dma_start3A_17 = tpu.memref_slice %arg5[%dma_start3A_15, %dma_start3A_16] : memref<80x128xi32, #tpu.memory_space<vmem>> -> memref<1x128xi32, #tpu.memory_space<vmem>>
    %dma_start3A_18 = tpu.memref_squeeze %dma_start3A_17 : memref<1x128xi32, #tpu.memory_space<vmem>> -> memref<128xi32, #tpu.memory_space<vmem>>
    %dma_start3A_19 = arith.constant 0 : i32
    %dma_start3A_20 = arith.constant 0 : i32
    %dma_start3A_21 = tpu.memref_slice %arg2[%dma_start3A_19, %dma_start3A_20] : memref<20000x128xf32, #tpu.memory_space<hbm>> -> memref<20000x128xf32, #tpu.memory_space<hbm>>
    tpu.enqueue_indirect_dma source(%dma_start3A_21 : memref<20000x128xf32, #tpu.memory_space<hbm>>) target(%arg9 : memref<128x128xf32, #tpu.memory_space<vmem>>) offsets(%dma_start3A_18 : memref<128xi32, #tpu.memory_space<vmem>>) semaphore(%arg14 : memref<!tpu.dma_semaphore, #tpu.memory_space<semaphore_mem>>)
    %dma_start3A_22 = arith.constant 1 : i32
    %dma_start3A_23 = arith.constant 0 : i32
    %dma_start3A_24 = tpu.memref_slice %arg6[%dma_start3A_22, %dma_start3A_23] : memref<80x128xi32, #tpu.memory_space<vmem>> -> memref<1x128xi32, #tpu.memory_space<vmem>>
    %dma_start3A_25 = tpu.memref_squeeze %dma_start3A_24 : memref<1x128xi32, #tpu.memory_space<vmem>> -> memref<128xi32, #tpu.memory_space<vmem>>
    %dma_start3A_26 = arith.constant 0 : i32
    %dma_start3A_27 = arith.constant 0 : i32
    %dma_start3A_28 = tpu.memref_slice %arg2[%dma_start3A_26, %dma_start3A_27] : memref<20000x128xf32, #tpu.memory_space<hbm>> -> memref<20000x128xf32, #tpu.memory_space<hbm>>
    tpu.enqueue_indirect_dma source(%dma_start3A_28 : memref<20000x128xf32, #tpu.memory_space<hbm>>) target(%arg10 : memref<128x128xf32, #tpu.memory_space<vmem>>) offsets(%dma_start3A_25 : memref<128xi32, #tpu.memory_space<vmem>>) semaphore(%arg14 : memref<!tpu.dma_semaphore, #tpu.memory_space<semaphore_mem>>)
    %scan3A = arith.constant 0 : i32
    %scan3A_29 = arith.constant 0 : i32
    %scan3A_30 = arith.constant 27 : i32
    %scan3A_31 = arith.addi %scan3A_29, %scan3A_30 : i32
    %scan3A_32 = arith.constant 1 : i32
    scf.for %scan3A_34 = %scan3A_29 to %scan3A_31 step %scan3A_32  : i32 {
      %mul3A_35 = arith.constant 3 : i32
      %mul3A_36 = arith.muli %mul3A_35, %scan3A_34 : i32
      %lt3A = arith.constant 80 : i32
      %lt3A_37 = arith.cmpi slt, %mul3A_36, %lt3A : i32
      %convert_element_type3A = arith.extui %lt3A_37 : i1 to i32
      %cond3A = arith.constant 0 : i32
      %cond3A_38 = arith.cmpi ne, %convert_element_type3A, %cond3A : i32
      scf.if %cond3A_38 {
        %dma_wait3A = arith.constant 0 : i32
        %dma_wait3A_52 = tpu.memref_slice %arg5[%mul3A_36, %dma_wait3A] : memref<80x128xi32, #tpu.memory_space<vmem>> -> memref<1x128xi32, #tpu.memory_space<vmem>>
        %dma_wait3A_53 = tpu.memref_squeeze %dma_wait3A_52 : memref<1x128xi32, #tpu.memory_space<vmem>> -> memref<128xi32, #tpu.memory_space<vmem>>
        %dma_wait3A_54 = arith.constant 0 : i32
        %dma_wait3A_55 = arith.constant 0 : i32
        %dma_wait3A_56 = tpu.memref_slice %arg2[%dma_wait3A_54, %dma_wait3A_55] : memref<20000x128xf32, #tpu.memory_space<hbm>> -> memref<20000x128xf32, #tpu.memory_space<hbm>>
        tpu.wait_indirect_dma semaphore(%arg13 : memref<!tpu.dma_semaphore, #tpu.memory_space<semaphore_mem>>) src(%dma_wait3A_56 : memref<20000x128xf32, #tpu.memory_space<hbm>>) dst(%arg7 : memref<128x128xf32, #tpu.memory_space<vmem>>)
        %dma_wait3A_57 = arith.constant 0 : i32
        %dma_wait3A_58 = tpu.memref_slice %arg6[%mul3A_36, %dma_wait3A_57] : memref<80x128xi32, #tpu.memory_space<vmem>> -> memref<1x128xi32, #tpu.memory_space<vmem>>
        %dma_wait3A_59 = tpu.memref_squeeze %dma_wait3A_58 : memref<1x128xi32, #tpu.memory_space<vmem>> -> memref<128xi32, #tpu.memory_space<vmem>>
        %dma_wait3A_60 = arith.constant 0 : i32
        %dma_wait3A_61 = arith.constant 0 : i32
        %dma_wait3A_62 = tpu.memref_slice %arg2[%dma_wait3A_60, %dma_wait3A_61] : memref<20000x128xf32, #tpu.memory_space<hbm>> -> memref<20000x128xf32, #tpu.memory_space<hbm>>
        tpu.wait_indirect_dma semaphore(%arg13 : memref<!tpu.dma_semaphore, #tpu.memory_space<semaphore_mem>>) src(%dma_wait3A_62 : memref<20000x128xf32, #tpu.memory_space<hbm>>) dst(%arg8 : memref<128x128xf32, #tpu.memory_space<vmem>>)
        %add3A_63 = arith.constant 2 : i32
        %add3A_64 = arith.addi %mul3A_36, %add3A_63 : i32
        %lt3A_65 = arith.constant 80 : i32
        %lt3A_66 = arith.cmpi slt, %add3A_64, %lt3A_65 : i32
        %convert_element_type3A_67 = arith.extui %lt3A_66 : i1 to i32
        %cond3A_68 = arith.constant 0 : i32
        %cond3A_69 = arith.cmpi ne, %convert_element_type3A_67, %cond3A_68 : i32
        scf.if %cond3A_69 {
          %add3A_81 = arith.constant 2 : i32
          %add3A_82 = arith.addi %mul3A_36, %add3A_81 : i32
          %dma_start3A_83 = arith.constant 0 : i32
          %dma_start3A_84 = tpu.memref_slice %arg5[%add3A_82, %dma_start3A_83] : memref<80x128xi32, #tpu.memory_space<vmem>> -> memref<1x128xi32, #tpu.memory_space<vmem>>
          %dma_start3A_85 = tpu.memref_squeeze %dma_start3A_84 : memref<1x128xi32, #tpu.memory_space<vmem>> -> memref<128xi32, #tpu.memory_space<vmem>>
          %dma_start3A_86 = arith.constant 0 : i32
          %dma_start3A_87 = arith.constant 0 : i32
          %dma_start3A_88 = tpu.memref_slice %arg2[%dma_start3A_86, %dma_start3A_87] : memref<20000x128xf32, #tpu.memory_space<hbm>> -> memref<20000x128xf32, #tpu.memory_space<hbm>>
          tpu.enqueue_indirect_dma source(%dma_start3A_88 : memref<20000x128xf32, #tpu.memory_space<hbm>>) target(%arg11 : memref<128x128xf32, #tpu.memory_space<vmem>>) offsets(%dma_start3A_85 : memref<128xi32, #tpu.memory_space<vmem>>) semaphore(%arg15 : memref<!tpu.dma_semaphore, #tpu.memory_space<semaphore_mem>>)
          %dma_start3A_89 = arith.constant 0 : i32
          %dma_start3A_90 = tpu.memref_slice %arg6[%add3A_82, %dma_start3A_89] : memref<80x128xi32, #tpu.memory_space<vmem>> -> memref<1x128xi32, #tpu.memory_space<vmem>>
          %dma_start3A_91 = tpu.memref_squeeze %dma_start3A_90 : memref<1x128xi32, #tpu.memory_space<vmem>> -> memref<128xi32, #tpu.memory_space<vmem>>
          %dma_start3A_92 = arith.constant 0 : i32
          %dma_start3A_93 = arith.constant 0 : i32
          %dma_start3A_94 = tpu.memref_slice %arg2[%dma_start3A_92, %dma_start3A_93] : memref<20000x128xf32, #tpu.memory_space<hbm>> -> memref<20000x128xf32, #tpu.memory_space<hbm>>
          tpu.enqueue_indirect_dma source(%dma_start3A_94 : memref<20000x128xf32, #tpu.memory_space<hbm>>) target(%arg12 : memref<128x128xf32, #tpu.memory_space<vmem>>) offsets(%dma_start3A_91 : memref<128xi32, #tpu.memory_space<vmem>>) semaphore(%arg15 : memref<!tpu.dma_semaphore, #tpu.memory_space<semaphore_mem>>)
        } else {
        }
        %mul3A_70 = arith.constant 2 : i32
        %mul3A_71 = arith.muli %arg0, %mul3A_70 : i32
        %mul3A_72 = arith.constant 163840 : i32
        %mul3A_73 = arith.muli %mul3A_71, %mul3A_72 : i32
        %add3A_74 = arith.addi %multiple_of3A, %mul3A_36 : i32
        %mul3A_75 = arith.constant 128 : i32
        %mul3A_76 = arith.muli %add3A_74, %mul3A_75 : i32
        %add3A_77 = arith.addi %mul3A_73, %mul3A_76 : i32
        %multiple_of3A_78 = tpu.assume_multiple %add3A_77, 8 : i32
        "tpu.region"() ({
          %run_scoped3A_81 = tpu.sem_alloc : memref<!tpu.dma_semaphore, #tpu.memory_space<semaphore_mem>>
          %dma_start3A_82 = arith.constant 0 : i32
          %dma_start3A_83 = tpu.memref_slice %arg4[%multiple_of3A_78, %dma_start3A_82] : memref<655360x128xf32, #tpu.memory_space<hbm>> -> memref<128x128xf32, #tpu.memory_space<hbm>>
          %dma_start3A_84 = arith.constant 0 : i32
          %dma_start3A_85 = tpu.memref_slice %arg4[%multiple_of3A_78, %dma_start3A_84] : memref<655360x128xf32, #tpu.memory_space<hbm>> -> memref<128x128xf32, #tpu.memory_space<hbm>>
          tpu.enqueue_dma source(%arg7 : memref<128x128xf32, #tpu.memory_space<vmem>>) target(%dma_start3A_85 : memref<128x128xf32, #tpu.memory_space<hbm>>) target_semaphore(%run_scoped3A_81 : memref<!tpu.dma_semaphore, #tpu.memory_space<semaphore_mem>>)
          %dma_wait3A_86 = arith.constant 0 : i32
          %dma_wait3A_87 = tpu.memref_slice %arg4[%multiple_of3A_78, %dma_wait3A_86] : memref<655360x128xf32, #tpu.memory_space<hbm>> -> memref<128x128xf32, #tpu.memory_space<hbm>>
          %dma_wait3A_88 = arith.constant 0 : i32
          %dma_wait3A_89 = tpu.memref_slice %arg4[%multiple_of3A_78, %dma_wait3A_88] : memref<655360x128xf32, #tpu.memory_space<hbm>> -> memref<128x128xf32, #tpu.memory_space<hbm>>
          tpu.wait_dma2 semaphore(%run_scoped3A_81 : memref<!tpu.dma_semaphore, #tpu.memory_space<semaphore_mem>>) src(%arg7 : memref<128x128xf32, #tpu.memory_space<vmem>>) dst(%dma_wait3A_89 : memref<128x128xf32, #tpu.memory_space<hbm>>)
          tpu.yield
        }) : () -> ()
        %add3A_79 = arith.constant 163840 : i32
        %add3A_80 = arith.addi %add3A_79, %multiple_of3A_78 : i32
        "tpu.region"() ({
          %run_scoped3A_81 = tpu.sem_alloc : memref<!tpu.dma_semaphore, #tpu.memory_space<semaphore_mem>>
          %dma_start3A_82 = arith.constant 0 : i32
          %dma_start3A_83 = tpu.memref_slice %arg4[%add3A_80, %dma_start3A_82] : memref<655360x128xf32, #tpu.memory_space<hbm>> -> memref<128x128xf32, #tpu.memory_space<hbm>>
          %dma_start3A_84 = arith.constant 0 : i32
          %dma_start3A_85 = tpu.memref_slice %arg4[%add3A_80, %dma_start3A_84] : memref<655360x128xf32, #tpu.memory_space<hbm>> -> memref<128x128xf32, #tpu.memory_space<hbm>>
          tpu.enqueue_dma source(%arg8 : memref<128x128xf32, #tpu.memory_space<vmem>>) target(%dma_start3A_85 : memref<128x128xf32, #tpu.memory_space<hbm>>) target_semaphore(%run_scoped3A_81 : memref<!tpu.dma_semaphore, #tpu.memory_space<semaphore_mem>>)
          %dma_wait3A_86 = arith.constant 0 : i32
          %dma_wait3A_87 = tpu.memref_slice %arg4[%add3A_80, %dma_wait3A_86] : memref<655360x128xf32, #tpu.memory_space<hbm>> -> memref<128x128xf32, #tpu.memory_space<hbm>>
          %dma_wait3A_88 = arith.constant 0 : i32
          %dma_wait3A_89 = tpu.memref_slice %arg4[%add3A_80, %dma_wait3A_88] : memref<655360x128xf32, #tpu.memory_space<hbm>> -> memref<128x128xf32, #tpu.memory_space<hbm>>
          tpu.wait_dma2 semaphore(%run_scoped3A_81 : memref<!tpu.dma_semaphore, #tpu.memory_space<semaphore_mem>>) src(%arg8 : memref<128x128xf32, #tpu.memory_space<vmem>>) dst(%dma_wait3A_89 : memref<128x128xf32, #tpu.memory_space<hbm>>)
          tpu.yield
        }) : () -> ()
      } else {
      }
      %add3A = arith.constant 1 : i32
      %add3A_39 = arith.addi %mul3A_36, %add3A : i32
      %lt3A_40 = arith.constant 80 : i32
      %lt3A_41 = arith.cmpi slt, %add3A_39, %lt3A_40 : i32
      %convert_element_type3A_42 = arith.extui %lt3A_41 : i1 to i32
      %cond3A_43 = arith.constant 0 : i32
      %cond3A_44 = arith.cmpi ne, %convert_element_type3A_42, %cond3A_43 : i32
      scf.if %cond3A_44 {
        %dma_wait3A = arith.constant 0 : i32
        %dma_wait3A_52 = tpu.memref_slice %arg5[%add3A_39, %dma_wait3A] : memref<80x128xi32, #tpu.memory_space<vmem>> -> memref<1x128xi32, #tpu.memory_space<vmem>>
        %dma_wait3A_53 = tpu.memref_squeeze %dma_wait3A_52 : memref<1x128xi32, #tpu.memory_space<vmem>> -> memref<128xi32, #tpu.memory_space<vmem>>
        %dma_wait3A_54 = arith.constant 0 : i32
        %dma_wait3A_55 = arith.constant 0 : i32
        %dma_wait3A_56 = tpu.memref_slice %arg2[%dma_wait3A_54, %dma_wait3A_55] : memref<20000x128xf32, #tpu.memory_space<hbm>> -> memref<20000x128xf32, #tpu.memory_space<hbm>>
        tpu.wait_indirect_dma semaphore(%arg14 : memref<!tpu.dma_semaphore, #tpu.memory_space<semaphore_mem>>) src(%dma_wait3A_56 : memref<20000x128xf32, #tpu.memory_space<hbm>>) dst(%arg9 : memref<128x128xf32, #tpu.memory_space<vmem>>)
        %dma_wait3A_57 = arith.constant 0 : i32
        %dma_wait3A_58 = tpu.memref_slice %arg6[%add3A_39, %dma_wait3A_57] : memref<80x128xi32, #tpu.memory_space<vmem>> -> memref<1x128xi32, #tpu.memory_space<vmem>>
        %dma_wait3A_59 = tpu.memref_squeeze %dma_wait3A_58 : memref<1x128xi32, #tpu.memory_space<vmem>> -> memref<128xi32, #tpu.memory_space<vmem>>
        %dma_wait3A_60 = arith.constant 0 : i32
        %dma_wait3A_61 = arith.constant 0 : i32
        %dma_wait3A_62 = tpu.memref_slice %arg2[%dma_wait3A_60, %dma_wait3A_61] : memref<20000x128xf32, #tpu.memory_space<hbm>> -> memref<20000x128xf32, #tpu.memory_space<hbm>>
        tpu.wait_indirect_dma semaphore(%arg14 : memref<!tpu.dma_semaphore, #tpu.memory_space<semaphore_mem>>) src(%dma_wait3A_62 : memref<20000x128xf32, #tpu.memory_space<hbm>>) dst(%arg10 : memref<128x128xf32, #tpu.memory_space<vmem>>)
        %add3A_63 = arith.constant 2 : i32
        %add3A_64 = arith.addi %add3A_39, %add3A_63 : i32
        %lt3A_65 = arith.constant 80 : i32
        %lt3A_66 = arith.cmpi slt, %add3A_64, %lt3A_65 : i32
        %convert_element_type3A_67 = arith.extui %lt3A_66 : i1 to i32
        %cond3A_68 = arith.constant 0 : i32
        %cond3A_69 = arith.cmpi ne, %convert_element_type3A_67, %cond3A_68 : i32
        scf.if %cond3A_69 {
          %add3A_81 = arith.constant 2 : i32
          %add3A_82 = arith.addi %add3A_39, %add3A_81 : i32
          %dma_start3A_83 = arith.constant 0 : i32
          %dma_start3A_84 = tpu.memref_slice %arg5[%add3A_82, %dma_start3A_83] : memref<80x128xi32, #tpu.memory_space<vmem>> -> memref<1x128xi32, #tpu.memory_space<vmem>>
          %dma_start3A_85 = tpu.memref_squeeze %dma_start3A_84 : memref<1x128xi32, #tpu.memory_space<vmem>> -> memref<128xi32, #tpu.memory_space<vmem>>
          %dma_start3A_86 = arith.constant 0 : i32
          %dma_start3A_87 = arith.constant 0 : i32
          %dma_start3A_88 = tpu.memref_slice %arg2[%dma_start3A_86, %dma_start3A_87] : memref<20000x128xf32, #tpu.memory_space<hbm>> -> memref<20000x128xf32, #tpu.memory_space<hbm>>
          tpu.enqueue_indirect_dma source(%dma_start3A_88 : memref<20000x128xf32, #tpu.memory_space<hbm>>) target(%arg7 : memref<128x128xf32, #tpu.memory_space<vmem>>) offsets(%dma_start3A_85 : memref<128xi32, #tpu.memory_space<vmem>>) semaphore(%arg13 : memref<!tpu.dma_semaphore, #tpu.memory_space<semaphore_mem>>)
          %dma_start3A_89 = arith.constant 0 : i32
          %dma_start3A_90 = tpu.memref_slice %arg6[%add3A_82, %dma_start3A_89] : memref<80x128xi32, #tpu.memory_space<vmem>> -> memref<1x128xi32, #tpu.memory_space<vmem>>
          %dma_start3A_91 = tpu.memref_squeeze %dma_start3A_90 : memref<1x128xi32, #tpu.memory_space<vmem>> -> memref<128xi32, #tpu.memory_space<vmem>>
          %dma_start3A_92 = arith.constant 0 : i32
          %dma_start3A_93 = arith.constant 0 : i32
          %dma_start3A_94 = tpu.memref_slice %arg2[%dma_start3A_92, %dma_start3A_93] : memref<20000x128xf32, #tpu.memory_space<hbm>> -> memref<20000x128xf32, #tpu.memory_space<hbm>>
          tpu.enqueue_indirect_dma source(%dma_start3A_94 : memref<20000x128xf32, #tpu.memory_space<hbm>>) target(%arg8 : memref<128x128xf32, #tpu.memory_space<vmem>>) offsets(%dma_start3A_91 : memref<128xi32, #tpu.memory_space<vmem>>) semaphore(%arg13 : memref<!tpu.dma_semaphore, #tpu.memory_space<semaphore_mem>>)
        } else {
        }
        %mul3A_70 = arith.constant 2 : i32
        %mul3A_71 = arith.muli %arg0, %mul3A_70 : i32
        %mul3A_72 = arith.constant 163840 : i32
        %mul3A_73 = arith.muli %mul3A_71, %mul3A_72 : i32
        %add3A_74 = arith.addi %multiple_of3A, %add3A_39 : i32
        %mul3A_75 = arith.constant 128 : i32
        %mul3A_76 = arith.muli %add3A_74, %mul3A_75 : i32
        %add3A_77 = arith.addi %mul3A_73, %mul3A_76 : i32
        %multiple_of3A_78 = tpu.assume_multiple %add3A_77, 8 : i32
        "tpu.region"() ({
          %run_scoped3A_81 = tpu.sem_alloc : memref<!tpu.dma_semaphore, #tpu.memory_space<semaphore_mem>>
          %dma_start3A_82 = arith.constant 0 : i32
          %dma_start3A_83 = tpu.memref_slice %arg4[%multiple_of3A_78, %dma_start3A_82] : memref<655360x128xf32, #tpu.memory_space<hbm>> -> memref<128x128xf32, #tpu.memory_space<hbm>>
          %dma_start3A_84 = arith.constant 0 : i32
          %dma_start3A_85 = tpu.memref_slice %arg4[%multiple_of3A_78, %dma_start3A_84] : memref<655360x128xf32, #tpu.memory_space<hbm>> -> memref<128x128xf32, #tpu.memory_space<hbm>>
          tpu.enqueue_dma source(%arg9 : memref<128x128xf32, #tpu.memory_space<vmem>>) target(%dma_start3A_85 : memref<128x128xf32, #tpu.memory_space<hbm>>) target_semaphore(%run_scoped3A_81 : memref<!tpu.dma_semaphore, #tpu.memory_space<semaphore_mem>>)
          %dma_wait3A_86 = arith.constant 0 : i32
          %dma_wait3A_87 = tpu.memref_slice %arg4[%multiple_of3A_78, %dma_wait3A_86] : memref<655360x128xf32, #tpu.memory_space<hbm>> -> memref<128x128xf32, #tpu.memory_space<hbm>>
          %dma_wait3A_88 = arith.constant 0 : i32
          %dma_wait3A_89 = tpu.memref_slice %arg4[%multiple_of3A_78, %dma_wait3A_88] : memref<655360x128xf32, #tpu.memory_space<hbm>> -> memref<128x128xf32, #tpu.memory_space<hbm>>
          tpu.wait_dma2 semaphore(%run_scoped3A_81 : memref<!tpu.dma_semaphore, #tpu.memory_space<semaphore_mem>>) src(%arg9 : memref<128x128xf32, #tpu.memory_space<vmem>>) dst(%dma_wait3A_89 : memref<128x128xf32, #tpu.memory_space<hbm>>)
          tpu.yield
        }) : () -> ()
        %add3A_79 = arith.constant 163840 : i32
        %add3A_80 = arith.addi %add3A_79, %multiple_of3A_78 : i32
        "tpu.region"() ({
          %run_scoped3A_81 = tpu.sem_alloc : memref<!tpu.dma_semaphore, #tpu.memory_space<semaphore_mem>>
          %dma_start3A_82 = arith.constant 0 : i32
          %dma_start3A_83 = tpu.memref_slice %arg4[%add3A_80, %dma_start3A_82] : memref<655360x128xf32, #tpu.memory_space<hbm>> -> memref<128x128xf32, #tpu.memory_space<hbm>>
          %dma_start3A_84 = arith.constant 0 : i32
          %dma_start3A_85 = tpu.memref_slice %arg4[%add3A_80, %dma_start3A_84] : memref<655360x128xf32, #tpu.memory_space<hbm>> -> memref<128x128xf32, #tpu.memory_space<hbm>>
          tpu.enqueue_dma source(%arg10 : memref<128x128xf32, #tpu.memory_space<vmem>>) target(%dma_start3A_85 : memref<128x128xf32, #tpu.memory_space<hbm>>) target_semaphore(%run_scoped3A_81 : memref<!tpu.dma_semaphore, #tpu.memory_space<semaphore_mem>>)
          %dma_wait3A_86 = arith.constant 0 : i32
          %dma_wait3A_87 = tpu.memref_slice %arg4[%add3A_80, %dma_wait3A_86] : memref<655360x128xf32, #tpu.memory_space<hbm>> -> memref<128x128xf32, #tpu.memory_space<hbm>>
          %dma_wait3A_88 = arith.constant 0 : i32
          %dma_wait3A_89 = tpu.memref_slice %arg4[%add3A_80, %dma_wait3A_88] : memref<655360x128xf32, #tpu.memory_space<hbm>> -> memref<128x128xf32, #tpu.memory_space<hbm>>
          tpu.wait_dma2 semaphore(%run_scoped3A_81 : memref<!tpu.dma_semaphore, #tpu.memory_space<semaphore_mem>>) src(%arg10 : memref<128x128xf32, #tpu.memory_space<vmem>>) dst(%dma_wait3A_89 : memref<128x128xf32, #tpu.memory_space<hbm>>)
          tpu.yield
        }) : () -> ()
      } else {
      }
      %add3A_45 = arith.constant 2 : i32
      %add3A_46 = arith.addi %mul3A_36, %add3A_45 : i32
      %lt3A_47 = arith.constant 80 : i32
      %lt3A_48 = arith.cmpi slt, %add3A_46, %lt3A_47 : i32
      %convert_element_type3A_49 = arith.extui %lt3A_48 : i1 to i32
      %cond3A_50 = arith.constant 0 : i32
      %cond3A_51 = arith.cmpi ne, %convert_element_type3A_49, %cond3A_50 : i32
      scf.if %cond3A_51 {
        %dma_wait3A = arith.constant 0 : i32
        %dma_wait3A_52 = tpu.memref_slice %arg5[%add3A_46, %dma_wait3A] : memref<80x128xi32, #tpu.memory_space<vmem>> -> memref<1x128xi32, #tpu.memory_space<vmem>>
        %dma_wait3A_53 = tpu.memref_squeeze %dma_wait3A_52 : memref<1x128xi32, #tpu.memory_space<vmem>> -> memref<128xi32, #tpu.memory_space<vmem>>
        %dma_wait3A_54 = arith.constant 0 : i32
        %dma_wait3A_55 = arith.constant 0 : i32
        %dma_wait3A_56 = tpu.memref_slice %arg2[%dma_wait3A_54, %dma_wait3A_55] : memref<20000x128xf32, #tpu.memory_space<hbm>> -> memref<20000x128xf32, #tpu.memory_space<hbm>>
        tpu.wait_indirect_dma semaphore(%arg15 : memref<!tpu.dma_semaphore, #tpu.memory_space<semaphore_mem>>) src(%dma_wait3A_56 : memref<20000x128xf32, #tpu.memory_space<hbm>>) dst(%arg11 : memref<128x128xf32, #tpu.memory_space<vmem>>)
        %dma_wait3A_57 = arith.constant 0 : i32
        %dma_wait3A_58 = tpu.memref_slice %arg6[%add3A_46, %dma_wait3A_57] : memref<80x128xi32, #tpu.memory_space<vmem>> -> memref<1x128xi32, #tpu.memory_space<vmem>>
        %dma_wait3A_59 = tpu.memref_squeeze %dma_wait3A_58 : memref<1x128xi32, #tpu.memory_space<vmem>> -> memref<128xi32, #tpu.memory_space<vmem>>
        %dma_wait3A_60 = arith.constant 0 : i32
        %dma_wait3A_61 = arith.constant 0 : i32
        %dma_wait3A_62 = tpu.memref_slice %arg2[%dma_wait3A_60, %dma_wait3A_61] : memref<20000x128xf32, #tpu.memory_space<hbm>> -> memref<20000x128xf32, #tpu.memory_space<hbm>>
        tpu.wait_indirect_dma semaphore(%arg15 : memref<!tpu.dma_semaphore, #tpu.memory_space<semaphore_mem>>) src(%dma_wait3A_62 : memref<20000x128xf32, #tpu.memory_space<hbm>>) dst(%arg12 : memref<128x128xf32, #tpu.memory_space<vmem>>)
        %add3A_63 = arith.constant 2 : i32
        %add3A_64 = arith.addi %add3A_46, %add3A_63 : i32
        %lt3A_65 = arith.constant 80 : i32
        %lt3A_66 = arith.cmpi slt, %add3A_64, %lt3A_65 : i32
        %convert_element_type3A_67 = arith.extui %lt3A_66 : i1 to i32
        %cond3A_68 = arith.constant 0 : i32
        %cond3A_69 = arith.cmpi ne, %convert_element_type3A_67, %cond3A_68 : i32
        scf.if %cond3A_69 {
          %add3A_81 = arith.constant 2 : i32
          %add3A_82 = arith.addi %add3A_46, %add3A_81 : i32
          %dma_start3A_83 = arith.constant 0 : i32
          %dma_start3A_84 = tpu.memref_slice %arg5[%add3A_82, %dma_start3A_83] : memref<80x128xi32, #tpu.memory_space<vmem>> -> memref<1x128xi32, #tpu.memory_space<vmem>>
          %dma_start3A_85 = tpu.memref_squeeze %dma_start3A_84 : memref<1x128xi32, #tpu.memory_space<vmem>> -> memref<128xi32, #tpu.memory_space<vmem>>
          %dma_start3A_86 = arith.constant 0 : i32
          %dma_start3A_87 = arith.constant 0 : i32
          %dma_start3A_88 = tpu.memref_slice %arg2[%dma_start3A_86, %dma_start3A_87] : memref<20000x128xf32, #tpu.memory_space<hbm>> -> memref<20000x128xf32, #tpu.memory_space<hbm>>
          tpu.enqueue_indirect_dma source(%dma_start3A_88 : memref<20000x128xf32, #tpu.memory_space<hbm>>) target(%arg9 : memref<128x128xf32, #tpu.memory_space<vmem>>) offsets(%dma_start3A_85 : memref<128xi32, #tpu.memory_space<vmem>>) semaphore(%arg14 : memref<!tpu.dma_semaphore, #tpu.memory_space<semaphore_mem>>)
          %dma_start3A_89 = arith.constant 0 : i32
          %dma_start3A_90 = tpu.memref_slice %arg6[%add3A_82, %dma_start3A_89] : memref<80x128xi32, #tpu.memory_space<vmem>> -> memref<1x128xi32, #tpu.memory_space<vmem>>
          %dma_start3A_91 = tpu.memref_squeeze %dma_start3A_90 : memref<1x128xi32, #tpu.memory_space<vmem>> -> memref<128xi32, #tpu.memory_space<vmem>>
          %dma_start3A_92 = arith.constant 0 : i32
          %dma_start3A_93 = arith.constant 0 : i32
          %dma_start3A_94 = tpu.memref_slice %arg2[%dma_start3A_92, %dma_start3A_93] : memref<20000x128xf32, #tpu.memory_space<hbm>> -> memref<20000x128xf32, #tpu.memory_space<hbm>>
          tpu.enqueue_indirect_dma source(%dma_start3A_94 : memref<20000x128xf32, #tpu.memory_space<hbm>>) target(%arg10 : memref<128x128xf32, #tpu.memory_space<vmem>>) offsets(%dma_start3A_91 : memref<128xi32, #tpu.memory_space<vmem>>) semaphore(%arg14 : memref<!tpu.dma_semaphore, #tpu.memory_space<semaphore_mem>>)
        } else {
        }
        %mul3A_70 = arith.constant 2 : i32
        %mul3A_71 = arith.muli %arg0, %mul3A_70 : i32
        %mul3A_72 = arith.constant 163840 : i32
        %mul3A_73 = arith.muli %mul3A_71, %mul3A_72 : i32
        %add3A_74 = arith.addi %multiple_of3A, %add3A_46 : i32
        %mul3A_75 = arith.constant 128 : i32
        %mul3A_76 = arith.muli %add3A_74, %mul3A_75 : i32
        %add3A_77 = arith.addi %mul3A_73, %mul3A_76 : i32
        %multiple_of3A_78 = tpu.assume_multiple %add3A_77, 8 : i32
        "tpu.region"() ({
          %run_scoped3A_81 = tpu.sem_alloc : memref<!tpu.dma_semaphore, #tpu.memory_space<semaphore_mem>>
          %dma_start3A_82 = arith.constant 0 : i32
          %dma_start3A_83 = tpu.memref_slice %arg4[%multiple_of3A_78, %dma_start3A_82] : memref<655360x128xf32, #tpu.memory_space<hbm>> -> memref<128x128xf32, #tpu.memory_space<hbm>>
          %dma_start3A_84 = arith.constant 0 : i32
          %dma_start3A_85 = tpu.memref_slice %arg4[%multiple_of3A_78, %dma_start3A_84] : memref<655360x128xf32, #tpu.memory_space<hbm>> -> memref<128x128xf32, #tpu.memory_space<hbm>>
          tpu.enqueue_dma source(%arg11 : memref<128x128xf32, #tpu.memory_space<vmem>>) target(%dma_start3A_85 : memref<128x128xf32, #tpu.memory_space<hbm>>) target_semaphore(%run_scoped3A_81 : memref<!tpu.dma_semaphore, #tpu.memory_space<semaphore_mem>>)
          %dma_wait3A_86 = arith.constant 0 : i32
          %dma_wait3A_87 = tpu.memref_slice %arg4[%multiple_of3A_78, %dma_wait3A_86] : memref<655360x128xf32, #tpu.memory_space<hbm>> -> memref<128x128xf32, #tpu.memory_space<hbm>>
          %dma_wait3A_88 = arith.constant 0 : i32
          %dma_wait3A_89 = tpu.memref_slice %arg4[%multiple_of3A_78, %dma_wait3A_88] : memref<655360x128xf32, #tpu.memory_space<hbm>> -> memref<128x128xf32, #tpu.memory_space<hbm>>
          tpu.wait_dma2 semaphore(%run_scoped3A_81 : memref<!tpu.dma_semaphore, #tpu.memory_space<semaphore_mem>>) src(%arg11 : memref<128x128xf32, #tpu.memory_space<vmem>>) dst(%dma_wait3A_89 : memref<128x128xf32, #tpu.memory_space<hbm>>)
          tpu.yield
        }) : () -> ()
        %add3A_79 = arith.constant 163840 : i32
        %add3A_80 = arith.addi %add3A_79, %multiple_of3A_78 : i32
        "tpu.region"() ({
          %run_scoped3A_81 = tpu.sem_alloc : memref<!tpu.dma_semaphore, #tpu.memory_space<semaphore_mem>>
          %dma_start3A_82 = arith.constant 0 : i32
          %dma_start3A_83 = tpu.memref_slice %arg4[%add3A_80, %dma_start3A_82] : memref<655360x128xf32, #tpu.memory_space<hbm>> -> memref<128x128xf32, #tpu.memory_space<hbm>>
          %dma_start3A_84 = arith.constant 0 : i32
          %dma_start3A_85 = tpu.memref_slice %arg4[%add3A_80, %dma_start3A_84] : memref<655360x128xf32, #tpu.memory_space<hbm>> -> memref<128x128xf32, #tpu.memory_space<hbm>>
          tpu.enqueue_dma source(%arg12 : memref<128x128xf32, #tpu.memory_space<vmem>>) target(%dma_start3A_85 : memref<128x128xf32, #tpu.memory_space<hbm>>) target_semaphore(%run_scoped3A_81 : memref<!tpu.dma_semaphore, #tpu.memory_space<semaphore_mem>>)
          %dma_wait3A_86 = arith.constant 0 : i32
          %dma_wait3A_87 = tpu.memref_slice %arg4[%add3A_80, %dma_wait3A_86] : memref<655360x128xf32, #tpu.memory_space<hbm>> -> memref<128x128xf32, #tpu.memory_space<hbm>>
          %dma_wait3A_88 = arith.constant 0 : i32
          %dma_wait3A_89 = tpu.memref_slice %arg4[%add3A_80, %dma_wait3A_88] : memref<655360x128xf32, #tpu.memory_space<hbm>> -> memref<128x128xf32, #tpu.memory_space<hbm>>
          tpu.wait_dma2 semaphore(%run_scoped3A_81 : memref<!tpu.dma_semaphore, #tpu.memory_space<semaphore_mem>>) src(%arg12 : memref<128x128xf32, #tpu.memory_space<vmem>>) dst(%dma_wait3A_89 : memref<128x128xf32, #tpu.memory_space<hbm>>)
          tpu.yield
        }) : () -> ()
      } else {
      }
    }
    %scan3A_33 = arith.constant 27 : i32
    return
  }
}

#map = affine_map<(d0, d1) -> (0, 0, 0, 0)>
#map1 = affine_map<(d0, d1) -> (0, 0)>
#map2 = affine_map<(d0, d1) -> (0, 0, 0)>
module attributes {stable_mosaic.version = 14 : i64} {
  func.func @_sc_scatter(%arg0: i32, %arg1: i32, %arg2: memref<2x2x163840x64xf32, #tpu.memory_space<hbm>>, %arg3: memref<1280x128xi32, #tpu.memory_space<hbm>>, %arg4: memref<1280x128xi32, #tpu.memory_space<hbm>>, %arg5: memref<10000x64xf32, #tpu.memory_space<hbm>>, %arg6: memref<2x10000x64xf32, #tpu.memory_space<hbm>>, %arg7: memref<10016x64xf32, #tpu.memory_space<vmem_shared>>, %arg8: memref<80x128xi32, #tpu.memory_space<vmem>>, %arg9: memref<80x128xi32, #tpu.memory_space<vmem>>, %arg10: memref<128x64xf32, #tpu.memory_space<vmem>>, %arg11: memref<128x64xf32, #tpu.memory_space<vmem>>, %arg12: memref<!tpu.dma_semaphore, #tpu.memory_space<semaphore_mem>>, %arg13: memref<!tpu.dma_semaphore, #tpu.memory_space<semaphore_mem>>) attributes {dimension_semantics = [#tpu.dimension_semantics<core_parallel>, #tpu.dimension_semantics<subcore_parallel>], iteration_bounds = array<i64: 2, 16>, scalar_prefetch = 0 : i64, scratch_operands = 7 : i64, tpu.core_type = #tpu.core_type<sc_vector_subcore>, window_params = [{transform_indices = #map}, {transform_indices = #map1}, {transform_indices = #map1}, {transform_indices = #map1}, {transform_indices = #map2}]} {
    %mul3A = arith.constant 624 : i32
    %mul3A_0 = arith.muli %arg1, %mul3A : i32
    %multiple_of3A = tpu.assume_multiple %mul3A_0, 8 : i32
    "tpu.region"() ({
      %run_scoped3A = tpu.sem_alloc : memref<!tpu.dma_semaphore, #tpu.memory_space<semaphore_mem>>
      %dma_start3A_45 = arith.constant 0 : i32
      %dma_start3A_46 = tpu.memref_slice %arg7[%multiple_of3A, %dma_start3A_45] : memref<10016x64xf32, #tpu.memory_space<vmem_shared>> -> memref<624x64xf32, #tpu.memory_space<vmem_shared>>
      %dma_start3A_47 = arith.constant 0 : i32
      %dma_start3A_48 = tpu.memref_slice %arg5[%multiple_of3A, %dma_start3A_47] : memref<10000x64xf32, #tpu.memory_space<hbm>> -> memref<624x64xf32, #tpu.memory_space<hbm>>
      tpu.enqueue_dma source(%dma_start3A_48 : memref<624x64xf32, #tpu.memory_space<hbm>>) target(%dma_start3A_46 : memref<624x64xf32, #tpu.memory_space<vmem_shared>>) target_semaphore(%run_scoped3A : memref<!tpu.dma_semaphore, #tpu.memory_space<semaphore_mem>>)
      %dma_wait3A = arith.constant 0 : i32
      %dma_wait3A_49 = tpu.memref_slice %arg7[%multiple_of3A, %dma_wait3A] : memref<10016x64xf32, #tpu.memory_space<vmem_shared>> -> memref<624x64xf32, #tpu.memory_space<vmem_shared>>
      %dma_wait3A_50 = arith.constant 0 : i32
      %dma_wait3A_51 = tpu.memref_slice %arg5[%multiple_of3A, %dma_wait3A_50] : memref<10000x64xf32, #tpu.memory_space<hbm>> -> memref<624x64xf32, #tpu.memory_space<hbm>>
      tpu.wait_dma2 semaphore(%run_scoped3A : memref<!tpu.dma_semaphore, #tpu.memory_space<semaphore_mem>>) src(%dma_wait3A_51 : memref<624x64xf32, #tpu.memory_space<hbm>>) dst(%dma_wait3A_49 : memref<624x64xf32, #tpu.memory_space<vmem_shared>>)
      tpu.yield
    }) : () -> ()
    %eq3A = arith.constant 15 : i32
    %eq3A_1 = arith.cmpi eq, %arg1, %eq3A : i32
    %convert_element_type3A = arith.extui %eq3A_1 : i1 to i32
    %cond3A = arith.constant 0 : i32
    %cond3A_2 = arith.cmpi ne, %convert_element_type3A, %cond3A : i32
    scf.if %cond3A_2 {
      %multiple_of3A_45 = arith.constant 9984 : i32
      %multiple_of3A_46 = tpu.assume_multiple %multiple_of3A_45, 8 : i32
      "tpu.region"() ({
        %run_scoped3A = tpu.sem_alloc : memref<!tpu.dma_semaphore, #tpu.memory_space<semaphore_mem>>
        %dma_start3A_47 = arith.constant 0 : i32
        %dma_start3A_48 = tpu.memref_slice %arg7[%multiple_of3A_46, %dma_start3A_47] : memref<10016x64xf32, #tpu.memory_space<vmem_shared>> -> memref<16x64xf32, #tpu.memory_space<vmem_shared>>
        %dma_start3A_49 = arith.constant 0 : i32
        %dma_start3A_50 = tpu.memref_slice %arg5[%multiple_of3A_46, %dma_start3A_49] : memref<10000x64xf32, #tpu.memory_space<hbm>> -> memref<16x64xf32, #tpu.memory_space<hbm>>
        tpu.enqueue_dma source(%dma_start3A_50 : memref<16x64xf32, #tpu.memory_space<hbm>>) target(%dma_start3A_48 : memref<16x64xf32, #tpu.memory_space<vmem_shared>>) target_semaphore(%run_scoped3A : memref<!tpu.dma_semaphore, #tpu.memory_space<semaphore_mem>>)
        %dma_wait3A = arith.constant 0 : i32
        %dma_wait3A_51 = tpu.memref_slice %arg7[%multiple_of3A_46, %dma_wait3A] : memref<10016x64xf32, #tpu.memory_space<vmem_shared>> -> memref<16x64xf32, #tpu.memory_space<vmem_shared>>
        %dma_wait3A_52 = arith.constant 0 : i32
        %dma_wait3A_53 = tpu.memref_slice %arg5[%multiple_of3A_46, %dma_wait3A_52] : memref<10000x64xf32, #tpu.memory_space<hbm>> -> memref<16x64xf32, #tpu.memory_space<hbm>>
        tpu.wait_dma2 semaphore(%run_scoped3A : memref<!tpu.dma_semaphore, #tpu.memory_space<semaphore_mem>>) src(%dma_wait3A_53 : memref<16x64xf32, #tpu.memory_space<hbm>>) dst(%dma_wait3A_51 : memref<16x64xf32, #tpu.memory_space<vmem_shared>>)
        tpu.yield
      }) : () -> ()
    } else {
    }
    %mul3A_3 = arith.constant 80 : i32
    %mul3A_4 = arith.muli %arg1, %mul3A_3 : i32
    %multiple_of3A_5 = tpu.assume_multiple %mul3A_4, 8 : i32
    "tpu.region"() ({
      %run_scoped3A = tpu.sem_alloc : memref<!tpu.dma_semaphore, #tpu.memory_space<semaphore_mem>>
      %dma_start3A_45 = arith.constant 0 : i32
      %dma_start3A_46 = tpu.memref_slice %arg3[%multiple_of3A_5, %dma_start3A_45] : memref<1280x128xi32, #tpu.memory_space<hbm>> -> memref<80x128xi32, #tpu.memory_space<hbm>>
      %dma_start3A_47 = arith.constant 0 : i32
      %dma_start3A_48 = tpu.memref_slice %arg3[%multiple_of3A_5, %dma_start3A_47] : memref<1280x128xi32, #tpu.memory_space<hbm>> -> memref<80x128xi32, #tpu.memory_space<hbm>>
      tpu.enqueue_dma source(%dma_start3A_48 : memref<80x128xi32, #tpu.memory_space<hbm>>) target(%arg8 : memref<80x128xi32, #tpu.memory_space<vmem>>) target_semaphore(%run_scoped3A : memref<!tpu.dma_semaphore, #tpu.memory_space<semaphore_mem>>)
      %dma_wait3A = arith.constant 0 : i32
      %dma_wait3A_49 = tpu.memref_slice %arg3[%multiple_of3A_5, %dma_wait3A] : memref<1280x128xi32, #tpu.memory_space<hbm>> -> memref<80x128xi32, #tpu.memory_space<hbm>>
      %dma_wait3A_50 = arith.constant 0 : i32
      %dma_wait3A_51 = tpu.memref_slice %arg3[%multiple_of3A_5, %dma_wait3A_50] : memref<1280x128xi32, #tpu.memory_space<hbm>> -> memref<80x128xi32, #tpu.memory_space<hbm>>
      tpu.wait_dma2 semaphore(%run_scoped3A : memref<!tpu.dma_semaphore, #tpu.memory_space<semaphore_mem>>) src(%dma_wait3A_51 : memref<80x128xi32, #tpu.memory_space<hbm>>) dst(%arg8 : memref<80x128xi32, #tpu.memory_space<vmem>>)
      tpu.yield
    }) : () -> ()
    "tpu.region"() ({
      %run_scoped3A = tpu.sem_alloc : memref<!tpu.dma_semaphore, #tpu.memory_space<semaphore_mem>>
      %dma_start3A_45 = arith.constant 0 : i32
      %dma_start3A_46 = tpu.memref_slice %arg4[%multiple_of3A_5, %dma_start3A_45] : memref<1280x128xi32, #tpu.memory_space<hbm>> -> memref<80x128xi32, #tpu.memory_space<hbm>>
      %dma_start3A_47 = arith.constant 0 : i32
      %dma_start3A_48 = tpu.memref_slice %arg4[%multiple_of3A_5, %dma_start3A_47] : memref<1280x128xi32, #tpu.memory_space<hbm>> -> memref<80x128xi32, #tpu.memory_space<hbm>>
      tpu.enqueue_dma source(%dma_start3A_48 : memref<80x128xi32, #tpu.memory_space<hbm>>) target(%arg9 : memref<80x128xi32, #tpu.memory_space<vmem>>) target_semaphore(%run_scoped3A : memref<!tpu.dma_semaphore, #tpu.memory_space<semaphore_mem>>)
      %dma_wait3A = arith.constant 0 : i32
      %dma_wait3A_49 = tpu.memref_slice %arg4[%multiple_of3A_5, %dma_wait3A] : memref<1280x128xi32, #tpu.memory_space<hbm>> -> memref<80x128xi32, #tpu.memory_space<hbm>>
      %dma_wait3A_50 = arith.constant 0 : i32
      %dma_wait3A_51 = tpu.memref_slice %arg4[%multiple_of3A_5, %dma_wait3A_50] : memref<1280x128xi32, #tpu.memory_space<hbm>> -> memref<80x128xi32, #tpu.memory_space<hbm>>
      tpu.wait_dma2 semaphore(%run_scoped3A : memref<!tpu.dma_semaphore, #tpu.memory_space<semaphore_mem>>) src(%dma_wait3A_51 : memref<80x128xi32, #tpu.memory_space<hbm>>) dst(%arg9 : memref<80x128xi32, #tpu.memory_space<vmem>>)
      tpu.yield
    }) : () -> ()
    %barrier3A = arith.constant 0 : index
    tpu.barrier barrier_id(%barrier3A)
    %add3A = arith.constant 0 : i32
    %add3A_6 = arith.addi %multiple_of3A_5, %add3A : i32
    %mul3A_7 = arith.constant 128 : i32
    %mul3A_8 = arith.muli %add3A_6, %mul3A_7 : i32
    %multiple_of3A_9 = tpu.assume_multiple %mul3A_8, 8 : i32
    %dma_start3A = arith.constant 0 : i32
    %dma_start3A_10 = arith.constant 0 : i32
    %dma_start3A_11 = tpu.memref_slice %arg2[%arg0, %dma_start3A, %multiple_of3A_9, %dma_start3A_10] : memref<2x2x163840x64xf32, #tpu.memory_space<hbm>> -> memref<1x1x128x64xf32, #tpu.memory_space<hbm>>
    %dma_start3A_12 = tpu.memref_squeeze %dma_start3A_11 : memref<1x1x128x64xf32, #tpu.memory_space<hbm>> -> memref<128x64xf32, #tpu.memory_space<hbm>>
    %dma_start3A_13 = arith.constant 0 : i32
    %dma_start3A_14 = tpu.memref_slice %arg2[%arg0, %dma_start3A, %multiple_of3A_9, %dma_start3A_13] : memref<2x2x163840x64xf32, #tpu.memory_space<hbm>> -> memref<1x1x128x64xf32, #tpu.memory_space<hbm>>
    %dma_start3A_15 = tpu.memref_squeeze %dma_start3A_14 : memref<1x1x128x64xf32, #tpu.memory_space<hbm>> -> memref<128x64xf32, #tpu.memory_space<hbm>>
    tpu.enqueue_dma source(%dma_start3A_15 : memref<128x64xf32, #tpu.memory_space<hbm>>) target(%arg10 : memref<128x64xf32, #tpu.memory_space<vmem>>) target_semaphore(%arg12 : memref<!tpu.dma_semaphore, #tpu.memory_space<semaphore_mem>>)
    %scan3A = arith.constant 0 : i32
    %scan3A_16 = arith.constant 0 : i32
    %scan3A_17 = arith.constant 40 : i32
    %scan3A_18 = arith.addi %scan3A_16, %scan3A_17 : i32
    %scan3A_19 = arith.constant 1 : i32
    scf.for %scan3A_45 = %scan3A_16 to %scan3A_18 step %scan3A_19  : i32 {
      %mul3A_46 = arith.constant 2 : i32
      %mul3A_47 = arith.muli %mul3A_46, %scan3A_45 : i32
      %add3A_48 = arith.constant 1 : i32
      %add3A_49 = arith.addi %mul3A_47, %add3A_48 : i32
      %add3A_50 = arith.addi %multiple_of3A_5, %add3A_49 : i32
      %mul3A_51 = arith.constant 128 : i32
      %mul3A_52 = arith.muli %add3A_50, %mul3A_51 : i32
      %multiple_of3A_53 = tpu.assume_multiple %mul3A_52, 8 : i32
      %dma_start3A_54 = arith.constant 0 : i32
      %dma_start3A_55 = arith.constant 0 : i32
      %dma_start3A_56 = tpu.memref_slice %arg2[%arg0, %dma_start3A_54, %multiple_of3A_53, %dma_start3A_55] : memref<2x2x163840x64xf32, #tpu.memory_space<hbm>> -> memref<1x1x128x64xf32, #tpu.memory_space<hbm>>
      %dma_start3A_57 = tpu.memref_squeeze %dma_start3A_56 : memref<1x1x128x64xf32, #tpu.memory_space<hbm>> -> memref<128x64xf32, #tpu.memory_space<hbm>>
      %dma_start3A_58 = arith.constant 0 : i32
      %dma_start3A_59 = tpu.memref_slice %arg2[%arg0, %dma_start3A_54, %multiple_of3A_53, %dma_start3A_58] : memref<2x2x163840x64xf32, #tpu.memory_space<hbm>> -> memref<1x1x128x64xf32, #tpu.memory_space<hbm>>
      %dma_start3A_60 = tpu.memref_squeeze %dma_start3A_59 : memref<1x1x128x64xf32, #tpu.memory_space<hbm>> -> memref<128x64xf32, #tpu.memory_space<hbm>>
      tpu.enqueue_dma source(%dma_start3A_60 : memref<128x64xf32, #tpu.memory_space<hbm>>) target(%arg11 : memref<128x64xf32, #tpu.memory_space<vmem>>) target_semaphore(%arg13 : memref<!tpu.dma_semaphore, #tpu.memory_space<semaphore_mem>>)
      %add3A_61 = arith.addi %multiple_of3A_5, %mul3A_47 : i32
      %mul3A_62 = arith.constant 128 : i32
      %mul3A_63 = arith.muli %add3A_61, %mul3A_62 : i32
      %multiple_of3A_64 = tpu.assume_multiple %mul3A_63, 8 : i32
      %dma_wait3A = arith.constant 0 : i32
      %dma_wait3A_65 = arith.constant 0 : i32
      %dma_wait3A_66 = tpu.memref_slice %arg2[%arg0, %dma_wait3A, %multiple_of3A_64, %dma_wait3A_65] : memref<2x2x163840x64xf32, #tpu.memory_space<hbm>> -> memref<1x1x128x64xf32, #tpu.memory_space<hbm>>
      %dma_wait3A_67 = tpu.memref_squeeze %dma_wait3A_66 : memref<1x1x128x64xf32, #tpu.memory_space<hbm>> -> memref<128x64xf32, #tpu.memory_space<hbm>>
      %dma_wait3A_68 = arith.constant 0 : i32
      %dma_wait3A_69 = tpu.memref_slice %arg2[%arg0, %dma_wait3A, %multiple_of3A_64, %dma_wait3A_68] : memref<2x2x163840x64xf32, #tpu.memory_space<hbm>> -> memref<1x1x128x64xf32, #tpu.memory_space<hbm>>
      %dma_wait3A_70 = tpu.memref_squeeze %dma_wait3A_69 : memref<1x1x128x64xf32, #tpu.memory_space<hbm>> -> memref<128x64xf32, #tpu.memory_space<hbm>>
      tpu.wait_dma2 semaphore(%arg12 : memref<!tpu.dma_semaphore, #tpu.memory_space<semaphore_mem>>) src(%dma_wait3A_70 : memref<128x64xf32, #tpu.memory_space<hbm>>) dst(%arg10 : memref<128x64xf32, #tpu.memory_space<vmem>>)
      "tpu.region"() ({
        %run_scoped3A = tpu.sem_alloc : memref<!tpu.dma_semaphore, #tpu.memory_space<semaphore_mem>>
        %dma_start3A_88 = arith.constant 0 : i32
        %dma_start3A_89 = tpu.memref_slice %arg8[%mul3A_47, %dma_start3A_88] : memref<80x128xi32, #tpu.memory_space<vmem>> -> memref<1x128xi32, #tpu.memory_space<vmem>>
        %dma_start3A_90 = tpu.memref_squeeze %dma_start3A_89 : memref<1x128xi32, #tpu.memory_space<vmem>> -> memref<128xi32, #tpu.memory_space<vmem>>
        %dma_start3A_91 = arith.constant 0 : i32
        %dma_start3A_92 = arith.constant 0 : i32
        %dma_start3A_93 = tpu.memref_slice %arg7[%dma_start3A_91, %dma_start3A_92] : memref<10016x64xf32, #tpu.memory_space<vmem_shared>> -> memref<10016x64xf32, #tpu.memory_space<vmem_shared>>
        tpu.enqueue_indirect_dma source(%arg10 : memref<128x64xf32, #tpu.memory_space<vmem>>) target(%dma_start3A_93 : memref<10016x64xf32, #tpu.memory_space<vmem_shared>>) offsets(%dma_start3A_90 : memref<128xi32, #tpu.memory_space<vmem>>) semaphore(%run_scoped3A : memref<!tpu.dma_semaphore, #tpu.memory_space<semaphore_mem>>) {add = true}
        %dma_wait3A_94 = arith.constant 0 : i32
        %dma_wait3A_95 = tpu.memref_slice %arg8[%mul3A_47, %dma_wait3A_94] : memref<80x128xi32, #tpu.memory_space<vmem>> -> memref<1x128xi32, #tpu.memory_space<vmem>>
        %dma_wait3A_96 = tpu.memref_squeeze %dma_wait3A_95 : memref<1x128xi32, #tpu.memory_space<vmem>> -> memref<128xi32, #tpu.memory_space<vmem>>
        %dma_wait3A_97 = arith.constant 0 : i32
        %dma_wait3A_98 = arith.constant 0 : i32
        %dma_wait3A_99 = tpu.memref_slice %arg7[%dma_wait3A_97, %dma_wait3A_98] : memref<10016x64xf32, #tpu.memory_space<vmem_shared>> -> memref<10016x64xf32, #tpu.memory_space<vmem_shared>>
        tpu.wait_indirect_dma semaphore(%run_scoped3A : memref<!tpu.dma_semaphore, #tpu.memory_space<semaphore_mem>>) src(%arg10 : memref<128x64xf32, #tpu.memory_space<vmem>>) dst(%dma_wait3A_99 : memref<10016x64xf32, #tpu.memory_space<vmem_shared>>)
        tpu.yield
      }) : () -> ()
      %add3A_71 = arith.constant 1 : i32
      %add3A_72 = arith.addi %add3A_49, %add3A_71 : i32
      %lt3A = arith.constant 80 : i32
      %lt3A_73 = arith.cmpi slt, %add3A_72, %lt3A : i32
      %convert_element_type3A_74 = arith.extui %lt3A_73 : i1 to i32
      %cond3A_75 = arith.constant 0 : i32
      %cond3A_76 = arith.cmpi ne, %convert_element_type3A_74, %cond3A_75 : i32
      scf.if %cond3A_76 {
        %add3A_88 = arith.constant 1 : i32
        %add3A_89 = arith.addi %add3A_49, %add3A_88 : i32
        %add3A_90 = arith.addi %multiple_of3A_5, %add3A_89 : i32
        %mul3A_91 = arith.constant 128 : i32
        %mul3A_92 = arith.muli %add3A_90, %mul3A_91 : i32
        %multiple_of3A_93 = tpu.assume_multiple %mul3A_92, 8 : i32
        %dma_start3A_94 = arith.constant 0 : i32
        %dma_start3A_95 = arith.constant 0 : i32
        %dma_start3A_96 = tpu.memref_slice %arg2[%arg0, %dma_start3A_94, %multiple_of3A_93, %dma_start3A_95] : memref<2x2x163840x64xf32, #tpu.memory_space<hbm>> -> memref<1x1x128x64xf32, #tpu.memory_space<hbm>>
        %dma_start3A_97 = tpu.memref_squeeze %dma_start3A_96 : memref<1x1x128x64xf32, #tpu.memory_space<hbm>> -> memref<128x64xf32, #tpu.memory_space<hbm>>
        %dma_start3A_98 = arith.constant 0 : i32
        %dma_start3A_99 = tpu.memref_slice %arg2[%arg0, %dma_start3A_94, %multiple_of3A_93, %dma_start3A_98] : memref<2x2x163840x64xf32, #tpu.memory_space<hbm>> -> memref<1x1x128x64xf32, #tpu.memory_space<hbm>>
        %dma_start3A_100 = tpu.memref_squeeze %dma_start3A_99 : memref<1x1x128x64xf32, #tpu.memory_space<hbm>> -> memref<128x64xf32, #tpu.memory_space<hbm>>
        tpu.enqueue_dma source(%dma_start3A_100 : memref<128x64xf32, #tpu.memory_space<hbm>>) target(%arg10 : memref<128x64xf32, #tpu.memory_space<vmem>>) target_semaphore(%arg12 : memref<!tpu.dma_semaphore, #tpu.memory_space<semaphore_mem>>)
      } else {
      }
      %add3A_77 = arith.addi %multiple_of3A_5, %add3A_49 : i32
      %mul3A_78 = arith.constant 128 : i32
      %mul3A_79 = arith.muli %add3A_77, %mul3A_78 : i32
      %multiple_of3A_80 = tpu.assume_multiple %mul3A_79, 8 : i32
      %dma_wait3A_81 = arith.constant 0 : i32
      %dma_wait3A_82 = arith.constant 0 : i32
      %dma_wait3A_83 = tpu.memref_slice %arg2[%arg0, %dma_wait3A_81, %multiple_of3A_80, %dma_wait3A_82] : memref<2x2x163840x64xf32, #tpu.memory_space<hbm>> -> memref<1x1x128x64xf32, #tpu.memory_space<hbm>>
      %dma_wait3A_84 = tpu.memref_squeeze %dma_wait3A_83 : memref<1x1x128x64xf32, #tpu.memory_space<hbm>> -> memref<128x64xf32, #tpu.memory_space<hbm>>
      %dma_wait3A_85 = arith.constant 0 : i32
      %dma_wait3A_86 = tpu.memref_slice %arg2[%arg0, %dma_wait3A_81, %multiple_of3A_80, %dma_wait3A_85] : memref<2x2x163840x64xf32, #tpu.memory_space<hbm>> -> memref<1x1x128x64xf32, #tpu.memory_space<hbm>>
      %dma_wait3A_87 = tpu.memref_squeeze %dma_wait3A_86 : memref<1x1x128x64xf32, #tpu.memory_space<hbm>> -> memref<128x64xf32, #tpu.memory_space<hbm>>
      tpu.wait_dma2 semaphore(%arg13 : memref<!tpu.dma_semaphore, #tpu.memory_space<semaphore_mem>>) src(%dma_wait3A_87 : memref<128x64xf32, #tpu.memory_space<hbm>>) dst(%arg11 : memref<128x64xf32, #tpu.memory_space<vmem>>)
      "tpu.region"() ({
        %run_scoped3A = tpu.sem_alloc : memref<!tpu.dma_semaphore, #tpu.memory_space<semaphore_mem>>
        %dma_start3A_88 = arith.constant 0 : i32
        %dma_start3A_89 = tpu.memref_slice %arg8[%add3A_49, %dma_start3A_88] : memref<80x128xi32, #tpu.memory_space<vmem>> -> memref<1x128xi32, #tpu.memory_space<vmem>>
        %dma_start3A_90 = tpu.memref_squeeze %dma_start3A_89 : memref<1x128xi32, #tpu.memory_space<vmem>> -> memref<128xi32, #tpu.memory_space<vmem>>
        %dma_start3A_91 = arith.constant 0 : i32
        %dma_start3A_92 = arith.constant 0 : i32
        %dma_start3A_93 = tpu.memref_slice %arg7[%dma_start3A_91, %dma_start3A_92] : memref<10016x64xf32, #tpu.memory_space<vmem_shared>> -> memref<10016x64xf32, #tpu.memory_space<vmem_shared>>
        tpu.enqueue_indirect_dma source(%arg11 : memref<128x64xf32, #tpu.memory_space<vmem>>) target(%dma_start3A_93 : memref<10016x64xf32, #tpu.memory_space<vmem_shared>>) offsets(%dma_start3A_90 : memref<128xi32, #tpu.memory_space<vmem>>) semaphore(%run_scoped3A : memref<!tpu.dma_semaphore, #tpu.memory_space<semaphore_mem>>) {add = true}
        %dma_wait3A_94 = arith.constant 0 : i32
        %dma_wait3A_95 = tpu.memref_slice %arg8[%add3A_49, %dma_wait3A_94] : memref<80x128xi32, #tpu.memory_space<vmem>> -> memref<1x128xi32, #tpu.memory_space<vmem>>
        %dma_wait3A_96 = tpu.memref_squeeze %dma_wait3A_95 : memref<1x128xi32, #tpu.memory_space<vmem>> -> memref<128xi32, #tpu.memory_space<vmem>>
        %dma_wait3A_97 = arith.constant 0 : i32
        %dma_wait3A_98 = arith.constant 0 : i32
        %dma_wait3A_99 = tpu.memref_slice %arg7[%dma_wait3A_97, %dma_wait3A_98] : memref<10016x64xf32, #tpu.memory_space<vmem_shared>> -> memref<10016x64xf32, #tpu.memory_space<vmem_shared>>
        tpu.wait_indirect_dma semaphore(%run_scoped3A : memref<!tpu.dma_semaphore, #tpu.memory_space<semaphore_mem>>) src(%arg11 : memref<128x64xf32, #tpu.memory_space<vmem>>) dst(%dma_wait3A_99 : memref<10016x64xf32, #tpu.memory_space<vmem_shared>>)
        tpu.yield
      }) : () -> ()
    }
    %scan3A_20 = arith.constant 40 : i32
    %add3A_21 = arith.constant 0 : i32
    %add3A_22 = arith.addi %multiple_of3A_5, %add3A_21 : i32
    %mul3A_23 = arith.constant 128 : i32
    %mul3A_24 = arith.muli %add3A_22, %mul3A_23 : i32
    %multiple_of3A_25 = tpu.assume_multiple %mul3A_24, 8 : i32
    %dma_start3A_26 = arith.constant 1 : i32
    %dma_start3A_27 = arith.constant 0 : i32
    %dma_start3A_28 = tpu.memref_slice %arg2[%arg0, %dma_start3A_26, %multiple_of3A_25, %dma_start3A_27] : memref<2x2x163840x64xf32, #tpu.memory_space<hbm>> -> memref<1x1x128x64xf32, #tpu.memory_space<hbm>>
    %dma_start3A_29 = tpu.memref_squeeze %dma_start3A_28 : memref<1x1x128x64xf32, #tpu.memory_space<hbm>> -> memref<128x64xf32, #tpu.memory_space<hbm>>
    %dma_start3A_30 = arith.constant 0 : i32
    %dma_start3A_31 = tpu.memref_slice %arg2[%arg0, %dma_start3A_26, %multiple_of3A_25, %dma_start3A_30] : memref<2x2x163840x64xf32, #tpu.memory_space<hbm>> -> memref<1x1x128x64xf32, #tpu.memory_space<hbm>>
    %dma_start3A_32 = tpu.memref_squeeze %dma_start3A_31 : memref<1x1x128x64xf32, #tpu.memory_space<hbm>> -> memref<128x64xf32, #tpu.memory_space<hbm>>
    tpu.enqueue_dma source(%dma_start3A_32 : memref<128x64xf32, #tpu.memory_space<hbm>>) target(%arg10 : memref<128x64xf32, #tpu.memory_space<vmem>>) target_semaphore(%arg12 : memref<!tpu.dma_semaphore, #tpu.memory_space<semaphore_mem>>)
    %scan3A_33 = arith.constant 0 : i32
    %scan3A_34 = arith.constant 0 : i32
    %scan3A_35 = arith.constant 40 : i32
    %scan3A_36 = arith.addi %scan3A_34, %scan3A_35 : i32
    %scan3A_37 = arith.constant 1 : i32
    scf.for %scan3A_45 = %scan3A_34 to %scan3A_36 step %scan3A_37  : i32 {
      %mul3A_46 = arith.constant 2 : i32
      %mul3A_47 = arith.muli %mul3A_46, %scan3A_45 : i32
      %add3A_48 = arith.constant 1 : i32
      %add3A_49 = arith.addi %mul3A_47, %add3A_48 : i32
      %add3A_50 = arith.addi %multiple_of3A_5, %add3A_49 : i32
      %mul3A_51 = arith.constant 128 : i32
      %mul3A_52 = arith.muli %add3A_50, %mul3A_51 : i32
      %multiple_of3A_53 = tpu.assume_multiple %mul3A_52, 8 : i32
      %dma_start3A_54 = arith.constant 1 : i32
      %dma_start3A_55 = arith.constant 0 : i32
      %dma_start3A_56 = tpu.memref_slice %arg2[%arg0, %dma_start3A_54, %multiple_of3A_53, %dma_start3A_55] : memref<2x2x163840x64xf32, #tpu.memory_space<hbm>> -> memref<1x1x128x64xf32, #tpu.memory_space<hbm>>
      %dma_start3A_57 = tpu.memref_squeeze %dma_start3A_56 : memref<1x1x128x64xf32, #tpu.memory_space<hbm>> -> memref<128x64xf32, #tpu.memory_space<hbm>>
      %dma_start3A_58 = arith.constant 0 : i32
      %dma_start3A_59 = tpu.memref_slice %arg2[%arg0, %dma_start3A_54, %multiple_of3A_53, %dma_start3A_58] : memref<2x2x163840x64xf32, #tpu.memory_space<hbm>> -> memref<1x1x128x64xf32, #tpu.memory_space<hbm>>
      %dma_start3A_60 = tpu.memref_squeeze %dma_start3A_59 : memref<1x1x128x64xf32, #tpu.memory_space<hbm>> -> memref<128x64xf32, #tpu.memory_space<hbm>>
      tpu.enqueue_dma source(%dma_start3A_60 : memref<128x64xf32, #tpu.memory_space<hbm>>) target(%arg11 : memref<128x64xf32, #tpu.memory_space<vmem>>) target_semaphore(%arg13 : memref<!tpu.dma_semaphore, #tpu.memory_space<semaphore_mem>>)
      %add3A_61 = arith.addi %multiple_of3A_5, %mul3A_47 : i32
      %mul3A_62 = arith.constant 128 : i32
      %mul3A_63 = arith.muli %add3A_61, %mul3A_62 : i32
      %multiple_of3A_64 = tpu.assume_multiple %mul3A_63, 8 : i32
      %dma_wait3A = arith.constant 1 : i32
      %dma_wait3A_65 = arith.constant 0 : i32
      %dma_wait3A_66 = tpu.memref_slice %arg2[%arg0, %dma_wait3A, %multiple_of3A_64, %dma_wait3A_65] : memref<2x2x163840x64xf32, #tpu.memory_space<hbm>> -> memref<1x1x128x64xf32, #tpu.memory_space<hbm>>
      %dma_wait3A_67 = tpu.memref_squeeze %dma_wait3A_66 : memref<1x1x128x64xf32, #tpu.memory_space<hbm>> -> memref<128x64xf32, #tpu.memory_space<hbm>>
      %dma_wait3A_68 = arith.constant 0 : i32
      %dma_wait3A_69 = tpu.memref_slice %arg2[%arg0, %dma_wait3A, %multiple_of3A_64, %dma_wait3A_68] : memref<2x2x163840x64xf32, #tpu.memory_space<hbm>> -> memref<1x1x128x64xf32, #tpu.memory_space<hbm>>
      %dma_wait3A_70 = tpu.memref_squeeze %dma_wait3A_69 : memref<1x1x128x64xf32, #tpu.memory_space<hbm>> -> memref<128x64xf32, #tpu.memory_space<hbm>>
      tpu.wait_dma2 semaphore(%arg12 : memref<!tpu.dma_semaphore, #tpu.memory_space<semaphore_mem>>) src(%dma_wait3A_70 : memref<128x64xf32, #tpu.memory_space<hbm>>) dst(%arg10 : memref<128x64xf32, #tpu.memory_space<vmem>>)
      "tpu.region"() ({
        %run_scoped3A = tpu.sem_alloc : memref<!tpu.dma_semaphore, #tpu.memory_space<semaphore_mem>>
        %dma_start3A_88 = arith.constant 0 : i32
        %dma_start3A_89 = tpu.memref_slice %arg9[%mul3A_47, %dma_start3A_88] : memref<80x128xi32, #tpu.memory_space<vmem>> -> memref<1x128xi32, #tpu.memory_space<vmem>>
        %dma_start3A_90 = tpu.memref_squeeze %dma_start3A_89 : memref<1x128xi32, #tpu.memory_space<vmem>> -> memref<128xi32, #tpu.memory_space<vmem>>
        %dma_start3A_91 = arith.constant 0 : i32
        %dma_start3A_92 = arith.constant 0 : i32
        %dma_start3A_93 = tpu.memref_slice %arg7[%dma_start3A_91, %dma_start3A_92] : memref<10016x64xf32, #tpu.memory_space<vmem_shared>> -> memref<10016x64xf32, #tpu.memory_space<vmem_shared>>
        tpu.enqueue_indirect_dma source(%arg10 : memref<128x64xf32, #tpu.memory_space<vmem>>) target(%dma_start3A_93 : memref<10016x64xf32, #tpu.memory_space<vmem_shared>>) offsets(%dma_start3A_90 : memref<128xi32, #tpu.memory_space<vmem>>) semaphore(%run_scoped3A : memref<!tpu.dma_semaphore, #tpu.memory_space<semaphore_mem>>) {add = true}
        %dma_wait3A_94 = arith.constant 0 : i32
        %dma_wait3A_95 = tpu.memref_slice %arg9[%mul3A_47, %dma_wait3A_94] : memref<80x128xi32, #tpu.memory_space<vmem>> -> memref<1x128xi32, #tpu.memory_space<vmem>>
        %dma_wait3A_96 = tpu.memref_squeeze %dma_wait3A_95 : memref<1x128xi32, #tpu.memory_space<vmem>> -> memref<128xi32, #tpu.memory_space<vmem>>
        %dma_wait3A_97 = arith.constant 0 : i32
        %dma_wait3A_98 = arith.constant 0 : i32
        %dma_wait3A_99 = tpu.memref_slice %arg7[%dma_wait3A_97, %dma_wait3A_98] : memref<10016x64xf32, #tpu.memory_space<vmem_shared>> -> memref<10016x64xf32, #tpu.memory_space<vmem_shared>>
        tpu.wait_indirect_dma semaphore(%run_scoped3A : memref<!tpu.dma_semaphore, #tpu.memory_space<semaphore_mem>>) src(%arg10 : memref<128x64xf32, #tpu.memory_space<vmem>>) dst(%dma_wait3A_99 : memref<10016x64xf32, #tpu.memory_space<vmem_shared>>)
        tpu.yield
      }) : () -> ()
      %add3A_71 = arith.constant 1 : i32
      %add3A_72 = arith.addi %add3A_49, %add3A_71 : i32
      %lt3A = arith.constant 80 : i32
      %lt3A_73 = arith.cmpi slt, %add3A_72, %lt3A : i32
      %convert_element_type3A_74 = arith.extui %lt3A_73 : i1 to i32
      %cond3A_75 = arith.constant 0 : i32
      %cond3A_76 = arith.cmpi ne, %convert_element_type3A_74, %cond3A_75 : i32
      scf.if %cond3A_76 {
        %add3A_88 = arith.constant 1 : i32
        %add3A_89 = arith.addi %add3A_49, %add3A_88 : i32
        %add3A_90 = arith.addi %multiple_of3A_5, %add3A_89 : i32
        %mul3A_91 = arith.constant 128 : i32
        %mul3A_92 = arith.muli %add3A_90, %mul3A_91 : i32
        %multiple_of3A_93 = tpu.assume_multiple %mul3A_92, 8 : i32
        %dma_start3A_94 = arith.constant 1 : i32
        %dma_start3A_95 = arith.constant 0 : i32
        %dma_start3A_96 = tpu.memref_slice %arg2[%arg0, %dma_start3A_94, %multiple_of3A_93, %dma_start3A_95] : memref<2x2x163840x64xf32, #tpu.memory_space<hbm>> -> memref<1x1x128x64xf32, #tpu.memory_space<hbm>>
        %dma_start3A_97 = tpu.memref_squeeze %dma_start3A_96 : memref<1x1x128x64xf32, #tpu.memory_space<hbm>> -> memref<128x64xf32, #tpu.memory_space<hbm>>
        %dma_start3A_98 = arith.constant 0 : i32
        %dma_start3A_99 = tpu.memref_slice %arg2[%arg0, %dma_start3A_94, %multiple_of3A_93, %dma_start3A_98] : memref<2x2x163840x64xf32, #tpu.memory_space<hbm>> -> memref<1x1x128x64xf32, #tpu.memory_space<hbm>>
        %dma_start3A_100 = tpu.memref_squeeze %dma_start3A_99 : memref<1x1x128x64xf32, #tpu.memory_space<hbm>> -> memref<128x64xf32, #tpu.memory_space<hbm>>
        tpu.enqueue_dma source(%dma_start3A_100 : memref<128x64xf32, #tpu.memory_space<hbm>>) target(%arg10 : memref<128x64xf32, #tpu.memory_space<vmem>>) target_semaphore(%arg12 : memref<!tpu.dma_semaphore, #tpu.memory_space<semaphore_mem>>)
      } else {
      }
      %add3A_77 = arith.addi %multiple_of3A_5, %add3A_49 : i32
      %mul3A_78 = arith.constant 128 : i32
      %mul3A_79 = arith.muli %add3A_77, %mul3A_78 : i32
      %multiple_of3A_80 = tpu.assume_multiple %mul3A_79, 8 : i32
      %dma_wait3A_81 = arith.constant 1 : i32
      %dma_wait3A_82 = arith.constant 0 : i32
      %dma_wait3A_83 = tpu.memref_slice %arg2[%arg0, %dma_wait3A_81, %multiple_of3A_80, %dma_wait3A_82] : memref<2x2x163840x64xf32, #tpu.memory_space<hbm>> -> memref<1x1x128x64xf32, #tpu.memory_space<hbm>>
      %dma_wait3A_84 = tpu.memref_squeeze %dma_wait3A_83 : memref<1x1x128x64xf32, #tpu.memory_space<hbm>> -> memref<128x64xf32, #tpu.memory_space<hbm>>
      %dma_wait3A_85 = arith.constant 0 : i32
      %dma_wait3A_86 = tpu.memref_slice %arg2[%arg0, %dma_wait3A_81, %multiple_of3A_80, %dma_wait3A_85] : memref<2x2x163840x64xf32, #tpu.memory_space<hbm>> -> memref<1x1x128x64xf32, #tpu.memory_space<hbm>>
      %dma_wait3A_87 = tpu.memref_squeeze %dma_wait3A_86 : memref<1x1x128x64xf32, #tpu.memory_space<hbm>> -> memref<128x64xf32, #tpu.memory_space<hbm>>
      tpu.wait_dma2 semaphore(%arg13 : memref<!tpu.dma_semaphore, #tpu.memory_space<semaphore_mem>>) src(%dma_wait3A_87 : memref<128x64xf32, #tpu.memory_space<hbm>>) dst(%arg11 : memref<128x64xf32, #tpu.memory_space<vmem>>)
      "tpu.region"() ({
        %run_scoped3A = tpu.sem_alloc : memref<!tpu.dma_semaphore, #tpu.memory_space<semaphore_mem>>
        %dma_start3A_88 = arith.constant 0 : i32
        %dma_start3A_89 = tpu.memref_slice %arg9[%add3A_49, %dma_start3A_88] : memref<80x128xi32, #tpu.memory_space<vmem>> -> memref<1x128xi32, #tpu.memory_space<vmem>>
        %dma_start3A_90 = tpu.memref_squeeze %dma_start3A_89 : memref<1x128xi32, #tpu.memory_space<vmem>> -> memref<128xi32, #tpu.memory_space<vmem>>
        %dma_start3A_91 = arith.constant 0 : i32
        %dma_start3A_92 = arith.constant 0 : i32
        %dma_start3A_93 = tpu.memref_slice %arg7[%dma_start3A_91, %dma_start3A_92] : memref<10016x64xf32, #tpu.memory_space<vmem_shared>> -> memref<10016x64xf32, #tpu.memory_space<vmem_shared>>
        tpu.enqueue_indirect_dma source(%arg11 : memref<128x64xf32, #tpu.memory_space<vmem>>) target(%dma_start3A_93 : memref<10016x64xf32, #tpu.memory_space<vmem_shared>>) offsets(%dma_start3A_90 : memref<128xi32, #tpu.memory_space<vmem>>) semaphore(%run_scoped3A : memref<!tpu.dma_semaphore, #tpu.memory_space<semaphore_mem>>) {add = true}
        %dma_wait3A_94 = arith.constant 0 : i32
        %dma_wait3A_95 = tpu.memref_slice %arg9[%add3A_49, %dma_wait3A_94] : memref<80x128xi32, #tpu.memory_space<vmem>> -> memref<1x128xi32, #tpu.memory_space<vmem>>
        %dma_wait3A_96 = tpu.memref_squeeze %dma_wait3A_95 : memref<1x128xi32, #tpu.memory_space<vmem>> -> memref<128xi32, #tpu.memory_space<vmem>>
        %dma_wait3A_97 = arith.constant 0 : i32
        %dma_wait3A_98 = arith.constant 0 : i32
        %dma_wait3A_99 = tpu.memref_slice %arg7[%dma_wait3A_97, %dma_wait3A_98] : memref<10016x64xf32, #tpu.memory_space<vmem_shared>> -> memref<10016x64xf32, #tpu.memory_space<vmem_shared>>
        tpu.wait_indirect_dma semaphore(%run_scoped3A : memref<!tpu.dma_semaphore, #tpu.memory_space<semaphore_mem>>) src(%arg11 : memref<128x64xf32, #tpu.memory_space<vmem>>) dst(%dma_wait3A_99 : memref<10016x64xf32, #tpu.memory_space<vmem_shared>>)
        tpu.yield
      }) : () -> ()
    }
    %scan3A_38 = arith.constant 40 : i32
    %barrier3A_39 = arith.constant 0 : index
    tpu.barrier barrier_id(%barrier3A_39)
    "tpu.region"() ({
      %run_scoped3A = tpu.sem_alloc : memref<!tpu.dma_semaphore, #tpu.memory_space<semaphore_mem>>
      %dma_start3A_45 = arith.constant 0 : i32
      %dma_start3A_46 = tpu.memref_slice %arg6[%arg0, %multiple_of3A, %dma_start3A_45] : memref<2x10000x64xf32, #tpu.memory_space<hbm>> -> memref<1x624x64xf32, #tpu.memory_space<hbm>>
      %dma_start3A_47 = tpu.memref_squeeze %dma_start3A_46 : memref<1x624x64xf32, #tpu.memory_space<hbm>> -> memref<624x64xf32, #tpu.memory_space<hbm>>
      %dma_start3A_48 = arith.constant 0 : i32
      %dma_start3A_49 = tpu.memref_slice %arg7[%multiple_of3A, %dma_start3A_48] : memref<10016x64xf32, #tpu.memory_space<vmem_shared>> -> memref<624x64xf32, #tpu.memory_space<vmem_shared>>
      tpu.enqueue_dma source(%dma_start3A_49 : memref<624x64xf32, #tpu.memory_space<vmem_shared>>) target(%dma_start3A_47 : memref<624x64xf32, #tpu.memory_space<hbm>>) target_semaphore(%run_scoped3A : memref<!tpu.dma_semaphore, #tpu.memory_space<semaphore_mem>>)
      %dma_wait3A = arith.constant 0 : i32
      %dma_wait3A_50 = tpu.memref_slice %arg6[%arg0, %multiple_of3A, %dma_wait3A] : memref<2x10000x64xf32, #tpu.memory_space<hbm>> -> memref<1x624x64xf32, #tpu.memory_space<hbm>>
      %dma_wait3A_51 = tpu.memref_squeeze %dma_wait3A_50 : memref<1x624x64xf32, #tpu.memory_space<hbm>> -> memref<624x64xf32, #tpu.memory_space<hbm>>
      %dma_wait3A_52 = arith.constant 0 : i32
      %dma_wait3A_53 = tpu.memref_slice %arg7[%multiple_of3A, %dma_wait3A_52] : memref<10016x64xf32, #tpu.memory_space<vmem_shared>> -> memref<624x64xf32, #tpu.memory_space<vmem_shared>>
      tpu.wait_dma2 semaphore(%run_scoped3A : memref<!tpu.dma_semaphore, #tpu.memory_space<semaphore_mem>>) src(%dma_wait3A_53 : memref<624x64xf32, #tpu.memory_space<vmem_shared>>) dst(%dma_wait3A_51 : memref<624x64xf32, #tpu.memory_space<hbm>>)
      tpu.yield
    }) : () -> ()
    %eq3A_40 = arith.constant 15 : i32
    %eq3A_41 = arith.cmpi eq, %arg1, %eq3A_40 : i32
    %convert_element_type3A_42 = arith.extui %eq3A_41 : i1 to i32
    %cond3A_43 = arith.constant 0 : i32
    %cond3A_44 = arith.cmpi ne, %convert_element_type3A_42, %cond3A_43 : i32
    scf.if %cond3A_44 {
      %multiple_of3A_45 = arith.constant 9984 : i32
      %multiple_of3A_46 = tpu.assume_multiple %multiple_of3A_45, 8 : i32
      "tpu.region"() ({
        %run_scoped3A = tpu.sem_alloc : memref<!tpu.dma_semaphore, #tpu.memory_space<semaphore_mem>>
        %dma_start3A_47 = arith.constant 0 : i32
        %dma_start3A_48 = tpu.memref_slice %arg6[%arg0, %multiple_of3A_46, %dma_start3A_47] : memref<2x10000x64xf32, #tpu.memory_space<hbm>> -> memref<1x16x64xf32, #tpu.memory_space<hbm>>
        %dma_start3A_49 = tpu.memref_squeeze %dma_start3A_48 : memref<1x16x64xf32, #tpu.memory_space<hbm>> -> memref<16x64xf32, #tpu.memory_space<hbm>>
        %dma_start3A_50 = arith.constant 0 : i32
        %dma_start3A_51 = tpu.memref_slice %arg7[%multiple_of3A_46, %dma_start3A_50] : memref<10016x64xf32, #tpu.memory_space<vmem_shared>> -> memref<16x64xf32, #tpu.memory_space<vmem_shared>>
        tpu.enqueue_dma source(%dma_start3A_51 : memref<16x64xf32, #tpu.memory_space<vmem_shared>>) target(%dma_start3A_49 : memref<16x64xf32, #tpu.memory_space<hbm>>) target_semaphore(%run_scoped3A : memref<!tpu.dma_semaphore, #tpu.memory_space<semaphore_mem>>)
        %dma_wait3A = arith.constant 0 : i32
        %dma_wait3A_52 = tpu.memref_slice %arg6[%arg0, %multiple_of3A_46, %dma_wait3A] : memref<2x10000x64xf32, #tpu.memory_space<hbm>> -> memref<1x16x64xf32, #tpu.memory_space<hbm>>
        %dma_wait3A_53 = tpu.memref_squeeze %dma_wait3A_52 : memref<1x16x64xf32, #tpu.memory_space<hbm>> -> memref<16x64xf32, #tpu.memory_space<hbm>>
        %dma_wait3A_54 = arith.constant 0 : i32
        %dma_wait3A_55 = tpu.memref_slice %arg7[%multiple_of3A_46, %dma_wait3A_54] : memref<10016x64xf32, #tpu.memory_space<vmem_shared>> -> memref<16x64xf32, #tpu.memory_space<vmem_shared>>
        tpu.wait_dma2 semaphore(%run_scoped3A : memref<!tpu.dma_semaphore, #tpu.memory_space<semaphore_mem>>) src(%dma_wait3A_55 : memref<16x64xf32, #tpu.memory_space<vmem_shared>>) dst(%dma_wait3A_53 : memref<16x64xf32, #tpu.memory_space<hbm>>)
        tpu.yield
      }) : () -> ()
    } else {
    }
    return
  }
}

module attributes {stable_mosaic.version = 14 : i64} {
  func.func @_pq_body(%arg0: i32, %arg1: i32, %arg2: memref<1x1000x64xf32, #tpu.memory_space<vmem>>, %arg3: memref<64x64xf32, #tpu.memory_space<vmem>>, %arg4: memref<64x64xf32, #tpu.memory_space<vmem>>, %arg5: memref<1x1000x128xf32, #tpu.memory_space<vmem>>) attributes {dimension_semantics = [#tpu.dimension_semantics<arbitrary>, #tpu.dimension_semantics<arbitrary>], iteration_bounds = array<i64: 2, 10>, scalar_prefetch = 0 : i64, scratch_operands = 0 : i64, tpu.core_type = #tpu.core_type<tc>, window_params = [{transform_indices = @transform_0, window_bounds = array<i64: 1, 1000, 64>}, {pipeline_mode = #tpu.pipeline_mode<synchronous>, transform_indices = @transform_1, window_bounds = array<i64: 64, 64>}, {pipeline_mode = #tpu.pipeline_mode<synchronous>, transform_indices = @transform_2, window_bounds = array<i64: 64, 64>}, {transform_indices = @transform_3, window_bounds = array<i64: 1, 1000, 128>}]} {
    %get3A = arith.constant 0 : index
    %get3A_0 = arith.constant 0 : index
    %get3A_1 = arith.constant 0 : index
    %get3A_2 = vector.load %arg2[%get3A, %get3A_0, %get3A_1] : memref<1x1000x64xf32, #tpu.memory_space<vmem>>, vector<1x1000x64xf32>
    %get3A_3 = vector.shape_cast %get3A_2 : vector<1x1000x64xf32> to vector<1000x64xf32>
    %get3A_4 = arith.constant 0 : index
    %get3A_5 = arith.constant 0 : index
    %get3A_6 = vector.load %arg3[%get3A_4, %get3A_5] : memref<64x64xf32, #tpu.memory_space<vmem>>, vector<64x64xf32>
    %dot_general3A = arith.constant dense<0.000000e+00> : vector<1000x64xf32>
    %dot_general3A_7 = tpu.matmul %get3A_3, %get3A_6, %dot_general3A {dimension_numbers = #tpu.dot_dimension_numbers<[1], [0], [0], [1], [0, 0, 1, 1], [], []>, transpose_lhs_hint = false} : vector<1000x64xf32>, vector<64x64xf32>, vector<1000x64xf32> -> vector<1000x64xf32>
    %get3A_8 = arith.constant 0 : index
    %get3A_9 = arith.constant 0 : index
    %get3A_10 = vector.load %arg4[%get3A_8, %get3A_9] : memref<64x64xf32, #tpu.memory_space<vmem>>, vector<64x64xf32>
    %dot_general3A_11 = arith.constant dense<0.000000e+00> : vector<1000x64xf32>
    %dot_general3A_12 = tpu.matmul %get3A_3, %get3A_10, %dot_general3A_11 {dimension_numbers = #tpu.dot_dimension_numbers<[1], [0], [0], [1], [0, 0, 1, 1], [], []>, transpose_lhs_hint = false} : vector<1000x64xf32>, vector<64x64xf32>, vector<1000x64xf32> -> vector<1000x64xf32>
    %concatenate3A = tpu.concatenate %dot_general3A_7, %dot_general3A_12 in 1 : vector<1000x64xf32>, vector<1000x64xf32> -> vector<1000x128xf32>
    %swap3A = arith.constant 0 : index
    %swap3A_13 = arith.constant 0 : index
    %swap3A_14 = arith.constant 0 : index
    %swap3A_15 = vector.load %arg5[%swap3A, %swap3A_13, %swap3A_14] : memref<1x1000x128xf32, #tpu.memory_space<vmem>>, vector<1x1000x128xf32>
    %swap3A_16 = vector.shape_cast %swap3A_15 : vector<1x1000x128xf32> to vector<1000x128xf32>
    %swap3A_17 = vector.shape_cast %concatenate3A : vector<1000x128xf32> to vector<1x1000x128xf32>
    tpu.vector_store %arg5[%swap3A, %swap3A_13, %swap3A_14], %swap3A_17 {strides = array<i32>} : memref<1x1000x128xf32, #tpu.memory_space<vmem>>, vector<1x1000x128xf32>,
    return
  }
  func.func @transform_0(%arg0: i32, %arg1: i32) -> (i32, i32, i32) {
    %c0_i32 = arith.constant 0 : i32
    %c0_i32_0 = arith.constant 0 : i32
    return %arg0, %arg1, %c0_i32 : i32, i32, i32
  }
  func.func @transform_1(%arg0: i32, %arg1: i32) -> (i32, i32) {
    %c0_i32 = arith.constant 0 : i32
    %c0_i32_0 = arith.constant 0 : i32
    %c0_i32_1 = arith.constant 0 : i32
    return %c0_i32, %c0_i32_0 : i32, i32
  }
  func.func @transform_2(%arg0: i32, %arg1: i32) -> (i32, i32) {
    %c0_i32 = arith.constant 0 : i32
    %c0_i32_0 = arith.constant 0 : i32
    %c0_i32_1 = arith.constant 0 : i32
    return %c0_i32, %c0_i32_0 : i32, i32
  }
  func.func @transform_3(%arg0: i32, %arg1: i32) -> (i32, i32, i32) {
    %c0_i32 = arith.constant 0 : i32
    %c0_i32_0 = arith.constant 0 : i32
    return %arg0, %arg1, %c0_i32 : i32, i32, i32
  }
}

module attributes {stable_mosaic.version = 14 : i64} {
  func.func @_mlp_body(%arg0: i32, %arg1: i32, %arg2: memref<1x1x512x128xf32, #tpu.memory_space<vmem>>, %arg3: memref<1x1x512x128xf32, #tpu.memory_space<vmem>>, %arg4: memref<1x1x512x128xf32, #tpu.memory_space<vmem>>, %arg5: memref<1x1x512x128xf32, #tpu.memory_space<vmem>>, %arg6: memref<1x64xf32, #tpu.memory_space<vmem>>, %arg7: memref<64x64xf32, #tpu.memory_space<vmem>>, %arg8: memref<1x64xf32, #tpu.memory_space<vmem>>, %arg9: memref<64x64xf32, #tpu.memory_space<vmem>>, %arg10: memref<1x64xf32, #tpu.memory_space<vmem>>, %arg11: memref<1x2x512x128xf32, #tpu.memory_space<vmem>>) attributes {dimension_semantics = [#tpu.dimension_semantics<arbitrary>, #tpu.dimension_semantics<arbitrary>], iteration_bounds = array<i64: 2, 160>, scalar_prefetch = 0 : i64, scratch_operands = 0 : i64, tpu.core_type = #tpu.core_type<tc>, window_params = [{transform_indices = @transform_0, window_bounds = array<i64: 1, 1, 512, 128>}, {transform_indices = @transform_1, window_bounds = array<i64: 1, 1, 512, 128>}, {transform_indices = @transform_2, window_bounds = array<i64: 1, 1, 512, 128>}, {transform_indices = @transform_3, window_bounds = array<i64: 1, 1, 512, 128>}, {pipeline_mode = #tpu.pipeline_mode<synchronous>, transform_indices = @transform_4, window_bounds = array<i64: 1, 64>}, {pipeline_mode = #tpu.pipeline_mode<synchronous>, transform_indices = @transform_5, window_bounds = array<i64: 64, 64>}, {pipeline_mode = #tpu.pipeline_mode<synchronous>, transform_indices = @transform_6, window_bounds = array<i64: 1, 64>}, {pipeline_mode = #tpu.pipeline_mode<synchronous>, transform_indices = @transform_7, window_bounds = array<i64: 64, 64>}, {pipeline_mode = #tpu.pipeline_mode<synchronous>, transform_indices = @transform_8, window_bounds = array<i64: 1, 64>}, {transform_indices = @transform_9, window_bounds = array<i64: 1, 2, 512, 128>}]} {
    %get3A = arith.constant 0 : index
    %get3A_0 = arith.constant 0 : index
    %get3A_1 = arith.constant 0 : index
    %get3A_2 = arith.constant 0 : index
    %get3A_3 = vector.load %arg2[%get3A, %get3A_0, %get3A_1, %get3A_2] : memref<1x1x512x128xf32, #tpu.memory_space<vmem>>, vector<1x1x512x128xf32>
    %get3A_4 = vector.shape_cast %get3A_3 : vector<1x1x512x128xf32> to vector<512x128xf32>
    %get3A_5 = arith.constant 0 : index
    %get3A_6 = arith.constant 0 : index
    %get3A_7 = arith.constant 0 : index
    %get3A_8 = arith.constant 0 : index
    %get3A_9 = vector.load %arg3[%get3A_5, %get3A_6, %get3A_7, %get3A_8] : memref<1x1x512x128xf32, #tpu.memory_space<vmem>>, vector<1x1x512x128xf32>
    %get3A_10 = vector.shape_cast %get3A_9 : vector<1x1x512x128xf32> to vector<512x128xf32>
    %get3A_11 = arith.constant 0 : index
    %get3A_12 = arith.constant 0 : index
    %get3A_13 = arith.constant 0 : index
    %get3A_14 = arith.constant 0 : index
    %get3A_15 = vector.load %arg4[%get3A_11, %get3A_12, %get3A_13, %get3A_14] : memref<1x1x512x128xf32, #tpu.memory_space<vmem>>, vector<1x1x512x128xf32>
    %get3A_16 = vector.shape_cast %get3A_15 : vector<1x1x512x128xf32> to vector<512x128xf32>
    %get3A_17 = arith.constant 0 : index
    %get3A_18 = arith.constant 0 : index
    %get3A_19 = arith.constant 0 : index
    %get3A_20 = arith.constant 0 : index
    %get3A_21 = vector.load %arg5[%get3A_17, %get3A_18, %get3A_19, %get3A_20] : memref<1x1x512x128xf32, #tpu.memory_space<vmem>>, vector<1x1x512x128xf32>
    %get3A_22 = vector.shape_cast %get3A_21 : vector<1x1x512x128xf32> to vector<512x128xf32>
    %get3A_23 = arith.constant 0 : index
    %get3A_24 = arith.constant 0 : index
    %get3A_25 = vector.load %arg6[%get3A_23, %get3A_24] : memref<1x64xf32, #tpu.memory_space<vmem>>, vector<1x64xf32>
    %slice3A = vector.extract_strided_slice %get3A_4 {offsets = [0, 0], sizes = [512, 64], strides = [1, 1]} : vector<512x128xf32> to vector<512x64xf32>
    %slice3A_26 = vector.extract_strided_slice %get3A_10 {offsets = [0, 64], sizes = [512, 64], strides = [1, 1]} : vector<512x128xf32> to vector<512x64xf32>
    %add3A = arith.addf %slice3A, %slice3A_26 : vector<512x64xf32>
    %add3A_27 = vector.broadcast %get3A_25 : vector<1x64xf32> to vector<512x64xf32>
    %add3A_28 = arith.addf %add3A, %add3A_27 : vector<512x64xf32>
    %tanh3A = math.tanh %add3A_28 : vector<512x64xf32>
    %slice3A_29 = vector.extract_strided_slice %get3A_16 {offsets = [0, 0], sizes = [512, 64], strides = [1, 1]} : vector<512x128xf32> to vector<512x64xf32>
    %slice3A_30 = vector.extract_strided_slice %get3A_22 {offsets = [0, 64], sizes = [512, 64], strides = [1, 1]} : vector<512x128xf32> to vector<512x64xf32>
    %add3A_31 = arith.addf %slice3A_29, %slice3A_30 : vector<512x64xf32>
    %add3A_32 = vector.broadcast %get3A_25 : vector<1x64xf32> to vector<512x64xf32>
    %add3A_33 = arith.addf %add3A_31, %add3A_32 : vector<512x64xf32>
    %tanh3A_34 = math.tanh %add3A_33 : vector<512x64xf32>
    %slice3A_35 = vector.extract_strided_slice %get3A_10 {offsets = [0, 0], sizes = [512, 64], strides = [1, 1]} : vector<512x128xf32> to vector<512x64xf32>
    %slice3A_36 = vector.extract_strided_slice %get3A_4 {offsets = [0, 64], sizes = [512, 64], strides = [1, 1]} : vector<512x128xf32> to vector<512x64xf32>
    %add3A_37 = arith.addf %slice3A_35, %slice3A_36 : vector<512x64xf32>
    %add3A_38 = vector.broadcast %get3A_25 : vector<1x64xf32> to vector<512x64xf32>
    %add3A_39 = arith.addf %add3A_37, %add3A_38 : vector<512x64xf32>
    %tanh3A_40 = math.tanh %add3A_39 : vector<512x64xf32>
    %slice3A_41 = vector.extract_strided_slice %get3A_22 {offsets = [0, 0], sizes = [512, 64], strides = [1, 1]} : vector<512x128xf32> to vector<512x64xf32>
    %slice3A_42 = vector.extract_strided_slice %get3A_16 {offsets = [0, 64], sizes = [512, 64], strides = [1, 1]} : vector<512x128xf32> to vector<512x64xf32>
    %add3A_43 = arith.addf %slice3A_41, %slice3A_42 : vector<512x64xf32>
    %add3A_44 = vector.broadcast %get3A_25 : vector<1x64xf32> to vector<512x64xf32>
    %add3A_45 = arith.addf %add3A_43, %add3A_44 : vector<512x64xf32>
    %tanh3A_46 = math.tanh %add3A_45 : vector<512x64xf32>
    %concatenate3A = tpu.concatenate %tanh3A, %tanh3A_34, %tanh3A_40, %tanh3A_46 in 0 : vector<512x64xf32>, vector<512x64xf32>, vector<512x64xf32>, vector<512x64xf32> -> vector<2048x64xf32>
    %get3A_47 = arith.constant 0 : index
    %get3A_48 = arith.constant 0 : index
    %get3A_49 = vector.load %arg7[%get3A_47, %get3A_48] : memref<64x64xf32, #tpu.memory_space<vmem>>, vector<64x64xf32>
    %dot_general3A = arith.constant dense<0.000000e+00> : vector<2048x64xf32>
    %dot_general3A_50 = tpu.matmul %concatenate3A, %get3A_49, %dot_general3A {dimension_numbers = #tpu.dot_dimension_numbers<[1], [0], [0], [1], [0, 0, 1, 1], [], []>, transpose_lhs_hint = false} : vector<2048x64xf32>, vector<64x64xf32>, vector<2048x64xf32> -> vector<2048x64xf32>
    %get3A_51 = arith.constant 0 : index
    %get3A_52 = arith.constant 0 : index
    %get3A_53 = vector.load %arg8[%get3A_51, %get3A_52] : memref<1x64xf32, #tpu.memory_space<vmem>>, vector<1x64xf32>
    %add3A_54 = vector.broadcast %get3A_53 : vector<1x64xf32> to vector<2048x64xf32>
    %add3A_55 = arith.addf %dot_general3A_50, %add3A_54 : vector<2048x64xf32>
    %tanh3A_56 = math.tanh %add3A_55 : vector<2048x64xf32>
    %get3A_57 = arith.constant 0 : index
    %get3A_58 = arith.constant 0 : index
    %get3A_59 = vector.load %arg9[%get3A_57, %get3A_58] : memref<64x64xf32, #tpu.memory_space<vmem>>, vector<64x64xf32>
    %dot_general3A_60 = arith.constant dense<0.000000e+00> : vector<2048x64xf32>
    %dot_general3A_61 = tpu.matmul %tanh3A_56, %get3A_59, %dot_general3A_60 {dimension_numbers = #tpu.dot_dimension_numbers<[1], [0], [0], [1], [0, 0, 1, 1], [], []>, transpose_lhs_hint = false} : vector<2048x64xf32>, vector<64x64xf32>, vector<2048x64xf32> -> vector<2048x64xf32>
    %get3A_62 = arith.constant 0 : index
    %get3A_63 = arith.constant 0 : index
    %get3A_64 = vector.load %arg10[%get3A_62, %get3A_63] : memref<1x64xf32, #tpu.memory_space<vmem>>, vector<1x64xf32>
    %add3A_65 = vector.broadcast %get3A_64 : vector<1x64xf32> to vector<2048x64xf32>
    %add3A_66 = arith.addf %dot_general3A_61, %add3A_65 : vector<2048x64xf32>
    %slice3A_67 = vector.extract_strided_slice %add3A_66 {offsets = [0, 0], sizes = [512, 64], strides = [1, 1]} : vector<2048x64xf32> to vector<512x64xf32>
    %slice3A_68 = vector.extract_strided_slice %add3A_66 {offsets = [512, 0], sizes = [512, 64], strides = [1, 1]} : vector<2048x64xf32> to vector<512x64xf32>
    %concatenate3A_69 = tpu.concatenate %slice3A_67, %slice3A_68 in 1 : vector<512x64xf32>, vector<512x64xf32> -> vector<512x128xf32>
    %swap3A = arith.constant 0 : index
    %swap3A_70 = arith.constant 0 : index
    %swap3A_71 = arith.constant 0 : index
    %swap3A_72 = arith.constant 0 : index
    %swap3A_73 = vector.load %arg11[%swap3A, %swap3A_70, %swap3A_71, %swap3A_72] : memref<1x2x512x128xf32, #tpu.memory_space<vmem>>, vector<1x1x512x128xf32>
    %swap3A_74 = vector.shape_cast %swap3A_73 : vector<1x1x512x128xf32> to vector<512x128xf32>
    %swap3A_75 = vector.shape_cast %concatenate3A_69 : vector<512x128xf32> to vector<1x1x512x128xf32>
    tpu.vector_store %arg11[%swap3A, %swap3A_70, %swap3A_71, %swap3A_72], %swap3A_75 {strides = array<i32>} : memref<1x2x512x128xf32, #tpu.memory_space<vmem>>, vector<1x1x512x128xf32>,
    %slice3A_76 = vector.extract_strided_slice %add3A_66 {offsets = [1024, 0], sizes = [512, 64], strides = [1, 1]} : vector<2048x64xf32> to vector<512x64xf32>
    %slice3A_77 = vector.extract_strided_slice %add3A_66 {offsets = [1536, 0], sizes = [512, 64], strides = [1, 1]} : vector<2048x64xf32> to vector<512x64xf32>
    %concatenate3A_78 = tpu.concatenate %slice3A_76, %slice3A_77 in 1 : vector<512x64xf32>, vector<512x64xf32> -> vector<512x128xf32>
    %swap3A_79 = arith.constant 0 : index
    %swap3A_80 = arith.constant 1 : index
    %swap3A_81 = arith.constant 0 : index
    %swap3A_82 = arith.constant 0 : index
    %swap3A_83 = vector.load %arg11[%swap3A_79, %swap3A_80, %swap3A_81, %swap3A_82] : memref<1x2x512x128xf32, #tpu.memory_space<vmem>>, vector<1x1x512x128xf32>
    %swap3A_84 = vector.shape_cast %swap3A_83 : vector<1x1x512x128xf32> to vector<512x128xf32>
    %swap3A_85 = vector.shape_cast %concatenate3A_78 : vector<512x128xf32> to vector<1x1x512x128xf32>
    tpu.vector_store %arg11[%swap3A_79, %swap3A_80, %swap3A_81, %swap3A_82], %swap3A_85 {strides = array<i32>} : memref<1x2x512x128xf32, #tpu.memory_space<vmem>>, vector<1x1x512x128xf32>,
    return
  }
  func.func @transform_0(%arg0: i32, %arg1: i32) -> (i32, i32, i32, i32) {
    %add3A = arith.constant 0 : i32
    %add3A_0 = arith.addi %arg1, %add3A : i32
    %c0_i32 = arith.constant 0 : i32
    %c0_i32_1 = arith.constant 0 : i32
    %c0_i32_2 = arith.constant 0 : i32
    return %arg0, %c0_i32, %add3A_0, %c0_i32_1 : i32, i32, i32, i32
  }
  func.func @transform_1(%arg0: i32, %arg1: i32) -> (i32, i32, i32, i32) {
    %add3A = arith.constant 0 : i32
    %add3A_0 = arith.addi %arg1, %add3A : i32
    %c1_i32 = arith.constant 1 : i32
    %c0_i32 = arith.constant 0 : i32
    %c0_i32_1 = arith.constant 0 : i32
    return %arg0, %c1_i32, %add3A_0, %c0_i32 : i32, i32, i32, i32
  }
  func.func @transform_2(%arg0: i32, %arg1: i32) -> (i32, i32, i32, i32) {
    %add3A = arith.constant 160 : i32
    %add3A_0 = arith.addi %arg1, %add3A : i32
    %c0_i32 = arith.constant 0 : i32
    %c0_i32_1 = arith.constant 0 : i32
    %c0_i32_2 = arith.constant 0 : i32
    return %arg0, %c0_i32, %add3A_0, %c0_i32_1 : i32, i32, i32, i32
  }
  func.func @transform_3(%arg0: i32, %arg1: i32) -> (i32, i32, i32, i32) {
    %add3A = arith.constant 160 : i32
    %add3A_0 = arith.addi %arg1, %add3A : i32
    %c1_i32 = arith.constant 1 : i32
    %c0_i32 = arith.constant 0 : i32
    %c0_i32_1 = arith.constant 0 : i32
    return %arg0, %c1_i32, %add3A_0, %c0_i32 : i32, i32, i32, i32
  }
  func.func @transform_4(%arg0: i32, %arg1: i32) -> (i32, i32) {
    %c0_i32 = arith.constant 0 : i32
    %c0_i32_0 = arith.constant 0 : i32
    %c0_i32_1 = arith.constant 0 : i32
    return %c0_i32, %c0_i32_0 : i32, i32
  }
  func.func @transform_5(%arg0: i32, %arg1: i32) -> (i32, i32) {
    %c0_i32 = arith.constant 0 : i32
    %c0_i32_0 = arith.constant 0 : i32
    %c0_i32_1 = arith.constant 0 : i32
    return %c0_i32, %c0_i32_0 : i32, i32
  }
  func.func @transform_6(%arg0: i32, %arg1: i32) -> (i32, i32) {
    %c0_i32 = arith.constant 0 : i32
    %c0_i32_0 = arith.constant 0 : i32
    %c0_i32_1 = arith.constant 0 : i32
    return %c0_i32, %c0_i32_0 : i32, i32
  }
  func.func @transform_7(%arg0: i32, %arg1: i32) -> (i32, i32) {
    %c0_i32 = arith.constant 0 : i32
    %c0_i32_0 = arith.constant 0 : i32
    %c0_i32_1 = arith.constant 0 : i32
    return %c0_i32, %c0_i32_0 : i32, i32
  }
  func.func @transform_8(%arg0: i32, %arg1: i32) -> (i32, i32) {
    %c0_i32 = arith.constant 0 : i32
    %c0_i32_0 = arith.constant 0 : i32
    %c0_i32_1 = arith.constant 0 : i32
    return %c0_i32, %c0_i32_0 : i32, i32
  }
  func.func @transform_9(%arg0: i32, %arg1: i32) -> (i32, i32, i32, i32) {
    %c0_i32 = arith.constant 0 : i32
    %c0_i32_0 = arith.constant 0 : i32
    %c0_i32_1 = arith.constant 0 : i32
    return %arg0, %c0_i32, %arg1, %c0_i32_0 : i32, i32, i32, i32
  }
}

module attributes {stable_mosaic.version = 14 : i64} {
  func.func @_gru_body(%arg0: i32, %arg1: i32, %arg2: memref<1x1000x64xf32, #tpu.memory_space<vmem>>, %arg3: memref<1x1000x64xf32, #tpu.memory_space<vmem>>, %arg4: memref<64x64xf32, #tpu.memory_space<vmem>>, %arg5: memref<64x64xf32, #tpu.memory_space<vmem>>, %arg6: memref<64x64xf32, #tpu.memory_space<vmem>>, %arg7: memref<64x64xf32, #tpu.memory_space<vmem>>, %arg8: memref<64x64xf32, #tpu.memory_space<vmem>>, %arg9: memref<64x64xf32, #tpu.memory_space<vmem>>, %arg10: memref<1x3x64xf32, #tpu.memory_space<vmem>>, %arg11: memref<1x3x64xf32, #tpu.memory_space<vmem>>, %arg12: memref<64x64xf32, #tpu.memory_space<vmem>>, %arg13: memref<64x64xf32, #tpu.memory_space<vmem>>, %arg14: memref<1x1000x64xf32, #tpu.memory_space<vmem>>, %arg15: memref<1x1000x128xf32, #tpu.memory_space<vmem>>) attributes {dimension_semantics = [#tpu.dimension_semantics<arbitrary>, #tpu.dimension_semantics<arbitrary>], iteration_bounds = array<i64: 2, 10>, scalar_prefetch = 0 : i64, scratch_operands = 0 : i64, tpu.core_type = #tpu.core_type<tc>, window_params = [{transform_indices = @transform_0, window_bounds = array<i64: 1, 1000, 64>}, {transform_indices = @transform_1, window_bounds = array<i64: 1, 1000, 64>}, {pipeline_mode = #tpu.pipeline_mode<synchronous>, transform_indices = @transform_2, window_bounds = array<i64: 64, 64>}, {pipeline_mode = #tpu.pipeline_mode<synchronous>, transform_indices = @transform_3, window_bounds = array<i64: 64, 64>}, {pipeline_mode = #tpu.pipeline_mode<synchronous>, transform_indices = @transform_4, window_bounds = array<i64: 64, 64>}, {pipeline_mode = #tpu.pipeline_mode<synchronous>, transform_indices = @transform_5, window_bounds = array<i64: 64, 64>}, {pipeline_mode = #tpu.pipeline_mode<synchronous>, transform_indices = @transform_6, window_bounds = array<i64: 64, 64>}, {pipeline_mode = #tpu.pipeline_mode<synchronous>, transform_indices = @transform_7, window_bounds = array<i64: 64, 64>}, {pipeline_mode = #tpu.pipeline_mode<synchronous>, transform_indices = @transform_8, window_bounds = array<i64: 1, 3, 64>}, {pipeline_mode = #tpu.pipeline_mode<synchronous>, transform_indices = @transform_9, window_bounds = array<i64: 1, 3, 64>}, {pipeline_mode = #tpu.pipeline_mode<synchronous>, transform_indices = @transform_10, window_bounds = array<i64: 64, 64>}, {pipeline_mode = #tpu.pipeline_mode<synchronous>, transform_indices = @transform_11, window_bounds = array<i64: 64, 64>}, {transform_indices = @transform_12, window_bounds = array<i64: 1, 1000, 64>}, {transform_indices = @transform_13, window_bounds = array<i64: 1, 1000, 128>}]} {
    %get3A = arith.constant 0 : index
    %get3A_0 = arith.constant 0 : index
    %get3A_1 = arith.constant 0 : index
    %get3A_2 = vector.load %arg2[%get3A, %get3A_0, %get3A_1] : memref<1x1000x64xf32, #tpu.memory_space<vmem>>, vector<1x1000x64xf32>
    %get3A_3 = vector.shape_cast %get3A_2 : vector<1x1000x64xf32> to vector<1000x64xf32>
    %get3A_4 = arith.constant 0 : index
    %get3A_5 = arith.constant 0 : index
    %get3A_6 = arith.constant 0 : index
    %get3A_7 = vector.load %arg3[%get3A_4, %get3A_5, %get3A_6] : memref<1x1000x64xf32, #tpu.memory_space<vmem>>, vector<1x1000x64xf32>
    %get3A_8 = vector.shape_cast %get3A_7 : vector<1x1000x64xf32> to vector<1000x64xf32>
    %get3A_9 = arith.constant 0 : index
    %get3A_10 = arith.constant 0 : index
    %get3A_11 = vector.load %arg4[%get3A_9, %get3A_10] : memref<64x64xf32, #tpu.memory_space<vmem>>, vector<64x64xf32>
    %dot_general3A = arith.constant dense<0.000000e+00> : vector<1000x64xf32>
    %dot_general3A_12 = tpu.matmul %get3A_3, %get3A_11, %dot_general3A {dimension_numbers = #tpu.dot_dimension_numbers<[1], [0], [0], [1], [0, 0, 1, 1], [], []>, transpose_lhs_hint = false} : vector<1000x64xf32>, vector<64x64xf32>, vector<1000x64xf32> -> vector<1000x64xf32>
    %get3A_13 = arith.constant 0 : index
    %get3A_14 = arith.constant 0 : index
    %get3A_15 = arith.constant 0 : index
    %get3A_16 = vector.load %arg10[%get3A_13, %get3A_14, %get3A_15] : memref<1x3x64xf32, #tpu.memory_space<vmem>>, vector<1x1x64xf32>
    %get3A_17 = vector.shape_cast %get3A_16 : vector<1x1x64xf32> to vector<64xf32>
    %broadcast_in_dim3A = vector.shape_cast %get3A_17 : vector<64xf32> to vector<1x64xf32>
    %add3A = vector.broadcast %broadcast_in_dim3A : vector<1x64xf32> to vector<1000x64xf32>
    %add3A_18 = arith.addf %dot_general3A_12, %add3A : vector<1000x64xf32>
    %get3A_19 = arith.constant 0 : index
    %get3A_20 = arith.constant 0 : index
    %get3A_21 = vector.load %arg7[%get3A_19, %get3A_20] : memref<64x64xf32, #tpu.memory_space<vmem>>, vector<64x64xf32>
    %dot_general3A_22 = arith.constant dense<0.000000e+00> : vector<1000x64xf32>
    %dot_general3A_23 = tpu.matmul %get3A_8, %get3A_21, %dot_general3A_22 {dimension_numbers = #tpu.dot_dimension_numbers<[1], [0], [0], [1], [0, 0, 1, 1], [], []>, transpose_lhs_hint = false} : vector<1000x64xf32>, vector<64x64xf32>, vector<1000x64xf32> -> vector<1000x64xf32>
    %add3A_24 = arith.addf %add3A_18, %dot_general3A_23 : vector<1000x64xf32>
    %get3A_25 = arith.constant 0 : index
    %get3A_26 = arith.constant 0 : index
    %get3A_27 = arith.constant 0 : index
    %get3A_28 = vector.load %arg11[%get3A_25, %get3A_26, %get3A_27] : memref<1x3x64xf32, #tpu.memory_space<vmem>>, vector<1x1x64xf32>
    %get3A_29 = vector.shape_cast %get3A_28 : vector<1x1x64xf32> to vector<64xf32>
    %broadcast_in_dim3A_30 = vector.shape_cast %get3A_29 : vector<64xf32> to vector<1x64xf32>
    %add3A_31 = vector.broadcast %broadcast_in_dim3A_30 : vector<1x64xf32> to vector<1000x64xf32>
    %add3A_32 = arith.addf %add3A_24, %add3A_31 : vector<1000x64xf32>
    %logistic3A = arith.negf %add3A_32 : vector<1000x64xf32>
    %logistic3A_33 = math.exp %logistic3A : vector<1000x64xf32>
    %logistic3A_34 = arith.constant 1.000000e+00 : f32
    %logistic3A_35 = vector.broadcast %logistic3A_34 : f32 to vector<1000x64xf32>
    %logistic3A_36 = arith.addf %logistic3A_35, %logistic3A_33 : vector<1000x64xf32>
    %logistic3A_37 = arith.divf %logistic3A_35, %logistic3A_36 : vector<1000x64xf32>
    %get3A_38 = arith.constant 0 : index
    %get3A_39 = arith.constant 0 : index
    %get3A_40 = vector.load %arg5[%get3A_38, %get3A_39] : memref<64x64xf32, #tpu.memory_space<vmem>>, vector<64x64xf32>
    %dot_general3A_41 = arith.constant dense<0.000000e+00> : vector<1000x64xf32>
    %dot_general3A_42 = tpu.matmul %get3A_3, %get3A_40, %dot_general3A_41 {dimension_numbers = #tpu.dot_dimension_numbers<[1], [0], [0], [1], [0, 0, 1, 1], [], []>, transpose_lhs_hint = false} : vector<1000x64xf32>, vector<64x64xf32>, vector<1000x64xf32> -> vector<1000x64xf32>
    %get3A_43 = arith.constant 0 : index
    %get3A_44 = arith.constant 1 : index
    %get3A_45 = arith.constant 0 : index
    %get3A_46 = vector.load %arg10[%get3A_43, %get3A_44, %get3A_45] : memref<1x3x64xf32, #tpu.memory_space<vmem>>, vector<1x1x64xf32>
    %get3A_47 = vector.shape_cast %get3A_46 : vector<1x1x64xf32> to vector<64xf32>
    %broadcast_in_dim3A_48 = vector.shape_cast %get3A_47 : vector<64xf32> to vector<1x64xf32>
    %add3A_49 = vector.broadcast %broadcast_in_dim3A_48 : vector<1x64xf32> to vector<1000x64xf32>
    %add3A_50 = arith.addf %dot_general3A_42, %add3A_49 : vector<1000x64xf32>
    %get3A_51 = arith.constant 0 : index
    %get3A_52 = arith.constant 0 : index
    %get3A_53 = vector.load %arg8[%get3A_51, %get3A_52] : memref<64x64xf32, #tpu.memory_space<vmem>>, vector<64x64xf32>
    %dot_general3A_54 = arith.constant dense<0.000000e+00> : vector<1000x64xf32>
    %dot_general3A_55 = tpu.matmul %get3A_8, %get3A_53, %dot_general3A_54 {dimension_numbers = #tpu.dot_dimension_numbers<[1], [0], [0], [1], [0, 0, 1, 1], [], []>, transpose_lhs_hint = false} : vector<1000x64xf32>, vector<64x64xf32>, vector<1000x64xf32> -> vector<1000x64xf32>
    %add3A_56 = arith.addf %add3A_50, %dot_general3A_55 : vector<1000x64xf32>
    %get3A_57 = arith.constant 0 : index
    %get3A_58 = arith.constant 1 : index
    %get3A_59 = arith.constant 0 : index
    %get3A_60 = vector.load %arg11[%get3A_57, %get3A_58, %get3A_59] : memref<1x3x64xf32, #tpu.memory_space<vmem>>, vector<1x1x64xf32>
    %get3A_61 = vector.shape_cast %get3A_60 : vector<1x1x64xf32> to vector<64xf32>
    %broadcast_in_dim3A_62 = vector.shape_cast %get3A_61 : vector<64xf32> to vector<1x64xf32>
    %add3A_63 = vector.broadcast %broadcast_in_dim3A_62 : vector<1x64xf32> to vector<1000x64xf32>
    %add3A_64 = arith.addf %add3A_56, %add3A_63 : vector<1000x64xf32>
    %logistic3A_65 = arith.negf %add3A_64 : vector<1000x64xf32>
    %logistic3A_66 = math.exp %logistic3A_65 : vector<1000x64xf32>
    %logistic3A_67 = arith.constant 1.000000e+00 : f32
    %logistic3A_68 = vector.broadcast %logistic3A_67 : f32 to vector<1000x64xf32>
    %logistic3A_69 = arith.addf %logistic3A_68, %logistic3A_66 : vector<1000x64xf32>
    %logistic3A_70 = arith.divf %logistic3A_68, %logistic3A_69 : vector<1000x64xf32>
    %get3A_71 = arith.constant 0 : index
    %get3A_72 = arith.constant 0 : index
    %get3A_73 = vector.load %arg6[%get3A_71, %get3A_72] : memref<64x64xf32, #tpu.memory_space<vmem>>, vector<64x64xf32>
    %dot_general3A_74 = arith.constant dense<0.000000e+00> : vector<1000x64xf32>
    %dot_general3A_75 = tpu.matmul %get3A_3, %get3A_73, %dot_general3A_74 {dimension_numbers = #tpu.dot_dimension_numbers<[1], [0], [0], [1], [0, 0, 1, 1], [], []>, transpose_lhs_hint = false} : vector<1000x64xf32>, vector<64x64xf32>, vector<1000x64xf32> -> vector<1000x64xf32>
    %get3A_76 = arith.constant 0 : index
    %get3A_77 = arith.constant 2 : index
    %get3A_78 = arith.constant 0 : index
    %get3A_79 = vector.load %arg10[%get3A_76, %get3A_77, %get3A_78] : memref<1x3x64xf32, #tpu.memory_space<vmem>>, vector<1x1x64xf32>
    %get3A_80 = vector.shape_cast %get3A_79 : vector<1x1x64xf32> to vector<64xf32>
    %broadcast_in_dim3A_81 = vector.shape_cast %get3A_80 : vector<64xf32> to vector<1x64xf32>
    %add3A_82 = vector.broadcast %broadcast_in_dim3A_81 : vector<1x64xf32> to vector<1000x64xf32>
    %add3A_83 = arith.addf %dot_general3A_75, %add3A_82 : vector<1000x64xf32>
    %get3A_84 = arith.constant 0 : index
    %get3A_85 = arith.constant 0 : index
    %get3A_86 = vector.load %arg9[%get3A_84, %get3A_85] : memref<64x64xf32, #tpu.memory_space<vmem>>, vector<64x64xf32>
    %dot_general3A_87 = arith.constant dense<0.000000e+00> : vector<1000x64xf32>
    %dot_general3A_88 = tpu.matmul %get3A_8, %get3A_86, %dot_general3A_87 {dimension_numbers = #tpu.dot_dimension_numbers<[1], [0], [0], [1], [0, 0, 1, 1], [], []>, transpose_lhs_hint = false} : vector<1000x64xf32>, vector<64x64xf32>, vector<1000x64xf32> -> vector<1000x64xf32>
    %get3A_89 = arith.constant 0 : index
    %get3A_90 = arith.constant 2 : index
    %get3A_91 = arith.constant 0 : index
    %get3A_92 = vector.load %arg11[%get3A_89, %get3A_90, %get3A_91] : memref<1x3x64xf32, #tpu.memory_space<vmem>>, vector<1x1x64xf32>
    %get3A_93 = vector.shape_cast %get3A_92 : vector<1x1x64xf32> to vector<64xf32>
    %broadcast_in_dim3A_94 = vector.shape_cast %get3A_93 : vector<64xf32> to vector<1x64xf32>
    %add3A_95 = vector.broadcast %broadcast_in_dim3A_94 : vector<1x64xf32> to vector<1000x64xf32>
    %add3A_96 = arith.addf %dot_general3A_88, %add3A_95 : vector<1000x64xf32>
    %mul3A = arith.mulf %logistic3A_37, %add3A_96 : vector<1000x64xf32>
    %add3A_97 = arith.addf %add3A_83, %mul3A : vector<1000x64xf32>
    %tanh3A = math.tanh %add3A_97 : vector<1000x64xf32>
    %sub3A = arith.constant 1.000000e+00 : f32
    %sub3A_98 = vector.broadcast %sub3A : f32 to vector<1000x64xf32>
    %sub3A_99 = arith.subf %sub3A_98, %logistic3A_70 : vector<1000x64xf32>
    %mul3A_100 = arith.mulf %sub3A_99, %tanh3A : vector<1000x64xf32>
    %mul3A_101 = arith.mulf %logistic3A_70, %get3A_8 : vector<1000x64xf32>
    %add3A_102 = arith.addf %mul3A_100, %mul3A_101 : vector<1000x64xf32>
    %swap3A = arith.constant 0 : index
    %swap3A_103 = arith.constant 0 : index
    %swap3A_104 = arith.constant 0 : index
    %swap3A_105 = vector.load %arg14[%swap3A, %swap3A_103, %swap3A_104] : memref<1x1000x64xf32, #tpu.memory_space<vmem>>, vector<1x1000x64xf32>
    %swap3A_106 = vector.shape_cast %swap3A_105 : vector<1x1000x64xf32> to vector<1000x64xf32>
    %swap3A_107 = vector.shape_cast %add3A_102 : vector<1000x64xf32> to vector<1x1000x64xf32>
    tpu.vector_store %arg14[%swap3A, %swap3A_103, %swap3A_104], %swap3A_107 {strides = array<i32>} : memref<1x1000x64xf32, #tpu.memory_space<vmem>>, vector<1x1000x64xf32>,
    %get3A_108 = arith.constant 0 : index
    %get3A_109 = arith.constant 0 : index
    %get3A_110 = vector.load %arg12[%get3A_108, %get3A_109] : memref<64x64xf32, #tpu.memory_space<vmem>>, vector<64x64xf32>
    %dot_general3A_111 = arith.constant dense<0.000000e+00> : vector<1000x64xf32>
    %dot_general3A_112 = tpu.matmul %add3A_102, %get3A_110, %dot_general3A_111 {dimension_numbers = #tpu.dot_dimension_numbers<[1], [0], [0], [1], [0, 0, 1, 1], [], []>, transpose_lhs_hint = false} : vector<1000x64xf32>, vector<64x64xf32>, vector<1000x64xf32> -> vector<1000x64xf32>
    %get3A_113 = arith.constant 0 : index
    %get3A_114 = arith.constant 0 : index
    %get3A_115 = vector.load %arg13[%get3A_113, %get3A_114] : memref<64x64xf32, #tpu.memory_space<vmem>>, vector<64x64xf32>
    %dot_general3A_116 = arith.constant dense<0.000000e+00> : vector<1000x64xf32>
    %dot_general3A_117 = tpu.matmul %add3A_102, %get3A_115, %dot_general3A_116 {dimension_numbers = #tpu.dot_dimension_numbers<[1], [0], [0], [1], [0, 0, 1, 1], [], []>, transpose_lhs_hint = false} : vector<1000x64xf32>, vector<64x64xf32>, vector<1000x64xf32> -> vector<1000x64xf32>
    %concatenate3A = tpu.concatenate %dot_general3A_112, %dot_general3A_117 in 1 : vector<1000x64xf32>, vector<1000x64xf32> -> vector<1000x128xf32>
    %swap3A_118 = arith.constant 0 : index
    %swap3A_119 = arith.constant 0 : index
    %swap3A_120 = arith.constant 0 : index
    %swap3A_121 = vector.load %arg15[%swap3A_118, %swap3A_119, %swap3A_120] : memref<1x1000x128xf32, #tpu.memory_space<vmem>>, vector<1x1000x128xf32>
    %swap3A_122 = vector.shape_cast %swap3A_121 : vector<1x1000x128xf32> to vector<1000x128xf32>
    %swap3A_123 = vector.shape_cast %concatenate3A : vector<1000x128xf32> to vector<1x1000x128xf32>
    tpu.vector_store %arg15[%swap3A_118, %swap3A_119, %swap3A_120], %swap3A_123 {strides = array<i32>} : memref<1x1000x128xf32, #tpu.memory_space<vmem>>, vector<1x1000x128xf32>,
    return
  }
  func.func @transform_0(%arg0: i32, %arg1: i32) -> (i32, i32, i32) {
    %c0_i32 = arith.constant 0 : i32
    %c0_i32_0 = arith.constant 0 : i32
    return %arg0, %arg1, %c0_i32 : i32, i32, i32
  }
  func.func @transform_1(%arg0: i32, %arg1: i32) -> (i32, i32, i32) {
    %c0_i32 = arith.constant 0 : i32
    %c0_i32_0 = arith.constant 0 : i32
    return %arg0, %arg1, %c0_i32 : i32, i32, i32
  }
  func.func @transform_2(%arg0: i32, %arg1: i32) -> (i32, i32) {
    %c0_i32 = arith.constant 0 : i32
    %c0_i32_0 = arith.constant 0 : i32
    %c0_i32_1 = arith.constant 0 : i32
    return %c0_i32, %c0_i32_0 : i32, i32
  }
  func.func @transform_3(%arg0: i32, %arg1: i32) -> (i32, i32) {
    %c0_i32 = arith.constant 0 : i32
    %c0_i32_0 = arith.constant 0 : i32
    %c0_i32_1 = arith.constant 0 : i32
    return %c0_i32, %c0_i32_0 : i32, i32
  }
  func.func @transform_4(%arg0: i32, %arg1: i32) -> (i32, i32) {
    %c0_i32 = arith.constant 0 : i32
    %c0_i32_0 = arith.constant 0 : i32
    %c0_i32_1 = arith.constant 0 : i32
    return %c0_i32, %c0_i32_0 : i32, i32
  }
  func.func @transform_5(%arg0: i32, %arg1: i32) -> (i32, i32) {
    %c0_i32 = arith.constant 0 : i32
    %c0_i32_0 = arith.constant 0 : i32
    %c0_i32_1 = arith.constant 0 : i32
    return %c0_i32, %c0_i32_0 : i32, i32
  }
  func.func @transform_6(%arg0: i32, %arg1: i32) -> (i32, i32) {
    %c0_i32 = arith.constant 0 : i32
    %c0_i32_0 = arith.constant 0 : i32
    %c0_i32_1 = arith.constant 0 : i32
    return %c0_i32, %c0_i32_0 : i32, i32
  }
  func.func @transform_7(%arg0: i32, %arg1: i32) -> (i32, i32) {
    %c0_i32 = arith.constant 0 : i32
    %c0_i32_0 = arith.constant 0 : i32
    %c0_i32_1 = arith.constant 0 : i32
    return %c0_i32, %c0_i32_0 : i32, i32
  }
  func.func @transform_8(%arg0: i32, %arg1: i32) -> (i32, i32, i32) {
    %c0_i32 = arith.constant 0 : i32
    %c0_i32_0 = arith.constant 0 : i32
    %c0_i32_1 = arith.constant 0 : i32
    %c0_i32_2 = arith.constant 0 : i32
    return %c0_i32, %c0_i32_0, %c0_i32_1 : i32, i32, i32
  }
  func.func @transform_9(%arg0: i32, %arg1: i32) -> (i32, i32, i32) {
    %c0_i32 = arith.constant 0 : i32
    %c0_i32_0 = arith.constant 0 : i32
    %c0_i32_1 = arith.constant 0 : i32
    %c0_i32_2 = arith.constant 0 : i32
    return %c0_i32, %c0_i32_0, %c0_i32_1 : i32, i32, i32
  }
  func.func @transform_10(%arg0: i32, %arg1: i32) -> (i32, i32) {
    %c0_i32 = arith.constant 0 : i32
    %c0_i32_0 = arith.constant 0 : i32
    %c0_i32_1 = arith.constant 0 : i32
    return %c0_i32, %c0_i32_0 : i32, i32
  }
  func.func @transform_11(%arg0: i32, %arg1: i32) -> (i32, i32) {
    %c0_i32 = arith.constant 0 : i32
    %c0_i32_0 = arith.constant 0 : i32
    %c0_i32_1 = arith.constant 0 : i32
    return %c0_i32, %c0_i32_0 : i32, i32
  }
  func.func @transform_12(%arg0: i32, %arg1: i32) -> (i32, i32, i32) {
    %c0_i32 = arith.constant 0 : i32
    %c0_i32_0 = arith.constant 0 : i32
    return %arg0, %arg1, %c0_i32 : i32, i32, i32
  }
  func.func @transform_13(%arg0: i32, %arg1: i32) -> (i32, i32, i32) {
    %c0_i32 = arith.constant 0 : i32
    %c0_i32_0 = arith.constant 0 : i32
    return %arg0, %arg1, %c0_i32 : i32, i32, i32
  }
}

module attributes {stable_mosaic.version = 14 : i64} {
  func.func @_gru_body(%arg0: i32, %arg1: i32, %arg2: memref<1x1000x64xf32, #tpu.memory_space<vmem>>, %arg3: memref<1x1000x64xf32, #tpu.memory_space<vmem>>, %arg4: memref<64x64xf32, #tpu.memory_space<vmem>>, %arg5: memref<64x64xf32, #tpu.memory_space<vmem>>, %arg6: memref<64x64xf32, #tpu.memory_space<vmem>>, %arg7: memref<64x64xf32, #tpu.memory_space<vmem>>, %arg8: memref<64x64xf32, #tpu.memory_space<vmem>>, %arg9: memref<64x64xf32, #tpu.memory_space<vmem>>, %arg10: memref<1x3x64xf32, #tpu.memory_space<vmem>>, %arg11: memref<1x3x64xf32, #tpu.memory_space<vmem>>, %arg12: memref<64x64xf32, #tpu.memory_space<vmem>>, %arg13: memref<64x64xf32, #tpu.memory_space<vmem>>, %arg14: memref<1x1000x64xf32, #tpu.memory_space<vmem>>, %arg15: memref<1x1000x128xf32, #tpu.memory_space<vmem>>) attributes {dimension_semantics = [#tpu.dimension_semantics<arbitrary>, #tpu.dimension_semantics<arbitrary>], iteration_bounds = array<i64: 2, 10>, scalar_prefetch = 0 : i64, scratch_operands = 0 : i64, tpu.core_type = #tpu.core_type<tc>, window_params = [{transform_indices = @transform_0, window_bounds = array<i64: 1, 1000, 64>}, {transform_indices = @transform_1, window_bounds = array<i64: 1, 1000, 64>}, {pipeline_mode = #tpu.pipeline_mode<synchronous>, transform_indices = @transform_2, window_bounds = array<i64: 64, 64>}, {pipeline_mode = #tpu.pipeline_mode<synchronous>, transform_indices = @transform_3, window_bounds = array<i64: 64, 64>}, {pipeline_mode = #tpu.pipeline_mode<synchronous>, transform_indices = @transform_4, window_bounds = array<i64: 64, 64>}, {pipeline_mode = #tpu.pipeline_mode<synchronous>, transform_indices = @transform_5, window_bounds = array<i64: 64, 64>}, {pipeline_mode = #tpu.pipeline_mode<synchronous>, transform_indices = @transform_6, window_bounds = array<i64: 64, 64>}, {pipeline_mode = #tpu.pipeline_mode<synchronous>, transform_indices = @transform_7, window_bounds = array<i64: 64, 64>}, {pipeline_mode = #tpu.pipeline_mode<synchronous>, transform_indices = @transform_8, window_bounds = array<i64: 1, 3, 64>}, {pipeline_mode = #tpu.pipeline_mode<synchronous>, transform_indices = @transform_9, window_bounds = array<i64: 1, 3, 64>}, {pipeline_mode = #tpu.pipeline_mode<synchronous>, transform_indices = @transform_10, window_bounds = array<i64: 64, 64>}, {pipeline_mode = #tpu.pipeline_mode<synchronous>, transform_indices = @transform_11, window_bounds = array<i64: 64, 64>}, {transform_indices = @transform_12, window_bounds = array<i64: 1, 1000, 64>}, {transform_indices = @transform_13, window_bounds = array<i64: 1, 1000, 128>}]} {
    %get3A = arith.constant 0 : index
    %get3A_0 = arith.constant 0 : index
    %get3A_1 = arith.constant 0 : index
    %get3A_2 = vector.load %arg2[%get3A, %get3A_0, %get3A_1] : memref<1x1000x64xf32, #tpu.memory_space<vmem>>, vector<1x1000x64xf32>
    %get3A_3 = vector.shape_cast %get3A_2 : vector<1x1000x64xf32> to vector<1000x64xf32>
    %get3A_4 = arith.constant 0 : index
    %get3A_5 = arith.constant 0 : index
    %get3A_6 = arith.constant 0 : index
    %get3A_7 = vector.load %arg3[%get3A_4, %get3A_5, %get3A_6] : memref<1x1000x64xf32, #tpu.memory_space<vmem>>, vector<1x1000x64xf32>
    %get3A_8 = vector.shape_cast %get3A_7 : vector<1x1000x64xf32> to vector<1000x64xf32>
    %get3A_9 = arith.constant 0 : index
    %get3A_10 = arith.constant 0 : index
    %get3A_11 = vector.load %arg4[%get3A_9, %get3A_10] : memref<64x64xf32, #tpu.memory_space<vmem>>, vector<64x64xf32>
    %dot_general3A = arith.constant dense<0.000000e+00> : vector<1000x64xf32>
    %dot_general3A_12 = tpu.matmul %get3A_3, %get3A_11, %dot_general3A {dimension_numbers = #tpu.dot_dimension_numbers<[1], [0], [0], [1], [0, 0, 1, 1], [], []>, transpose_lhs_hint = false} : vector<1000x64xf32>, vector<64x64xf32>, vector<1000x64xf32> -> vector<1000x64xf32>
    %get3A_13 = arith.constant 0 : index
    %get3A_14 = arith.constant 0 : index
    %get3A_15 = arith.constant 0 : index
    %get3A_16 = vector.load %arg10[%get3A_13, %get3A_14, %get3A_15] : memref<1x3x64xf32, #tpu.memory_space<vmem>>, vector<1x1x64xf32>
    %get3A_17 = vector.shape_cast %get3A_16 : vector<1x1x64xf32> to vector<64xf32>
    %broadcast_in_dim3A = vector.shape_cast %get3A_17 : vector<64xf32> to vector<1x64xf32>
    %add3A = vector.broadcast %broadcast_in_dim3A : vector<1x64xf32> to vector<1000x64xf32>
    %add3A_18 = arith.addf %dot_general3A_12, %add3A : vector<1000x64xf32>
    %get3A_19 = arith.constant 0 : index
    %get3A_20 = arith.constant 0 : index
    %get3A_21 = vector.load %arg7[%get3A_19, %get3A_20] : memref<64x64xf32, #tpu.memory_space<vmem>>, vector<64x64xf32>
    %dot_general3A_22 = arith.constant dense<0.000000e+00> : vector<1000x64xf32>
    %dot_general3A_23 = tpu.matmul %get3A_8, %get3A_21, %dot_general3A_22 {dimension_numbers = #tpu.dot_dimension_numbers<[1], [0], [0], [1], [0, 0, 1, 1], [], []>, transpose_lhs_hint = false} : vector<1000x64xf32>, vector<64x64xf32>, vector<1000x64xf32> -> vector<1000x64xf32>
    %add3A_24 = arith.addf %add3A_18, %dot_general3A_23 : vector<1000x64xf32>
    %get3A_25 = arith.constant 0 : index
    %get3A_26 = arith.constant 0 : index
    %get3A_27 = arith.constant 0 : index
    %get3A_28 = vector.load %arg11[%get3A_25, %get3A_26, %get3A_27] : memref<1x3x64xf32, #tpu.memory_space<vmem>>, vector<1x1x64xf32>
    %get3A_29 = vector.shape_cast %get3A_28 : vector<1x1x64xf32> to vector<64xf32>
    %broadcast_in_dim3A_30 = vector.shape_cast %get3A_29 : vector<64xf32> to vector<1x64xf32>
    %add3A_31 = vector.broadcast %broadcast_in_dim3A_30 : vector<1x64xf32> to vector<1000x64xf32>
    %add3A_32 = arith.addf %add3A_24, %add3A_31 : vector<1000x64xf32>
    %logistic3A = arith.negf %add3A_32 : vector<1000x64xf32>
    %logistic3A_33 = math.exp %logistic3A : vector<1000x64xf32>
    %logistic3A_34 = arith.constant 1.000000e+00 : f32
    %logistic3A_35 = vector.broadcast %logistic3A_34 : f32 to vector<1000x64xf32>
    %logistic3A_36 = arith.addf %logistic3A_35, %logistic3A_33 : vector<1000x64xf32>
    %logistic3A_37 = arith.divf %logistic3A_35, %logistic3A_36 : vector<1000x64xf32>
    %get3A_38 = arith.constant 0 : index
    %get3A_39 = arith.constant 0 : index
    %get3A_40 = vector.load %arg5[%get3A_38, %get3A_39] : memref<64x64xf32, #tpu.memory_space<vmem>>, vector<64x64xf32>
    %dot_general3A_41 = arith.constant dense<0.000000e+00> : vector<1000x64xf32>
    %dot_general3A_42 = tpu.matmul %get3A_3, %get3A_40, %dot_general3A_41 {dimension_numbers = #tpu.dot_dimension_numbers<[1], [0], [0], [1], [0, 0, 1, 1], [], []>, transpose_lhs_hint = false} : vector<1000x64xf32>, vector<64x64xf32>, vector<1000x64xf32> -> vector<1000x64xf32>
    %get3A_43 = arith.constant 0 : index
    %get3A_44 = arith.constant 1 : index
    %get3A_45 = arith.constant 0 : index
    %get3A_46 = vector.load %arg10[%get3A_43, %get3A_44, %get3A_45] : memref<1x3x64xf32, #tpu.memory_space<vmem>>, vector<1x1x64xf32>
    %get3A_47 = vector.shape_cast %get3A_46 : vector<1x1x64xf32> to vector<64xf32>
    %broadcast_in_dim3A_48 = vector.shape_cast %get3A_47 : vector<64xf32> to vector<1x64xf32>
    %add3A_49 = vector.broadcast %broadcast_in_dim3A_48 : vector<1x64xf32> to vector<1000x64xf32>
    %add3A_50 = arith.addf %dot_general3A_42, %add3A_49 : vector<1000x64xf32>
    %get3A_51 = arith.constant 0 : index
    %get3A_52 = arith.constant 0 : index
    %get3A_53 = vector.load %arg8[%get3A_51, %get3A_52] : memref<64x64xf32, #tpu.memory_space<vmem>>, vector<64x64xf32>
    %dot_general3A_54 = arith.constant dense<0.000000e+00> : vector<1000x64xf32>
    %dot_general3A_55 = tpu.matmul %get3A_8, %get3A_53, %dot_general3A_54 {dimension_numbers = #tpu.dot_dimension_numbers<[1], [0], [0], [1], [0, 0, 1, 1], [], []>, transpose_lhs_hint = false} : vector<1000x64xf32>, vector<64x64xf32>, vector<1000x64xf32> -> vector<1000x64xf32>
    %add3A_56 = arith.addf %add3A_50, %dot_general3A_55 : vector<1000x64xf32>
    %get3A_57 = arith.constant 0 : index
    %get3A_58 = arith.constant 1 : index
    %get3A_59 = arith.constant 0 : index
    %get3A_60 = vector.load %arg11[%get3A_57, %get3A_58, %get3A_59] : memref<1x3x64xf32, #tpu.memory_space<vmem>>, vector<1x1x64xf32>
    %get3A_61 = vector.shape_cast %get3A_60 : vector<1x1x64xf32> to vector<64xf32>
    %broadcast_in_dim3A_62 = vector.shape_cast %get3A_61 : vector<64xf32> to vector<1x64xf32>
    %add3A_63 = vector.broadcast %broadcast_in_dim3A_62 : vector<1x64xf32> to vector<1000x64xf32>
    %add3A_64 = arith.addf %add3A_56, %add3A_63 : vector<1000x64xf32>
    %logistic3A_65 = arith.negf %add3A_64 : vector<1000x64xf32>
    %logistic3A_66 = math.exp %logistic3A_65 : vector<1000x64xf32>
    %logistic3A_67 = arith.constant 1.000000e+00 : f32
    %logistic3A_68 = vector.broadcast %logistic3A_67 : f32 to vector<1000x64xf32>
    %logistic3A_69 = arith.addf %logistic3A_68, %logistic3A_66 : vector<1000x64xf32>
    %logistic3A_70 = arith.divf %logistic3A_68, %logistic3A_69 : vector<1000x64xf32>
    %get3A_71 = arith.constant 0 : index
    %get3A_72 = arith.constant 0 : index
    %get3A_73 = vector.load %arg6[%get3A_71, %get3A_72] : memref<64x64xf32, #tpu.memory_space<vmem>>, vector<64x64xf32>
    %dot_general3A_74 = arith.constant dense<0.000000e+00> : vector<1000x64xf32>
    %dot_general3A_75 = tpu.matmul %get3A_3, %get3A_73, %dot_general3A_74 {dimension_numbers = #tpu.dot_dimension_numbers<[1], [0], [0], [1], [0, 0, 1, 1], [], []>, transpose_lhs_hint = false} : vector<1000x64xf32>, vector<64x64xf32>, vector<1000x64xf32> -> vector<1000x64xf32>
    %get3A_76 = arith.constant 0 : index
    %get3A_77 = arith.constant 2 : index
    %get3A_78 = arith.constant 0 : index
    %get3A_79 = vector.load %arg10[%get3A_76, %get3A_77, %get3A_78] : memref<1x3x64xf32, #tpu.memory_space<vmem>>, vector<1x1x64xf32>
    %get3A_80 = vector.shape_cast %get3A_79 : vector<1x1x64xf32> to vector<64xf32>
    %broadcast_in_dim3A_81 = vector.shape_cast %get3A_80 : vector<64xf32> to vector<1x64xf32>
    %add3A_82 = vector.broadcast %broadcast_in_dim3A_81 : vector<1x64xf32> to vector<1000x64xf32>
    %add3A_83 = arith.addf %dot_general3A_75, %add3A_82 : vector<1000x64xf32>
    %get3A_84 = arith.constant 0 : index
    %get3A_85 = arith.constant 0 : index
    %get3A_86 = vector.load %arg9[%get3A_84, %get3A_85] : memref<64x64xf32, #tpu.memory_space<vmem>>, vector<64x64xf32>
    %dot_general3A_87 = arith.constant dense<0.000000e+00> : vector<1000x64xf32>
    %dot_general3A_88 = tpu.matmul %get3A_8, %get3A_86, %dot_general3A_87 {dimension_numbers = #tpu.dot_dimension_numbers<[1], [0], [0], [1], [0, 0, 1, 1], [], []>, transpose_lhs_hint = false} : vector<1000x64xf32>, vector<64x64xf32>, vector<1000x64xf32> -> vector<1000x64xf32>
    %get3A_89 = arith.constant 0 : index
    %get3A_90 = arith.constant 2 : index
    %get3A_91 = arith.constant 0 : index
    %get3A_92 = vector.load %arg11[%get3A_89, %get3A_90, %get3A_91] : memref<1x3x64xf32, #tpu.memory_space<vmem>>, vector<1x1x64xf32>
    %get3A_93 = vector.shape_cast %get3A_92 : vector<1x1x64xf32> to vector<64xf32>
    %broadcast_in_dim3A_94 = vector.shape_cast %get3A_93 : vector<64xf32> to vector<1x64xf32>
    %add3A_95 = vector.broadcast %broadcast_in_dim3A_94 : vector<1x64xf32> to vector<1000x64xf32>
    %add3A_96 = arith.addf %dot_general3A_88, %add3A_95 : vector<1000x64xf32>
    %mul3A = arith.mulf %logistic3A_37, %add3A_96 : vector<1000x64xf32>
    %add3A_97 = arith.addf %add3A_83, %mul3A : vector<1000x64xf32>
    %tanh3A = math.tanh %add3A_97 : vector<1000x64xf32>
    %sub3A = arith.constant 1.000000e+00 : f32
    %sub3A_98 = vector.broadcast %sub3A : f32 to vector<1000x64xf32>
    %sub3A_99 = arith.subf %sub3A_98, %logistic3A_70 : vector<1000x64xf32>
    %mul3A_100 = arith.mulf %sub3A_99, %tanh3A : vector<1000x64xf32>
    %mul3A_101 = arith.mulf %logistic3A_70, %get3A_8 : vector<1000x64xf32>
    %add3A_102 = arith.addf %mul3A_100, %mul3A_101 : vector<1000x64xf32>
    %swap3A = arith.constant 0 : index
    %swap3A_103 = arith.constant 0 : index
    %swap3A_104 = arith.constant 0 : index
    %swap3A_105 = vector.load %arg14[%swap3A, %swap3A_103, %swap3A_104] : memref<1x1000x64xf32, #tpu.memory_space<vmem>>, vector<1x1000x64xf32>
    %swap3A_106 = vector.shape_cast %swap3A_105 : vector<1x1000x64xf32> to vector<1000x64xf32>
    %swap3A_107 = vector.shape_cast %add3A_102 : vector<1000x64xf32> to vector<1x1000x64xf32>
    tpu.vector_store %arg14[%swap3A, %swap3A_103, %swap3A_104], %swap3A_107 {strides = array<i32>} : memref<1x1000x64xf32, #tpu.memory_space<vmem>>, vector<1x1000x64xf32>,
    %get3A_108 = arith.constant 0 : index
    %get3A_109 = arith.constant 0 : index
    %get3A_110 = vector.load %arg12[%get3A_108, %get3A_109] : memref<64x64xf32, #tpu.memory_space<vmem>>, vector<64x64xf32>
    %dot_general3A_111 = arith.constant dense<0.000000e+00> : vector<1000x64xf32>
    %dot_general3A_112 = tpu.matmul %add3A_102, %get3A_110, %dot_general3A_111 {dimension_numbers = #tpu.dot_dimension_numbers<[1], [0], [0], [1], [0, 0, 1, 1], [], []>, transpose_lhs_hint = false} : vector<1000x64xf32>, vector<64x64xf32>, vector<1000x64xf32> -> vector<1000x64xf32>
    %get3A_113 = arith.constant 0 : index
    %get3A_114 = arith.constant 0 : index
    %get3A_115 = vector.load %arg13[%get3A_113, %get3A_114] : memref<64x64xf32, #tpu.memory_space<vmem>>, vector<64x64xf32>
    %dot_general3A_116 = arith.constant dense<0.000000e+00> : vector<1000x64xf32>
    %dot_general3A_117 = tpu.matmul %add3A_102, %get3A_115, %dot_general3A_116 {dimension_numbers = #tpu.dot_dimension_numbers<[1], [0], [0], [1], [0, 0, 1, 1], [], []>, transpose_lhs_hint = false} : vector<1000x64xf32>, vector<64x64xf32>, vector<1000x64xf32> -> vector<1000x64xf32>
    %concatenate3A = tpu.concatenate %dot_general3A_112, %dot_general3A_117 in 1 : vector<1000x64xf32>, vector<1000x64xf32> -> vector<1000x128xf32>
    %swap3A_118 = arith.constant 0 : index
    %swap3A_119 = arith.constant 0 : index
    %swap3A_120 = arith.constant 0 : index
    %swap3A_121 = vector.load %arg15[%swap3A_118, %swap3A_119, %swap3A_120] : memref<1x1000x128xf32, #tpu.memory_space<vmem>>, vector<1x1000x128xf32>
    %swap3A_122 = vector.shape_cast %swap3A_121 : vector<1x1000x128xf32> to vector<1000x128xf32>
    %swap3A_123 = vector.shape_cast %concatenate3A : vector<1000x128xf32> to vector<1x1000x128xf32>
    tpu.vector_store %arg15[%swap3A_118, %swap3A_119, %swap3A_120], %swap3A_123 {strides = array<i32>} : memref<1x1000x128xf32, #tpu.memory_space<vmem>>, vector<1x1000x128xf32>,
    return
  }
  func.func @transform_0(%arg0: i32, %arg1: i32) -> (i32, i32, i32) {
    %c0_i32 = arith.constant 0 : i32
    %c0_i32_0 = arith.constant 0 : i32
    return %arg0, %arg1, %c0_i32 : i32, i32, i32
  }
  func.func @transform_1(%arg0: i32, %arg1: i32) -> (i32, i32, i32) {
    %c0_i32 = arith.constant 0 : i32
    %c0_i32_0 = arith.constant 0 : i32
    return %arg0, %arg1, %c0_i32 : i32, i32, i32
  }
  func.func @transform_2(%arg0: i32, %arg1: i32) -> (i32, i32) {
    %c0_i32 = arith.constant 0 : i32
    %c0_i32_0 = arith.constant 0 : i32
    %c0_i32_1 = arith.constant 0 : i32
    return %c0_i32, %c0_i32_0 : i32, i32
  }
  func.func @transform_3(%arg0: i32, %arg1: i32) -> (i32, i32) {
    %c0_i32 = arith.constant 0 : i32
    %c0_i32_0 = arith.constant 0 : i32
    %c0_i32_1 = arith.constant 0 : i32
    return %c0_i32, %c0_i32_0 : i32, i32
  }
  func.func @transform_4(%arg0: i32, %arg1: i32) -> (i32, i32) {
    %c0_i32 = arith.constant 0 : i32
    %c0_i32_0 = arith.constant 0 : i32
    %c0_i32_1 = arith.constant 0 : i32
    return %c0_i32, %c0_i32_0 : i32, i32
  }
  func.func @transform_5(%arg0: i32, %arg1: i32) -> (i32, i32) {
    %c0_i32 = arith.constant 0 : i32
    %c0_i32_0 = arith.constant 0 : i32
    %c0_i32_1 = arith.constant 0 : i32
    return %c0_i32, %c0_i32_0 : i32, i32
  }
  func.func @transform_6(%arg0: i32, %arg1: i32) -> (i32, i32) {
    %c0_i32 = arith.constant 0 : i32
    %c0_i32_0 = arith.constant 0 : i32
    %c0_i32_1 = arith.constant 0 : i32
    return %c0_i32, %c0_i32_0 : i32, i32
  }
  func.func @transform_7(%arg0: i32, %arg1: i32) -> (i32, i32) {
    %c0_i32 = arith.constant 0 : i32
    %c0_i32_0 = arith.constant 0 : i32
    %c0_i32_1 = arith.constant 0 : i32
    return %c0_i32, %c0_i32_0 : i32, i32
  }
  func.func @transform_8(%arg0: i32, %arg1: i32) -> (i32, i32, i32) {
    %c0_i32 = arith.constant 0 : i32
    %c0_i32_0 = arith.constant 0 : i32
    %c0_i32_1 = arith.constant 0 : i32
    %c0_i32_2 = arith.constant 0 : i32
    return %c0_i32, %c0_i32_0, %c0_i32_1 : i32, i32, i32
  }
  func.func @transform_9(%arg0: i32, %arg1: i32) -> (i32, i32, i32) {
    %c0_i32 = arith.constant 0 : i32
    %c0_i32_0 = arith.constant 0 : i32
    %c0_i32_1 = arith.constant 0 : i32
    %c0_i32_2 = arith.constant 0 : i32
    return %c0_i32, %c0_i32_0, %c0_i32_1 : i32, i32, i32
  }
  func.func @transform_10(%arg0: i32, %arg1: i32) -> (i32, i32) {
    %c0_i32 = arith.constant 0 : i32
    %c0_i32_0 = arith.constant 0 : i32
    %c0_i32_1 = arith.constant 0 : i32
    return %c0_i32, %c0_i32_0 : i32, i32
  }
  func.func @transform_11(%arg0: i32, %arg1: i32) -> (i32, i32) {
    %c0_i32 = arith.constant 0 : i32
    %c0_i32_0 = arith.constant 0 : i32
    %c0_i32_1 = arith.constant 0 : i32
    return %c0_i32, %c0_i32_0 : i32, i32
  }
  func.func @transform_12(%arg0: i32, %arg1: i32) -> (i32, i32, i32) {
    %c0_i32 = arith.constant 0 : i32
    %c0_i32_0 = arith.constant 0 : i32
    return %arg0, %arg1, %c0_i32 : i32, i32, i32
  }
  func.func @transform_13(%arg0: i32, %arg1: i32) -> (i32, i32, i32) {
    %c0_i32 = arith.constant 0 : i32
    %c0_i32_0 = arith.constant 0 : i32
    return %arg0, %arg1, %c0_i32 : i32, i32, i32
  }
}

</mosaic_0001>

<sc_bundles>
// kernel: kernel.15.cloned.1.call-start
scs
__scs_entry_jumppad:
0x0: {  	(pc) =	sbr.rel $0x88, $3  }
0x1: {  	(tag) =	ssettag $0x0;
	lr =	simm.s32 $0x1  }
0x2: {  	[smem:$0x3F95] =	sst lr;
	_ =	strace $0xD0000000  }
0x3: {  	_ = 	snop  }
0x4: {  	_ = 	snop  }
0x5: {  	_ = 	snop  }
0x6: {  	_ = 	snop  }
0x7: {  	_ = 	snop  }
__scs_overlays_trampoline_lowered:
0x8: {  	[smem:$0x3FA4] =	sst s0  }
0x9: {  	[smem:$0x3FA5] =	sst s1  }
0xa: {  	[smem:$0x3FA6] =	sst s2  }
0xb: {  	[smem:$0x3FA7] =	sst s3  }
0xc: {  	[smem:$0x3FA8] =	sst s4  }
0xd: {  	[smem:$0x3FA9] =	sst s5  }
0xe: {  	[smem:$0x3FAA] =	sst s6  }
0xf: {  	[smem:$0x3FAB] =	sst s7  }
0x10: {  	[smem:$0x3FAC] =	sst s8  }
0x11: {  	[smem:$0x3FAD] =	sst s9;
	s0 =	simm.s32 @!p0 $0x0  }
0x12: {  	s1 =	sld [smem:$0x3F93];
	s0 =	simm.s32 @p0 $0x1  }
0x13: {  	[smem:$0x3FAE] =	sst s0;
	s0 =	simm.s32 @!p1 $0x0  }
0x14: {  	s2 =	sld [smem:$0x3F92];
	s0 =	simm.s32 @p1 $0x1  }
0x15: {  	[smem:$0x3FAF] =	sst s0;
	s0 =	simm.s32 @!p2 $0x0  }
0x16: {  	s3 =	sld [smem:$0x3FDB];
	s0 =	simm.s32 @p2 $0x1  }
0x17: {  	s4 =	simm.s32 $0x1BF5;
	[smem:$0x3FB1] =	sst s0  }
0x18: {  	s0 =	sld [smem:$0x3F94];
	_ =	swait.ge [sflag:s4], $0x0  }
0x19: {  	s7 =	sld [smem:$0x3F95]  }
0x1a: {  	s8 =	sadd.s32 $0xFFFFE003, lr  }
0x1b: {  	s9 =	sadd.s32 $0xFFFFFEF7, lr;
	s5 =	simm.s32 $0xFFFFFFFF;
	p2 =	slt.u32 s8, $0xFFFFF086  }
0x1c: {  	p1 =	slt.u32 s9, $0xF7A;
	s5 =	simm.s32 @!p2 $0x0  }
0x1d: {  	s5 =	simm.s32 @p1 $0x1;
	p0 =	seq.s32 s7, s2  }
0x1e: {  	s7 =	smul.u32 @!p0 $0xF7A, s2;
	p2 =	seq.s32 @!p0 s5, $0x0  }
0x1f: {  	s9 =	smul.u32 $0xF7A, s1;
	s8 =	simm.s32 @!p0 $0x1BF5;
	p2 =	por !p2, p0  }
0x20: {  	[sflag:s8] =	ssyncset.s32 @!p0 $0xFFFFF086;
	s6 =	sadd.s32 @!p0 s3, s7;
	s7 =	simm.s32 @!p0 $0x108  }
0x21: {  	s3 =	sadd.s32 s3, s9;
	s6 =	sadd.s32 @!p0 $0x88, s6;
	s7 =	simm.s32 @p2 $0x1082  }
0x22: {  	[simem:s7], [sflag:s8] =	dma.local @!p0 [hbm:s6], $0xF7A  }
0x23: {  	s9 =	sor.u32 $0xD0000000, s2;
	s6 =	simm.s32 $0x108;
	_ =	swait.ge @!p0 [sflag:s8], $0x0  }
0x24: {  	s3 =	sadd.s32 $0x88, s3;
	s6 =	simm.s32 @!p1 $0x1082;
	[sflag:s4] =	ssyncset.s32 $0xFFFFF086  }
0x25: {  	[simem:s6], [sflag:s4] =	dma.local [hbm:s3], $0xF7A  }
0x26: {  	[smem:$0x3F95] =	sst s1;
	(tag) =	ssettag s2;
	_ =	strace s9  }
0x27: {  	s1 =	sld [smem:$0x3FA5]  }
0x28: {  	s2 =	sld [smem:$0x3FA6]  }
0x29: {  	s4 =	sld [smem:$0x3FA8]  }
0x2a: {  	p0 =	seq.s32 s5, $0x0;
	s5 =	sld [smem:$0x3FA9]  }
0x2b: {  	s6 =	sld [smem:$0x3FAA]  }
0x2c: {  	s7 =	sld [smem:$0x3FAB]  }
0x2d: {  	s3 =	simm.s32 $0x108;
	s8 =	sld [smem:$0x3FAC]  }
0x2e: {  	s3 =	simm.s32 @!p0 $0x1082;
	s9 =	sld [smem:$0x3FAD]  }
0x2f: {  	lr =	sadd.s32 s0, s3;
	s0 =	sld [smem:$0x3FA4]  }
0x30: {  	s3 =	sld [smem:$0x3FA7]  }
0x31: {  	[smem:$0x3FB0] =	sst s10  }
0x32: {  	s10 =	sld [smem:$0x3FAE];
	_ =	sdelay $0x3  }
0x33: {  	p0 =	seq.s32 s10, $0x1;
	s10 =	sld [smem:$0x3FB0];
	_ =	sdelay $0x3  }
0x34: {  	[smem:$0x3FB0] =	sst s10  }
0x35: {  	s10 =	sld [smem:$0x3FAF];
	_ =	sdelay $0x3  }
0x36: {  	p1 =	seq.s32 s10, $0x1;
	s10 =	sld [smem:$0x3FB0];
	_ =	sdelay $0x3  }
0x37: {  	[smem:$0x3FB0] =	sst s10  }
0x38: {  	s10 =	sld [smem:$0x3FB1]  }
0x39: {  	_ = 	snop;
	(pc) =	sbr.ind lr, $3  }
0x3a: {  	_ = 	snop  }
0x3b: {  	_ = 	snop  }
0x3c: {  	p2 =	seq.s32 s10, $0x1;
	s10 =	sld [smem:$0x3FB0]  }
0x3d: {  	_ =	shalt  }
0x3e: {  	_ =	shalt  }
0x3f: {  	_ =	shalt  }
0x40: {  	_ =	shalt  }
0x41: {  	_ =	shalt  }
0x42: {  	_ =	shalt  }
0x43: {  	_ =	shalt  }
0x44: {  	_ =	shalt  }
0x45: {  	_ =	shalt  }
0x46: {  	_ =	shalt  }
0x47: {  	_ =	shalt  }
0x48: {  	_ =	shalt  }
0x49: {  	_ =	shalt  }
0x4a: {  	_ =	shalt  }
0x4b: {  	_ =	shalt  }
0x4c: {  	_ =	shalt  }
0x4d: {  	_ =	shalt  }
0x4e: {  	_ =	shalt  }
0x4f: {  	_ =	shalt  }
0x50: {  	_ =	shalt  }
0x51: {  	_ =	shalt  }
0x52: {  	_ =	shalt  }
0x53: {  	_ =	shalt  }
0x54: {  	_ =	shalt  }
0x55: {  	_ =	shalt  }
0x56: {  	_ =	shalt  }
0x57: {  	_ =	shalt  }
0x58: {  	_ =	shalt  }
0x59: {  	_ =	shalt  }
0x5a: {  	_ =	shalt  }
0x5b: {  	_ =	shalt  }
0x5c: {  	_ =	shalt  }
0x5d: {  	_ =	shalt  }
0x5e: {  	_ =	shalt  }
0x5f: {  	_ =	shalt  }
0x60: {  	_ =	shalt  }
0x61: {  	_ =	shalt  }
0x62: {  	_ =	shalt  }
0x63: {  	_ =	shalt  }
0x64: {  	_ =	shalt  }
0x65: {  	_ =	shalt  }
0x66: {  	_ =	shalt  }
0x67: {  	_ =	shalt  }
0x68: {  	_ =	shalt  }
0x69: {  	_ =	shalt  }
0x6a: {  	_ =	shalt  }
0x6b: {  	_ =	shalt  }
0x6c: {  	_ =	shalt  }
0x6d: {  	_ =	shalt  }
0x6e: {  	_ =	shalt  }
0x6f: {  	_ =	shalt  }
0x70: {  	_ =	shalt  }
0x71: {  	_ =	shalt  }
0x72: {  	_ =	shalt  }
0x73: {  	_ =	shalt  }
0x74: {  	_ =	shalt  }
0x75: {  	_ =	shalt  }
0x76: {  	_ =	shalt  }
0x77: {  	_ =	shalt  }
0x78: {  	_ =	shalt  }
0x79: {  	_ =	shalt  }
0x7a: {  	_ =	shalt  }
0x7b: {  	_ =	shalt  }
0x7c: {  	_ =	shalt  }
0x7d: {  	_ =	shalt  }
0x7e: {  	_ =	shalt  }
0x7f: {  	_ =	shalt  }
0x80: {  	_ =	shalt  }
0x81: {  	_ =	shalt  }
0x82: {  	_ =	shalt  }
0x83: {  	_ =	shalt  }
0x84: {  	_ =	shalt  }
0x85: {  	_ =	shalt  }
0x86: {  	_ =	shalt  }
0x87: {  	_ =	shalt  }
.Lfunc_end0:
.L_simem_size_0:
called_computation_lowered:
.L_overlay_start_0:
0x88: {  	s2 =	sld [smem:$0x3FD9]  }
0x89: {  	s3 =	sld [smem:$0x3FFE];
	_ =	sdelay $0x1  }
0x8a: {  	s1 =	srdreg.scid  }
0x8b: {  	s0 =	sand.u32 $0x1, s1  }
0x8c: {  	s16 =	sshll.u32 s0, $0xA;
	s2 =	sadd.s32 s3, s2  }
0x8d: {  	s2 =	sadd.s32 s2, s16  }
0x8e: {  	[smem:$0x3FBC] =	sst s2  }
0x8f: {  	_ = 	snop  }
0x90: {  	(tm) =	ssettm $0x1  }
0x91: {  	s17 =	sld [smem:$0x3FFB];
	_ =	sdelay $0x3  }
0x92: {  	_ =	strace s17  }
0x93: {  	s2 =	sld [smem:$0x3FFC];
	_ =	sdelay $0x3  }
0x94: {  	_ =	strace s2  }
0x95: {  	s2 =	sld [smem:$0x3FFD];
	_ =	sdelay $0x3  }
0x96: {  	_ =	strace s2  }
0x97: {  	_ =	strace $0x8FFFFFFF  }
0x98: {  	s18 =	sld [smem:$0x3FDB];
	_ =	sdelay $0x1  }
0x99: {  	s19 =	simm.s32 $_scs_section_size  }
0x9a: {  	s4 =	simm.s32 $_size__tile_overlayer_lowered;
	s5 =	simm.s32 $_tile_overlayer_lowered  }
0x9b: {  	s22 =	simm.s32 $0x1BFF;
	s21 =	sshll.u32 s5, $0x1;
	s2 =	sadd.s32 s19, s18  }
0x9c: {  	s6 =	simm.s32 $0x0;
	s20 =	sshll.u32 s4, $0x1;
	s4 =	sadd.s32 s21, s2  }
0x9d: {  	[timem:s6], [sflag:s22] =	dma.local [hbm:s4], s20  }
0x9e: {  	_ =	swait.ge [sflag:s22], s20  }
0x9f: {  	s3 =	ssub.s32 $0x0, s20;
	[sflag:s22] =	ssyncset.done $0x0  }
0xa0: {  	[sflag:s22] =	ssyncadd.s32 s3;
	_ =	sdelay $0x1  }
0xa1: {  	s23 =	simm.s32 $0x1B8B  }
0xa2: {  	_ =	swait.ge [sflag:s23], $0x1  }
0xa3: {  	[sflag:s23] =	ssyncset.done $0x0  }
0xa4: {  	s25 =	simm.s32 $0x1B8E;
	s24 =	sld [smem:$0x3FFE];
	[sflag:s23] =	ssyncadd.s32 $0xFFFFFFFF  }
0xa5: {  	s26 =	simm.s32 $execute0_lowered;
	[smem:$0x3FD2] =	sst s25  }
0xa6: {  	s4 =	sshll.u32 s26, $0x1;
	_ =	strace $0x80000046;
	[dreg:$0x1] =	wrdreg $0xFFFFFFFF  }
0xa7: {  	s28 =	simm.s32 $_size_execute0_lowered;
	s2 =	sadd.s32 s2, s4;
	[dreg:$0x0] =	wrdreg $0x0  }
0xa8: {  	s4 =	sshll.u32 s28, $0x1;
	[dreg:$0x2] =	wrdreg s2  }
0xa9: {  	[dreg:$0x3] =	wrdreg s4  }
0xaa: {  	[dreg:$0x4] =	wrdreg $0xC0  }
0xab: {  	_ =	task [dreg:s6], $0x5FFFF  }
0xac: {  	[dreg:$0x1] =	wrdreg $0xFFFFFFFF  }
0xad: {  	[dreg:$0x0] =	wrdreg $0x60  }
0xae: {  	[dreg:$0x2] =	wrdreg s24  }
0xaf: {  	[dreg:$0x3] =	wrdreg $0x9  }
0xb0: {  	_ =	task.clear_ibuf [dreg:s6], $0x4FFFF;
	_ =	strace $0x90000046  }
0xb1: {  	s29 =	simm.s32 $0x9;
	_ =	strace $0x80000048  }
0xb2: {  	_ =	swait.ge [sflag:s29], $0x1  }
0xb3: {  	[sflag:s29] =	ssyncadd.s32 $0xFFFFFFFF  }
0xb4: {  	_ =	strace $0x90000048  }
0xb5: {  	_ =	sfence  }
0xb6: {  	s30 =	sld [smem:$0x0];
	_ =	sdelay $0x2  }
0xb7: {  	s31 =	sshll.u32 s1, $0xD;
	s1 =	sshrl.u32 s1, $0x2  }
0xb8: {  	s3 =	sand.u32 $0x4000, s31;
	s1 =	sadd.s32 s1, s30  }
0xb9: {  	s0 =	sor.u32 s3, s0;
	s1 =	sshll.u32 s1, $0x11  }
0xba: {  	s0 =	sor.u32 s1, s0  }
0xbb: {  	s0 =	sadd.s32 $0x8F2B, s0  }
0xbc: {  	[sflag:s0] =	ssyncadd.remote.s32 $0x1  }
0xbd: {  	_ =	sfence.sel $0xFFFF  }
0xbe: {  	[dreg:$0x0] =	wrdreg $0xFFFFFFFF;
	(pc) =	sbr.abs _section_cstart, $3  }
0xbf: {  	[dreg:$0x1] =	wrdreg $0xFFFFFFFF  }
0xc0: {  	_ =	task.clear_ibuf [dreg:s6], $0x2FFFF;
	_ =	strace $0x9FFFFFFF  }
0xc1: {  	(tm) =	ssettm $0x7FFFFFFF  }
tec
execute0_lowered:
.L_overlay_start_1:
0x0: {  	(tag) =	ssettag $0x1  }
0x1: {  	s4 =	rddreg [dreg:$0x0];
	s1 =	srdreg.scid  }
0x2: {  	s0 =	rddreg [dreg:$0x1];
	s2 =	simm.s32 $0x0;
	s10 =	simm.s32 $0x80  }
0x3: {  	s11 =	simm.s32 $0x5000;
	s12 =	simm.s32 $0x9000;
	s13 =	simm.s32 $0xD000  }
0x4: {  	s14 =	simm.s32 $0x2880;
	s15 =	simm.s32 $0x11000;
	s16 =	simm.s32 $0x1  }
0x5: {  	s17 =	simm.s32 $0x5;
	s18 =	simm.s32 $0x2;
	s5 =	sand.u32 $0x1, s1  }
0x6: {  	s19 =	simm.s32 $0x3;
	s1 =	stileid.u32;
	s6 =	smul.u32 $0x28000, s5  }
0x7: {  	s20 =	simm.s32 $0x15000;
	s21 =	simm.s32 $0x19000;
	s7 =	smul.u32 $0x2800, s1  }
0x8: {  	s22 =	simm.s32 $0x0;
	[smem:$0x7FF] =	sst s2;
	s30 =	smul.u32 $0x500000, s5  }
0x9: {  	s3 =	sadd.s32 $0x71A00, s4;
	_ =	strace $0x80000047;
	s8 =	smul.u32 $0x28000, s1  }
.Ltmp0:
0xa: {  	s5 =	ssub.s32 $0x2, s5;
	s6 =	sadd.s32 s7, s6;
	(pc) =	sbr.rel .LBB2_1-.Ltmp0, $4  }
0xb: {  	s31 =	sshrl.u32 s5, $0x1;
	s7 =	sadd.s32 s30, s4;
	s6 =	sshrl.u32 s6, $0x3  }
0xc: {  	s9 =	ssub.s32 s5, s31;
	s7 =	sadd.s32 s8, s7;
	s6 =	sadd.s32 s6, s4  }
0xd: {  	s8 =	simm.s32 $0x4;
	s7 =	sadd.s32 $0x340C00, s7;
	s4 =	sadd.s32 $0x5DA00, s6  }
0xe: {  	s5 =	sadd.s32 $0x67A00, s6;
	s6 =	smax.u32 s9, $0x1;
	s9 =	simm.s32 $0x2800  }
.LBB2_4:
0xf: {  	s22 =	sadd.s32 $0x1, s22  }
0x10: {  	p0 =	sne.s32 s22, s6  }
.Ltmp1:
0x11: {  	_ = 	snop;
	(pc) =	sbr.rel @!p0 .LBB2_5-.Ltmp1, $1  }
0x12: {  	_ =	sdelay $0x3  }
.LBB2_1:
0x13: {  	[tilespmem:s2], [sflag:$0x4] =	stream.linear.gather [hbm4b:s4+s2], $0x2800, $0x38;
	[tilespmem:$0x1D000] =	vst v63  }
0x14: {  	_ =	swait.ge [sflag:s8], $0x2800  }
0x15: {  	[sflag:s8] =	ssyncset.done $0x0  }
0x16: {  	[sflag:s8] =	ssyncadd.s32 $0xFFFFD800  }
0x17: {  	[tilespmem:s9], [sflag:$0x4] =	stream.linear.gather [hbm4b:s5+s2], $0x2800, $0x38;
	[tilespmem:$0x1D000] =	vst v63  }
0x18: {  	_ =	swait.ge [sflag:s8], $0x2800  }
0x19: {  	[sflag:s8] =	ssyncset.done $0x0  }
0x1a: {  	[sflag:s8] =	ssyncadd.s32 $0xFFFFD800  }
0x1b: {  	[tilespmem:s11], [sflag:$0x1] =	stream.indirect.gather [hbm4b:s3+s10], $0x80, s2, s10, $0xb8;
	[tilespmem:$0x1D000] =	vst v63  }
0x1c: {  	_ = 	snop  }
0x1d: {  	[tilespmem:s12], [sflag:$0x1] =	stream.indirect.gather [hbm4b:s3+s10], $0x80, s9, s10, $0xb8;
	[tilespmem:$0x1D000] =	vst v63  }
0x1e: {  	_ = 	snop  }
0x1f: {  	[tilespmem:s13], [sflag:$0x2] =	stream.indirect.gather [hbm4b:s3+s10], $0x80, s10, s10, $0xb8;
	[tilespmem:$0x1D000] =	vst v63  }
0x20: {  	s23 =	smov.u32 s7;
	s24 =	simm.s32 $0x0  }
0x21: {  	[tilespmem:s15], [sflag:$0x2] =	stream.indirect.gather [hbm4b:s3+s10], $0x80, s14, s10, $0xb8;
	[tilespmem:$0x1D000] =	vst v63  }
.LBB2_2:
0x22: {  	_ =	swait.ge [sflag:s16], $0x4000  }
0x23: {  	[sflag:s16] =	ssyncset.done $0x0  }
0x24: {  	[sflag:s16] =	ssyncadd.s32 $0xFFFFC000  }
0x25: {  	p0 =	seq.s32 s24, $0x9C00;
	_ =	swait.ge [sflag:s16], $0x4000  }
0x26: {  	s25 =	sshra.s32 @!p0 s24, $0x2;
	s28 =	simm.s32 @!p0 $0x80;
	[sflag:s16] =	ssyncset.done $0x0  }
0x27: {  	s29 =	simm.s32 @!p0 $0x15000;
	s26 =	sadd.s32 @!p0 $0x100, s25;
	[sflag:s16] =	ssyncadd.s32 $0xFFFFC000  }
0x28: {  	[tilespmem:s29], [sflag:$0x3] =	stream.indirect.gather @!p0 [hbm4b:s3+s28], $0x80, s26, s28, $0xb8;
	[tilespmem:$0x1D000] =	vst v63  }
0x29: {  	s26 =	sadd.s32 @!p0 $0x2900, s25;
	s29 =	simm.s32 @!p0 $0x19000  }
0x2a: {  	[tilespmem:s29], [sflag:$0x3] =	stream.indirect.gather @!p0 [hbm4b:s3+s28], $0x80, s26, s28, $0xb8;
	[tilespmem:$0x1D000] =	vst v63  }
0x2b: {  	s31 =	sadd.s32 $0xFFD7F000, s23  }
0x2c: {  	[hbm4b:s31+s2] =	stream.linear.scatter [tilespmem:s11], [sflag:$0x5], $0x4000, $0x38;
	[tilespmem:$0x1D000] =	vst v63  }
0x2d: {  	_ =	swait.ge [sflag:s17], $0x4000  }
0x2e: {  	[sflag:s17] =	ssyncset.done $0x0  }
0x2f: {  	s29 =	sadd.s32 $0xFFFFF000, s23;
	[sflag:s17] =	ssyncadd.s32 $0xFFFFC000  }
0x30: {  	[hbm4b:s29+s2] =	stream.linear.scatter [tilespmem:s12], [sflag:$0x5], $0x4000, $0x38;
	[tilespmem:$0x1D000] =	vst v63  }
0x31: {  	_ =	swait.ge [sflag:s17], $0x4000  }
0x32: {  	[sflag:s17] =	ssyncset.done $0x0  }
0x33: {  	[sflag:s17] =	ssyncadd.s32 $0xFFFFC000  }
0x34: {  	_ =	swait.ge [sflag:s18], $0x4000  }
0x35: {  	[sflag:s18] =	ssyncset.done $0x0  }
0x36: {  	[sflag:s18] =	ssyncadd.s32 $0xFFFFC000  }
0x37: {  	_ =	swait.ge [sflag:s18], $0x4000  }
0x38: {  	[sflag:s18] =	ssyncset.done $0x0  }
0x39: {  	s26 =	sadd.s32 @!p0 $0x180, s25;
	s29 =	simm.s32 @!p0 $0x5000;
	[sflag:s18] =	ssyncadd.s32 $0xFFFFC000  }
0x3a: {  	[tilespmem:s29], [sflag:$0x1] =	stream.indirect.gather @!p0 [hbm4b:s3+s28], $0x80, s26, s28, $0xb8;
	[tilespmem:$0x1D000] =	vst v63  }
0x3b: {  	s25 =	sadd.s32 @!p0 $0x2980, s25;
	s26 =	simm.s32 @!p0 $0x9000  }
0x3c: {  	[tilespmem:s26], [sflag:$0x1] =	stream.indirect.gather @!p0 [hbm4b:s3+s28], $0x80, s25, s28, $0xb8;
	[tilespmem:$0x1D000] =	vst v63  }
0x3d: {  	s30 =	sadd.s32 $0xFFD7F800, s23  }
0x3e: {  	[hbm4b:s30+s2] =	stream.linear.scatter [tilespmem:s13], [sflag:$0x5], $0x4000, $0x38;
	[tilespmem:$0x1D000] =	vst v63  }
0x3f: {  	_ =	swait.ge [sflag:s17], $0x4000  }
0x40: {  	[sflag:s17] =	ssyncset.done $0x0  }
.Ltmp2:
0x41: {  	s31 =	sadd.s32 $0xFFFFF800, s23;
	[sflag:s17] =	ssyncadd.s32 $0xFFFFC000;
	(pc) =	sbr.rel @p0 .LBB2_4-.Ltmp2, $4  }
0x42: {  	[hbm4b:s31+s2] =	stream.linear.scatter [tilespmem:s15], [sflag:$0x5], $0x4000, $0x38;
	[tilespmem:$0x1D000] =	vst v63  }
0x43: {  	_ =	swait.ge [sflag:s17], $0x4000  }
0x44: {  	[sflag:s17] =	ssyncset.done $0x0  }
0x45: {  	[sflag:s17] =	ssyncadd.s32 $0xFFFFC000  }
0x46: {  	_ =	swait.ge [sflag:s19], $0x4000  }
0x47: {  	[sflag:s19] =	ssyncset.done $0x0  }
0x48: {  	[sflag:s19] =	ssyncadd.s32 $0xFFFFC000  }
0x49: {  	_ =	swait.ge [sflag:s19], $0x4000  }
0x4a: {  	s25 =	sshra.s32 s24, $0x2;
	[sflag:s19] =	ssyncset.done $0x0  }
0x4b: {  	s26 =	sadd.s32 $0x200, s25;
	[sflag:s19] =	ssyncadd.s32 $0xFFFFC000  }
0x4c: {  	[tilespmem:s13], [sflag:$0x2] =	stream.indirect.gather [hbm4b:s3+s10], $0x80, s26, s10, $0xb8;
	[tilespmem:$0x1D000] =	vst v63  }
0x4d: {  	s25 =	sadd.s32 $0x2A00, s25  }
0x4e: {  	[tilespmem:s15], [sflag:$0x2] =	stream.indirect.gather [hbm4b:s3+s10], $0x80, s25, s10, $0xb8;
	[tilespmem:$0x1D000] =	vst v63  }
0x4f: {  	s31 =	sadd.s32 $0xFFD80000, s23  }
0x50: {  	[hbm4b:s31+s2] =	stream.linear.scatter [tilespmem:s20], [sflag:$0x5], $0x4000, $0x38;
	[tilespmem:$0x1D000] =	vst v63  }
0x51: {  	_ =	swait.ge [sflag:s17], $0x4000  }
0x52: {  	[sflag:s17] =	ssyncset.done $0x0  }
.Ltmp3:
0x53: {  	[sflag:s17] =	ssyncadd.s32 $0xFFFFC000;
	(pc) =	sbr.rel .LBB2_2-.Ltmp3, $4  }
0x54: {  	[hbm4b:s23+s2] =	stream.linear.scatter [tilespmem:s21], [sflag:$0x4], $0x4000, $0x38;
	[tilespmem:$0x1D000] =	vst v63  }
0x55: {  	_ =	swait.ge [sflag:s8], $0x4000  }
0x56: {  	[sflag:s8] =	ssyncset.done $0x0  }
0x57: {  	s24 =	sadd.s32 $0x600, s24;
	s23 =	sadd.s32 $0x1800, s23;
	[sflag:s8] =	ssyncadd.s32 $0xFFFFC000  }
.LBB2_5:
0x58: {  	_ =	sfence.sel $0x180000  }
0x59: {  	[bflag:$0x0] =	sbarrier.arrive $0xFFFF  }
0x5a: {  	p0 =	sne.s32 s1, $0x0;
	_ =	strace $0x90000047  }
0x5b: {  	s0 =	sadd.s32 @!p0 $0x100000, s0;
	[bflag:$0x2] =	sbarrier.arrive $0xFFFF  }
0x5c: {  	[sflag:s0] =	ssyncadd.tile.s32 @!p0 $0x1;
	_ =	shalt  }
.Lfunc_end2:
_tile_overlayer_lowered:
.L_overlay_start_2:
0x5d: {  	(tag) =	ssettag $0x2  }
0x5e: {  	s0 =	rddreg [dreg:$0x0];
	s2 =	stileid.u32  }
0x5f: {  	s1 =	rddreg [dreg:$0x1];
	p0 =	sne.s32 s2, $0x0  }
0x60: {  	s3 =	rddreg [dreg:$0x2];
	[bflag:$0x3] =	sbarrier.arrive $0xFFFF;
	s2 =	simm.s32 @!p0 $0x1C04  }
0x61: {  	[timem:s3], [sflag:s2] =	dma.local @!p0 [hbm:s0], s1  }
0x62: {  	s0 =	simm.s32 @!p0 $0x4  }
0x63: {  	_ =	swait.ge @!p0 [sflag:s0], s1  }
0x64: {  	s1 =	ssub.s32 @!p0 $0x0, s1;
	[sflag:s0] =	ssyncset.done @!p0 $0x0  }
0x65: {  	[sflag:s0] =	ssyncadd.s32 @!p0 s1  }
0x66: {  	[bflag:$0x3] =	sbarrier.arrive $0xFFFF  }
0x67: {  	_ =	shalt  }

// kernel: kernel.18.cloned.1.call-start
scs
__scs_entry_jumppad:
0x0: {  	(pc) =	sbr.rel $0x88, $3  }
0x1: {  	(tag) =	ssettag $0x0;
	lr =	simm.s32 $0x1  }
0x2: {  	[smem:$0x3F95] =	sst lr;
	_ =	strace $0xD0000000  }
0x3: {  	_ = 	snop  }
0x4: {  	_ = 	snop  }
0x5: {  	_ = 	snop  }
0x6: {  	_ = 	snop  }
0x7: {  	_ = 	snop  }
__scs_overlays_trampoline_lowered:
0x8: {  	[smem:$0x3FA4] =	sst s0  }
0x9: {  	[smem:$0x3FA5] =	sst s1  }
0xa: {  	[smem:$0x3FA6] =	sst s2  }
0xb: {  	[smem:$0x3FA7] =	sst s3  }
0xc: {  	[smem:$0x3FA8] =	sst s4  }
0xd: {  	[smem:$0x3FA9] =	sst s5  }
0xe: {  	[smem:$0x3FAA] =	sst s6  }
0xf: {  	[smem:$0x3FAB] =	sst s7  }
0x10: {  	[smem:$0x3FAC] =	sst s8  }
0x11: {  	[smem:$0x3FAD] =	sst s9;
	s0 =	simm.s32 @!p0 $0x0  }
0x12: {  	s1 =	sld [smem:$0x3F93];
	s0 =	simm.s32 @p0 $0x1  }
0x13: {  	[smem:$0x3FAE] =	sst s0;
	s0 =	simm.s32 @!p1 $0x0  }
0x14: {  	s2 =	sld [smem:$0x3F92];
	s0 =	simm.s32 @p1 $0x1  }
0x15: {  	[smem:$0x3FAF] =	sst s0;
	s0 =	simm.s32 @!p2 $0x0  }
0x16: {  	s3 =	sld [smem:$0x3FDB];
	s0 =	simm.s32 @p2 $0x1  }
0x17: {  	s4 =	simm.s32 $0x1BF5;
	[smem:$0x3FB1] =	sst s0  }
0x18: {  	s0 =	sld [smem:$0x3F94];
	_ =	swait.ge [sflag:s4], $0x0  }
0x19: {  	s7 =	sld [smem:$0x3F95]  }
0x1a: {  	s8 =	sadd.s32 $0xFFFFE003, lr  }
0x1b: {  	s9 =	sadd.s32 $0xFFFFFEF7, lr;
	s5 =	simm.s32 $0xFFFFFFFF;
	p2 =	slt.u32 s8, $0xFFFFF086  }
0x1c: {  	p1 =	slt.u32 s9, $0xF7A;
	s5 =	simm.s32 @!p2 $0x0  }
0x1d: {  	s5 =	simm.s32 @p1 $0x1;
	p0 =	seq.s32 s7, s2  }
0x1e: {  	s7 =	smul.u32 @!p0 $0xF7A, s2;
	p2 =	seq.s32 @!p0 s5, $0x0  }
0x1f: {  	s9 =	smul.u32 $0xF7A, s1;
	s8 =	simm.s32 @!p0 $0x1BF5;
	p2 =	por !p2, p0  }
0x20: {  	[sflag:s8] =	ssyncset.s32 @!p0 $0xFFFFF086;
	s6 =	sadd.s32 @!p0 s3, s7;
	s7 =	simm.s32 @!p0 $0x108  }
0x21: {  	s3 =	sadd.s32 s3, s9;
	s6 =	sadd.s32 @!p0 $0x88, s6;
	s7 =	simm.s32 @p2 $0x1082  }
0x22: {  	[simem:s7], [sflag:s8] =	dma.local @!p0 [hbm:s6], $0xF7A  }
0x23: {  	s9 =	sor.u32 $0xD0000000, s2;
	s6 =	simm.s32 $0x108;
	_ =	swait.ge @!p0 [sflag:s8], $0x0  }
0x24: {  	s3 =	sadd.s32 $0x88, s3;
	s6 =	simm.s32 @!p1 $0x1082;
	[sflag:s4] =	ssyncset.s32 $0xFFFFF086  }
0x25: {  	[simem:s6], [sflag:s4] =	dma.local [hbm:s3], $0xF7A  }
0x26: {  	[smem:$0x3F95] =	sst s1;
	(tag) =	ssettag s2;
	_ =	strace s9  }
0x27: {  	s1 =	sld [smem:$0x3FA5]  }
0x28: {  	s2 =	sld [smem:$0x3FA6]  }
0x29: {  	s4 =	sld [smem:$0x3FA8]  }
0x2a: {  	p0 =	seq.s32 s5, $0x0;
	s5 =	sld [smem:$0x3FA9]  }
0x2b: {  	s6 =	sld [smem:$0x3FAA]  }
0x2c: {  	s7 =	sld [smem:$0x3FAB]  }
0x2d: {  	s3 =	simm.s32 $0x108;
	s8 =	sld [smem:$0x3FAC]  }
0x2e: {  	s3 =	simm.s32 @!p0 $0x1082;
	s9 =	sld [smem:$0x3FAD]  }
0x2f: {  	lr =	sadd.s32 s0, s3;
	s0 =	sld [smem:$0x3FA4]  }
0x30: {  	s3 =	sld [smem:$0x3FA7]  }
0x31: {  	[smem:$0x3FB0] =	sst s10  }
0x32: {  	s10 =	sld [smem:$0x3FAE];
	_ =	sdelay $0x3  }
0x33: {  	p0 =	seq.s32 s10, $0x1;
	s10 =	sld [smem:$0x3FB0];
	_ =	sdelay $0x3  }
0x34: {  	[smem:$0x3FB0] =	sst s10  }
0x35: {  	s10 =	sld [smem:$0x3FAF];
	_ =	sdelay $0x3  }
0x36: {  	p1 =	seq.s32 s10, $0x1;
	s10 =	sld [smem:$0x3FB0];
	_ =	sdelay $0x3  }
0x37: {  	[smem:$0x3FB0] =	sst s10  }
0x38: {  	s10 =	sld [smem:$0x3FB1]  }
0x39: {  	_ = 	snop;
	(pc) =	sbr.ind lr, $3  }
0x3a: {  	_ = 	snop  }
0x3b: {  	_ = 	snop  }
0x3c: {  	p2 =	seq.s32 s10, $0x1;
	s10 =	sld [smem:$0x3FB0]  }
0x3d: {  	_ =	shalt  }
0x3e: {  	_ =	shalt  }
0x3f: {  	_ =	shalt  }
0x40: {  	_ =	shalt  }
0x41: {  	_ =	shalt  }
0x42: {  	_ =	shalt  }
0x43: {  	_ =	shalt  }
0x44: {  	_ =	shalt  }
0x45: {  	_ =	shalt  }
0x46: {  	_ =	shalt  }
0x47: {  	_ =	shalt  }
0x48: {  	_ =	shalt  }
0x49: {  	_ =	shalt  }
0x4a: {  	_ =	shalt  }
0x4b: {  	_ =	shalt  }
0x4c: {  	_ =	shalt  }
0x4d: {  	_ =	shalt  }
0x4e: {  	_ =	shalt  }
0x4f: {  	_ =	shalt  }
0x50: {  	_ =	shalt  }
0x51: {  	_ =	shalt  }
0x52: {  	_ =	shalt  }
0x53: {  	_ =	shalt  }
0x54: {  	_ =	shalt  }
0x55: {  	_ =	shalt  }
0x56: {  	_ =	shalt  }
0x57: {  	_ =	shalt  }
0x58: {  	_ =	shalt  }
0x59: {  	_ =	shalt  }
0x5a: {  	_ =	shalt  }
0x5b: {  	_ =	shalt  }
0x5c: {  	_ =	shalt  }
0x5d: {  	_ =	shalt  }
0x5e: {  	_ =	shalt  }
0x5f: {  	_ =	shalt  }
0x60: {  	_ =	shalt  }
0x61: {  	_ =	shalt  }
0x62: {  	_ =	shalt  }
0x63: {  	_ =	shalt  }
0x64: {  	_ =	shalt  }
0x65: {  	_ =	shalt  }
0x66: {  	_ =	shalt  }
0x67: {  	_ =	shalt  }
0x68: {  	_ =	shalt  }
0x69: {  	_ =	shalt  }
0x6a: {  	_ =	shalt  }
0x6b: {  	_ =	shalt  }
0x6c: {  	_ =	shalt  }
0x6d: {  	_ =	shalt  }
0x6e: {  	_ =	shalt  }
0x6f: {  	_ =	shalt  }
0x70: {  	_ =	shalt  }
0x71: {  	_ =	shalt  }
0x72: {  	_ =	shalt  }
0x73: {  	_ =	shalt  }
0x74: {  	_ =	shalt  }
0x75: {  	_ =	shalt  }
0x76: {  	_ =	shalt  }
0x77: {  	_ =	shalt  }
0x78: {  	_ =	shalt  }
0x79: {  	_ =	shalt  }
0x7a: {  	_ =	shalt  }
0x7b: {  	_ =	shalt  }
0x7c: {  	_ =	shalt  }
0x7d: {  	_ =	shalt  }
0x7e: {  	_ =	shalt  }
0x7f: {  	_ =	shalt  }
0x80: {  	_ =	shalt  }
0x81: {  	_ =	shalt  }
0x82: {  	_ =	shalt  }
0x83: {  	_ =	shalt  }
0x84: {  	_ =	shalt  }
0x85: {  	_ =	shalt  }
0x86: {  	_ =	shalt  }
0x87: {  	_ =	shalt  }
.Lfunc_end0:
.L_simem_size_0:
called_computation.1_lowered:
.L_overlay_start_0:
0x88: {  	s2 =	sld [smem:$0x3FD9]  }
0x89: {  	s3 =	sld [smem:$0x3FFE];
	_ =	sdelay $0x1  }
0x8a: {  	s1 =	srdreg.scid  }
0x8b: {  	s0 =	sand.u32 $0x1, s1  }
0x8c: {  	s17 =	sshll.u32 s0, $0xA;
	s2 =	sadd.s32 s3, s2  }
0x8d: {  	s2 =	sadd.s32 s2, s17  }
0x8e: {  	[smem:$0x3FBC] =	sst s2  }
0x8f: {  	_ = 	snop  }
0x90: {  	s2 =	sld [smem:$0x3FD0];
	(tm) =	ssettm $0x1  }
0x91: {  	s18 =	sld [smem:$0x3FFB];
	_ =	sdelay $0x3  }
0x92: {  	_ =	strace s18  }
0x93: {  	s3 =	sld [smem:$0x3FFC];
	_ =	sdelay $0x3  }
0x94: {  	_ =	strace s3  }
0x95: {  	s3 =	sld [smem:$0x3FFD];
	_ =	sdelay $0x3  }
0x96: {  	_ =	strace s3  }
0x97: {  	_ =	strace $0x8FFFFFFF  }
0x98: {  	s19 =	sld [smem:$0x3FDB];
	_ =	sdelay $0x1  }
0x99: {  	s4 =	simm.s32 $_scs_section_size  }
0x9a: {  	s5 =	simm.s32 $_size__tile_overlayer_lowered;
	s6 =	simm.s32 $_tile_overlayer_lowered  }
0x9b: {  	s22 =	simm.s32 $0x1BFF;
	s21 =	sshll.u32 s6, $0x1;
	s3 =	sadd.s32 s4, s19  }
0x9c: {  	s7 =	simm.s32 $0x0;
	s20 =	sshll.u32 s5, $0x1;
	s5 =	sadd.s32 s21, s3  }
0x9d: {  	[timem:s7], [sflag:s22] =	dma.local [hbm:s5], s20  }
0x9e: {  	_ =	swait.ge [sflag:s22], s20  }
0x9f: {  	s4 =	ssub.s32 $0x0, s20;
	[sflag:s22] =	ssyncset.done $0x0  }
0xa0: {  	[sflag:s22] =	ssyncadd.s32 s4;
	_ =	sdelay $0x1  }
0xa1: {  	s23 =	simm.s32 $0x1B8B  }
0xa2: {  	_ =	swait.ge [sflag:s23], $0x1  }
0xa3: {  	[sflag:s23] =	ssyncset.done $0x0  }
0xa4: {  	s25 =	simm.s32 $0x1B8E;
	s24 =	sld [smem:$0x3FFE];
	[sflag:s23] =	ssyncadd.s32 $0xFFFFFFFF  }
0xa5: {  	s26 =	simm.s32 $execute0_lowered;
	[smem:$0x3FD2] =	sst s25  }
0xa6: {  	s5 =	sshll.u32 s26, $0x1;
	_ =	strace $0x80000049;
	[dreg:$0x1] =	wrdreg $0xFFFFFFFF  }
0xa7: {  	s28 =	simm.s32 $_size_execute0_lowered;
	s3 =	sadd.s32 s3, s5;
	[dreg:$0x0] =	wrdreg $0x0  }
0xa8: {  	s5 =	sshll.u32 s28, $0x1;
	[dreg:$0x2] =	wrdreg s3  }
0xa9: {  	[dreg:$0x3] =	wrdreg s5  }
0xaa: {  	[dreg:$0x4] =	wrdreg $0xC0  }
0xab: {  	_ =	task [dreg:s7], $0x5FFFF  }
0xac: {  	[dreg:$0x1] =	wrdreg $0xFFFFFFFF  }
0xad: {  	[dreg:$0x0] =	wrdreg $0x60  }
0xae: {  	[dreg:$0x2] =	wrdreg s24  }
0xaf: {  	[dreg:$0x3] =	wrdreg s2  }
0xb0: {  	[dreg:$0x4] =	wrdreg $0x0  }
0xb1: {  	[dreg:$0x5] =	wrdreg $0x9  }
0xb2: {  	_ =	task.clear_ibuf [dreg:s7], $0x6FFFF;
	_ =	strace $0x90000049  }
0xb3: {  	s29 =	simm.s32 $0x9;
	_ =	strace $0x8000004B  }
0xb4: {  	_ =	swait.ge [sflag:s29], $0x1  }
0xb5: {  	[sflag:s29] =	ssyncadd.s32 $0xFFFFFFFF  }
0xb6: {  	_ =	strace $0x9000004B  }
0xb7: {  	_ =	sfence  }
0xb8: {  	s30 =	sld [smem:$0x0];
	_ =	sdelay $0x2  }
0xb9: {  	s31 =	sshll.u32 s1, $0xD;
	s1 =	sshrl.u32 s1, $0x2  }
0xba: {  	s3 =	sand.u32 $0x4000, s31;
	s1 =	sadd.s32 s1, s30  }
0xbb: {  	s0 =	sor.u32 s3, s0;
	s1 =	sshll.u32 s1, $0x11  }
0xbc: {  	s0 =	sor.u32 s1, s0  }
0xbd: {  	s0 =	sadd.s32 $0x8F2B, s0  }
0xbe: {  	[sflag:s0] =	ssyncadd.remote.s32 $0x1  }
0xbf: {  	_ =	sfence.sel $0xFFFF  }
0xc0: {  	[dreg:$0x0] =	wrdreg $0xFFFFFFFF;
	(pc) =	sbr.abs _section_cstart, $3  }
0xc1: {  	[dreg:$0x1] =	wrdreg $0xFFFFFFFF  }
0xc2: {  	_ =	task.clear_ibuf [dreg:s7], $0x2FFFF;
	_ =	strace $0x9FFFFFFF  }
0xc3: {  	(tm) =	ssettm $0x7FFFFFFF  }
tec
execute0_lowered:
.L_overlay_start_1:
0x0: {  	(tag) =	ssettag $0x1  }
0x1: {  	s0 =	rddreg [dreg:$0x0]  }
0x2: {  	s1 =	rddreg [dreg:$0x1]  }
0x3: {  	s2 =	rddreg [dreg:$0x2]  }
0x4: {  	s8 =	stileid.u32;
	s3 =	simm.s32 $0x0;
	s5 =	srdreg.scid  }
0x5: {  	s28 =	simm.s32 $0x80;
	s29 =	simm.s32 $0x2;
	s4 =	smul.u32 $0x500, s8  }
0x6: {  	[smem:$0x7FF] =	sst s3;
	s12 =	smul.u32 $0x9C00, s8;
	s9 =	sand.u32 $0x1, s5  }
0x7: {  	s21 =	sadd.s32 $0xC0A000, s0;
	s18 =	sshll.u32 s8, $0x6;
	s11 =	smul.u32 $0xA0000, s8  }
0x8: {  	s20 =	sadd.s32 $0x9C000, s2;
	p0 =	sne.s32 s8, $0xF;
	_ =	strace $0x8000004A  }
0x9: {  	s5 =	ssub.s32 $0x2, s9;
	s10 =	smul.u32 $0x1400000, s9;
	[dreg:$0x6] =	wrdreg s20  }
0xa: {  	s13 =	smul.u32 $0x9C400, s9;
	s4 =	sadd.s32 s4, s0;
	s6 =	sshrl.u32 s12, $0x3  }
0xb: {  	s7 =	sshrl.u32 s5, $0x1;
	s17 =	sadd.s32 s12, s2;
	s6 =	sadd.s32 s6, s0  }
0xc: {  	s15 =	ssub.s32 s5, s7;
	[dreg:$0x4] =	wrdreg s17;
	s0 =	sadd.s32 $0xAD3800, s0  }
0xd: {  	s22 =	sadd.s32 s11, s10;
	s9 =	sadd.s32 $0xC00000, s4;
	s10 =	sadd.s32 $0xC05000, s4  }
0xe: {  	s24 =	sadd.s32 s12, s13;
	s13 =	sshrl.u32 s13, $0x3;
	s19 =	sadd.s32 $0xAC0000, s6  }
0xf: {  	s6 =	sor.u32 $0x1C03, s18;
	[dreg:$0x7] =	wrdreg s0;
	s23 =	sshrl.u32 s22, $0x3  }
0x10: {  	s4 =	sshrl.u32 s24, $0x3;
	s14 =	sadd.s32 s1, s13;
	s25 =	sor.u32 $0x4000, s22  }
0x11: {  	s15 =	smax.u32 s15, $0x1;
	s26 =	sor.u32 $0x2000, s22;
	s30 =	sadd.s32 $0xA04000, s22  }
0x12: {  	s0 =	sadd.s32 $0xA02000, s22;
	s22 =	simm.s32 $0x3;
	s24 =	simm.s32 $0xEC80  }
0x13: {  	[dreg:$0x5] =	wrdreg s19;
	s11 =	sadd.s32 s21, s23;
	s13 =	sadd.s32 s1, s4  }
0x14: {  	s14 =	sadd.s32 $0x13800, s14;
	s1 =	sshrl.u32 s25, $0x3;
	s31 =	sshrl.u32 s30, $0x3  }
0x15: {  	s0 =	sshrl.u32 s0, $0x3;
	s25 =	simm.s32 $0x10C80;
	s23 =	simm.s32 $0x0  }
0x16: {  	s12 =	sadd.s32 $0x140000, s11;
	s16 =	sadd.s32 $0x13C00, s11;
	s17 =	sadd.s32 $0x153C00, s11  }
0x17: {  	s18 =	sadd.s32 s1, s21;
	s1 =	sshrl.u32 s26, $0x3;
	s20 =	sadd.s32 s31, s21  }
0x18: {  	s26 =	simm.s32 $0x1;
	s19 =	sadd.s32 s1, s21;
	s21 =	sadd.s32 s0, s21  }
.LBB2_1:
0x19: {  	s0 =	rddreg [dreg:$0x4]  }
0x1a: {  	s1 =	rddreg [dreg:$0x5];
	s30 =	sshrl.u32 s0, $0x3  }
0x1b: {  	[spmem:s30], [sflag:s6] =	dma.local [hbm:s1], $0x1380  }
0x1c: {  	_ =	swait.ge [sflag:s22], $0x1380  }
0x1d: {  	[sflag:s22] =	ssyncset.done $0x0;
	s0 =	rddreg [dreg:$0x6]  }
0x1e: {  	[sflag:s22] =	ssyncadd.s32 $0xFFFFEC80;
	s31 =	sshrl.u32 @!p0 s0, $0x3;
	s0 =	rddreg [dreg:$0x7]  }
0x1f: {  	[spmem:s31], [sflag:s6] =	dma.local @!p0 [hbm:s0], $0x80  }
0x20: {  	s0 =	simm.s32 @!p0 $0x3  }
0x21: {  	_ =	swait.ge @!p0 [sflag:s0], $0x80  }
0x22: {  	[sflag:s0] =	ssyncset.done @!p0 $0x0  }
0x23: {  	s4 =	simm.s32 $0x9C80;
	[sflag:s0] =	ssyncadd.s32 @!p0 $0xFFFFFF80  }
0x24: {  	[tilespmem:s4], [sflag:$0x3] =	stream.linear.gather [hbm4b:s9+s3], $0x2800, $0x38;
	[tilespmem:$0x12C80] =	vst v63  }
0x25: {  	_ =	swait.ge [sflag:s22], $0x2800  }
0x26: {  	[sflag:s22] =	ssyncset.done $0x0  }
0x27: {  	s1 =	simm.s32 $0xC480;
	[sflag:s22] =	ssyncadd.s32 $0xFFFFD800  }
0x28: {  	[tilespmem:s1], [sflag:$0x3] =	stream.linear.gather [hbm4b:s10+s3], $0x2800, $0x38;
	[tilespmem:$0x12C80] =	vst v63  }
0x29: {  	_ =	swait.ge [sflag:s22], $0x2800  }
0x2a: {  	[sflag:s22] =	ssyncset.done $0x0  }
0x2b: {  	[sflag:s22] =	ssyncadd.s32 $0xFFFFD800  }
0x2c: {  	[bflag:$0x0] =	sbarrier.arrive $0xFFFF  }
0x2d: {  	[tilespmem:s24], [sflag:$0x1] =	stream.linear.gather [hbm4b:s11+s3], $0x2000, $0x38;
	[tilespmem:$0x12C80] =	vst v63  }
0x2e: {  	s5 =	sadd.s32 $0x0, s19  }
0x2f: {  	[tilespmem:s25], [sflag:$0x2] =	stream.linear.gather [hbm4b:s5+s3], $0x2000, $0x38;
	[tilespmem:$0x12C80] =	vst v63  }
0x30: {  	_ =	swait.ge [sflag:s26], $0x2000  }
0x31: {  	[sflag:s26] =	ssyncset.done $0x0  }
0x32: {  	[sflag:s26] =	ssyncadd.s32 $0xFFFFE000  }
0x33: {  	[spmem:s2] =	stream.indirect.scatter.add.f32 [tilespmem:s24], [sflag:$0x3], $0x40, s4, s28, $0xb8;
	[tilespmem:$0x12C80] =	vst v63  }
0x34: {  	_ =	swait.ge [sflag:s22], $0x2000  }
0x35: {  	[sflag:s22] =	ssyncset.done $0x0  }
0x36: {  	s7 =	sadd.s32 $0x0, s18;
	[sflag:s22] =	ssyncadd.s32 $0xFFFFE000  }
0x37: {  	[tilespmem:s24], [sflag:$0x1] =	stream.linear.gather [hbm4b:s7+s3], $0x2000, $0x38;
	[tilespmem:$0x12C80] =	vst v63  }
0x38: {  	_ =	swait.ge [sflag:s29], $0x2000  }
0x39: {  	[sflag:s29] =	ssyncset.done $0x0  }
0x3a: {  	s8 =	simm.s32 $0x9D00;
	[sflag:s29] =	ssyncadd.s32 $0xFFFFE000  }
0x3b: {  	[spmem:s2] =	stream.indirect.scatter.add.f32 [tilespmem:s25], [sflag:$0x3], $0x40, s8, s28, $0xb8;
	[tilespmem:$0x12C80] =	vst v63  }
0x3c: {  	s0 =	simm.s32 $0x9D80;
	_ =	swait.ge [sflag:s22], $0x2000  }
0x3d: {  	s1 =	simm.s32 $0x800;
	s4 =	simm.s32 $0x1000;
	[sflag:s22] =	ssyncset.done $0x0  }
.LBB2_2:
0x3e: {  	s5 =	sadd.s32 s1, s19  }
0x3f: {  	[sflag:s22] =	ssyncadd.s32 $0xFFFFE000;
	s7 =	smov.u32 s4;
	s8 =	sadd.s32 $0x800, s4  }
0x40: {  	[tilespmem:s25], [sflag:$0x2] =	stream.linear.gather [hbm4b:s5+s3], $0x2000, $0x38;
	[tilespmem:$0x12C80] =	vst v63  }
0x41: {  	p1 =	sne.s32 s4, $0x13000;
	_ =	swait.ge [sflag:s26], $0x2000  }
0x42: {  	[sflag:s26] =	ssyncset.done $0x0  }
0x43: {  	[sflag:s26] =	ssyncadd.s32 $0xFFFFE000  }
0x44: {  	[spmem:s2] =	stream.indirect.scatter.add.f32 [tilespmem:s24], [sflag:$0x3], $0x40, s0, s28, $0xb8;
	[tilespmem:$0x12C80] =	vst v63  }
0x45: {  	_ =	swait.ge [sflag:s22], $0x2000  }
0x46: {  	[sflag:s22] =	ssyncset.done $0x0  }
0x47: {  	s4 =	sadd.s32 s1, s18;
	s1 =	smov.u32 s7;
	[sflag:s22] =	ssyncadd.s32 $0xFFFFE000  }
0x48: {  	[tilespmem:s24], [sflag:$0x1] =	stream.linear.gather [hbm4b:s4+s3], $0x2000, $0x38;
	[tilespmem:$0x12C80] =	vst v63  }
0x49: {  	_ =	swait.ge [sflag:s29], $0x2000  }
.Ltmp0:
0x4a: {  	[sflag:s29] =	ssyncset.done $0x0;
	(pc) =	sbr.rel @p1 .LBB2_2-.Ltmp0, $4  }
0x4b: {  	s4 =	sadd.s32 $0x80, s0;
	[sflag:s29] =	ssyncadd.s32 $0xFFFFE000  }
0x4c: {  	[spmem:s2] =	stream.indirect.scatter.add.f32 [tilespmem:s25], [sflag:$0x3], $0x40, s4, s28, $0xb8;
	[tilespmem:$0x12C80] =	vst v63  }
0x4d: {  	_ =	swait.ge [sflag:s22], $0x2000  }
0x4e: {  	s0 =	sadd.s32 $0x100, s0;
	s4 =	smov.u32 s8;
	[sflag:s22] =	ssyncset.done $0x0  }
0x4f: {  	s4 =	sadd.s32 s1, s19;
	[sflag:s22] =	ssyncadd.s32 $0xFFFFE000  }
0x50: {  	[tilespmem:s25], [sflag:$0x2] =	stream.linear.gather [hbm4b:s4+s3], $0x2000, $0x38;
	[tilespmem:$0x12C80] =	vst v63  }
0x51: {  	_ =	swait.ge [sflag:s26], $0x2000  }
0x52: {  	[sflag:s26] =	ssyncset.done $0x0  }
0x53: {  	[sflag:s26] =	ssyncadd.s32 $0xFFFFE000  }
0x54: {  	[spmem:s2] =	stream.indirect.scatter.add.f32 [tilespmem:s24], [sflag:$0x3], $0x40, s0, s28, $0xb8;
	[tilespmem:$0x12C80] =	vst v63  }
0x55: {  	_ =	swait.ge [sflag:s22], $0x2000  }
0x56: {  	[sflag:s22] =	ssyncset.done $0x0  }
0x57: {  	s8 =	sadd.s32 s1, s18;
	[sflag:s22] =	ssyncadd.s32 $0xFFFFE000  }
0x58: {  	[tilespmem:s24], [sflag:$0x1] =	stream.linear.gather [hbm4b:s8+s3], $0x2000, $0x38;
	[tilespmem:$0x12C80] =	vst v63  }
0x59: {  	_ =	swait.ge [sflag:s29], $0x2000  }
0x5a: {  	[sflag:s29] =	ssyncset.done $0x0  }
0x5b: {  	s4 =	sadd.s32 $0x80, s0;
	[sflag:s29] =	ssyncadd.s32 $0xFFFFE000  }
0x5c: {  	[spmem:s2] =	stream.indirect.scatter.add.f32 [tilespmem:s25], [sflag:$0x3], $0x40, s4, s28, $0xb8;
	[tilespmem:$0x12C80] =	vst v63  }
0x5d: {  	_ =	swait.ge [sflag:s22], $0x2000  }
0x5e: {  	[sflag:s22] =	ssyncset.done $0x0  }
0x5f: {  	s5 =	simm.s32 $0x0;
	[sflag:s22] =	ssyncadd.s32 $0xFFFFE000  }
0x60: {  	[tilespmem:s25], [sflag:$0x2] =	stream.linear.gather [hbm4b:s16+s5], $0x2000, $0x38;
	[tilespmem:$0x12C80] =	vst v63  }
0x61: {  	_ =	swait.ge [sflag:s26], $0x2000  }
0x62: {  	[sflag:s26] =	ssyncset.done $0x0  }
0x63: {  	s7 =	simm.s32 $0xC380;
	[sflag:s26] =	ssyncadd.s32 $0xFFFFE000  }
0x64: {  	[spmem:s2] =	stream.indirect.scatter.add.f32 [tilespmem:s24], [sflag:$0x3], $0x40, s7, s28, $0xb8;
	[tilespmem:$0x12C80] =	vst v63  }
0x65: {  	_ =	swait.ge [sflag:s22], $0x2000  }
0x66: {  	[sflag:s22] =	ssyncset.done $0x0  }
0x67: {  	[sflag:s22] =	ssyncadd.s32 $0xFFFFE000  }
0x68: {  	_ =	swait.ge [sflag:s29], $0x2000  }
0x69: {  	[sflag:s29] =	ssyncset.done $0x0  }
0x6a: {  	s8 =	simm.s32 $0xC400;
	[sflag:s29] =	ssyncadd.s32 $0xFFFFE000  }
0x6b: {  	[spmem:s2] =	stream.indirect.scatter.add.f32 [tilespmem:s25], [sflag:$0x3], $0x40, s8, s28, $0xb8;
	[tilespmem:$0x12C80] =	vst v63  }
0x6c: {  	_ =	swait.ge [sflag:s22], $0x2000  }
0x6d: {  	[sflag:s22] =	ssyncset.done $0x0  }
0x6e: {  	[sflag:s22] =	ssyncadd.s32 $0xFFFFE000  }
0x6f: {  	[tilespmem:s24], [sflag:$0x1] =	stream.linear.gather [hbm4b:s12+s5], $0x2000, $0x38;
	[tilespmem:$0x12C80] =	vst v63  }
0x70: {  	s4 =	sadd.s32 $0x0, s21  }
0x71: {  	[tilespmem:s25], [sflag:$0x2] =	stream.linear.gather [hbm4b:s4+s3], $0x2000, $0x38;
	[tilespmem:$0x12C80] =	vst v63  }
0x72: {  	_ =	swait.ge [sflag:s26], $0x2000  }
0x73: {  	[sflag:s26] =	ssyncset.done $0x0  }
0x74: {  	s5 =	simm.s32 $0xC480;
	[sflag:s26] =	ssyncadd.s32 $0xFFFFE000  }
0x75: {  	[spmem:s2] =	stream.indirect.scatter.add.f32 [tilespmem:s24], [sflag:$0x3], $0x40, s5, s28, $0xb8;
	[tilespmem:$0x12C80] =	vst v63  }
0x76: {  	_ =	swait.ge [sflag:s22], $0x2000  }
0x77: {  	[sflag:s22] =	ssyncset.done $0x0  }
0x78: {  	s7 =	sadd.s32 $0x0, s20;
	[sflag:s22] =	ssyncadd.s32 $0xFFFFE000  }
0x79: {  	[tilespmem:s24], [sflag:$0x1] =	stream.linear.gather [hbm4b:s7+s3], $0x2000, $0x38;
	[tilespmem:$0x12C80] =	vst v63  }
0x7a: {  	_ =	swait.ge [sflag:s29], $0x2000  }
0x7b: {  	[sflag:s29] =	ssyncset.done $0x0  }
0x7c: {  	s8 =	simm.s32 $0xC500;
	[sflag:s29] =	ssyncadd.s32 $0xFFFFE000  }
0x7d: {  	[spmem:s2] =	stream.indirect.scatter.add.f32 [tilespmem:s25], [sflag:$0x3], $0x40, s8, s28, $0xb8;
	[tilespmem:$0x12C80] =	vst v63  }
0x7e: {  	s1 =	simm.s32 $0x800;
	_ =	swait.ge [sflag:s22], $0x2000  }
0x7f: {  	s0 =	simm.s32 $0xC580;
	s4 =	simm.s32 $0x1000;
	[sflag:s22] =	ssyncset.done $0x0  }
.LBB2_4:
0x80: {  	s5 =	sadd.s32 s1, s21  }
0x81: {  	[sflag:s22] =	ssyncadd.s32 $0xFFFFE000;
	s7 =	smov.u32 s4;
	s8 =	sadd.s32 $0x800, s4  }
0x82: {  	[tilespmem:s25], [sflag:$0x2] =	stream.linear.gather [hbm4b:s5+s3], $0x2000, $0x38;
	[tilespmem:$0x12C80] =	vst v63  }
0x83: {  	p1 =	sne.s32 s4, $0x13000;
	_ =	swait.ge [sflag:s26], $0x2000  }
0x84: {  	[sflag:s26] =	ssyncset.done $0x0  }
0x85: {  	[sflag:s26] =	ssyncadd.s32 $0xFFFFE000  }
0x86: {  	[spmem:s2] =	stream.indirect.scatter.add.f32 [tilespmem:s24], [sflag:$0x3], $0x40, s0, s28, $0xb8;
	[tilespmem:$0x12C80] =	vst v63  }
0x87: {  	_ =	swait.ge [sflag:s22], $0x2000  }
0x88: {  	[sflag:s22] =	ssyncset.done $0x0  }
0x89: {  	s4 =	sadd.s32 s1, s20;
	s1 =	smov.u32 s7;
	[sflag:s22] =	ssyncadd.s32 $0xFFFFE000  }
0x8a: {  	[tilespmem:s24], [sflag:$0x1] =	stream.linear.gather [hbm4b:s4+s3], $0x2000, $0x38;
	[tilespmem:$0x12C80] =	vst v63  }
0x8b: {  	_ =	swait.ge [sflag:s29], $0x2000  }
.Ltmp1:
0x8c: {  	[sflag:s29] =	ssyncset.done $0x0;
	(pc) =	sbr.rel @p1 .LBB2_4-.Ltmp1, $4  }
0x8d: {  	s4 =	sadd.s32 $0x80, s0;
	[sflag:s29] =	ssyncadd.s32 $0xFFFFE000  }
0x8e: {  	[spmem:s2] =	stream.indirect.scatter.add.f32 [tilespmem:s25], [sflag:$0x3], $0x40, s4, s28, $0xb8;
	[tilespmem:$0x12C80] =	vst v63  }
0x8f: {  	_ =	swait.ge [sflag:s22], $0x2000  }
0x90: {  	s0 =	sadd.s32 $0x100, s0;
	s4 =	smov.u32 s8;
	[sflag:s22] =	ssyncset.done $0x0  }
0x91: {  	s4 =	sadd.s32 s1, s21;
	[sflag:s22] =	ssyncadd.s32 $0xFFFFE000  }
0x92: {  	[tilespmem:s25], [sflag:$0x2] =	stream.linear.gather [hbm4b:s4+s3], $0x2000, $0x38;
	[tilespmem:$0x12C80] =	vst v63  }
0x93: {  	_ =	swait.ge [sflag:s26], $0x2000  }
0x94: {  	[sflag:s26] =	ssyncset.done $0x0  }
0x95: {  	[sflag:s26] =	ssyncadd.s32 $0xFFFFE000  }
0x96: {  	[spmem:s2] =	stream.indirect.scatter.add.f32 [tilespmem:s24], [sflag:$0x3], $0x40, s0, s28, $0xb8;
	[tilespmem:$0x12C80] =	vst v63  }
0x97: {  	_ =	swait.ge [sflag:s22], $0x2000  }
0x98: {  	[sflag:s22] =	ssyncset.done $0x0  }
0x99: {  	s4 =	sadd.s32 s1, s20;
	[sflag:s22] =	ssyncadd.s32 $0xFFFFE000  }
0x9a: {  	[tilespmem:s24], [sflag:$0x1] =	stream.linear.gather [hbm4b:s4+s3], $0x2000, $0x38;
	[tilespmem:$0x12C80] =	vst v63  }
0x9b: {  	_ =	swait.ge [sflag:s29], $0x2000  }
0x9c: {  	[sflag:s29] =	ssyncset.done $0x0  }
0x9d: {  	s5 =	sadd.s32 $0x80, s0;
	[sflag:s29] =	ssyncadd.s32 $0xFFFFE000  }
0x9e: {  	[spmem:s2] =	stream.indirect.scatter.add.f32 [tilespmem:s25], [sflag:$0x3], $0x40, s5, s28, $0xb8;
	[tilespmem:$0x12C80] =	vst v63  }
0x9f: {  	_ =	swait.ge [sflag:s22], $0x2000  }
0xa0: {  	[sflag:s22] =	ssyncset.done $0x0  }
0xa1: {  	[sflag:s22] =	ssyncadd.s32 $0xFFFFE000  }
0xa2: {  	[tilespmem:s25], [sflag:$0x2] =	stream.linear.gather [hbm4b:s17+s3], $0x2000, $0x38;
	[tilespmem:$0x12C80] =	vst v63  }
0xa3: {  	_ =	swait.ge [sflag:s26], $0x2000  }
0xa4: {  	[sflag:s26] =	ssyncset.done $0x0  }
0xa5: {  	s7 =	simm.s32 $0xEB80;
	[sflag:s26] =	ssyncadd.s32 $0xFFFFE000  }
0xa6: {  	[spmem:s2] =	stream.indirect.scatter.add.f32 [tilespmem:s24], [sflag:$0x3], $0x40, s7, s28, $0xb8;
	[tilespmem:$0x12C80] =	vst v63  }
0xa7: {  	_ =	swait.ge [sflag:s22], $0x2000  }
0xa8: {  	[sflag:s22] =	ssyncset.done $0x0  }
0xa9: {  	[sflag:s22] =	ssyncadd.s32 $0xFFFFE000  }
0xaa: {  	_ =	swait.ge [sflag:s29], $0x2000  }
0xab: {  	[sflag:s29] =	ssyncset.done $0x0  }
0xac: {  	s8 =	simm.s32 $0xEC00;
	[sflag:s29] =	ssyncadd.s32 $0xFFFFE000  }
0xad: {  	[spmem:s2] =	stream.indirect.scatter.add.f32 [tilespmem:s25], [sflag:$0x3], $0x40, s8, s28, $0xb8;
	[tilespmem:$0x12C80] =	vst v63  }
0xae: {  	_ =	swait.ge [sflag:s22], $0x2000  }
0xaf: {  	[sflag:s22] =	ssyncset.done $0x0  }
0xb0: {  	[sflag:s22] =	ssyncadd.s32 $0xFFFFE000  }
0xb1: {  	[bflag:$0x0] =	sbarrier.arrive $0xFFFF  }
0xb2: {  	[hbm:s13], [sflag:s6] =	dma.local [spmem:s30], $0x1380  }
0xb3: {  	s23 =	sadd.s32 $0x1, s23;
	_ =	swait.ge [sflag:s22], $0x1380  }
0xb4: {  	p1 =	sne.s32 s23, s15;
	[sflag:s22] =	ssyncset.done $0x0  }
.Ltmp2:
0xb5: {  	s0 =	simm.s32 @!p0 $0x3;
	[sflag:s22] =	ssyncadd.s32 $0xFFFFEC80;
	(pc) =	sbr.rel @p1 .LBB2_1-.Ltmp2, $4  }
0xb6: {  	[hbm:s14], [sflag:s6] =	dma.local @!p0 [spmem:s31], $0x80  }
0xb7: {  	_ =	swait.ge @!p0 [sflag:s0], $0x80  }
0xb8: {  	[sflag:s0] =	ssyncset.done @!p0 $0x0  }
0xb9: {  	[sflag:s0] =	ssyncadd.s32 @!p0 $0xFFFFFF80  }
0xba: {  	_ =	sfence.sel $0x180000  }
0xbb: {  	[bflag:$0x0] =	sbarrier.arrive $0xFFFF  }
0xbc: {  	_ =	strace $0x9000004A  }
0xbd: {  	s0 =	stileid.u32;
	[bflag:$0x2] =	sbarrier.arrive $0xFFFF  }
0xbe: {  	p0 =	sne.s32 s0, $0x0;
	s0 =	rddreg [dreg:$0x3]  }
0xbf: {  	s0 =	sadd.s32 @!p0 $0x100000, s0  }
0xc0: {  	[sflag:s0] =	ssyncadd.tile.s32 @!p0 $0x1;
	_ =	shalt  }
.Lfunc_end2:
_tile_overlayer_lowered:
.L_overlay_start_2:
0xc1: {  	(tag) =	ssettag $0x2  }
0xc2: {  	s0 =	rddreg [dreg:$0x0];
	s2 =	stileid.u32  }
0xc3: {  	s1 =	rddreg [dreg:$0x1];
	p0 =	sne.s32 s2, $0x0  }
0xc4: {  	s3 =	rddreg [dreg:$0x2];
	[bflag:$0x3] =	sbarrier.arrive $0xFFFF;
	s2 =	simm.s32 @!p0 $0x1C03  }
0xc5: {  	[timem:s3], [sflag:s2] =	dma.local @!p0 [hbm:s0], s1  }
0xc6: {  	s0 =	simm.s32 @!p0 $0x3  }
0xc7: {  	_ =	swait.ge @!p0 [sflag:s0], s1  }
0xc8: {  	s1 =	ssub.s32 @!p0 $0x0, s1;
	[sflag:s0] =	ssyncset.done @!p0 $0x0  }
0xc9: {  	[sflag:s0] =	ssyncadd.s32 @!p0 s1  }
0xca: {  	[bflag:$0x3] =	sbarrier.arrive $0xFFFF  }
0xcb: {  	_ =	shalt  }

// kernel: kernel.21.cloned.1.call-start
scs
__scs_entry_jumppad:
0x0: {  	(pc) =	sbr.rel $0x88, $3  }
0x1: {  	(tag) =	ssettag $0x0;
	lr =	simm.s32 $0x1  }
0x2: {  	[smem:$0x3F95] =	sst lr;
	_ =	strace $0xD0000000  }
0x3: {  	_ = 	snop  }
0x4: {  	_ = 	snop  }
0x5: {  	_ = 	snop  }
0x6: {  	_ = 	snop  }
0x7: {  	_ = 	snop  }
__scs_overlays_trampoline_lowered:
0x8: {  	[smem:$0x3FA4] =	sst s0  }
0x9: {  	[smem:$0x3FA5] =	sst s1  }
0xa: {  	[smem:$0x3FA6] =	sst s2  }
0xb: {  	[smem:$0x3FA7] =	sst s3  }
0xc: {  	[smem:$0x3FA8] =	sst s4  }
0xd: {  	[smem:$0x3FA9] =	sst s5  }
0xe: {  	[smem:$0x3FAA] =	sst s6  }
0xf: {  	[smem:$0x3FAB] =	sst s7  }
0x10: {  	[smem:$0x3FAC] =	sst s8  }
0x11: {  	[smem:$0x3FAD] =	sst s9;
	s0 =	simm.s32 @!p0 $0x0  }
0x12: {  	s1 =	sld [smem:$0x3F93];
	s0 =	simm.s32 @p0 $0x1  }
0x13: {  	[smem:$0x3FAE] =	sst s0;
	s0 =	simm.s32 @!p1 $0x0  }
0x14: {  	s2 =	sld [smem:$0x3F92];
	s0 =	simm.s32 @p1 $0x1  }
0x15: {  	[smem:$0x3FAF] =	sst s0;
	s0 =	simm.s32 @!p2 $0x0  }
0x16: {  	s3 =	sld [smem:$0x3FDB];
	s0 =	simm.s32 @p2 $0x1  }
0x17: {  	s4 =	simm.s32 $0x1BF5;
	[smem:$0x3FB1] =	sst s0  }
0x18: {  	s0 =	sld [smem:$0x3F94];
	_ =	swait.ge [sflag:s4], $0x0  }
0x19: {  	s7 =	sld [smem:$0x3F95]  }
0x1a: {  	s8 =	sadd.s32 $0xFFFFE003, lr  }
0x1b: {  	s9 =	sadd.s32 $0xFFFFFEF7, lr;
	s5 =	simm.s32 $0xFFFFFFFF;
	p2 =	slt.u32 s8, $0xFFFFF086  }
0x1c: {  	p1 =	slt.u32 s9, $0xF7A;
	s5 =	simm.s32 @!p2 $0x0  }
0x1d: {  	s5 =	simm.s32 @p1 $0x1;
	p0 =	seq.s32 s7, s2  }
0x1e: {  	s7 =	smul.u32 @!p0 $0xF7A, s2;
	p2 =	seq.s32 @!p0 s5, $0x0  }
0x1f: {  	s9 =	smul.u32 $0xF7A, s1;
	s8 =	simm.s32 @!p0 $0x1BF5;
	p2 =	por !p2, p0  }
0x20: {  	[sflag:s8] =	ssyncset.s32 @!p0 $0xFFFFF086;
	s6 =	sadd.s32 @!p0 s3, s7;
	s7 =	simm.s32 @!p0 $0x108  }
0x21: {  	s3 =	sadd.s32 s3, s9;
	s6 =	sadd.s32 @!p0 $0x88, s6;
	s7 =	simm.s32 @p2 $0x1082  }
0x22: {  	[simem:s7], [sflag:s8] =	dma.local @!p0 [hbm:s6], $0xF7A  }
0x23: {  	s9 =	sor.u32 $0xD0000000, s2;
	s6 =	simm.s32 $0x108;
	_ =	swait.ge @!p0 [sflag:s8], $0x0  }
0x24: {  	s3 =	sadd.s32 $0x88, s3;
	s6 =	simm.s32 @!p1 $0x1082;
	[sflag:s4] =	ssyncset.s32 $0xFFFFF086  }
0x25: {  	[simem:s6], [sflag:s4] =	dma.local [hbm:s3], $0xF7A  }
0x26: {  	[smem:$0x3F95] =	sst s1;
	(tag) =	ssettag s2;
	_ =	strace s9  }
0x27: {  	s1 =	sld [smem:$0x3FA5]  }
0x28: {  	s2 =	sld [smem:$0x3FA6]  }
0x29: {  	s4 =	sld [smem:$0x3FA8]  }
0x2a: {  	p0 =	seq.s32 s5, $0x0;
	s5 =	sld [smem:$0x3FA9]  }
0x2b: {  	s6 =	sld [smem:$0x3FAA]  }
0x2c: {  	s7 =	sld [smem:$0x3FAB]  }
0x2d: {  	s3 =	simm.s32 $0x108;
	s8 =	sld [smem:$0x3FAC]  }
0x2e: {  	s3 =	simm.s32 @!p0 $0x1082;
	s9 =	sld [smem:$0x3FAD]  }
0x2f: {  	lr =	sadd.s32 s0, s3;
	s0 =	sld [smem:$0x3FA4]  }
0x30: {  	s3 =	sld [smem:$0x3FA7]  }
0x31: {  	[smem:$0x3FB0] =	sst s10  }
0x32: {  	s10 =	sld [smem:$0x3FAE];
	_ =	sdelay $0x3  }
0x33: {  	p0 =	seq.s32 s10, $0x1;
	s10 =	sld [smem:$0x3FB0];
	_ =	sdelay $0x3  }
0x34: {  	[smem:$0x3FB0] =	sst s10  }
0x35: {  	s10 =	sld [smem:$0x3FAF];
	_ =	sdelay $0x3  }
0x36: {  	p1 =	seq.s32 s10, $0x1;
	s10 =	sld [smem:$0x3FB0];
	_ =	sdelay $0x3  }
0x37: {  	[smem:$0x3FB0] =	sst s10  }
0x38: {  	s10 =	sld [smem:$0x3FB1]  }
0x39: {  	_ = 	snop;
	(pc) =	sbr.ind lr, $3  }
0x3a: {  	_ = 	snop  }
0x3b: {  	_ = 	snop  }
0x3c: {  	p2 =	seq.s32 s10, $0x1;
	s10 =	sld [smem:$0x3FB0]  }
0x3d: {  	_ =	shalt  }
0x3e: {  	_ =	shalt  }
0x3f: {  	_ =	shalt  }
0x40: {  	_ =	shalt  }
0x41: {  	_ =	shalt  }
0x42: {  	_ =	shalt  }
0x43: {  	_ =	shalt  }
0x44: {  	_ =	shalt  }
0x45: {  	_ =	shalt  }
0x46: {  	_ =	shalt  }
0x47: {  	_ =	shalt  }
0x48: {  	_ =	shalt  }
0x49: {  	_ =	shalt  }
0x4a: {  	_ =	shalt  }
0x4b: {  	_ =	shalt  }
0x4c: {  	_ =	shalt  }
0x4d: {  	_ =	shalt  }
0x4e: {  	_ =	shalt  }
0x4f: {  	_ =	shalt  }
0x50: {  	_ =	shalt  }
0x51: {  	_ =	shalt  }
0x52: {  	_ =	shalt  }
0x53: {  	_ =	shalt  }
0x54: {  	_ =	shalt  }
0x55: {  	_ =	shalt  }
0x56: {  	_ =	shalt  }
0x57: {  	_ =	shalt  }
0x58: {  	_ =	shalt  }
0x59: {  	_ =	shalt  }
0x5a: {  	_ =	shalt  }
0x5b: {  	_ =	shalt  }
0x5c: {  	_ =	shalt  }
0x5d: {  	_ =	shalt  }
0x5e: {  	_ =	shalt  }
0x5f: {  	_ =	shalt  }
0x60: {  	_ =	shalt  }
0x61: {  	_ =	shalt  }
0x62: {  	_ =	shalt  }
0x63: {  	_ =	shalt  }
0x64: {  	_ =	shalt  }
0x65: {  	_ =	shalt  }
0x66: {  	_ =	shalt  }
0x67: {  	_ =	shalt  }
0x68: {  	_ =	shalt  }
0x69: {  	_ =	shalt  }
0x6a: {  	_ =	shalt  }
0x6b: {  	_ =	shalt  }
0x6c: {  	_ =	shalt  }
0x6d: {  	_ =	shalt  }
0x6e: {  	_ =	shalt  }
0x6f: {  	_ =	shalt  }
0x70: {  	_ =	shalt  }
0x71: {  	_ =	shalt  }
0x72: {  	_ =	shalt  }
0x73: {  	_ =	shalt  }
0x74: {  	_ =	shalt  }
0x75: {  	_ =	shalt  }
0x76: {  	_ =	shalt  }
0x77: {  	_ =	shalt  }
0x78: {  	_ =	shalt  }
0x79: {  	_ =	shalt  }
0x7a: {  	_ =	shalt  }
0x7b: {  	_ =	shalt  }
0x7c: {  	_ =	shalt  }
0x7d: {  	_ =	shalt  }
0x7e: {  	_ =	shalt  }
0x7f: {  	_ =	shalt  }
0x80: {  	_ =	shalt  }
0x81: {  	_ =	shalt  }
0x82: {  	_ =	shalt  }
0x83: {  	_ =	shalt  }
0x84: {  	_ =	shalt  }
0x85: {  	_ =	shalt  }
0x86: {  	_ =	shalt  }
0x87: {  	_ =	shalt  }
.Lfunc_end0:
.L_simem_size_0:
called_computation.2_lowered:
.L_overlay_start_0:
0x88: {  	s2 =	sld [smem:$0x3FD9]  }
0x89: {  	s3 =	sld [smem:$0x3FFE];
	_ =	sdelay $0x1  }
0x8a: {  	s1 =	srdreg.scid  }
0x8b: {  	s0 =	sand.u32 $0x1, s1  }
0x8c: {  	s16 =	sshll.u32 s0, $0xA;
	s2 =	sadd.s32 s3, s2  }
0x8d: {  	s2 =	sadd.s32 s2, s16  }
0x8e: {  	[smem:$0x3FBC] =	sst s2  }
0x8f: {  	_ = 	snop  }
0x90: {  	(tm) =	ssettm $0x1  }
0x91: {  	s17 =	sld [smem:$0x3FFB];
	_ =	sdelay $0x3  }
0x92: {  	_ =	strace s17  }
0x93: {  	s2 =	sld [smem:$0x3FFC];
	_ =	sdelay $0x3  }
0x94: {  	_ =	strace s2  }
0x95: {  	s2 =	sld [smem:$0x3FFD];
	_ =	sdelay $0x3  }
0x96: {  	_ =	strace s2  }
0x97: {  	_ =	strace $0x8FFFFFFF  }
0x98: {  	s18 =	sld [smem:$0x3FDB];
	_ =	sdelay $0x1  }
0x99: {  	s19 =	simm.s32 $_scs_section_size  }
0x9a: {  	s4 =	simm.s32 $_size__tile_overlayer_lowered;
	s5 =	simm.s32 $_tile_overlayer_lowered  }
0x9b: {  	s22 =	simm.s32 $0x1BFF;
	s21 =	sshll.u32 s5, $0x1;
	s2 =	sadd.s32 s19, s18  }
0x9c: {  	s6 =	simm.s32 $0x0;
	s20 =	sshll.u32 s4, $0x1;
	s4 =	sadd.s32 s21, s2  }
0x9d: {  	[timem:s6], [sflag:s22] =	dma.local [hbm:s4], s20  }
0x9e: {  	_ =	swait.ge [sflag:s22], s20  }
0x9f: {  	s3 =	ssub.s32 $0x0, s20;
	[sflag:s22] =	ssyncset.done $0x0  }
0xa0: {  	[sflag:s22] =	ssyncadd.s32 s3;
	_ =	sdelay $0x1  }
0xa1: {  	s23 =	simm.s32 $0x1B8B  }
0xa2: {  	_ =	swait.ge [sflag:s23], $0x1  }
0xa3: {  	[sflag:s23] =	ssyncset.done $0x0  }
0xa4: {  	s25 =	simm.s32 $0x1B8E;
	s24 =	sld [smem:$0x3FFE];
	[sflag:s23] =	ssyncadd.s32 $0xFFFFFFFF  }
0xa5: {  	s26 =	simm.s32 $execute0_lowered;
	[smem:$0x3FD2] =	sst s25  }
0xa6: {  	s4 =	sshll.u32 s26, $0x1;
	_ =	strace $0x8000004C;
	[dreg:$0x1] =	wrdreg $0xFFFFFFFF  }
0xa7: {  	s28 =	simm.s32 $_size_execute0_lowered;
	s2 =	sadd.s32 s2, s4;
	[dreg:$0x0] =	wrdreg $0x0  }
0xa8: {  	s4 =	sshll.u32 s28, $0x1;
	[dreg:$0x2] =	wrdreg s2  }
0xa9: {  	[dreg:$0x3] =	wrdreg s4  }
0xaa: {  	[dreg:$0x4] =	wrdreg $0xC0  }
0xab: {  	_ =	task [dreg:s6], $0x5FFFF  }
0xac: {  	[dreg:$0x1] =	wrdreg $0xFFFFFFFF  }
0xad: {  	[dreg:$0x0] =	wrdreg $0x60  }
0xae: {  	[dreg:$0x2] =	wrdreg s24  }
0xaf: {  	[dreg:$0x3] =	wrdreg $0x9  }
0xb0: {  	_ =	task.clear_ibuf [dreg:s6], $0x4FFFF;
	_ =	strace $0x9000004C  }
0xb1: {  	s29 =	simm.s32 $0x9;
	_ =	strace $0x8000004E  }
0xb2: {  	_ =	swait.ge [sflag:s29], $0x1  }
0xb3: {  	[sflag:s29] =	ssyncadd.s32 $0xFFFFFFFF  }
0xb4: {  	_ =	strace $0x9000004E  }
0xb5: {  	_ =	sfence  }
0xb6: {  	s30 =	sld [smem:$0x0];
	_ =	sdelay $0x2  }
0xb7: {  	s31 =	sshll.u32 s1, $0xD;
	s1 =	sshrl.u32 s1, $0x2  }
0xb8: {  	s3 =	sand.u32 $0x4000, s31;
	s1 =	sadd.s32 s1, s30  }
0xb9: {  	s0 =	sor.u32 s3, s0;
	s1 =	sshll.u32 s1, $0x11  }
0xba: {  	s0 =	sor.u32 s1, s0  }
0xbb: {  	s0 =	sadd.s32 $0x8F2B, s0  }
0xbc: {  	[sflag:s0] =	ssyncadd.remote.s32 $0x1  }
0xbd: {  	_ =	sfence.sel $0xFFFF  }
0xbe: {  	[dreg:$0x0] =	wrdreg $0xFFFFFFFF;
	(pc) =	sbr.abs _section_cstart, $3  }
0xbf: {  	[dreg:$0x1] =	wrdreg $0xFFFFFFFF  }
0xc0: {  	_ =	task.clear_ibuf [dreg:s6], $0x2FFFF;
	_ =	strace $0x9FFFFFFF  }
0xc1: {  	(tm) =	ssettm $0x7FFFFFFF  }
tec
execute0_lowered:
.L_overlay_start_1:
0x0: {  	(tag) =	ssettag $0x1  }
0x1: {  	s4 =	rddreg [dreg:$0x0];
	s1 =	srdreg.scid  }
0x2: {  	s0 =	rddreg [dreg:$0x1];
	s2 =	simm.s32 $0x0;
	s10 =	simm.s32 $0x80  }
0x3: {  	s11 =	simm.s32 $0x5000;
	s12 =	simm.s32 $0x9000;
	s13 =	simm.s32 $0xD000  }
0x4: {  	s14 =	simm.s32 $0x2880;
	s15 =	simm.s32 $0x11000;
	s16 =	simm.s32 $0x1  }
0x5: {  	s17 =	simm.s32 $0x5;
	s18 =	simm.s32 $0x2;
	s5 =	sand.u32 $0x1, s1  }
0x6: {  	s19 =	simm.s32 $0x3;
	s1 =	stileid.u32;
	s6 =	smul.u32 $0x28000, s5  }
0x7: {  	s20 =	simm.s32 $0x15000;
	s21 =	simm.s32 $0x19000;
	s7 =	smul.u32 $0x2800, s1  }
0x8: {  	s22 =	simm.s32 $0x0;
	[smem:$0x7FF] =	sst s2;
	s30 =	smul.u32 $0x500000, s5  }
0x9: {  	s3 =	sadd.s32 $0xC800, s4;
	_ =	strace $0x8000004D;
	s8 =	smul.u32 $0x28000, s1  }
.Ltmp0:
0xa: {  	s5 =	ssub.s32 $0x2, s5;
	s6 =	sadd.s32 s7, s6;
	(pc) =	sbr.rel .LBB2_1-.Ltmp0, $4  }
0xb: {  	s31 =	sshrl.u32 s5, $0x1;
	s7 =	sadd.s32 s30, s4;
	s6 =	sshrl.u32 s6, $0x3  }
0xc: {  	s9 =	ssub.s32 s5, s31;
	s7 =	sadd.s32 s8, s7;
	s6 =	sadd.s32 s6, s4  }
0xd: {  	s8 =	simm.s32 $0x4;
	s7 =	sadd.s32 $0x2F2A00, s7;
	s4 =	sadd.s32 $0x5DA00, s6  }
0xe: {  	s5 =	sadd.s32 $0x67A00, s6;
	s6 =	smax.u32 s9, $0x1;
	s9 =	simm.s32 $0x2800  }
.LBB2_4:
0xf: {  	s22 =	sadd.s32 $0x1, s22  }
0x10: {  	p0 =	sne.s32 s22, s6  }
.Ltmp1:
0x11: {  	_ = 	snop;
	(pc) =	sbr.rel @!p0 .LBB2_5-.Ltmp1, $1  }
0x12: {  	_ =	sdelay $0x3  }
.LBB2_1:
0x13: {  	[tilespmem:s2], [sflag:$0x4] =	stream.linear.gather [hbm4b:s4+s2], $0x2800, $0x38;
	[tilespmem:$0x1D000] =	vst v63  }
0x14: {  	_ =	swait.ge [sflag:s8], $0x2800  }
0x15: {  	[sflag:s8] =	ssyncset.done $0x0  }
0x16: {  	[sflag:s8] =	ssyncadd.s32 $0xFFFFD800  }
0x17: {  	[tilespmem:s9], [sflag:$0x4] =	stream.linear.gather [hbm4b:s5+s2], $0x2800, $0x38;
	[tilespmem:$0x1D000] =	vst v63  }
0x18: {  	_ =	swait.ge [sflag:s8], $0x2800  }
0x19: {  	[sflag:s8] =	ssyncset.done $0x0  }
0x1a: {  	[sflag:s8] =	ssyncadd.s32 $0xFFFFD800  }
0x1b: {  	[tilespmem:s11], [sflag:$0x1] =	stream.indirect.gather [hbm4b:s3+s10], $0x80, s2, s10, $0xb8;
	[tilespmem:$0x1D000] =	vst v63  }
0x1c: {  	_ = 	snop  }
0x1d: {  	[tilespmem:s12], [sflag:$0x1] =	stream.indirect.gather [hbm4b:s3+s10], $0x80, s9, s10, $0xb8;
	[tilespmem:$0x1D000] =	vst v63  }
0x1e: {  	_ = 	snop  }
0x1f: {  	[tilespmem:s13], [sflag:$0x2] =	stream.indirect.gather [hbm4b:s3+s10], $0x80, s10, s10, $0xb8;
	[tilespmem:$0x1D000] =	vst v63  }
0x20: {  	s23 =	smov.u32 s7;
	s24 =	simm.s32 $0x0  }
0x21: {  	[tilespmem:s15], [sflag:$0x2] =	stream.indirect.gather [hbm4b:s3+s10], $0x80, s14, s10, $0xb8;
	[tilespmem:$0x1D000] =	vst v63  }
.LBB2_2:
0x22: {  	_ =	swait.ge [sflag:s16], $0x4000  }
0x23: {  	[sflag:s16] =	ssyncset.done $0x0  }
0x24: {  	[sflag:s16] =	ssyncadd.s32 $0xFFFFC000  }
0x25: {  	p0 =	seq.s32 s24, $0x9C00;
	_ =	swait.ge [sflag:s16], $0x4000  }
0x26: {  	s25 =	sshra.s32 @!p0 s24, $0x2;
	s28 =	simm.s32 @!p0 $0x80;
	[sflag:s16] =	ssyncset.done $0x0  }
0x27: {  	s29 =	simm.s32 @!p0 $0x15000;
	s26 =	sadd.s32 @!p0 $0x100, s25;
	[sflag:s16] =	ssyncadd.s32 $0xFFFFC000  }
0x28: {  	[tilespmem:s29], [sflag:$0x3] =	stream.indirect.gather @!p0 [hbm4b:s3+s28], $0x80, s26, s28, $0xb8;
	[tilespmem:$0x1D000] =	vst v63  }
0x29: {  	s26 =	sadd.s32 @!p0 $0x2900, s25;
	s29 =	simm.s32 @!p0 $0x19000  }
0x2a: {  	[tilespmem:s29], [sflag:$0x3] =	stream.indirect.gather @!p0 [hbm4b:s3+s28], $0x80, s26, s28, $0xb8;
	[tilespmem:$0x1D000] =	vst v63  }
0x2b: {  	s31 =	sadd.s32 $0xFFD7F000, s23  }
0x2c: {  	[hbm4b:s31+s2] =	stream.linear.scatter [tilespmem:s11], [sflag:$0x5], $0x4000, $0x38;
	[tilespmem:$0x1D000] =	vst v63  }
0x2d: {  	_ =	swait.ge [sflag:s17], $0x4000  }
0x2e: {  	[sflag:s17] =	ssyncset.done $0x0  }
0x2f: {  	s29 =	sadd.s32 $0xFFFFF000, s23;
	[sflag:s17] =	ssyncadd.s32 $0xFFFFC000  }
0x30: {  	[hbm4b:s29+s2] =	stream.linear.scatter [tilespmem:s12], [sflag:$0x5], $0x4000, $0x38;
	[tilespmem:$0x1D000] =	vst v63  }
0x31: {  	_ =	swait.ge [sflag:s17], $0x4000  }
0x32: {  	[sflag:s17] =	ssyncset.done $0x0  }
0x33: {  	[sflag:s17] =	ssyncadd.s32 $0xFFFFC000  }
0x34: {  	_ =	swait.ge [sflag:s18], $0x4000  }
0x35: {  	[sflag:s18] =	ssyncset.done $0x0  }
0x36: {  	[sflag:s18] =	ssyncadd.s32 $0xFFFFC000  }
0x37: {  	_ =	swait.ge [sflag:s18], $0x4000  }
0x38: {  	[sflag:s18] =	ssyncset.done $0x0  }
0x39: {  	s26 =	sadd.s32 @!p0 $0x180, s25;
	s29 =	simm.s32 @!p0 $0x5000;
	[sflag:s18] =	ssyncadd.s32 $0xFFFFC000  }
0x3a: {  	[tilespmem:s29], [sflag:$0x1] =	stream.indirect.gather @!p0 [hbm4b:s3+s28], $0x80, s26, s28, $0xb8;
	[tilespmem:$0x1D000] =	vst v63  }
0x3b: {  	s25 =	sadd.s32 @!p0 $0x2980, s25;
	s26 =	simm.s32 @!p0 $0x9000  }
0x3c: {  	[tilespmem:s26], [sflag:$0x1] =	stream.indirect.gather @!p0 [hbm4b:s3+s28], $0x80, s25, s28, $0xb8;
	[tilespmem:$0x1D000] =	vst v63  }
0x3d: {  	s30 =	sadd.s32 $0xFFD7F800, s23  }
0x3e: {  	[hbm4b:s30+s2] =	stream.linear.scatter [tilespmem:s13], [sflag:$0x5], $0x4000, $0x38;
	[tilespmem:$0x1D000] =	vst v63  }
0x3f: {  	_ =	swait.ge [sflag:s17], $0x4000  }
0x40: {  	[sflag:s17] =	ssyncset.done $0x0  }
.Ltmp2:
0x41: {  	s31 =	sadd.s32 $0xFFFFF800, s23;
	[sflag:s17] =	ssyncadd.s32 $0xFFFFC000;
	(pc) =	sbr.rel @p0 .LBB2_4-.Ltmp2, $4  }
0x42: {  	[hbm4b:s31+s2] =	stream.linear.scatter [tilespmem:s15], [sflag:$0x5], $0x4000, $0x38;
	[tilespmem:$0x1D000] =	vst v63  }
0x43: {  	_ =	swait.ge [sflag:s17], $0x4000  }
0x44: {  	[sflag:s17] =	ssyncset.done $0x0  }
0x45: {  	[sflag:s17] =	ssyncadd.s32 $0xFFFFC000  }
0x46: {  	_ =	swait.ge [sflag:s19], $0x4000  }
0x47: {  	[sflag:s19] =	ssyncset.done $0x0  }
0x48: {  	[sflag:s19] =	ssyncadd.s32 $0xFFFFC000  }
0x49: {  	_ =	swait.ge [sflag:s19], $0x4000  }
0x4a: {  	s25 =	sshra.s32 s24, $0x2;
	[sflag:s19] =	ssyncset.done $0x0  }
0x4b: {  	s26 =	sadd.s32 $0x200, s25;
	[sflag:s19] =	ssyncadd.s32 $0xFFFFC000  }
0x4c: {  	[tilespmem:s13], [sflag:$0x2] =	stream.indirect.gather [hbm4b:s3+s10], $0x80, s26, s10, $0xb8;
	[tilespmem:$0x1D000] =	vst v63  }
0x4d: {  	s25 =	sadd.s32 $0x2A00, s25  }
0x4e: {  	[tilespmem:s15], [sflag:$0x2] =	stream.indirect.gather [hbm4b:s3+s10], $0x80, s25, s10, $0xb8;
	[tilespmem:$0x1D000] =	vst v63  }
0x4f: {  	s31 =	sadd.s32 $0xFFD80000, s23  }
0x50: {  	[hbm4b:s31+s2] =	stream.linear.scatter [tilespmem:s20], [sflag:$0x5], $0x4000, $0x38;
	[tilespmem:$0x1D000] =	vst v63  }
0x51: {  	_ =	swait.ge [sflag:s17], $0x4000  }
0x52: {  	[sflag:s17] =	ssyncset.done $0x0  }
.Ltmp3:
0x53: {  	[sflag:s17] =	ssyncadd.s32 $0xFFFFC000;
	(pc) =	sbr.rel .LBB2_2-.Ltmp3, $4  }
0x54: {  	[hbm4b:s23+s2] =	stream.linear.scatter [tilespmem:s21], [sflag:$0x4], $0x4000, $0x38;
	[tilespmem:$0x1D000] =	vst v63  }
0x55: {  	_ =	swait.ge [sflag:s8], $0x4000  }
0x56: {  	[sflag:s8] =	ssyncset.done $0x0  }
0x57: {  	s24 =	sadd.s32 $0x600, s24;
	s23 =	sadd.s32 $0x1800, s23;
	[sflag:s8] =	ssyncadd.s32 $0xFFFFC000  }
.LBB2_5:
0x58: {  	_ =	sfence.sel $0x180000  }
0x59: {  	[bflag:$0x0] =	sbarrier.arrive $0xFFFF  }
0x5a: {  	p0 =	sne.s32 s1, $0x0;
	_ =	strace $0x9000004D  }
0x5b: {  	s0 =	sadd.s32 @!p0 $0x100000, s0;
	[bflag:$0x2] =	sbarrier.arrive $0xFFFF  }
0x5c: {  	[sflag:s0] =	ssyncadd.tile.s32 @!p0 $0x1;
	_ =	shalt  }
.Lfunc_end2:
_tile_overlayer_lowered:
.L_overlay_start_2:
0x5d: {  	(tag) =	ssettag $0x2  }
0x5e: {  	s0 =	rddreg [dreg:$0x0];
	s2 =	stileid.u32  }
0x5f: {  	s1 =	rddreg [dreg:$0x1];
	p0 =	sne.s32 s2, $0x0  }
0x60: {  	s3 =	rddreg [dreg:$0x2];
	[bflag:$0x3] =	sbarrier.arrive $0xFFFF;
	s2 =	simm.s32 @!p0 $0x1C04  }
0x61: {  	[timem:s3], [sflag:s2] =	dma.local @!p0 [hbm:s0], s1  }
0x62: {  	s0 =	simm.s32 @!p0 $0x4  }
0x63: {  	_ =	swait.ge @!p0 [sflag:s0], s1  }
0x64: {  	s1 =	ssub.s32 @!p0 $0x0, s1;
	[sflag:s0] =	ssyncset.done @!p0 $0x0  }
0x65: {  	[sflag:s0] =	ssyncadd.s32 @!p0 s1  }
0x66: {  	[bflag:$0x3] =	sbarrier.arrive $0xFFFF  }
0x67: {  	_ =	shalt  }

// kernel: kernel.24.cloned.1.call-start
scs
__scs_entry_jumppad:
0x0: {  	(pc) =	sbr.rel $0x88, $3  }
0x1: {  	(tag) =	ssettag $0x0;
	lr =	simm.s32 $0x1  }
0x2: {  	[smem:$0x3F95] =	sst lr;
	_ =	strace $0xD0000000  }
0x3: {  	_ = 	snop  }
0x4: {  	_ = 	snop  }
0x5: {  	_ = 	snop  }
0x6: {  	_ = 	snop  }
0x7: {  	_ = 	snop  }
__scs_overlays_trampoline_lowered:
0x8: {  	[smem:$0x3FA4] =	sst s0  }
0x9: {  	[smem:$0x3FA5] =	sst s1  }
0xa: {  	[smem:$0x3FA6] =	sst s2  }
0xb: {  	[smem:$0x3FA7] =	sst s3  }
0xc: {  	[smem:$0x3FA8] =	sst s4  }
0xd: {  	[smem:$0x3FA9] =	sst s5  }
0xe: {  	[smem:$0x3FAA] =	sst s6  }
0xf: {  	[smem:$0x3FAB] =	sst s7  }
0x10: {  	[smem:$0x3FAC] =	sst s8  }
0x11: {  	[smem:$0x3FAD] =	sst s9;
	s0 =	simm.s32 @!p0 $0x0  }
0x12: {  	s1 =	sld [smem:$0x3F93];
	s0 =	simm.s32 @p0 $0x1  }
0x13: {  	[smem:$0x3FAE] =	sst s0;
	s0 =	simm.s32 @!p1 $0x0  }
0x14: {  	s2 =	sld [smem:$0x3F92];
	s0 =	simm.s32 @p1 $0x1  }
0x15: {  	[smem:$0x3FAF] =	sst s0;
	s0 =	simm.s32 @!p2 $0x0  }
0x16: {  	s3 =	sld [smem:$0x3FDB];
	s0 =	simm.s32 @p2 $0x1  }
0x17: {  	s4 =	simm.s32 $0x1BF5;
	[smem:$0x3FB1] =	sst s0  }
0x18: {  	s0 =	sld [smem:$0x3F94];
	_ =	swait.ge [sflag:s4], $0x0  }
0x19: {  	s7 =	sld [smem:$0x3F95]  }
0x1a: {  	s8 =	sadd.s32 $0xFFFFE003, lr  }
0x1b: {  	s9 =	sadd.s32 $0xFFFFFEF7, lr;
	s5 =	simm.s32 $0xFFFFFFFF;
	p2 =	slt.u32 s8, $0xFFFFF086  }
0x1c: {  	p1 =	slt.u32 s9, $0xF7A;
	s5 =	simm.s32 @!p2 $0x0  }
0x1d: {  	s5 =	simm.s32 @p1 $0x1;
	p0 =	seq.s32 s7, s2  }
0x1e: {  	s7 =	smul.u32 @!p0 $0xF7A, s2;
	p2 =	seq.s32 @!p0 s5, $0x0  }
0x1f: {  	s9 =	smul.u32 $0xF7A, s1;
	s8 =	simm.s32 @!p0 $0x1BF5;
	p2 =	por !p2, p0  }
0x20: {  	[sflag:s8] =	ssyncset.s32 @!p0 $0xFFFFF086;
	s6 =	sadd.s32 @!p0 s3, s7;
	s7 =	simm.s32 @!p0 $0x108  }
0x21: {  	s3 =	sadd.s32 s3, s9;
	s6 =	sadd.s32 @!p0 $0x88, s6;
	s7 =	simm.s32 @p2 $0x1082  }
0x22: {  	[simem:s7], [sflag:s8] =	dma.local @!p0 [hbm:s6], $0xF7A  }
0x23: {  	s9 =	sor.u32 $0xD0000000, s2;
	s6 =	simm.s32 $0x108;
	_ =	swait.ge @!p0 [sflag:s8], $0x0  }
0x24: {  	s3 =	sadd.s32 $0x88, s3;
	s6 =	simm.s32 @!p1 $0x1082;
	[sflag:s4] =	ssyncset.s32 $0xFFFFF086  }
0x25: {  	[simem:s6], [sflag:s4] =	dma.local [hbm:s3], $0xF7A  }
0x26: {  	[smem:$0x3F95] =	sst s1;
	(tag) =	ssettag s2;
	_ =	strace s9  }
0x27: {  	s1 =	sld [smem:$0x3FA5]  }
0x28: {  	s2 =	sld [smem:$0x3FA6]  }
0x29: {  	s4 =	sld [smem:$0x3FA8]  }
0x2a: {  	p0 =	seq.s32 s5, $0x0;
	s5 =	sld [smem:$0x3FA9]  }
0x2b: {  	s6 =	sld [smem:$0x3FAA]  }
0x2c: {  	s7 =	sld [smem:$0x3FAB]  }
0x2d: {  	s3 =	simm.s32 $0x108;
	s8 =	sld [smem:$0x3FAC]  }
0x2e: {  	s3 =	simm.s32 @!p0 $0x1082;
	s9 =	sld [smem:$0x3FAD]  }
0x2f: {  	lr =	sadd.s32 s0, s3;
	s0 =	sld [smem:$0x3FA4]  }
0x30: {  	s3 =	sld [smem:$0x3FA7]  }
0x31: {  	[smem:$0x3FB0] =	sst s10  }
0x32: {  	s10 =	sld [smem:$0x3FAE];
	_ =	sdelay $0x3  }
0x33: {  	p0 =	seq.s32 s10, $0x1;
	s10 =	sld [smem:$0x3FB0];
	_ =	sdelay $0x3  }
0x34: {  	[smem:$0x3FB0] =	sst s10  }
0x35: {  	s10 =	sld [smem:$0x3FAF];
	_ =	sdelay $0x3  }
0x36: {  	p1 =	seq.s32 s10, $0x1;
	s10 =	sld [smem:$0x3FB0];
	_ =	sdelay $0x3  }
0x37: {  	[smem:$0x3FB0] =	sst s10  }
0x38: {  	s10 =	sld [smem:$0x3FB1]  }
0x39: {  	_ = 	snop;
	(pc) =	sbr.ind lr, $3  }
0x3a: {  	_ = 	snop  }
0x3b: {  	_ = 	snop  }
0x3c: {  	p2 =	seq.s32 s10, $0x1;
	s10 =	sld [smem:$0x3FB0]  }
0x3d: {  	_ =	shalt  }
0x3e: {  	_ =	shalt  }
0x3f: {  	_ =	shalt  }
0x40: {  	_ =	shalt  }
0x41: {  	_ =	shalt  }
0x42: {  	_ =	shalt  }
0x43: {  	_ =	shalt  }
0x44: {  	_ =	shalt  }
0x45: {  	_ =	shalt  }
0x46: {  	_ =	shalt  }
0x47: {  	_ =	shalt  }
0x48: {  	_ =	shalt  }
0x49: {  	_ =	shalt  }
0x4a: {  	_ =	shalt  }
0x4b: {  	_ =	shalt  }
0x4c: {  	_ =	shalt  }
0x4d: {  	_ =	shalt  }
0x4e: {  	_ =	shalt  }
0x4f: {  	_ =	shalt  }
0x50: {  	_ =	shalt  }
0x51: {  	_ =	shalt  }
0x52: {  	_ =	shalt  }
0x53: {  	_ =	shalt  }
0x54: {  	_ =	shalt  }
0x55: {  	_ =	shalt  }
0x56: {  	_ =	shalt  }
0x57: {  	_ =	shalt  }
0x58: {  	_ =	shalt  }
0x59: {  	_ =	shalt  }
0x5a: {  	_ =	shalt  }
0x5b: {  	_ =	shalt  }
0x5c: {  	_ =	shalt  }
0x5d: {  	_ =	shalt  }
0x5e: {  	_ =	shalt  }
0x5f: {  	_ =	shalt  }
0x60: {  	_ =	shalt  }
0x61: {  	_ =	shalt  }
0x62: {  	_ =	shalt  }
0x63: {  	_ =	shalt  }
0x64: {  	_ =	shalt  }
0x65: {  	_ =	shalt  }
0x66: {  	_ =	shalt  }
0x67: {  	_ =	shalt  }
0x68: {  	_ =	shalt  }
0x69: {  	_ =	shalt  }
0x6a: {  	_ =	shalt  }
0x6b: {  	_ =	shalt  }
0x6c: {  	_ =	shalt  }
0x6d: {  	_ =	shalt  }
0x6e: {  	_ =	shalt  }
0x6f: {  	_ =	shalt  }
0x70: {  	_ =	shalt  }
0x71: {  	_ =	shalt  }
0x72: {  	_ =	shalt  }
0x73: {  	_ =	shalt  }
0x74: {  	_ =	shalt  }
0x75: {  	_ =	shalt  }
0x76: {  	_ =	shalt  }
0x77: {  	_ =	shalt  }
0x78: {  	_ =	shalt  }
0x79: {  	_ =	shalt  }
0x7a: {  	_ =	shalt  }
0x7b: {  	_ =	shalt  }
0x7c: {  	_ =	shalt  }
0x7d: {  	_ =	shalt  }
0x7e: {  	_ =	shalt  }
0x7f: {  	_ =	shalt  }
0x80: {  	_ =	shalt  }
0x81: {  	_ =	shalt  }
0x82: {  	_ =	shalt  }
0x83: {  	_ =	shalt  }
0x84: {  	_ =	shalt  }
0x85: {  	_ =	shalt  }
0x86: {  	_ =	shalt  }
0x87: {  	_ =	shalt  }
.Lfunc_end0:
.L_simem_size_0:
called_computation.3_lowered:
.L_overlay_start_0:
0x88: {  	s2 =	sld [smem:$0x3FD9]  }
0x89: {  	s3 =	sld [smem:$0x3FFE];
	_ =	sdelay $0x1  }
0x8a: {  	s1 =	srdreg.scid  }
0x8b: {  	s0 =	sand.u32 $0x1, s1  }
0x8c: {  	s17 =	sshll.u32 s0, $0xA;
	s2 =	sadd.s32 s3, s2  }
0x8d: {  	s2 =	sadd.s32 s2, s17  }
0x8e: {  	[smem:$0x3FBC] =	sst s2  }
0x8f: {  	_ = 	snop  }
0x90: {  	s2 =	sld [smem:$0x3FD0];
	(tm) =	ssettm $0x1  }
0x91: {  	s18 =	sld [smem:$0x3FFB];
	_ =	sdelay $0x3  }
0x92: {  	_ =	strace s18  }
0x93: {  	s3 =	sld [smem:$0x3FFC];
	_ =	sdelay $0x3  }
0x94: {  	_ =	strace s3  }
0x95: {  	s3 =	sld [smem:$0x3FFD];
	_ =	sdelay $0x3  }
0x96: {  	_ =	strace s3  }
0x97: {  	_ =	strace $0x8FFFFFFF  }
0x98: {  	s19 =	sld [smem:$0x3FDB];
	_ =	sdelay $0x1  }
0x99: {  	s4 =	simm.s32 $_scs_section_size  }
0x9a: {  	s5 =	simm.s32 $_size__tile_overlayer_lowered;
	s6 =	simm.s32 $_tile_overlayer_lowered  }
0x9b: {  	s22 =	simm.s32 $0x1BFF;
	s21 =	sshll.u32 s6, $0x1;
	s3 =	sadd.s32 s4, s19  }
0x9c: {  	s7 =	simm.s32 $0x0;
	s20 =	sshll.u32 s5, $0x1;
	s5 =	sadd.s32 s21, s3  }
0x9d: {  	[timem:s7], [sflag:s22] =	dma.local [hbm:s5], s20  }
0x9e: {  	_ =	swait.ge [sflag:s22], s20  }
0x9f: {  	s4 =	ssub.s32 $0x0, s20;
	[sflag:s22] =	ssyncset.done $0x0  }
0xa0: {  	[sflag:s22] =	ssyncadd.s32 s4;
	_ =	sdelay $0x1  }
0xa1: {  	s23 =	simm.s32 $0x1B8B  }
0xa2: {  	_ =	swait.ge [sflag:s23], $0x1  }
0xa3: {  	[sflag:s23] =	ssyncset.done $0x0  }
0xa4: {  	s25 =	simm.s32 $0x1B8E;
	s24 =	sld [smem:$0x3FFE];
	[sflag:s23] =	ssyncadd.s32 $0xFFFFFFFF  }
0xa5: {  	s26 =	simm.s32 $execute0_lowered;
	[smem:$0x3FD2] =	sst s25  }
0xa6: {  	s5 =	sshll.u32 s26, $0x1;
	_ =	strace $0x8000004F;
	[dreg:$0x1] =	wrdreg $0xFFFFFFFF  }
0xa7: {  	s28 =	simm.s32 $_size_execute0_lowered;
	s3 =	sadd.s32 s3, s5;
	[dreg:$0x0] =	wrdreg $0x0  }
0xa8: {  	s5 =	sshll.u32 s28, $0x1;
	[dreg:$0x2] =	wrdreg s3  }
0xa9: {  	[dreg:$0x3] =	wrdreg s5  }
0xaa: {  	[dreg:$0x4] =	wrdreg $0xC0  }
0xab: {  	_ =	task [dreg:s7], $0x5FFFF  }
0xac: {  	[dreg:$0x1] =	wrdreg $0xFFFFFFFF  }
0xad: {  	[dreg:$0x0] =	wrdreg $0x60  }
0xae: {  	[dreg:$0x2] =	wrdreg s24  }
0xaf: {  	[dreg:$0x3] =	wrdreg s2  }
0xb0: {  	[dreg:$0x4] =	wrdreg $0x0  }
0xb1: {  	[dreg:$0x5] =	wrdreg $0x9  }
0xb2: {  	_ =	task.clear_ibuf [dreg:s7], $0x6FFFF;
	_ =	strace $0x9000004F  }
0xb3: {  	s29 =	simm.s32 $0x9;
	_ =	strace $0x80000051  }
0xb4: {  	_ =	swait.ge [sflag:s29], $0x1  }
0xb5: {  	[sflag:s29] =	ssyncadd.s32 $0xFFFFFFFF  }
0xb6: {  	_ =	strace $0x90000051  }
0xb7: {  	_ =	sfence  }
0xb8: {  	s30 =	sld [smem:$0x0];
	_ =	sdelay $0x2  }
0xb9: {  	s31 =	sshll.u32 s1, $0xD;
	s1 =	sshrl.u32 s1, $0x2  }
0xba: {  	s3 =	sand.u32 $0x4000, s31;
	s1 =	sadd.s32 s1, s30  }
0xbb: {  	s0 =	sor.u32 s3, s0;
	s1 =	sshll.u32 s1, $0x11  }
0xbc: {  	s0 =	sor.u32 s1, s0  }
0xbd: {  	s0 =	sadd.s32 $0x8F2B, s0  }
0xbe: {  	[sflag:s0] =	ssyncadd.remote.s32 $0x1  }
0xbf: {  	_ =	sfence.sel $0xFFFF  }
0xc0: {  	[dreg:$0x0] =	wrdreg $0xFFFFFFFF;
	(pc) =	sbr.abs _section_cstart, $3  }
0xc1: {  	[dreg:$0x1] =	wrdreg $0xFFFFFFFF  }
0xc2: {  	_ =	task.clear_ibuf [dreg:s7], $0x2FFFF;
	_ =	strace $0x9FFFFFFF  }
0xc3: {  	(tm) =	ssettm $0x7FFFFFFF  }
tec
execute0_lowered:
.L_overlay_start_1:
0x0: {  	(tag) =	ssettag $0x1  }
0x1: {  	s0 =	rddreg [dreg:$0x0]  }
0x2: {  	s1 =	rddreg [dreg:$0x1]  }
0x3: {  	s2 =	rddreg [dreg:$0x2]  }
0x4: {  	s8 =	stileid.u32;
	s3 =	simm.s32 $0x0;
	s5 =	srdreg.scid  }
0x5: {  	s28 =	simm.s32 $0x80;
	s29 =	simm.s32 $0x2;
	s4 =	smul.u32 $0x500, s8  }
0x6: {  	[smem:$0x7FF] =	sst s3;
	s12 =	smul.u32 $0x9C00, s8;
	s9 =	sand.u32 $0x1, s5  }
0x7: {  	s21 =	sadd.s32 $0xC0A000, s0;
	s18 =	sshll.u32 s8, $0x6;
	s11 =	smul.u32 $0xA0000, s8  }
0x8: {  	s20 =	sadd.s32 $0x9C000, s2;
	p0 =	sne.s32 s8, $0xF;
	_ =	strace $0x80000050  }
0x9: {  	s5 =	ssub.s32 $0x2, s9;
	s10 =	smul.u32 $0x1400000, s9;
	[dreg:$0x6] =	wrdreg s20  }
0xa: {  	s13 =	smul.u32 $0x9C400, s9;
	s4 =	sadd.s32 s4, s0;
	s6 =	sshrl.u32 s12, $0x3  }
0xb: {  	s7 =	sshrl.u32 s5, $0x1;
	s17 =	sadd.s32 s12, s2;
	s6 =	sadd.s32 s6, s0  }
0xc: {  	s15 =	ssub.s32 s5, s7;
	[dreg:$0x4] =	wrdreg s17;
	s0 =	sadd.s32 $0xAD3800, s0  }
0xd: {  	s22 =	sadd.s32 s11, s10;
	s9 =	sadd.s32 $0xC00000, s4;
	s10 =	sadd.s32 $0xC05000, s4  }
0xe: {  	s24 =	sadd.s32 s12, s13;
	s13 =	sshrl.u32 s13, $0x3;
	s19 =	sadd.s32 $0xAC0000, s6  }
0xf: {  	s6 =	sor.u32 $0x1C03, s18;
	[dreg:$0x7] =	wrdreg s0;
	s23 =	sshrl.u32 s22, $0x3  }
0x10: {  	s4 =	sshrl.u32 s24, $0x3;
	s14 =	sadd.s32 s1, s13;
	s25 =	sor.u32 $0x4000, s22  }
0x11: {  	s15 =	smax.u32 s15, $0x1;
	s26 =	sor.u32 $0x2000, s22;
	s30 =	sadd.s32 $0xA04000, s22  }
0x12: {  	s0 =	sadd.s32 $0xA02000, s22;
	s22 =	simm.s32 $0x3;
	s24 =	simm.s32 $0xEC80  }
0x13: {  	[dreg:$0x5] =	wrdreg s19;
	s11 =	sadd.s32 s21, s23;
	s13 =	sadd.s32 s1, s4  }
0x14: {  	s14 =	sadd.s32 $0x13800, s14;
	s1 =	sshrl.u32 s25, $0x3;
	s31 =	sshrl.u32 s30, $0x3  }
0x15: {  	s0 =	sshrl.u32 s0, $0x3;
	s25 =	simm.s32 $0x10C80;
	s23 =	simm.s32 $0x0  }
0x16: {  	s12 =	sadd.s32 $0x140000, s11;
	s16 =	sadd.s32 $0x13C00, s11;
	s17 =	sadd.s32 $0x153C00, s11  }
0x17: {  	s18 =	sadd.s32 s1, s21;
	s1 =	sshrl.u32 s26, $0x3;
	s20 =	sadd.s32 s31, s21  }
0x18: {  	s26 =	simm.s32 $0x1;
	s19 =	sadd.s32 s1, s21;
	s21 =	sadd.s32 s0, s21  }
.LBB2_1:
0x19: {  	s0 =	rddreg [dreg:$0x4]  }
0x1a: {  	s1 =	rddreg [dreg:$0x5];
	s30 =	sshrl.u32 s0, $0x3  }
0x1b: {  	[spmem:s30], [sflag:s6] =	dma.local [hbm:s1], $0x1380  }
0x1c: {  	_ =	swait.ge [sflag:s22], $0x1380  }
0x1d: {  	[sflag:s22] =	ssyncset.done $0x0;
	s0 =	rddreg [dreg:$0x6]  }
0x1e: {  	[sflag:s22] =	ssyncadd.s32 $0xFFFFEC80;
	s31 =	sshrl.u32 @!p0 s0, $0x3;
	s0 =	rddreg [dreg:$0x7]  }
0x1f: {  	[spmem:s31], [sflag:s6] =	dma.local @!p0 [hbm:s0], $0x80  }
0x20: {  	s0 =	simm.s32 @!p0 $0x3  }
0x21: {  	_ =	swait.ge @!p0 [sflag:s0], $0x80  }
0x22: {  	[sflag:s0] =	ssyncset.done @!p0 $0x0  }
0x23: {  	s4 =	simm.s32 $0x9C80;
	[sflag:s0] =	ssyncadd.s32 @!p0 $0xFFFFFF80  }
0x24: {  	[tilespmem:s4], [sflag:$0x3] =	stream.linear.gather [hbm4b:s9+s3], $0x2800, $0x38;
	[tilespmem:$0x12C80] =	vst v63  }
0x25: {  	_ =	swait.ge [sflag:s22], $0x2800  }
0x26: {  	[sflag:s22] =	ssyncset.done $0x0  }
0x27: {  	s1 =	simm.s32 $0xC480;
	[sflag:s22] =	ssyncadd.s32 $0xFFFFD800  }
0x28: {  	[tilespmem:s1], [sflag:$0x3] =	stream.linear.gather [hbm4b:s10+s3], $0x2800, $0x38;
	[tilespmem:$0x12C80] =	vst v63  }
0x29: {  	_ =	swait.ge [sflag:s22], $0x2800  }
0x2a: {  	[sflag:s22] =	ssyncset.done $0x0  }
0x2b: {  	[sflag:s22] =	ssyncadd.s32 $0xFFFFD800  }
0x2c: {  	[bflag:$0x0] =	sbarrier.arrive $0xFFFF  }
0x2d: {  	[tilespmem:s24], [sflag:$0x1] =	stream.linear.gather [hbm4b:s11+s3], $0x2000, $0x38;
	[tilespmem:$0x12C80] =	vst v63  }
0x2e: {  	s5 =	sadd.s32 $0x0, s19  }
0x2f: {  	[tilespmem:s25], [sflag:$0x2] =	stream.linear.gather [hbm4b:s5+s3], $0x2000, $0x38;
	[tilespmem:$0x12C80] =	vst v63  }
0x30: {  	_ =	swait.ge [sflag:s26], $0x2000  }
0x31: {  	[sflag:s26] =	ssyncset.done $0x0  }
0x32: {  	[sflag:s26] =	ssyncadd.s32 $0xFFFFE000  }
0x33: {  	[spmem:s2] =	stream.indirect.scatter.add.f32 [tilespmem:s24], [sflag:$0x3], $0x40, s4, s28, $0xb8;
	[tilespmem:$0x12C80] =	vst v63  }
0x34: {  	_ =	swait.ge [sflag:s22], $0x2000  }
0x35: {  	[sflag:s22] =	ssyncset.done $0x0  }
0x36: {  	s7 =	sadd.s32 $0x0, s18;
	[sflag:s22] =	ssyncadd.s32 $0xFFFFE000  }
0x37: {  	[tilespmem:s24], [sflag:$0x1] =	stream.linear.gather [hbm4b:s7+s3], $0x2000, $0x38;
	[tilespmem:$0x12C80] =	vst v63  }
0x38: {  	_ =	swait.ge [sflag:s29], $0x2000  }
0x39: {  	[sflag:s29] =	ssyncset.done $0x0  }
0x3a: {  	s8 =	simm.s32 $0x9D00;
	[sflag:s29] =	ssyncadd.s32 $0xFFFFE000  }
0x3b: {  	[spmem:s2] =	stream.indirect.scatter.add.f32 [tilespmem:s25], [sflag:$0x3], $0x40, s8, s28, $0xb8;
	[tilespmem:$0x12C80] =	vst v63  }
0x3c: {  	s0 =	simm.s32 $0x9D80;
	_ =	swait.ge [sflag:s22], $0x2000  }
0x3d: {  	s1 =	simm.s32 $0x800;
	s4 =	simm.s32 $0x1000;
	[sflag:s22] =	ssyncset.done $0x0  }
.LBB2_2:
0x3e: {  	s5 =	sadd.s32 s1, s19  }
0x3f: {  	[sflag:s22] =	ssyncadd.s32 $0xFFFFE000;
	s7 =	smov.u32 s4;
	s8 =	sadd.s32 $0x800, s4  }
0x40: {  	[tilespmem:s25], [sflag:$0x2] =	stream.linear.gather [hbm4b:s5+s3], $0x2000, $0x38;
	[tilespmem:$0x12C80] =	vst v63  }
0x41: {  	p1 =	sne.s32 s4, $0x13000;
	_ =	swait.ge [sflag:s26], $0x2000  }
0x42: {  	[sflag:s26] =	ssyncset.done $0x0  }
0x43: {  	[sflag:s26] =	ssyncadd.s32 $0xFFFFE000  }
0x44: {  	[spmem:s2] =	stream.indirect.scatter.add.f32 [tilespmem:s24], [sflag:$0x3], $0x40, s0, s28, $0xb8;
	[tilespmem:$0x12C80] =	vst v63  }
0x45: {  	_ =	swait.ge [sflag:s22], $0x2000  }
0x46: {  	[sflag:s22] =	ssyncset.done $0x0  }
0x47: {  	s4 =	sadd.s32 s1, s18;
	s1 =	smov.u32 s7;
	[sflag:s22] =	ssyncadd.s32 $0xFFFFE000  }
0x48: {  	[tilespmem:s24], [sflag:$0x1] =	stream.linear.gather [hbm4b:s4+s3], $0x2000, $0x38;
	[tilespmem:$0x12C80] =	vst v63  }
0x49: {  	_ =	swait.ge [sflag:s29], $0x2000  }
.Ltmp0:
0x4a: {  	[sflag:s29] =	ssyncset.done $0x0;
	(pc) =	sbr.rel @p1 .LBB2_2-.Ltmp0, $4  }
0x4b: {  	s4 =	sadd.s32 $0x80, s0;
	[sflag:s29] =	ssyncadd.s32 $0xFFFFE000  }
0x4c: {  	[spmem:s2] =	stream.indirect.scatter.add.f32 [tilespmem:s25], [sflag:$0x3], $0x40, s4, s28, $0xb8;
	[tilespmem:$0x12C80] =	vst v63  }
0x4d: {  	_ =	swait.ge [sflag:s22], $0x2000  }
0x4e: {  	s0 =	sadd.s32 $0x100, s0;
	s4 =	smov.u32 s8;
	[sflag:s22] =	ssyncset.done $0x0  }
0x4f: {  	s4 =	sadd.s32 s1, s19;
	[sflag:s22] =	ssyncadd.s32 $0xFFFFE000  }
0x50: {  	[tilespmem:s25], [sflag:$0x2] =	stream.linear.gather [hbm4b:s4+s3], $0x2000, $0x38;
	[tilespmem:$0x12C80] =	vst v63  }
0x51: {  	_ =	swait.ge [sflag:s26], $0x2000  }
0x52: {  	[sflag:s26] =	ssyncset.done $0x0  }
0x53: {  	[sflag:s26] =	ssyncadd.s32 $0xFFFFE000  }
0x54: {  	[spmem:s2] =	stream.indirect.scatter.add.f32 [tilespmem:s24], [sflag:$0x3], $0x40, s0, s28, $0xb8;
	[tilespmem:$0x12C80] =	vst v63  }
0x55: {  	_ =	swait.ge [sflag:s22], $0x2000  }
0x56: {  	[sflag:s22] =	ssyncset.done $0x0  }
0x57: {  	s8 =	sadd.s32 s1, s18;
	[sflag:s22] =	ssyncadd.s32 $0xFFFFE000  }
0x58: {  	[tilespmem:s24], [sflag:$0x1] =	stream.linear.gather [hbm4b:s8+s3], $0x2000, $0x38;
	[tilespmem:$0x12C80] =	vst v63  }
0x59: {  	_ =	swait.ge [sflag:s29], $0x2000  }
0x5a: {  	[sflag:s29] =	ssyncset.done $0x0  }
0x5b: {  	s4 =	sadd.s32 $0x80, s0;
	[sflag:s29] =	ssyncadd.s32 $0xFFFFE000  }
0x5c: {  	[spmem:s2] =	stream.indirect.scatter.add.f32 [tilespmem:s25], [sflag:$0x3], $0x40, s4, s28, $0xb8;
	[tilespmem:$0x12C80] =	vst v63  }
0x5d: {  	_ =	swait.ge [sflag:s22], $0x2000  }
0x5e: {  	[sflag:s22] =	ssyncset.done $0x0  }
0x5f: {  	s5 =	simm.s32 $0x0;
	[sflag:s22] =	ssyncadd.s32 $0xFFFFE000  }
0x60: {  	[tilespmem:s25], [sflag:$0x2] =	stream.linear.gather [hbm4b:s16+s5], $0x2000, $0x38;
	[tilespmem:$0x12C80] =	vst v63  }
0x61: {  	_ =	swait.ge [sflag:s26], $0x2000  }
0x62: {  	[sflag:s26] =	ssyncset.done $0x0  }
0x63: {  	s7 =	simm.s32 $0xC380;
	[sflag:s26] =	ssyncadd.s32 $0xFFFFE000  }
0x64: {  	[spmem:s2] =	stream.indirect.scatter.add.f32 [tilespmem:s24], [sflag:$0x3], $0x40, s7, s28, $0xb8;
	[tilespmem:$0x12C80] =	vst v63  }
0x65: {  	_ =	swait.ge [sflag:s22], $0x2000  }
0x66: {  	[sflag:s22] =	ssyncset.done $0x0  }
0x67: {  	[sflag:s22] =	ssyncadd.s32 $0xFFFFE000  }
0x68: {  	_ =	swait.ge [sflag:s29], $0x2000  }
0x69: {  	[sflag:s29] =	ssyncset.done $0x0  }
0x6a: {  	s8 =	simm.s32 $0xC400;
	[sflag:s29] =	ssyncadd.s32 $0xFFFFE000  }
0x6b: {  	[spmem:s2] =	stream.indirect.scatter.add.f32 [tilespmem:s25], [sflag:$0x3], $0x40, s8, s28, $0xb8;
	[tilespmem:$0x12C80] =	vst v63  }
0x6c: {  	_ =	swait.ge [sflag:s22], $0x2000  }
0x6d: {  	[sflag:s22] =	ssyncset.done $0x0  }
0x6e: {  	[sflag:s22] =	ssyncadd.s32 $0xFFFFE000  }
0x6f: {  	[tilespmem:s24], [sflag:$0x1] =	stream.linear.gather [hbm4b:s12+s5], $0x2000, $0x38;
	[tilespmem:$0x12C80] =	vst v63  }
0x70: {  	s4 =	sadd.s32 $0x0, s21  }
0x71: {  	[tilespmem:s25], [sflag:$0x2] =	stream.linear.gather [hbm4b:s4+s3], $0x2000, $0x38;
	[tilespmem:$0x12C80] =	vst v63  }
0x72: {  	_ =	swait.ge [sflag:s26], $0x2000  }
0x73: {  	[sflag:s26] =	ssyncset.done $0x0  }
0x74: {  	s5 =	simm.s32 $0xC480;
	[sflag:s26] =	ssyncadd.s32 $0xFFFFE000  }
0x75: {  	[spmem:s2] =	stream.indirect.scatter.add.f32 [tilespmem:s24], [sflag:$0x3], $0x40, s5, s28, $0xb8;
	[tilespmem:$0x12C80] =	vst v63  }
0x76: {  	_ =	swait.ge [sflag:s22], $0x2000  }
0x77: {  	[sflag:s22] =	ssyncset.done $0x0  }
0x78: {  	s7 =	sadd.s32 $0x0, s20;
	[sflag:s22] =	ssyncadd.s32 $0xFFFFE000  }
0x79: {  	[tilespmem:s24], [sflag:$0x1] =	stream.linear.gather [hbm4b:s7+s3], $0x2000, $0x38;
	[tilespmem:$0x12C80] =	vst v63  }
0x7a: {  	_ =	swait.ge [sflag:s29], $0x2000  }
0x7b: {  	[sflag:s29] =	ssyncset.done $0x0  }
0x7c: {  	s8 =	simm.s32 $0xC500;
	[sflag:s29] =	ssyncadd.s32 $0xFFFFE000  }
0x7d: {  	[spmem:s2] =	stream.indirect.scatter.add.f32 [tilespmem:s25], [sflag:$0x3], $0x40, s8, s28, $0xb8;
	[tilespmem:$0x12C80] =	vst v63  }
0x7e: {  	s1 =	simm.s32 $0x800;
	_ =	swait.ge [sflag:s22], $0x2000  }
0x7f: {  	s0 =	simm.s32 $0xC580;
	s4 =	simm.s32 $0x1000;
	[sflag:s22] =	ssyncset.done $0x0  }
.LBB2_4:
0x80: {  	s5 =	sadd.s32 s1, s21  }
0x81: {  	[sflag:s22] =	ssyncadd.s32 $0xFFFFE000;
	s7 =	smov.u32 s4;
	s8 =	sadd.s32 $0x800, s4  }
0x82: {  	[tilespmem:s25], [sflag:$0x2] =	stream.linear.gather [hbm4b:s5+s3], $0x2000, $0x38;
	[tilespmem:$0x12C80] =	vst v63  }
0x83: {  	p1 =	sne.s32 s4, $0x13000;
	_ =	swait.ge [sflag:s26], $0x2000  }
0x84: {  	[sflag:s26] =	ssyncset.done $0x0  }
0x85: {  	[sflag:s26] =	ssyncadd.s32 $0xFFFFE000  }
0x86: {  	[spmem:s2] =	stream.indirect.scatter.add.f32 [tilespmem:s24], [sflag:$0x3], $0x40, s0, s28, $0xb8;
	[tilespmem:$0x12C80] =	vst v63  }
0x87: {  	_ =	swait.ge [sflag:s22], $0x2000  }
0x88: {  	[sflag:s22] =	ssyncset.done $0x0  }
0x89: {  	s4 =	sadd.s32 s1, s20;
	s1 =	smov.u32 s7;
	[sflag:s22] =	ssyncadd.s32 $0xFFFFE000  }
0x8a: {  	[tilespmem:s24], [sflag:$0x1] =	stream.linear.gather [hbm4b:s4+s3], $0x2000, $0x38;
	[tilespmem:$0x12C80] =	vst v63  }
0x8b: {  	_ =	swait.ge [sflag:s29], $0x2000  }
.Ltmp1:
0x8c: {  	[sflag:s29] =	ssyncset.done $0x0;
	(pc) =	sbr.rel @p1 .LBB2_4-.Ltmp1, $4  }
0x8d: {  	s4 =	sadd.s32 $0x80, s0;
	[sflag:s29] =	ssyncadd.s32 $0xFFFFE000  }
0x8e: {  	[spmem:s2] =	stream.indirect.scatter.add.f32 [tilespmem:s25], [sflag:$0x3], $0x40, s4, s28, $0xb8;
	[tilespmem:$0x12C80] =	vst v63  }
0x8f: {  	_ =	swait.ge [sflag:s22], $0x2000  }
0x90: {  	s0 =	sadd.s32 $0x100, s0;
	s4 =	smov.u32 s8;
	[sflag:s22] =	ssyncset.done $0x0  }
0x91: {  	s4 =	sadd.s32 s1, s21;
	[sflag:s22] =	ssyncadd.s32 $0xFFFFE000  }
0x92: {  	[tilespmem:s25], [sflag:$0x2] =	stream.linear.gather [hbm4b:s4+s3], $0x2000, $0x38;
	[tilespmem:$0x12C80] =	vst v63  }
0x93: {  	_ =	swait.ge [sflag:s26], $0x2000  }
0x94: {  	[sflag:s26] =	ssyncset.done $0x0  }
0x95: {  	[sflag:s26] =	ssyncadd.s32 $0xFFFFE000  }
0x96: {  	[spmem:s2] =	stream.indirect.scatter.add.f32 [tilespmem:s24], [sflag:$0x3], $0x40, s0, s28, $0xb8;
	[tilespmem:$0x12C80] =	vst v63  }
0x97: {  	_ =	swait.ge [sflag:s22], $0x2000  }
0x98: {  	[sflag:s22] =	ssyncset.done $0x0  }
0x99: {  	s4 =	sadd.s32 s1, s20;
	[sflag:s22] =	ssyncadd.s32 $0xFFFFE000  }
0x9a: {  	[tilespmem:s24], [sflag:$0x1] =	stream.linear.gather [hbm4b:s4+s3], $0x2000, $0x38;
	[tilespmem:$0x12C80] =	vst v63  }
0x9b: {  	_ =	swait.ge [sflag:s29], $0x2000  }
0x9c: {  	[sflag:s29] =	ssyncset.done $0x0  }
0x9d: {  	s5 =	sadd.s32 $0x80, s0;
	[sflag:s29] =	ssyncadd.s32 $0xFFFFE000  }
0x9e: {  	[spmem:s2] =	stream.indirect.scatter.add.f32 [tilespmem:s25], [sflag:$0x3], $0x40, s5, s28, $0xb8;
	[tilespmem:$0x12C80] =	vst v63  }
0x9f: {  	_ =	swait.ge [sflag:s22], $0x2000  }
0xa0: {  	[sflag:s22] =	ssyncset.done $0x0  }
0xa1: {  	[sflag:s22] =	ssyncadd.s32 $0xFFFFE000  }
0xa2: {  	[tilespmem:s25], [sflag:$0x2] =	stream.linear.gather [hbm4b:s17+s3], $0x2000, $0x38;
	[tilespmem:$0x12C80] =	vst v63  }
0xa3: {  	_ =	swait.ge [sflag:s26], $0x2000  }
0xa4: {  	[sflag:s26] =	ssyncset.done $0x0  }
0xa5: {  	s7 =	simm.s32 $0xEB80;
	[sflag:s26] =	ssyncadd.s32 $0xFFFFE000  }
0xa6: {  	[spmem:s2] =	stream.indirect.scatter.add.f32 [tilespmem:s24], [sflag:$0x3], $0x40, s7, s28, $0xb8;
	[tilespmem:$0x12C80] =	vst v63  }
0xa7: {  	_ =	swait.ge [sflag:s22], $0x2000  }
0xa8: {  	[sflag:s22] =	ssyncset.done $0x0  }
0xa9: {  	[sflag:s22] =	ssyncadd.s32 $0xFFFFE000  }
0xaa: {  	_ =	swait.ge [sflag:s29], $0x2000  }
0xab: {  	[sflag:s29] =	ssyncset.done $0x0  }
0xac: {  	s8 =	simm.s32 $0xEC00;
	[sflag:s29] =	ssyncadd.s32 $0xFFFFE000  }
0xad: {  	[spmem:s2] =	stream.indirect.scatter.add.f32 [tilespmem:s25], [sflag:$0x3], $0x40, s8, s28, $0xb8;
	[tilespmem:$0x12C80] =	vst v63  }
0xae: {  	_ =	swait.ge [sflag:s22], $0x2000  }
0xaf: {  	[sflag:s22] =	ssyncset.done $0x0  }
0xb0: {  	[sflag:s22] =	ssyncadd.s32 $0xFFFFE000  }
0xb1: {  	[bflag:$0x0] =	sbarrier.arrive $0xFFFF  }
0xb2: {  	[hbm:s13], [sflag:s6] =	dma.local [spmem:s30], $0x1380  }
0xb3: {  	s23 =	sadd.s32 $0x1, s23;
	_ =	swait.ge [sflag:s22], $0x1380  }
0xb4: {  	p1 =	sne.s32 s23, s15;
	[sflag:s22] =	ssyncset.done $0x0  }
.Ltmp2:
0xb5: {  	s0 =	simm.s32 @!p0 $0x3;
	[sflag:s22] =	ssyncadd.s32 $0xFFFFEC80;
	(pc) =	sbr.rel @p1 .LBB2_1-.Ltmp2, $4  }
0xb6: {  	[hbm:s14], [sflag:s6] =	dma.local @!p0 [spmem:s31], $0x80  }
0xb7: {  	_ =	swait.ge @!p0 [sflag:s0], $0x80  }
0xb8: {  	[sflag:s0] =	ssyncset.done @!p0 $0x0  }
0xb9: {  	[sflag:s0] =	ssyncadd.s32 @!p0 $0xFFFFFF80  }
0xba: {  	_ =	sfence.sel $0x180000  }
0xbb: {  	[bflag:$0x0] =	sbarrier.arrive $0xFFFF  }
0xbc: {  	_ =	strace $0x90000050  }
0xbd: {  	s0 =	stileid.u32;
	[bflag:$0x2] =	sbarrier.arrive $0xFFFF  }
0xbe: {  	p0 =	sne.s32 s0, $0x0;
	s0 =	rddreg [dreg:$0x3]  }
0xbf: {  	s0 =	sadd.s32 @!p0 $0x100000, s0  }
0xc0: {  	[sflag:s0] =	ssyncadd.tile.s32 @!p0 $0x1;
	_ =	shalt  }
.Lfunc_end2:
_tile_overlayer_lowered:
.L_overlay_start_2:
0xc1: {  	(tag) =	ssettag $0x2  }
0xc2: {  	s0 =	rddreg [dreg:$0x0];
	s2 =	stileid.u32  }
0xc3: {  	s1 =	rddreg [dreg:$0x1];
	p0 =	sne.s32 s2, $0x0  }
0xc4: {  	s3 =	rddreg [dreg:$0x2];
	[bflag:$0x3] =	sbarrier.arrive $0xFFFF;
	s2 =	simm.s32 @!p0 $0x1C03  }
0xc5: {  	[timem:s3], [sflag:s2] =	dma.local @!p0 [hbm:s0], s1  }
0xc6: {  	s0 =	simm.s32 @!p0 $0x3  }
0xc7: {  	_ =	swait.ge @!p0 [sflag:s0], s1  }
0xc8: {  	s1 =	ssub.s32 @!p0 $0x0, s1;
	[sflag:s0] =	ssyncset.done @!p0 $0x0  }
0xc9: {  	[sflag:s0] =	ssyncadd.s32 @!p0 s1  }
0xca: {  	[bflag:$0x3] =	sbarrier.arrive $0xFFFF  }
0xcb: {  	_ =	shalt  }

// kernel: kernel.27.cloned.1.call-start
scs
__scs_entry_jumppad:
0x0: {  	(pc) =	sbr.rel $0x88, $3  }
0x1: {  	(tag) =	ssettag $0x0;
	lr =	simm.s32 $0x1  }
0x2: {  	[smem:$0x3F95] =	sst lr;
	_ =	strace $0xD0000000  }
0x3: {  	_ = 	snop  }
0x4: {  	_ = 	snop  }
0x5: {  	_ = 	snop  }
0x6: {  	_ = 	snop  }
0x7: {  	_ = 	snop  }
__scs_overlays_trampoline_lowered:
0x8: {  	[smem:$0x3FA4] =	sst s0  }
0x9: {  	[smem:$0x3FA5] =	sst s1  }
0xa: {  	[smem:$0x3FA6] =	sst s2  }
0xb: {  	[smem:$0x3FA7] =	sst s3  }
0xc: {  	[smem:$0x3FA8] =	sst s4  }
0xd: {  	[smem:$0x3FA9] =	sst s5  }
0xe: {  	[smem:$0x3FAA] =	sst s6  }
0xf: {  	[smem:$0x3FAB] =	sst s7  }
0x10: {  	[smem:$0x3FAC] =	sst s8  }
0x11: {  	[smem:$0x3FAD] =	sst s9;
	s0 =	simm.s32 @!p0 $0x0  }
0x12: {  	s1 =	sld [smem:$0x3F93];
	s0 =	simm.s32 @p0 $0x1  }
0x13: {  	[smem:$0x3FAE] =	sst s0;
	s0 =	simm.s32 @!p1 $0x0  }
0x14: {  	s2 =	sld [smem:$0x3F92];
	s0 =	simm.s32 @p1 $0x1  }
0x15: {  	[smem:$0x3FAF] =	sst s0;
	s0 =	simm.s32 @!p2 $0x0  }
0x16: {  	s3 =	sld [smem:$0x3FDB];
	s0 =	simm.s32 @p2 $0x1  }
0x17: {  	s4 =	simm.s32 $0x1BF5;
	[smem:$0x3FB1] =	sst s0  }
0x18: {  	s0 =	sld [smem:$0x3F94];
	_ =	swait.ge [sflag:s4], $0x0  }
0x19: {  	s7 =	sld [smem:$0x3F95]  }
0x1a: {  	s8 =	sadd.s32 $0xFFFFE003, lr  }
0x1b: {  	s9 =	sadd.s32 $0xFFFFFEF7, lr;
	s5 =	simm.s32 $0xFFFFFFFF;
	p2 =	slt.u32 s8, $0xFFFFF086  }
0x1c: {  	p1 =	slt.u32 s9, $0xF7A;
	s5 =	simm.s32 @!p2 $0x0  }
0x1d: {  	s5 =	simm.s32 @p1 $0x1;
	p0 =	seq.s32 s7, s2  }
0x1e: {  	s7 =	smul.u32 @!p0 $0xF7A, s2;
	p2 =	seq.s32 @!p0 s5, $0x0  }
0x1f: {  	s9 =	smul.u32 $0xF7A, s1;
	s8 =	simm.s32 @!p0 $0x1BF5;
	p2 =	por !p2, p0  }
0x20: {  	[sflag:s8] =	ssyncset.s32 @!p0 $0xFFFFF086;
	s6 =	sadd.s32 @!p0 s3, s7;
	s7 =	simm.s32 @!p0 $0x108  }
0x21: {  	s3 =	sadd.s32 s3, s9;
	s6 =	sadd.s32 @!p0 $0x88, s6;
	s7 =	simm.s32 @p2 $0x1082  }
0x22: {  	[simem:s7], [sflag:s8] =	dma.local @!p0 [hbm:s6], $0xF7A  }
0x23: {  	s9 =	sor.u32 $0xD0000000, s2;
	s6 =	simm.s32 $0x108;
	_ =	swait.ge @!p0 [sflag:s8], $0x0  }
0x24: {  	s3 =	sadd.s32 $0x88, s3;
	s6 =	simm.s32 @!p1 $0x1082;
	[sflag:s4] =	ssyncset.s32 $0xFFFFF086  }
0x25: {  	[simem:s6], [sflag:s4] =	dma.local [hbm:s3], $0xF7A  }
0x26: {  	[smem:$0x3F95] =	sst s1;
	(tag) =	ssettag s2;
	_ =	strace s9  }
0x27: {  	s1 =	sld [smem:$0x3FA5]  }
0x28: {  	s2 =	sld [smem:$0x3FA6]  }
0x29: {  	s4 =	sld [smem:$0x3FA8]  }
0x2a: {  	p0 =	seq.s32 s5, $0x0;
	s5 =	sld [smem:$0x3FA9]  }
0x2b: {  	s6 =	sld [smem:$0x3FAA]  }
0x2c: {  	s7 =	sld [smem:$0x3FAB]  }
0x2d: {  	s3 =	simm.s32 $0x108;
	s8 =	sld [smem:$0x3FAC]  }
0x2e: {  	s3 =	simm.s32 @!p0 $0x1082;
	s9 =	sld [smem:$0x3FAD]  }
0x2f: {  	lr =	sadd.s32 s0, s3;
	s0 =	sld [smem:$0x3FA4]  }
0x30: {  	s3 =	sld [smem:$0x3FA7]  }
0x31: {  	[smem:$0x3FB0] =	sst s10  }
0x32: {  	s10 =	sld [smem:$0x3FAE];
	_ =	sdelay $0x3  }
0x33: {  	p0 =	seq.s32 s10, $0x1;
	s10 =	sld [smem:$0x3FB0];
	_ =	sdelay $0x3  }
0x34: {  	[smem:$0x3FB0] =	sst s10  }
0x35: {  	s10 =	sld [smem:$0x3FAF];
	_ =	sdelay $0x3  }
0x36: {  	p1 =	seq.s32 s10, $0x1;
	s10 =	sld [smem:$0x3FB0];
	_ =	sdelay $0x3  }
0x37: {  	[smem:$0x3FB0] =	sst s10  }
0x38: {  	s10 =	sld [smem:$0x3FB1]  }
0x39: {  	_ = 	snop;
	(pc) =	sbr.ind lr, $3  }
0x3a: {  	_ = 	snop  }
0x3b: {  	_ = 	snop  }
0x3c: {  	p2 =	seq.s32 s10, $0x1;
	s10 =	sld [smem:$0x3FB0]  }
0x3d: {  	_ =	shalt  }
0x3e: {  	_ =	shalt  }
0x3f: {  	_ =	shalt  }
0x40: {  	_ =	shalt  }
0x41: {  	_ =	shalt  }
0x42: {  	_ =	shalt  }
0x43: {  	_ =	shalt  }
0x44: {  	_ =	shalt  }
0x45: {  	_ =	shalt  }
0x46: {  	_ =	shalt  }
0x47: {  	_ =	shalt  }
0x48: {  	_ =	shalt  }
0x49: {  	_ =	shalt  }
0x4a: {  	_ =	shalt  }
0x4b: {  	_ =	shalt  }
0x4c: {  	_ =	shalt  }
0x4d: {  	_ =	shalt  }
0x4e: {  	_ =	shalt  }
0x4f: {  	_ =	shalt  }
0x50: {  	_ =	shalt  }
0x51: {  	_ =	shalt  }
0x52: {  	_ =	shalt  }
0x53: {  	_ =	shalt  }
0x54: {  	_ =	shalt  }
0x55: {  	_ =	shalt  }
0x56: {  	_ =	shalt  }
0x57: {  	_ =	shalt  }
0x58: {  	_ =	shalt  }
0x59: {  	_ =	shalt  }
0x5a: {  	_ =	shalt  }
0x5b: {  	_ =	shalt  }
0x5c: {  	_ =	shalt  }
0x5d: {  	_ =	shalt  }
0x5e: {  	_ =	shalt  }
0x5f: {  	_ =	shalt  }
0x60: {  	_ =	shalt  }
0x61: {  	_ =	shalt  }
0x62: {  	_ =	shalt  }
0x63: {  	_ =	shalt  }
0x64: {  	_ =	shalt  }
0x65: {  	_ =	shalt  }
0x66: {  	_ =	shalt  }
0x67: {  	_ =	shalt  }
0x68: {  	_ =	shalt  }
0x69: {  	_ =	shalt  }
0x6a: {  	_ =	shalt  }
0x6b: {  	_ =	shalt  }
0x6c: {  	_ =	shalt  }
0x6d: {  	_ =	shalt  }
0x6e: {  	_ =	shalt  }
0x6f: {  	_ =	shalt  }
0x70: {  	_ =	shalt  }
0x71: {  	_ =	shalt  }
0x72: {  	_ =	shalt  }
0x73: {  	_ =	shalt  }
0x74: {  	_ =	shalt  }
0x75: {  	_ =	shalt  }
0x76: {  	_ =	shalt  }
0x77: {  	_ =	shalt  }
0x78: {  	_ =	shalt  }
0x79: {  	_ =	shalt  }
0x7a: {  	_ =	shalt  }
0x7b: {  	_ =	shalt  }
0x7c: {  	_ =	shalt  }
0x7d: {  	_ =	shalt  }
0x7e: {  	_ =	shalt  }
0x7f: {  	_ =	shalt  }
0x80: {  	_ =	shalt  }
0x81: {  	_ =	shalt  }
0x82: {  	_ =	shalt  }
0x83: {  	_ =	shalt  }
0x84: {  	_ =	shalt  }
0x85: {  	_ =	shalt  }
0x86: {  	_ =	shalt  }
0x87: {  	_ =	shalt  }
.Lfunc_end0:
.L_simem_size_0:
called_computation.4_lowered:
.L_overlay_start_0:
0x88: {  	s2 =	sld [smem:$0x3FD9]  }
0x89: {  	s3 =	sld [smem:$0x3FFE];
	_ =	sdelay $0x1  }
0x8a: {  	s1 =	srdreg.scid  }
0x8b: {  	s0 =	sand.u32 $0x1, s1  }
0x8c: {  	s16 =	sshll.u32 s0, $0xA;
	s2 =	sadd.s32 s3, s2  }
0x8d: {  	s2 =	sadd.s32 s2, s16  }
0x8e: {  	[smem:$0x3FBC] =	sst s2  }
0x8f: {  	_ = 	snop  }
0x90: {  	(tm) =	ssettm $0x1  }
0x91: {  	s17 =	sld [smem:$0x3FFB];
	_ =	sdelay $0x3  }
0x92: {  	_ =	strace s17  }
0x93: {  	s2 =	sld [smem:$0x3FFC];
	_ =	sdelay $0x3  }
0x94: {  	_ =	strace s2  }
0x95: {  	s2 =	sld [smem:$0x3FFD];
	_ =	sdelay $0x3  }
0x96: {  	_ =	strace s2  }
0x97: {  	_ =	strace $0x8FFFFFFF  }
0x98: {  	s18 =	sld [smem:$0x3FDB];
	_ =	sdelay $0x1  }
0x99: {  	s19 =	simm.s32 $_scs_section_size  }
0x9a: {  	s4 =	simm.s32 $_size__tile_overlayer_lowered;
	s5 =	simm.s32 $_tile_overlayer_lowered  }
0x9b: {  	s22 =	simm.s32 $0x1BFF;
	s21 =	sshll.u32 s5, $0x1;
	s2 =	sadd.s32 s19, s18  }
0x9c: {  	s6 =	simm.s32 $0x0;
	s20 =	sshll.u32 s4, $0x1;
	s4 =	sadd.s32 s21, s2  }
0x9d: {  	[timem:s6], [sflag:s22] =	dma.local [hbm:s4], s20  }
0x9e: {  	_ =	swait.ge [sflag:s22], s20  }
0x9f: {  	s3 =	ssub.s32 $0x0, s20;
	[sflag:s22] =	ssyncset.done $0x0  }
0xa0: {  	[sflag:s22] =	ssyncadd.s32 s3;
	_ =	sdelay $0x1  }
0xa1: {  	s23 =	simm.s32 $0x1B8B  }
0xa2: {  	_ =	swait.ge [sflag:s23], $0x1  }
0xa3: {  	[sflag:s23] =	ssyncset.done $0x0  }
0xa4: {  	s25 =	simm.s32 $0x1B8E;
	s24 =	sld [smem:$0x3FFE];
	[sflag:s23] =	ssyncadd.s32 $0xFFFFFFFF  }
0xa5: {  	s26 =	simm.s32 $execute0_lowered;
	[smem:$0x3FD2] =	sst s25  }
0xa6: {  	s4 =	sshll.u32 s26, $0x1;
	_ =	strace $0x80000052;
	[dreg:$0x1] =	wrdreg $0xFFFFFFFF  }
0xa7: {  	s28 =	simm.s32 $_size_execute0_lowered;
	s2 =	sadd.s32 s2, s4;
	[dreg:$0x0] =	wrdreg $0x0  }
0xa8: {  	s4 =	sshll.u32 s28, $0x1;
	[dreg:$0x2] =	wrdreg s2  }
0xa9: {  	[dreg:$0x3] =	wrdreg s4  }
0xaa: {  	[dreg:$0x4] =	wrdreg $0xC0  }
0xab: {  	_ =	task [dreg:s6], $0x5FFFF  }
0xac: {  	[dreg:$0x1] =	wrdreg $0xFFFFFFFF  }
0xad: {  	[dreg:$0x0] =	wrdreg $0x60  }
0xae: {  	[dreg:$0x2] =	wrdreg s24  }
0xaf: {  	[dreg:$0x3] =	wrdreg $0x9  }
0xb0: {  	_ =	task.clear_ibuf [dreg:s6], $0x4FFFF;
	_ =	strace $0x90000052  }
0xb1: {  	s29 =	simm.s32 $0x9;
	_ =	strace $0x80000054  }
0xb2: {  	_ =	swait.ge [sflag:s29], $0x1  }
0xb3: {  	[sflag:s29] =	ssyncadd.s32 $0xFFFFFFFF  }
0xb4: {  	_ =	strace $0x90000054  }
0xb5: {  	_ =	sfence  }
0xb6: {  	s30 =	sld [smem:$0x0];
	_ =	sdelay $0x2  }
0xb7: {  	s31 =	sshll.u32 s1, $0xD;
	s1 =	sshrl.u32 s1, $0x2  }
0xb8: {  	s3 =	sand.u32 $0x4000, s31;
	s1 =	sadd.s32 s1, s30  }
0xb9: {  	s0 =	sor.u32 s3, s0;
	s1 =	sshll.u32 s1, $0x11  }
0xba: {  	s0 =	sor.u32 s1, s0  }
0xbb: {  	s0 =	sadd.s32 $0x8F2B, s0  }
0xbc: {  	[sflag:s0] =	ssyncadd.remote.s32 $0x1  }
0xbd: {  	_ =	sfence.sel $0xFFFF  }
0xbe: {  	[dreg:$0x0] =	wrdreg $0xFFFFFFFF;
	(pc) =	sbr.abs _section_cstart, $3  }
0xbf: {  	[dreg:$0x1] =	wrdreg $0xFFFFFFFF  }
0xc0: {  	_ =	task.clear_ibuf [dreg:s6], $0x2FFFF;
	_ =	strace $0x9FFFFFFF  }
0xc1: {  	(tm) =	ssettm $0x7FFFFFFF  }
tec
execute0_lowered:
.L_overlay_start_1:
0x0: {  	(tag) =	ssettag $0x1  }
0x1: {  	s4 =	rddreg [dreg:$0x0];
	s1 =	srdreg.scid  }
0x2: {  	s0 =	rddreg [dreg:$0x1];
	s2 =	simm.s32 $0x0;
	s10 =	simm.s32 $0x80  }
0x3: {  	s11 =	simm.s32 $0x5000;
	s12 =	simm.s32 $0x9000;
	s13 =	simm.s32 $0xD000  }
0x4: {  	s14 =	simm.s32 $0x2880;
	s15 =	simm.s32 $0x11000;
	s16 =	simm.s32 $0x1  }
0x5: {  	s17 =	simm.s32 $0x5;
	s18 =	simm.s32 $0x2;
	s5 =	sand.u32 $0x1, s1  }
0x6: {  	s19 =	simm.s32 $0x3;
	s1 =	stileid.u32;
	s6 =	smul.u32 $0x28000, s5  }
0x7: {  	s20 =	simm.s32 $0x15000;
	s21 =	simm.s32 $0x19000;
	s7 =	smul.u32 $0x2800, s1  }
0x8: {  	s22 =	simm.s32 $0x0;
	[smem:$0x7FF] =	sst s2;
	s30 =	smul.u32 $0x500000, s5  }
0x9: {  	s3 =	sadd.s32 $0xC800, s4;
	_ =	strace $0x80000053;
	s8 =	smul.u32 $0x28000, s1  }
.Ltmp0:
0xa: {  	s5 =	ssub.s32 $0x2, s5;
	s6 =	sadd.s32 s7, s6;
	(pc) =	sbr.rel .LBB2_1-.Ltmp0, $4  }
0xb: {  	s31 =	sshrl.u32 s5, $0x1;
	s7 =	sadd.s32 s30, s4;
	s6 =	sshrl.u32 s6, $0x3  }
0xc: {  	s9 =	ssub.s32 s5, s31;
	s7 =	sadd.s32 s8, s7;
	s6 =	sadd.s32 s6, s4  }
0xd: {  	s8 =	simm.s32 $0x4;
	s7 =	sadd.s32 $0x2F2A00, s7;
	s4 =	sadd.s32 $0x5DA00, s6  }
0xe: {  	s5 =	sadd.s32 $0x67A00, s6;
	s6 =	smax.u32 s9, $0x1;
	s9 =	simm.s32 $0x2800  }
.LBB2_4:
0xf: {  	s22 =	sadd.s32 $0x1, s22  }
0x10: {  	p0 =	sne.s32 s22, s6  }
.Ltmp1:
0x11: {  	_ = 	snop;
	(pc) =	sbr.rel @!p0 .LBB2_5-.Ltmp1, $1  }
0x12: {  	_ =	sdelay $0x3  }
.LBB2_1:
0x13: {  	[tilespmem:s2], [sflag:$0x4] =	stream.linear.gather [hbm4b:s4+s2], $0x2800, $0x38;
	[tilespmem:$0x1D000] =	vst v63  }
0x14: {  	_ =	swait.ge [sflag:s8], $0x2800  }
0x15: {  	[sflag:s8] =	ssyncset.done $0x0  }
0x16: {  	[sflag:s8] =	ssyncadd.s32 $0xFFFFD800  }
0x17: {  	[tilespmem:s9], [sflag:$0x4] =	stream.linear.gather [hbm4b:s5+s2], $0x2800, $0x38;
	[tilespmem:$0x1D000] =	vst v63  }
0x18: {  	_ =	swait.ge [sflag:s8], $0x2800  }
0x19: {  	[sflag:s8] =	ssyncset.done $0x0  }
0x1a: {  	[sflag:s8] =	ssyncadd.s32 $0xFFFFD800  }
0x1b: {  	[tilespmem:s11], [sflag:$0x1] =	stream.indirect.gather [hbm4b:s3+s10], $0x80, s2, s10, $0xb8;
	[tilespmem:$0x1D000] =	vst v63  }
0x1c: {  	_ = 	snop  }
0x1d: {  	[tilespmem:s12], [sflag:$0x1] =	stream.indirect.gather [hbm4b:s3+s10], $0x80, s9, s10, $0xb8;
	[tilespmem:$0x1D000] =	vst v63  }
0x1e: {  	_ = 	snop  }
0x1f: {  	[tilespmem:s13], [sflag:$0x2] =	stream.indirect.gather [hbm4b:s3+s10], $0x80, s10, s10, $0xb8;
	[tilespmem:$0x1D000] =	vst v63  }
0x20: {  	s23 =	smov.u32 s7;
	s24 =	simm.s32 $0x0  }
0x21: {  	[tilespmem:s15], [sflag:$0x2] =	stream.indirect.gather [hbm4b:s3+s10], $0x80, s14, s10, $0xb8;
	[tilespmem:$0x1D000] =	vst v63  }
.LBB2_2:
0x22: {  	_ =	swait.ge [sflag:s16], $0x4000  }
0x23: {  	[sflag:s16] =	ssyncset.done $0x0  }
0x24: {  	[sflag:s16] =	ssyncadd.s32 $0xFFFFC000  }
0x25: {  	p0 =	seq.s32 s24, $0x9C00;
	_ =	swait.ge [sflag:s16], $0x4000  }
0x26: {  	s25 =	sshra.s32 @!p0 s24, $0x2;
	s28 =	simm.s32 @!p0 $0x80;
	[sflag:s16] =	ssyncset.done $0x0  }
0x27: {  	s29 =	simm.s32 @!p0 $0x15000;
	s26 =	sadd.s32 @!p0 $0x100, s25;
	[sflag:s16] =	ssyncadd.s32 $0xFFFFC000  }
0x28: {  	[tilespmem:s29], [sflag:$0x3] =	stream.indirect.gather @!p0 [hbm4b:s3+s28], $0x80, s26, s28, $0xb8;
	[tilespmem:$0x1D000] =	vst v63  }
0x29: {  	s26 =	sadd.s32 @!p0 $0x2900, s25;
	s29 =	simm.s32 @!p0 $0x19000  }
0x2a: {  	[tilespmem:s29], [sflag:$0x3] =	stream.indirect.gather @!p0 [hbm4b:s3+s28], $0x80, s26, s28, $0xb8;
	[tilespmem:$0x1D000] =	vst v63  }
0x2b: {  	s31 =	sadd.s32 $0xFFD7F000, s23  }
0x2c: {  	[hbm4b:s31+s2] =	stream.linear.scatter [tilespmem:s11], [sflag:$0x5], $0x4000, $0x38;
	[tilespmem:$0x1D000] =	vst v63  }
0x2d: {  	_ =	swait.ge [sflag:s17], $0x4000  }
0x2e: {  	[sflag:s17] =	ssyncset.done $0x0  }
0x2f: {  	s29 =	sadd.s32 $0xFFFFF000, s23;
	[sflag:s17] =	ssyncadd.s32 $0xFFFFC000  }
0x30: {  	[hbm4b:s29+s2] =	stream.linear.scatter [tilespmem:s12], [sflag:$0x5], $0x4000, $0x38;
	[tilespmem:$0x1D000] =	vst v63  }
0x31: {  	_ =	swait.ge [sflag:s17], $0x4000  }
0x32: {  	[sflag:s17] =	ssyncset.done $0x0  }
0x33: {  	[sflag:s17] =	ssyncadd.s32 $0xFFFFC000  }
0x34: {  	_ =	swait.ge [sflag:s18], $0x4000  }
0x35: {  	[sflag:s18] =	ssyncset.done $0x0  }
0x36: {  	[sflag:s18] =	ssyncadd.s32 $0xFFFFC000  }
0x37: {  	_ =	swait.ge [sflag:s18], $0x4000  }
0x38: {  	[sflag:s18] =	ssyncset.done $0x0  }
0x39: {  	s26 =	sadd.s32 @!p0 $0x180, s25;
	s29 =	simm.s32 @!p0 $0x5000;
	[sflag:s18] =	ssyncadd.s32 $0xFFFFC000  }
0x3a: {  	[tilespmem:s29], [sflag:$0x1] =	stream.indirect.gather @!p0 [hbm4b:s3+s28], $0x80, s26, s28, $0xb8;
	[tilespmem:$0x1D000] =	vst v63  }
0x3b: {  	s25 =	sadd.s32 @!p0 $0x2980, s25;
	s26 =	simm.s32 @!p0 $0x9000  }
0x3c: {  	[tilespmem:s26], [sflag:$0x1] =	stream.indirect.gather @!p0 [hbm4b:s3+s28], $0x80, s25, s28, $0xb8;
	[tilespmem:$0x1D000] =	vst v63  }
0x3d: {  	s30 =	sadd.s32 $0xFFD7F800, s23  }
0x3e: {  	[hbm4b:s30+s2] =	stream.linear.scatter [tilespmem:s13], [sflag:$0x5], $0x4000, $0x38;
	[tilespmem:$0x1D000] =	vst v63  }
0x3f: {  	_ =	swait.ge [sflag:s17], $0x4000  }
0x40: {  	[sflag:s17] =	ssyncset.done $0x0  }
.Ltmp2:
0x41: {  	s31 =	sadd.s32 $0xFFFFF800, s23;
	[sflag:s17] =	ssyncadd.s32 $0xFFFFC000;
	(pc) =	sbr.rel @p0 .LBB2_4-.Ltmp2, $4  }
0x42: {  	[hbm4b:s31+s2] =	stream.linear.scatter [tilespmem:s15], [sflag:$0x5], $0x4000, $0x38;
	[tilespmem:$0x1D000] =	vst v63  }
0x43: {  	_ =	swait.ge [sflag:s17], $0x4000  }
0x44: {  	[sflag:s17] =	ssyncset.done $0x0  }
0x45: {  	[sflag:s17] =	ssyncadd.s32 $0xFFFFC000  }
0x46: {  	_ =	swait.ge [sflag:s19], $0x4000  }
0x47: {  	[sflag:s19] =	ssyncset.done $0x0  }
0x48: {  	[sflag:s19] =	ssyncadd.s32 $0xFFFFC000  }
0x49: {  	_ =	swait.ge [sflag:s19], $0x4000  }
0x4a: {  	s25 =	sshra.s32 s24, $0x2;
	[sflag:s19] =	ssyncset.done $0x0  }
0x4b: {  	s26 =	sadd.s32 $0x200, s25;
	[sflag:s19] =	ssyncadd.s32 $0xFFFFC000  }
0x4c: {  	[tilespmem:s13], [sflag:$0x2] =	stream.indirect.gather [hbm4b:s3+s10], $0x80, s26, s10, $0xb8;
	[tilespmem:$0x1D000] =	vst v63  }
0x4d: {  	s25 =	sadd.s32 $0x2A00, s25  }
0x4e: {  	[tilespmem:s15], [sflag:$0x2] =	stream.indirect.gather [hbm4b:s3+s10], $0x80, s25, s10, $0xb8;
	[tilespmem:$0x1D000] =	vst v63  }
0x4f: {  	s31 =	sadd.s32 $0xFFD80000, s23  }
0x50: {  	[hbm4b:s31+s2] =	stream.linear.scatter [tilespmem:s20], [sflag:$0x5], $0x4000, $0x38;
	[tilespmem:$0x1D000] =	vst v63  }
0x51: {  	_ =	swait.ge [sflag:s17], $0x4000  }
0x52: {  	[sflag:s17] =	ssyncset.done $0x0  }
.Ltmp3:
0x53: {  	[sflag:s17] =	ssyncadd.s32 $0xFFFFC000;
	(pc) =	sbr.rel .LBB2_2-.Ltmp3, $4  }
0x54: {  	[hbm4b:s23+s2] =	stream.linear.scatter [tilespmem:s21], [sflag:$0x4], $0x4000, $0x38;
	[tilespmem:$0x1D000] =	vst v63  }
0x55: {  	_ =	swait.ge [sflag:s8], $0x4000  }
0x56: {  	[sflag:s8] =	ssyncset.done $0x0  }
0x57: {  	s24 =	sadd.s32 $0x600, s24;
	s23 =	sadd.s32 $0x1800, s23;
	[sflag:s8] =	ssyncadd.s32 $0xFFFFC000  }
.LBB2_5:
0x58: {  	_ =	sfence.sel $0x180000  }
0x59: {  	[bflag:$0x0] =	sbarrier.arrive $0xFFFF  }
0x5a: {  	p0 =	sne.s32 s1, $0x0;
	_ =	strace $0x90000053  }
0x5b: {  	s0 =	sadd.s32 @!p0 $0x100000, s0;
	[bflag:$0x2] =	sbarrier.arrive $0xFFFF  }
0x5c: {  	[sflag:s0] =	ssyncadd.tile.s32 @!p0 $0x1;
	_ =	shalt  }
.Lfunc_end2:
_tile_overlayer_lowered:
.L_overlay_start_2:
0x5d: {  	(tag) =	ssettag $0x2  }
0x5e: {  	s0 =	rddreg [dreg:$0x0];
	s2 =	stileid.u32  }
0x5f: {  	s1 =	rddreg [dreg:$0x1];
	p0 =	sne.s32 s2, $0x0  }
0x60: {  	s3 =	rddreg [dreg:$0x2];
	[bflag:$0x3] =	sbarrier.arrive $0xFFFF;
	s2 =	simm.s32 @!p0 $0x1C04  }
0x61: {  	[timem:s3], [sflag:s2] =	dma.local @!p0 [hbm:s0], s1  }
0x62: {  	s0 =	simm.s32 @!p0 $0x4  }
0x63: {  	_ =	swait.ge @!p0 [sflag:s0], s1  }
0x64: {  	s1 =	ssub.s32 @!p0 $0x0, s1;
	[sflag:s0] =	ssyncset.done @!p0 $0x0  }
0x65: {  	[sflag:s0] =	ssyncadd.s32 @!p0 s1  }
0x66: {  	[bflag:$0x3] =	sbarrier.arrive $0xFFFF  }
0x67: {  	_ =	shalt  }

// kernel: kernel.30.cloned.1.call-start
scs
__scs_entry_jumppad:
0x0: {  	(pc) =	sbr.rel $0x88, $3  }
0x1: {  	(tag) =	ssettag $0x0;
	lr =	simm.s32 $0x1  }
0x2: {  	[smem:$0x3F95] =	sst lr;
	_ =	strace $0xD0000000  }
0x3: {  	_ = 	snop  }
0x4: {  	_ = 	snop  }
0x5: {  	_ = 	snop  }
0x6: {  	_ = 	snop  }
0x7: {  	_ = 	snop  }
__scs_overlays_trampoline_lowered:
0x8: {  	[smem:$0x3FA4] =	sst s0  }
0x9: {  	[smem:$0x3FA5] =	sst s1  }
0xa: {  	[smem:$0x3FA6] =	sst s2  }
0xb: {  	[smem:$0x3FA7] =	sst s3  }
0xc: {  	[smem:$0x3FA8] =	sst s4  }
0xd: {  	[smem:$0x3FA9] =	sst s5  }
0xe: {  	[smem:$0x3FAA] =	sst s6  }
0xf: {  	[smem:$0x3FAB] =	sst s7  }
0x10: {  	[smem:$0x3FAC] =	sst s8  }
0x11: {  	[smem:$0x3FAD] =	sst s9;
	s0 =	simm.s32 @!p0 $0x0  }
0x12: {  	s1 =	sld [smem:$0x3F93];
	s0 =	simm.s32 @p0 $0x1  }
0x13: {  	[smem:$0x3FAE] =	sst s0;
	s0 =	simm.s32 @!p1 $0x0  }
0x14: {  	s2 =	sld [smem:$0x3F92];
	s0 =	simm.s32 @p1 $0x1  }
0x15: {  	[smem:$0x3FAF] =	sst s0;
	s0 =	simm.s32 @!p2 $0x0  }
0x16: {  	s3 =	sld [smem:$0x3FDB];
	s0 =	simm.s32 @p2 $0x1  }
0x17: {  	s4 =	simm.s32 $0x1BF5;
	[smem:$0x3FB1] =	sst s0  }
0x18: {  	s0 =	sld [smem:$0x3F94];
	_ =	swait.ge [sflag:s4], $0x0  }
0x19: {  	s7 =	sld [smem:$0x3F95]  }
0x1a: {  	s8 =	sadd.s32 $0xFFFFE003, lr  }
0x1b: {  	s9 =	sadd.s32 $0xFFFFFEF7, lr;
	s5 =	simm.s32 $0xFFFFFFFF;
	p2 =	slt.u32 s8, $0xFFFFF086  }
0x1c: {  	p1 =	slt.u32 s9, $0xF7A;
	s5 =	simm.s32 @!p2 $0x0  }
0x1d: {  	s5 =	simm.s32 @p1 $0x1;
	p0 =	seq.s32 s7, s2  }
0x1e: {  	s7 =	smul.u32 @!p0 $0xF7A, s2;
	p2 =	seq.s32 @!p0 s5, $0x0  }
0x1f: {  	s9 =	smul.u32 $0xF7A, s1;
	s8 =	simm.s32 @!p0 $0x1BF5;
	p2 =	por !p2, p0  }
0x20: {  	[sflag:s8] =	ssyncset.s32 @!p0 $0xFFFFF086;
	s6 =	sadd.s32 @!p0 s3, s7;
	s7 =	simm.s32 @!p0 $0x108  }
0x21: {  	s3 =	sadd.s32 s3, s9;
	s6 =	sadd.s32 @!p0 $0x88, s6;
	s7 =	simm.s32 @p2 $0x1082  }
0x22: {  	[simem:s7], [sflag:s8] =	dma.local @!p0 [hbm:s6], $0xF7A  }
0x23: {  	s9 =	sor.u32 $0xD0000000, s2;
	s6 =	simm.s32 $0x108;
	_ =	swait.ge @!p0 [sflag:s8], $0x0  }
0x24: {  	s3 =	sadd.s32 $0x88, s3;
	s6 =	simm.s32 @!p1 $0x1082;
	[sflag:s4] =	ssyncset.s32 $0xFFFFF086  }
0x25: {  	[simem:s6], [sflag:s4] =	dma.local [hbm:s3], $0xF7A  }
0x26: {  	[smem:$0x3F95] =	sst s1;
	(tag) =	ssettag s2;
	_ =	strace s9  }
0x27: {  	s1 =	sld [smem:$0x3FA5]  }
0x28: {  	s2 =	sld [smem:$0x3FA6]  }
0x29: {  	s4 =	sld [smem:$0x3FA8]  }
0x2a: {  	p0 =	seq.s32 s5, $0x0;
	s5 =	sld [smem:$0x3FA9]  }
0x2b: {  	s6 =	sld [smem:$0x3FAA]  }
0x2c: {  	s7 =	sld [smem:$0x3FAB]  }
0x2d: {  	s3 =	simm.s32 $0x108;
	s8 =	sld [smem:$0x3FAC]  }
0x2e: {  	s3 =	simm.s32 @!p0 $0x1082;
	s9 =	sld [smem:$0x3FAD]  }
0x2f: {  	lr =	sadd.s32 s0, s3;
	s0 =	sld [smem:$0x3FA4]  }
0x30: {  	s3 =	sld [smem:$0x3FA7]  }
0x31: {  	[smem:$0x3FB0] =	sst s10  }
0x32: {  	s10 =	sld [smem:$0x3FAE];
	_ =	sdelay $0x3  }
0x33: {  	p0 =	seq.s32 s10, $0x1;
	s10 =	sld [smem:$0x3FB0];
	_ =	sdelay $0x3  }
0x34: {  	[smem:$0x3FB0] =	sst s10  }
0x35: {  	s10 =	sld [smem:$0x3FAF];
	_ =	sdelay $0x3  }
0x36: {  	p1 =	seq.s32 s10, $0x1;
	s10 =	sld [smem:$0x3FB0];
	_ =	sdelay $0x3  }
0x37: {  	[smem:$0x3FB0] =	sst s10  }
0x38: {  	s10 =	sld [smem:$0x3FB1]  }
0x39: {  	_ = 	snop;
	(pc) =	sbr.ind lr, $3  }
0x3a: {  	_ = 	snop  }
0x3b: {  	_ = 	snop  }
0x3c: {  	p2 =	seq.s32 s10, $0x1;
	s10 =	sld [smem:$0x3FB0]  }
0x3d: {  	_ =	shalt  }
0x3e: {  	_ =	shalt  }
0x3f: {  	_ =	shalt  }
0x40: {  	_ =	shalt  }
0x41: {  	_ =	shalt  }
0x42: {  	_ =	shalt  }
0x43: {  	_ =	shalt  }
0x44: {  	_ =	shalt  }
0x45: {  	_ =	shalt  }
0x46: {  	_ =	shalt  }
0x47: {  	_ =	shalt  }
0x48: {  	_ =	shalt  }
0x49: {  	_ =	shalt  }
0x4a: {  	_ =	shalt  }
0x4b: {  	_ =	shalt  }
0x4c: {  	_ =	shalt  }
0x4d: {  	_ =	shalt  }
0x4e: {  	_ =	shalt  }
0x4f: {  	_ =	shalt  }
0x50: {  	_ =	shalt  }
0x51: {  	_ =	shalt  }
0x52: {  	_ =	shalt  }
0x53: {  	_ =	shalt  }
0x54: {  	_ =	shalt  }
0x55: {  	_ =	shalt  }
0x56: {  	_ =	shalt  }
0x57: {  	_ =	shalt  }
0x58: {  	_ =	shalt  }
0x59: {  	_ =	shalt  }
0x5a: {  	_ =	shalt  }
0x5b: {  	_ =	shalt  }
0x5c: {  	_ =	shalt  }
0x5d: {  	_ =	shalt  }
0x5e: {  	_ =	shalt  }
0x5f: {  	_ =	shalt  }
0x60: {  	_ =	shalt  }
0x61: {  	_ =	shalt  }
0x62: {  	_ =	shalt  }
0x63: {  	_ =	shalt  }
0x64: {  	_ =	shalt  }
0x65: {  	_ =	shalt  }
0x66: {  	_ =	shalt  }
0x67: {  	_ =	shalt  }
0x68: {  	_ =	shalt  }
0x69: {  	_ =	shalt  }
0x6a: {  	_ =	shalt  }
0x6b: {  	_ =	shalt  }
0x6c: {  	_ =	shalt  }
0x6d: {  	_ =	shalt  }
0x6e: {  	_ =	shalt  }
0x6f: {  	_ =	shalt  }
0x70: {  	_ =	shalt  }
0x71: {  	_ =	shalt  }
0x72: {  	_ =	shalt  }
0x73: {  	_ =	shalt  }
0x74: {  	_ =	shalt  }
0x75: {  	_ =	shalt  }
0x76: {  	_ =	shalt  }
0x77: {  	_ =	shalt  }
0x78: {  	_ =	shalt  }
0x79: {  	_ =	shalt  }
0x7a: {  	_ =	shalt  }
0x7b: {  	_ =	shalt  }
0x7c: {  	_ =	shalt  }
0x7d: {  	_ =	shalt  }
0x7e: {  	_ =	shalt  }
0x7f: {  	_ =	shalt  }
0x80: {  	_ =	shalt  }
0x81: {  	_ =	shalt  }
0x82: {  	_ =	shalt  }
0x83: {  	_ =	shalt  }
0x84: {  	_ =	shalt  }
0x85: {  	_ =	shalt  }
0x86: {  	_ =	shalt  }
0x87: {  	_ =	shalt  }
.Lfunc_end0:
.L_simem_size_0:
called_computation.5_lowered:
.L_overlay_start_0:
0x88: {  	s2 =	sld [smem:$0x3FD9]  }
0x89: {  	s3 =	sld [smem:$0x3FFE];
	_ =	sdelay $0x1  }
0x8a: {  	s1 =	srdreg.scid  }
0x8b: {  	s0 =	sand.u32 $0x1, s1  }
0x8c: {  	s17 =	sshll.u32 s0, $0xA;
	s2 =	sadd.s32 s3, s2  }
0x8d: {  	s2 =	sadd.s32 s2, s17  }
0x8e: {  	[smem:$0x3FBC] =	sst s2  }
0x8f: {  	_ = 	snop  }
0x90: {  	s2 =	sld [smem:$0x3FD0];
	(tm) =	ssettm $0x1  }
0x91: {  	s18 =	sld [smem:$0x3FFB];
	_ =	sdelay $0x3  }
0x92: {  	_ =	strace s18  }
0x93: {  	s3 =	sld [smem:$0x3FFC];
	_ =	sdelay $0x3  }
0x94: {  	_ =	strace s3  }
0x95: {  	s3 =	sld [smem:$0x3FFD];
	_ =	sdelay $0x3  }
0x96: {  	_ =	strace s3  }
0x97: {  	_ =	strace $0x8FFFFFFF  }
0x98: {  	s19 =	sld [smem:$0x3FDB];
	_ =	sdelay $0x1  }
0x99: {  	s4 =	simm.s32 $_scs_section_size  }
0x9a: {  	s5 =	simm.s32 $_size__tile_overlayer_lowered;
	s6 =	simm.s32 $_tile_overlayer_lowered  }
0x9b: {  	s22 =	simm.s32 $0x1BFF;
	s21 =	sshll.u32 s6, $0x1;
	s3 =	sadd.s32 s4, s19  }
0x9c: {  	s7 =	simm.s32 $0x0;
	s20 =	sshll.u32 s5, $0x1;
	s5 =	sadd.s32 s21, s3  }
0x9d: {  	[timem:s7], [sflag:s22] =	dma.local [hbm:s5], s20  }
0x9e: {  	_ =	swait.ge [sflag:s22], s20  }
0x9f: {  	s4 =	ssub.s32 $0x0, s20;
	[sflag:s22] =	ssyncset.done $0x0  }
0xa0: {  	[sflag:s22] =	ssyncadd.s32 s4;
	_ =	sdelay $0x1  }
0xa1: {  	s23 =	simm.s32 $0x1B8B  }
0xa2: {  	_ =	swait.ge [sflag:s23], $0x1  }
0xa3: {  	[sflag:s23] =	ssyncset.done $0x0  }
0xa4: {  	s25 =	simm.s32 $0x1B8E;
	s24 =	sld [smem:$0x3FFE];
	[sflag:s23] =	ssyncadd.s32 $0xFFFFFFFF  }
0xa5: {  	s26 =	simm.s32 $execute0_lowered;
	[smem:$0x3FD2] =	sst s25  }
0xa6: {  	s5 =	sshll.u32 s26, $0x1;
	_ =	strace $0x80000055;
	[dreg:$0x1] =	wrdreg $0xFFFFFFFF  }
0xa7: {  	s28 =	simm.s32 $_size_execute0_lowered;
	s3 =	sadd.s32 s3, s5;
	[dreg:$0x0] =	wrdreg $0x0  }
0xa8: {  	s5 =	sshll.u32 s28, $0x1;
	[dreg:$0x2] =	wrdreg s3  }
0xa9: {  	[dreg:$0x3] =	wrdreg s5  }
0xaa: {  	[dreg:$0x4] =	wrdreg $0xC0  }
0xab: {  	_ =	task [dreg:s7], $0x5FFFF  }
0xac: {  	[dreg:$0x1] =	wrdreg $0xFFFFFFFF  }
0xad: {  	[dreg:$0x0] =	wrdreg $0x60  }
0xae: {  	[dreg:$0x2] =	wrdreg s24  }
0xaf: {  	[dreg:$0x3] =	wrdreg s2  }
0xb0: {  	[dreg:$0x4] =	wrdreg $0x0  }
0xb1: {  	[dreg:$0x5] =	wrdreg $0x9  }
0xb2: {  	_ =	task.clear_ibuf [dreg:s7], $0x6FFFF;
	_ =	strace $0x90000055  }
0xb3: {  	s29 =	simm.s32 $0x9;
	_ =	strace $0x80000057  }
0xb4: {  	_ =	swait.ge [sflag:s29], $0x1  }
0xb5: {  	[sflag:s29] =	ssyncadd.s32 $0xFFFFFFFF  }
0xb6: {  	_ =	strace $0x90000057  }
0xb7: {  	_ =	sfence  }
0xb8: {  	s30 =	sld [smem:$0x0];
	_ =	sdelay $0x2  }
0xb9: {  	s31 =	sshll.u32 s1, $0xD;
	s1 =	sshrl.u32 s1, $0x2  }
0xba: {  	s3 =	sand.u32 $0x4000, s31;
	s1 =	sadd.s32 s1, s30  }
0xbb: {  	s0 =	sor.u32 s3, s0;
	s1 =	sshll.u32 s1, $0x11  }
0xbc: {  	s0 =	sor.u32 s1, s0  }
0xbd: {  	s0 =	sadd.s32 $0x8F2B, s0  }
0xbe: {  	[sflag:s0] =	ssyncadd.remote.s32 $0x1  }
0xbf: {  	_ =	sfence.sel $0xFFFF  }
0xc0: {  	[dreg:$0x0] =	wrdreg $0xFFFFFFFF;
	(pc) =	sbr.abs _section_cstart, $3  }
0xc1: {  	[dreg:$0x1] =	wrdreg $0xFFFFFFFF  }
0xc2: {  	_ =	task.clear_ibuf [dreg:s7], $0x2FFFF;
	_ =	strace $0x9FFFFFFF  }
0xc3: {  	(tm) =	ssettm $0x7FFFFFFF  }
tec
execute0_lowered:
.L_overlay_start_1:
0x0: {  	(tag) =	ssettag $0x1  }
0x1: {  	s0 =	rddreg [dreg:$0x0]  }
0x2: {  	s1 =	rddreg [dreg:$0x1]  }
0x3: {  	s2 =	rddreg [dreg:$0x2]  }
0x4: {  	s8 =	stileid.u32;
	s3 =	simm.s32 $0x0;
	s5 =	srdreg.scid  }
0x5: {  	s28 =	simm.s32 $0x80;
	s29 =	simm.s32 $0x2;
	s4 =	smul.u32 $0x500, s8  }
0x6: {  	[smem:$0x7FF] =	sst s3;
	s12 =	smul.u32 $0x9C00, s8;
	s9 =	sand.u32 $0x1, s5  }
0x7: {  	s21 =	sadd.s32 $0xC0A000, s0;
	s18 =	sshll.u32 s8, $0x6;
	s11 =	smul.u32 $0xA0000, s8  }
0x8: {  	s20 =	sadd.s32 $0x9C000, s2;
	p0 =	sne.s32 s8, $0xF;
	_ =	strace $0x80000056  }
0x9: {  	s5 =	ssub.s32 $0x2, s9;
	s10 =	smul.u32 $0x1400000, s9;
	[dreg:$0x6] =	wrdreg s20  }
0xa: {  	s13 =	smul.u32 $0x9C400, s9;
	s4 =	sadd.s32 s4, s0;
	s6 =	sshrl.u32 s12, $0x3  }
0xb: {  	s7 =	sshrl.u32 s5, $0x1;
	s17 =	sadd.s32 s12, s2;
	s6 =	sadd.s32 s6, s0  }
0xc: {  	s15 =	ssub.s32 s5, s7;
	[dreg:$0x4] =	wrdreg s17;
	s0 =	sadd.s32 $0xAD3800, s0  }
0xd: {  	s22 =	sadd.s32 s11, s10;
	s9 =	sadd.s32 $0xC00000, s4;
	s10 =	sadd.s32 $0xC05000, s4  }
0xe: {  	s24 =	sadd.s32 s12, s13;
	s13 =	sshrl.u32 s13, $0x3;
	s19 =	sadd.s32 $0xAC0000, s6  }
0xf: {  	s6 =	sor.u32 $0x1C03, s18;
	[dreg:$0x7] =	wrdreg s0;
	s23 =	sshrl.u32 s22, $0x3  }
0x10: {  	s4 =	sshrl.u32 s24, $0x3;
	s14 =	sadd.s32 s1, s13;
	s25 =	sor.u32 $0x4000, s22  }
0x11: {  	s15 =	smax.u32 s15, $0x1;
	s26 =	sor.u32 $0x2000, s22;
	s30 =	sadd.s32 $0xA04000, s22  }
0x12: {  	s0 =	sadd.s32 $0xA02000, s22;
	s22 =	simm.s32 $0x3;
	s24 =	simm.s32 $0xEC80  }
0x13: {  	[dreg:$0x5] =	wrdreg s19;
	s11 =	sadd.s32 s21, s23;
	s13 =	sadd.s32 s1, s4  }
0x14: {  	s14 =	sadd.s32 $0x13800, s14;
	s1 =	sshrl.u32 s25, $0x3;
	s31 =	sshrl.u32 s30, $0x3  }
0x15: {  	s0 =	sshrl.u32 s0, $0x3;
	s25 =	simm.s32 $0x10C80;
	s23 =	simm.s32 $0x0  }
0x16: {  	s12 =	sadd.s32 $0x140000, s11;
	s16 =	sadd.s32 $0x13C00, s11;
	s17 =	sadd.s32 $0x153C00, s11  }
0x17: {  	s18 =	sadd.s32 s1, s21;
	s1 =	sshrl.u32 s26, $0x3;
	s20 =	sadd.s32 s31, s21  }
0x18: {  	s26 =	simm.s32 $0x1;
	s19 =	sadd.s32 s1, s21;
	s21 =	sadd.s32 s0, s21  }
.LBB2_1:
0x19: {  	s0 =	rddreg [dreg:$0x4]  }
0x1a: {  	s1 =	rddreg [dreg:$0x5];
	s30 =	sshrl.u32 s0, $0x3  }
0x1b: {  	[spmem:s30], [sflag:s6] =	dma.local [hbm:s1], $0x1380  }
0x1c: {  	_ =	swait.ge [sflag:s22], $0x1380  }
0x1d: {  	[sflag:s22] =	ssyncset.done $0x0;
	s0 =	rddreg [dreg:$0x6]  }
0x1e: {  	[sflag:s22] =	ssyncadd.s32 $0xFFFFEC80;
	s31 =	sshrl.u32 @!p0 s0, $0x3;
	s0 =	rddreg [dreg:$0x7]  }
0x1f: {  	[spmem:s31], [sflag:s6] =	dma.local @!p0 [hbm:s0], $0x80  }
0x20: {  	s0 =	simm.s32 @!p0 $0x3  }
0x21: {  	_ =	swait.ge @!p0 [sflag:s0], $0x80  }
0x22: {  	[sflag:s0] =	ssyncset.done @!p0 $0x0  }
0x23: {  	s4 =	simm.s32 $0x9C80;
	[sflag:s0] =	ssyncadd.s32 @!p0 $0xFFFFFF80  }
0x24: {  	[tilespmem:s4], [sflag:$0x3] =	stream.linear.gather [hbm4b:s9+s3], $0x2800, $0x38;
	[tilespmem:$0x12C80] =	vst v63  }
0x25: {  	_ =	swait.ge [sflag:s22], $0x2800  }
0x26: {  	[sflag:s22] =	ssyncset.done $0x0  }
0x27: {  	s1 =	simm.s32 $0xC480;
	[sflag:s22] =	ssyncadd.s32 $0xFFFFD800  }
0x28: {  	[tilespmem:s1], [sflag:$0x3] =	stream.linear.gather [hbm4b:s10+s3], $0x2800, $0x38;
	[tilespmem:$0x12C80] =	vst v63  }
0x29: {  	_ =	swait.ge [sflag:s22], $0x2800  }
0x2a: {  	[sflag:s22] =	ssyncset.done $0x0  }
0x2b: {  	[sflag:s22] =	ssyncadd.s32 $0xFFFFD800  }
0x2c: {  	[bflag:$0x0] =	sbarrier.arrive $0xFFFF  }
0x2d: {  	[tilespmem:s24], [sflag:$0x1] =	stream.linear.gather [hbm4b:s11+s3], $0x2000, $0x38;
	[tilespmem:$0x12C80] =	vst v63  }
0x2e: {  	s5 =	sadd.s32 $0x0, s19  }
0x2f: {  	[tilespmem:s25], [sflag:$0x2] =	stream.linear.gather [hbm4b:s5+s3], $0x2000, $0x38;
	[tilespmem:$0x12C80] =	vst v63  }
0x30: {  	_ =	swait.ge [sflag:s26], $0x2000  }
0x31: {  	[sflag:s26] =	ssyncset.done $0x0  }
0x32: {  	[sflag:s26] =	ssyncadd.s32 $0xFFFFE000  }
0x33: {  	[spmem:s2] =	stream.indirect.scatter.add.f32 [tilespmem:s24], [sflag:$0x3], $0x40, s4, s28, $0xb8;
	[tilespmem:$0x12C80] =	vst v63  }
0x34: {  	_ =	swait.ge [sflag:s22], $0x2000  }
0x35: {  	[sflag:s22] =	ssyncset.done $0x0  }
0x36: {  	s7 =	sadd.s32 $0x0, s18;
	[sflag:s22] =	ssyncadd.s32 $0xFFFFE000  }
0x37: {  	[tilespmem:s24], [sflag:$0x1] =	stream.linear.gather [hbm4b:s7+s3], $0x2000, $0x38;
	[tilespmem:$0x12C80] =	vst v63  }
0x38: {  	_ =	swait.ge [sflag:s29], $0x2000  }
0x39: {  	[sflag:s29] =	ssyncset.done $0x0  }
0x3a: {  	s8 =	simm.s32 $0x9D00;
	[sflag:s29] =	ssyncadd.s32 $0xFFFFE000  }
0x3b: {  	[spmem:s2] =	stream.indirect.scatter.add.f32 [tilespmem:s25], [sflag:$0x3], $0x40, s8, s28, $0xb8;
	[tilespmem:$0x12C80] =	vst v63  }
0x3c: {  	s0 =	simm.s32 $0x9D80;
	_ =	swait.ge [sflag:s22], $0x2000  }
0x3d: {  	s1 =	simm.s32 $0x800;
	s4 =	simm.s32 $0x1000;
	[sflag:s22] =	ssyncset.done $0x0  }
.LBB2_2:
0x3e: {  	s5 =	sadd.s32 s1, s19  }
0x3f: {  	[sflag:s22] =	ssyncadd.s32 $0xFFFFE000;
	s7 =	smov.u32 s4;
	s8 =	sadd.s32 $0x800, s4  }
0x40: {  	[tilespmem:s25], [sflag:$0x2] =	stream.linear.gather [hbm4b:s5+s3], $0x2000, $0x38;
	[tilespmem:$0x12C80] =	vst v63  }
0x41: {  	p1 =	sne.s32 s4, $0x13000;
	_ =	swait.ge [sflag:s26], $0x2000  }
0x42: {  	[sflag:s26] =	ssyncset.done $0x0  }
0x43: {  	[sflag:s26] =	ssyncadd.s32 $0xFFFFE000  }
0x44: {  	[spmem:s2] =	stream.indirect.scatter.add.f32 [tilespmem:s24], [sflag:$0x3], $0x40, s0, s28, $0xb8;
	[tilespmem:$0x12C80] =	vst v63  }
0x45: {  	_ =	swait.ge [sflag:s22], $0x2000  }
0x46: {  	[sflag:s22] =	ssyncset.done $0x0  }
0x47: {  	s4 =	sadd.s32 s1, s18;
	s1 =	smov.u32 s7;
	[sflag:s22] =	ssyncadd.s32 $0xFFFFE000  }
0x48: {  	[tilespmem:s24], [sflag:$0x1] =	stream.linear.gather [hbm4b:s4+s3], $0x2000, $0x38;
	[tilespmem:$0x12C80] =	vst v63  }
0x49: {  	_ =	swait.ge [sflag:s29], $0x2000  }
.Ltmp0:
0x4a: {  	[sflag:s29] =	ssyncset.done $0x0;
	(pc) =	sbr.rel @p1 .LBB2_2-.Ltmp0, $4  }
0x4b: {  	s4 =	sadd.s32 $0x80, s0;
	[sflag:s29] =	ssyncadd.s32 $0xFFFFE000  }
0x4c: {  	[spmem:s2] =	stream.indirect.scatter.add.f32 [tilespmem:s25], [sflag:$0x3], $0x40, s4, s28, $0xb8;
	[tilespmem:$0x12C80] =	vst v63  }
0x4d: {  	_ =	swait.ge [sflag:s22], $0x2000  }
0x4e: {  	s0 =	sadd.s32 $0x100, s0;
	s4 =	smov.u32 s8;
	[sflag:s22] =	ssyncset.done $0x0  }
0x4f: {  	s4 =	sadd.s32 s1, s19;
	[sflag:s22] =	ssyncadd.s32 $0xFFFFE000  }
0x50: {  	[tilespmem:s25], [sflag:$0x2] =	stream.linear.gather [hbm4b:s4+s3], $0x2000, $0x38;
	[tilespmem:$0x12C80] =	vst v63  }
0x51: {  	_ =	swait.ge [sflag:s26], $0x2000  }
0x52: {  	[sflag:s26] =	ssyncset.done $0x0  }
0x53: {  	[sflag:s26] =	ssyncadd.s32 $0xFFFFE000  }
0x54: {  	[spmem:s2] =	stream.indirect.scatter.add.f32 [tilespmem:s24], [sflag:$0x3], $0x40, s0, s28, $0xb8;
	[tilespmem:$0x12C80] =	vst v63  }
0x55: {  	_ =	swait.ge [sflag:s22], $0x2000  }
0x56: {  	[sflag:s22] =	ssyncset.done $0x0  }
0x57: {  	s8 =	sadd.s32 s1, s18;
	[sflag:s22] =	ssyncadd.s32 $0xFFFFE000  }
0x58: {  	[tilespmem:s24], [sflag:$0x1] =	stream.linear.gather [hbm4b:s8+s3], $0x2000, $0x38;
	[tilespmem:$0x12C80] =	vst v63  }
0x59: {  	_ =	swait.ge [sflag:s29], $0x2000  }
0x5a: {  	[sflag:s29] =	ssyncset.done $0x0  }
0x5b: {  	s4 =	sadd.s32 $0x80, s0;
	[sflag:s29] =	ssyncadd.s32 $0xFFFFE000  }
0x5c: {  	[spmem:s2] =	stream.indirect.scatter.add.f32 [tilespmem:s25], [sflag:$0x3], $0x40, s4, s28, $0xb8;
	[tilespmem:$0x12C80] =	vst v63  }
0x5d: {  	_ =	swait.ge [sflag:s22], $0x2000  }
0x5e: {  	[sflag:s22] =	ssyncset.done $0x0  }
0x5f: {  	s5 =	simm.s32 $0x0;
	[sflag:s22] =	ssyncadd.s32 $0xFFFFE000  }
0x60: {  	[tilespmem:s25], [sflag:$0x2] =	stream.linear.gather [hbm4b:s16+s5], $0x2000, $0x38;
	[tilespmem:$0x12C80] =	vst v63  }
0x61: {  	_ =	swait.ge [sflag:s26], $0x2000  }
0x62: {  	[sflag:s26] =	ssyncset.done $0x0  }
0x63: {  	s7 =	simm.s32 $0xC380;
	[sflag:s26] =	ssyncadd.s32 $0xFFFFE000  }
0x64: {  	[spmem:s2] =	stream.indirect.scatter.add.f32 [tilespmem:s24], [sflag:$0x3], $0x40, s7, s28, $0xb8;
	[tilespmem:$0x12C80] =	vst v63  }
0x65: {  	_ =	swait.ge [sflag:s22], $0x2000  }
0x66: {  	[sflag:s22] =	ssyncset.done $0x0  }
0x67: {  	[sflag:s22] =	ssyncadd.s32 $0xFFFFE000  }
0x68: {  	_ =	swait.ge [sflag:s29], $0x2000  }
0x69: {  	[sflag:s29] =	ssyncset.done $0x0  }
0x6a: {  	s8 =	simm.s32 $0xC400;
	[sflag:s29] =	ssyncadd.s32 $0xFFFFE000  }
0x6b: {  	[spmem:s2] =	stream.indirect.scatter.add.f32 [tilespmem:s25], [sflag:$0x3], $0x40, s8, s28, $0xb8;
	[tilespmem:$0x12C80] =	vst v63  }
0x6c: {  	_ =	swait.ge [sflag:s22], $0x2000  }
0x6d: {  	[sflag:s22] =	ssyncset.done $0x0  }
0x6e: {  	[sflag:s22] =	ssyncadd.s32 $0xFFFFE000  }
0x6f: {  	[tilespmem:s24], [sflag:$0x1] =	stream.linear.gather [hbm4b:s12+s5], $0x2000, $0x38;
	[tilespmem:$0x12C80] =	vst v63  }
0x70: {  	s4 =	sadd.s32 $0x0, s21  }
0x71: {  	[tilespmem:s25], [sflag:$0x2] =	stream.linear.gather [hbm4b:s4+s3], $0x2000, $0x38;
	[tilespmem:$0x12C80] =	vst v63  }
0x72: {  	_ =	swait.ge [sflag:s26], $0x2000  }
0x73: {  	[sflag:s26] =	ssyncset.done $0x0  }
0x74: {  	s5 =	simm.s32 $0xC480;
	[sflag:s26] =	ssyncadd.s32 $0xFFFFE000  }
0x75: {  	[spmem:s2] =	stream.indirect.scatter.add.f32 [tilespmem:s24], [sflag:$0x3], $0x40, s5, s28, $0xb8;
	[tilespmem:$0x12C80] =	vst v63  }
0x76: {  	_ =	swait.ge [sflag:s22], $0x2000  }
0x77: {  	[sflag:s22] =	ssyncset.done $0x0  }
0x78: {  	s7 =	sadd.s32 $0x0, s20;
	[sflag:s22] =	ssyncadd.s32 $0xFFFFE000  }
0x79: {  	[tilespmem:s24], [sflag:$0x1] =	stream.linear.gather [hbm4b:s7+s3], $0x2000, $0x38;
	[tilespmem:$0x12C80] =	vst v63  }
0x7a: {  	_ =	swait.ge [sflag:s29], $0x2000  }
0x7b: {  	[sflag:s29] =	ssyncset.done $0x0  }
0x7c: {  	s8 =	simm.s32 $0xC500;
	[sflag:s29] =	ssyncadd.s32 $0xFFFFE000  }
0x7d: {  	[spmem:s2] =	stream.indirect.scatter.add.f32 [tilespmem:s25], [sflag:$0x3], $0x40, s8, s28, $0xb8;
	[tilespmem:$0x12C80] =	vst v63  }
0x7e: {  	s1 =	simm.s32 $0x800;
	_ =	swait.ge [sflag:s22], $0x2000  }
0x7f: {  	s0 =	simm.s32 $0xC580;
	s4 =	simm.s32 $0x1000;
	[sflag:s22] =	ssyncset.done $0x0  }
.LBB2_4:
0x80: {  	s5 =	sadd.s32 s1, s21  }
0x81: {  	[sflag:s22] =	ssyncadd.s32 $0xFFFFE000;
	s7 =	smov.u32 s4;
	s8 =	sadd.s32 $0x800, s4  }
0x82: {  	[tilespmem:s25], [sflag:$0x2] =	stream.linear.gather [hbm4b:s5+s3], $0x2000, $0x38;
	[tilespmem:$0x12C80] =	vst v63  }
0x83: {  	p1 =	sne.s32 s4, $0x13000;
	_ =	swait.ge [sflag:s26], $0x2000  }
0x84: {  	[sflag:s26] =	ssyncset.done $0x0  }
0x85: {  	[sflag:s26] =	ssyncadd.s32 $0xFFFFE000  }
0x86: {  	[spmem:s2] =	stream.indirect.scatter.add.f32 [tilespmem:s24], [sflag:$0x3], $0x40, s0, s28, $0xb8;
	[tilespmem:$0x12C80] =	vst v63  }
0x87: {  	_ =	swait.ge [sflag:s22], $0x2000  }
0x88: {  	[sflag:s22] =	ssyncset.done $0x0  }
0x89: {  	s4 =	sadd.s32 s1, s20;
	s1 =	smov.u32 s7;
	[sflag:s22] =	ssyncadd.s32 $0xFFFFE000  }
0x8a: {  	[tilespmem:s24], [sflag:$0x1] =	stream.linear.gather [hbm4b:s4+s3], $0x2000, $0x38;
	[tilespmem:$0x12C80] =	vst v63  }
0x8b: {  	_ =	swait.ge [sflag:s29], $0x2000  }
.Ltmp1:
0x8c: {  	[sflag:s29] =	ssyncset.done $0x0;
	(pc) =	sbr.rel @p1 .LBB2_4-.Ltmp1, $4  }
0x8d: {  	s4 =	sadd.s32 $0x80, s0;
	[sflag:s29] =	ssyncadd.s32 $0xFFFFE000  }
0x8e: {  	[spmem:s2] =	stream.indirect.scatter.add.f32 [tilespmem:s25], [sflag:$0x3], $0x40, s4, s28, $0xb8;
	[tilespmem:$0x12C80] =	vst v63  }
0x8f: {  	_ =	swait.ge [sflag:s22], $0x2000  }
0x90: {  	s0 =	sadd.s32 $0x100, s0;
	s4 =	smov.u32 s8;
	[sflag:s22] =	ssyncset.done $0x0  }
0x91: {  	s4 =	sadd.s32 s1, s21;
	[sflag:s22] =	ssyncadd.s32 $0xFFFFE000  }
0x92: {  	[tilespmem:s25], [sflag:$0x2] =	stream.linear.gather [hbm4b:s4+s3], $0x2000, $0x38;
	[tilespmem:$0x12C80] =	vst v63  }
0x93: {  	_ =	swait.ge [sflag:s26], $0x2000  }
0x94: {  	[sflag:s26] =	ssyncset.done $0x0  }
0x95: {  	[sflag:s26] =	ssyncadd.s32 $0xFFFFE000  }
0x96: {  	[spmem:s2] =	stream.indirect.scatter.add.f32 [tilespmem:s24], [sflag:$0x3], $0x40, s0, s28, $0xb8;
	[tilespmem:$0x12C80] =	vst v63  }
0x97: {  	_ =	swait.ge [sflag:s22], $0x2000  }
0x98: {  	[sflag:s22] =	ssyncset.done $0x0  }
0x99: {  	s4 =	sadd.s32 s1, s20;
	[sflag:s22] =	ssyncadd.s32 $0xFFFFE000  }
0x9a: {  	[tilespmem:s24], [sflag:$0x1] =	stream.linear.gather [hbm4b:s4+s3], $0x2000, $0x38;
	[tilespmem:$0x12C80] =	vst v63  }
0x9b: {  	_ =	swait.ge [sflag:s29], $0x2000  }
0x9c: {  	[sflag:s29] =	ssyncset.done $0x0  }
0x9d: {  	s5 =	sadd.s32 $0x80, s0;
	[sflag:s29] =	ssyncadd.s32 $0xFFFFE000  }
0x9e: {  	[spmem:s2] =	stream.indirect.scatter.add.f32 [tilespmem:s25], [sflag:$0x3], $0x40, s5, s28, $0xb8;
	[tilespmem:$0x12C80] =	vst v63  }
0x9f: {  	_ =	swait.ge [sflag:s22], $0x2000  }
0xa0: {  	[sflag:s22] =	ssyncset.done $0x0  }
0xa1: {  	[sflag:s22] =	ssyncadd.s32 $0xFFFFE000  }
0xa2: {  	[tilespmem:s25], [sflag:$0x2] =	stream.linear.gather [hbm4b:s17+s3], $0x2000, $0x38;
	[tilespmem:$0x12C80] =	vst v63  }
0xa3: {  	_ =	swait.ge [sflag:s26], $0x2000  }
0xa4: {  	[sflag:s26] =	ssyncset.done $0x0  }
0xa5: {  	s7 =	simm.s32 $0xEB80;
	[sflag:s26] =	ssyncadd.s32 $0xFFFFE000  }
0xa6: {  	[spmem:s2] =	stream.indirect.scatter.add.f32 [tilespmem:s24], [sflag:$0x3], $0x40, s7, s28, $0xb8;
	[tilespmem:$0x12C80] =	vst v63  }
0xa7: {  	_ =	swait.ge [sflag:s22], $0x2000  }
0xa8: {  	[sflag:s22] =	ssyncset.done $0x0  }
0xa9: {  	[sflag:s22] =	ssyncadd.s32 $0xFFFFE000  }
0xaa: {  	_ =	swait.ge [sflag:s29], $0x2000  }
0xab: {  	[sflag:s29] =	ssyncset.done $0x0  }
0xac: {  	s8 =	simm.s32 $0xEC00;
	[sflag:s29] =	ssyncadd.s32 $0xFFFFE000  }
0xad: {  	[spmem:s2] =	stream.indirect.scatter.add.f32 [tilespmem:s25], [sflag:$0x3], $0x40, s8, s28, $0xb8;
	[tilespmem:$0x12C80] =	vst v63  }
0xae: {  	_ =	swait.ge [sflag:s22], $0x2000  }
0xaf: {  	[sflag:s22] =	ssyncset.done $0x0  }
0xb0: {  	[sflag:s22] =	ssyncadd.s32 $0xFFFFE000  }
0xb1: {  	[bflag:$0x0] =	sbarrier.arrive $0xFFFF  }
0xb2: {  	[hbm:s13], [sflag:s6] =	dma.local [spmem:s30], $0x1380  }
0xb3: {  	s23 =	sadd.s32 $0x1, s23;
	_ =	swait.ge [sflag:s22], $0x1380  }
0xb4: {  	p1 =	sne.s32 s23, s15;
	[sflag:s22] =	ssyncset.done $0x0  }
.Ltmp2:
0xb5: {  	s0 =	simm.s32 @!p0 $0x3;
	[sflag:s22] =	ssyncadd.s32 $0xFFFFEC80;
	(pc) =	sbr.rel @p1 .LBB2_1-.Ltmp2, $4  }
0xb6: {  	[hbm:s14], [sflag:s6] =	dma.local @!p0 [spmem:s31], $0x80  }
0xb7: {  	_ =	swait.ge @!p0 [sflag:s0], $0x80  }
0xb8: {  	[sflag:s0] =	ssyncset.done @!p0 $0x0  }
0xb9: {  	[sflag:s0] =	ssyncadd.s32 @!p0 $0xFFFFFF80  }
0xba: {  	_ =	sfence.sel $0x180000  }
0xbb: {  	[bflag:$0x0] =	sbarrier.arrive $0xFFFF  }
0xbc: {  	_ =	strace $0x90000056  }
0xbd: {  	s0 =	stileid.u32;
	[bflag:$0x2] =	sbarrier.arrive $0xFFFF  }
0xbe: {  	p0 =	sne.s32 s0, $0x0;
	s0 =	rddreg [dreg:$0x3]  }
0xbf: {  	s0 =	sadd.s32 @!p0 $0x100000, s0  }
0xc0: {  	[sflag:s0] =	ssyncadd.tile.s32 @!p0 $0x1;
	_ =	shalt  }
.Lfunc_end2:
_tile_overlayer_lowered:
.L_overlay_start_2:
0xc1: {  	(tag) =	ssettag $0x2  }
0xc2: {  	s0 =	rddreg [dreg:$0x0];
	s2 =	stileid.u32  }
0xc3: {  	s1 =	rddreg [dreg:$0x1];
	p0 =	sne.s32 s2, $0x0  }
0xc4: {  	s3 =	rddreg [dreg:$0x2];
	[bflag:$0x3] =	sbarrier.arrive $0xFFFF;
	s2 =	simm.s32 @!p0 $0x1C03  }
0xc5: {  	[timem:s3], [sflag:s2] =	dma.local @!p0 [hbm:s0], s1  }
0xc6: {  	s0 =	simm.s32 @!p0 $0x3  }
0xc7: {  	_ =	swait.ge @!p0 [sflag:s0], s1  }
0xc8: {  	s1 =	ssub.s32 @!p0 $0x0, s1;
	[sflag:s0] =	ssyncset.done @!p0 $0x0  }
0xc9: {  	[sflag:s0] =	ssyncadd.s32 @!p0 s1  }
0xca: {  	[bflag:$0x3] =	sbarrier.arrive $0xFFFF  }
0xcb: {  	_ =	shalt  }

</sc_bundles>
